<compile_context>
chip_gen: v7x
topology: tpu7x:2x2x1
jax: 0.10.2.dev20260603
libtpu: 0.0.44.dev20260713+nightly
codegen_flags: <defaults>
</compile_context>

<pallas_src>
import functools

import jax
import jax.numpy as jnp
from jax import lax
from jax.experimental import pallas as pl
from jax.experimental.pallas import tpu as pltpu
from jax.experimental.pallas import tpu_sc as plsc

D_MODEL = 64
SCALE = 8.0

BATCH = 4096
SEQ = 200
HSEQ = SEQ // 2
NUM_CORES = 2
NUM_SUBCORES = 16
NW = NUM_CORES * NUM_SUBCORES
B_LOCAL = BATCH // NW
NBUF = 4
ROW_UNROLL = 8


def _build():
  mesh = plsc.VectorSubcoreMesh(core_axis_name="c", subcore_axis_name="s")

  @functools.partial(
      pl.kernel,
      mesh=mesh,
      out_type=jax.ShapeDtypeStruct((BATCH * SEQ, D_MODEL), jnp.float32),
      scratch_types=[
          pltpu.VMEM((SEQ, B_LOCAL), jnp.int32),
          pltpu.VMEM((NBUF, 2 * B_LOCAL, D_MODEL), jnp.float32),
          pltpu.VMEM((NBUF, 2 * B_LOCAL), jnp.int32),
          [pltpu.SemaphoreType.DMA] * NBUF,
          [pltpu.SemaphoreType.DMA] * NBUF,
      ],
      compiler_params=pltpu.CompilerParams(use_tc_tiling_on_sc=False),
  )
  def emb(xt_hbm, table_hbm, out_hbm, xt_v, rv, oidx_v, gsems, ssems):
    wid = lax.axis_index("s") * NUM_CORES + lax.axis_index("c")
    b0 = wid * B_LOCAL

    pltpu.sync_copy(xt_hbm.at[:, pl.ds(b0, B_LOCAL)], xt_v)

    lanes200 = lax.iota(jnp.int32, 16) * SEQ

    def start_gather(b, m):
      pltpu.make_async_copy(
          table_hbm.at[xt_v.at[2 * m]],
          rv.at[b, pl.ds(0, B_LOCAL)],
          gsems[b],
      ).start()
      pltpu.make_async_copy(
          table_hbm.at[xt_v.at[2 * m + 1]],
          rv.at[b, pl.ds(B_LOCAL, B_LOCAL)],
          gsems[b],
      ).start()
      for g in range(B_LOCAL // 16):
        base = (b0 + g * 16) * SEQ
        oidx_v[b, pl.ds(g * 16, 16)] = lanes200 + (base + 2 * m)
        oidx_v[b, pl.ds(2 * B_LOCAL // 2 + g * 16, 16)] = lanes200 + (base + 2 * m + 1)

    def wait_gather(b, m):
      pltpu.make_async_copy(
          table_hbm.at[xt_v.at[2 * m]],
          rv.at[b, pl.ds(0, B_LOCAL)],
          gsems[b],
      ).wait()
      pltpu.make_async_copy(
          table_hbm.at[xt_v.at[2 * m + 1]],
          rv.at[b, pl.ds(B_LOCAL, B_LOCAL)],
          gsems[b],
      ).wait()

    for b in range(NBUF):
      start_gather(b, b)

    def scale_buf(b):
      def body(i, c2):
        r0 = i * ROW_UNROLL
        for k in range(ROW_UNROLL):
          for j in range(D_MODEL // 16):
            s = pl.ds(j * 16, 16)
            rv[b, r0 + k, s] = rv[b, r0 + k, s] * SCALE
        return c2

      lax.fori_loop(0, 2 * B_LOCAL // ROW_UNROLL, body, 0)

    def outer(i, carry):
      for b in range(NBUF):
        m = i * NBUF + b
        wait_gather(b, m)
        scale_buf(b)
        pltpu.make_async_copy(
            rv.at[b], out_hbm.at[oidx_v.at[b]], ssems[b]
        ).start()

        @pl.when(m + NBUF < HSEQ)
        def _():
          pltpu.make_async_copy(
              rv.at[b], out_hbm.at[oidx_v.at[b]], ssems[b]
          ).wait()
          start_gather(b, m + NBUF)

      return carry

    lax.fori_loop(0, HSEQ // NBUF, outer, 0)

    for b in range(NBUF):
      pltpu.make_async_copy(
          rv.at[b], out_hbm.at[oidx_v.at[b]], ssems[b]
      ).wait()

  return emb


_emb = _build()


@jax.jit
def kernel(x, lut):
  out = _emb(x.T, lut)
  return out.reshape(BATCH, SEQ, D_MODEL)

# --- scband reference (transcript-rebuilt; emitter-appended) ---
"""Pipeline reference for scband-embeddings-17970143167197 (READ-ONLY COPY).

The authoritative reference and input builder live on the scoring server;
editing this copy changes nothing except your own understanding.
"""

import math
import jax, jax.numpy as jnp
import numpy as np

N_TOKEN = 1000000
D_MODEL = 64

def setup_inputs(seed: int = 0) -> dict:
    key = jax.random.key(seed)
    k1, k2 = jax.random.split(key)
    x = jax.random.randint(k1, (4096, 200), 0, N_TOKEN, dtype=jnp.int64 if jax.config.jax_enable_x64 else jnp.int32)
    lut = jax.random.normal(k2, (N_TOKEN, D_MODEL), dtype=jnp.float32)
    return {"x": x, "lut": lut}

def reference(x, lut):
    # Embedding lookup scaled by sqrt(d_model)
    emb = jnp.take(lut, x, axis=0)
    return emb * math.sqrt(D_MODEL)

if __name__ == "__main__":
    import jax
    _d = setup_inputs()
    print(jax.jit(kernel)(*tuple(_d.values())))

</pallas_src>

<mosaic_0001>
#map = affine_map<(d0, d1) -> (0, 0)>
module attributes {stable_mosaic.version = 14 : i64} {
  func.func @emb(%arg0: i32, %arg1: i32, %arg2: memref<200x4096xi32, #tpu.memory_space<hbm>>, %arg3: memref<1000000x64xf32, #tpu.memory_space<hbm>>, %arg4: memref<819200x64xf32, #tpu.memory_space<hbm>>, %arg5: memref<200x128xi32, #tpu.memory_space<vmem>>, %arg6: memref<4x256x64xf32, #tpu.memory_space<vmem>>, %arg7: memref<4x256xi32, #tpu.memory_space<vmem>>, %arg8: memref<!tpu.dma_semaphore, #tpu.memory_space<semaphore_mem>>, %arg9: memref<!tpu.dma_semaphore, #tpu.memory_space<semaphore_mem>>, %arg10: memref<!tpu.dma_semaphore, #tpu.memory_space<semaphore_mem>>, %arg11: memref<!tpu.dma_semaphore, #tpu.memory_space<semaphore_mem>>, %arg12: memref<!tpu.dma_semaphore, #tpu.memory_space<semaphore_mem>>, %arg13: memref<!tpu.dma_semaphore, #tpu.memory_space<semaphore_mem>>, %arg14: memref<!tpu.dma_semaphore, #tpu.memory_space<semaphore_mem>>, %arg15: memref<!tpu.dma_semaphore, #tpu.memory_space<semaphore_mem>>) attributes {dimension_semantics = [#tpu.dimension_semantics<core_parallel>, #tpu.dimension_semantics<subcore_parallel>], iteration_bounds = array<i64: 2, 16>, scalar_prefetch = 0 : i64, scratch_operands = 11 : i64, tpu.core_type = #tpu.core_type<sc_vector_subcore>, window_params = [{transform_indices = #map}, {transform_indices = #map}, {transform_indices = #map}]} {
    %mul3A = arith.constant 2 : i32
    %mul3A_0 = arith.muli %arg1, %mul3A : i32
    %add3A = arith.addi %mul3A_0, %arg0 : i32
    %mul3A_1 = arith.constant 128 : i32
    %mul3A_2 = arith.muli %add3A, %mul3A_1 : i32
    "tpu.region"() ({
      %run_scoped3A = tpu.sem_alloc : memref<!tpu.dma_semaphore, #tpu.memory_space<semaphore_mem>>
      %dma_start3A_984 = arith.constant 0 : i32
      %dma_start3A_985 = tpu.memref_slice %arg2[%dma_start3A_984, %mul3A_2] : memref<200x4096xi32, #tpu.memory_space<hbm>> -> memref<200x128xi32, #tpu.memory_space<hbm>>
      %dma_start3A_986 = arith.constant 0 : i32
      %dma_start3A_987 = tpu.memref_slice %arg2[%dma_start3A_986, %mul3A_2] : memref<200x4096xi32, #tpu.memory_space<hbm>> -> memref<200x128xi32, #tpu.memory_space<hbm>>
      tpu.enqueue_dma source(%dma_start3A_987 : memref<200x128xi32, #tpu.memory_space<hbm>>) target(%arg5 : memref<200x128xi32, #tpu.memory_space<vmem>>) target_semaphore(%run_scoped3A : memref<!tpu.dma_semaphore, #tpu.memory_space<semaphore_mem>>)
      %dma_wait3A_988 = arith.constant 0 : i32
      %dma_wait3A_989 = tpu.memref_slice %arg2[%dma_wait3A_988, %mul3A_2] : memref<200x4096xi32, #tpu.memory_space<hbm>> -> memref<200x128xi32, #tpu.memory_space<hbm>>
      %dma_wait3A_990 = arith.constant 0 : i32
      %dma_wait3A_991 = tpu.memref_slice %arg2[%dma_wait3A_990, %mul3A_2] : memref<200x4096xi32, #tpu.memory_space<hbm>> -> memref<200x128xi32, #tpu.memory_space<hbm>>
      tpu.wait_dma2 semaphore(%run_scoped3A : memref<!tpu.dma_semaphore, #tpu.memory_space<semaphore_mem>>) src(%dma_wait3A_991 : memref<200x128xi32, #tpu.memory_space<hbm>>) dst(%arg5 : memref<200x128xi32, #tpu.memory_space<vmem>>)
      tpu.yield
    }) : () -> ()
    %iota3A = tpu.iota {dimensions = array<i32: 0>} : vector<16xi32>
    %mul3A_3 = arith.constant 200 : i32
    %mul3A_4 = vector.broadcast %mul3A_3 : i32 to vector<16xi32>
    %mul3A_5 = arith.muli %iota3A, %mul3A_4 : vector<16xi32>
    %dma_start3A = arith.constant 0 : i32
    %dma_start3A_6 = arith.constant 0 : i32
    %dma_start3A_7 = arith.constant 0 : i32
    %dma_start3A_8 = arith.constant 0 : i32
    %dma_start3A_9 = tpu.memref_slice %arg6[%dma_start3A_6, %dma_start3A_7, %dma_start3A_8] : memref<4x256x64xf32, #tpu.memory_space<vmem>> -> memref<1x128x64xf32, #tpu.memory_space<vmem>>
    %dma_start3A_10 = tpu.memref_squeeze %dma_start3A_9 : memref<1x128x64xf32, #tpu.memory_space<vmem>> -> memref<128x64xf32, #tpu.memory_space<vmem>>
    %dma_start3A_11 = arith.constant 0 : i32
    %dma_start3A_12 = tpu.memref_slice %arg5[%dma_start3A, %dma_start3A_11] : memref<200x128xi32, #tpu.memory_space<vmem>> -> memref<1x128xi32, #tpu.memory_space<vmem>>
    %dma_start3A_13 = tpu.memref_squeeze %dma_start3A_12 : memref<1x128xi32, #tpu.memory_space<vmem>> -> memref<128xi32, #tpu.memory_space<vmem>>
    %dma_start3A_14 = arith.constant 0 : i32
    %dma_start3A_15 = arith.constant 0 : i32
    %dma_start3A_16 = tpu.memref_slice %arg3[%dma_start3A_14, %dma_start3A_15] : memref<1000000x64xf32, #tpu.memory_space<hbm>> -> memref<1000000x64xf32, #tpu.memory_space<hbm>>
    tpu.enqueue_indirect_dma source(%dma_start3A_16 : memref<1000000x64xf32, #tpu.memory_space<hbm>>) target(%dma_start3A_10 : memref<128x64xf32, #tpu.memory_space<vmem>>) offsets(%dma_start3A_13 : memref<128xi32, #tpu.memory_space<vmem>>) semaphore(%arg8 : memref<!tpu.dma_semaphore, #tpu.memory_space<semaphore_mem>>)
    %dma_start3A_17 = arith.constant 1 : i32
    %dma_start3A_18 = arith.constant 0 : i32
    %dma_start3A_19 = arith.constant 128 : i32
    %dma_start3A_20 = arith.constant 0 : i32
    %dma_start3A_21 = tpu.memref_slice %arg6[%dma_start3A_18, %dma_start3A_19, %dma_start3A_20] : memref<4x256x64xf32, #tpu.memory_space<vmem>> -> memref<1x128x64xf32, #tpu.memory_space<vmem>>
    %dma_start3A_22 = tpu.memref_squeeze %dma_start3A_21 : memref<1x128x64xf32, #tpu.memory_space<vmem>> -> memref<128x64xf32, #tpu.memory_space<vmem>>
    %dma_start3A_23 = arith.constant 0 : i32
    %dma_start3A_24 = tpu.memref_slice %arg5[%dma_start3A_17, %dma_start3A_23] : memref<200x128xi32, #tpu.memory_space<vmem>> -> memref<1x128xi32, #tpu.memory_space<vmem>>
    %dma_start3A_25 = tpu.memref_squeeze %dma_start3A_24 : memref<1x128xi32, #tpu.memory_space<vmem>> -> memref<128xi32, #tpu.memory_space<vmem>>
    %dma_start3A_26 = arith.constant 0 : i32
    %dma_start3A_27 = arith.constant 0 : i32
    %dma_start3A_28 = tpu.memref_slice %arg3[%dma_start3A_26, %dma_start3A_27] : memref<1000000x64xf32, #tpu.memory_space<hbm>> -> memref<1000000x64xf32, #tpu.memory_space<hbm>>
    tpu.enqueue_indirect_dma source(%dma_start3A_28 : memref<1000000x64xf32, #tpu.memory_space<hbm>>) target(%dma_start3A_22 : memref<128x64xf32, #tpu.memory_space<vmem>>) offsets(%dma_start3A_25 : memref<128xi32, #tpu.memory_space<vmem>>) semaphore(%arg8 : memref<!tpu.dma_semaphore, #tpu.memory_space<semaphore_mem>>)
    %add3A_29 = arith.constant 0 : i32
    %add3A_30 = arith.addi %mul3A_2, %add3A_29 : i32
    %mul3A_31 = arith.constant 200 : i32
    %mul3A_32 = arith.muli %add3A_30, %mul3A_31 : i32
    %add3A_33 = arith.constant 0 : i32
    %add3A_34 = arith.addi %mul3A_32, %add3A_33 : i32
    %add3A_35 = vector.broadcast %add3A_34 : i32 to vector<16xi32>
    %add3A_36 = arith.addi %mul3A_5, %add3A_35 : vector<16xi32>
    %swap3A = arith.constant 0 : i32
    %swap3A_37 = arith.index_cast %swap3A : i32 to index
    %swap3A_38 = arith.constant 0 : index
    %swap3A_39 = tpu.vector_load %arg7[%swap3A_37, %swap3A_38] {strides = array<i32>} : memref<4x256xi32, #tpu.memory_space<vmem>>, vector<1x16xi32>,
    %swap3A_40 = vector.shape_cast %swap3A_39 : vector<1x16xi32> to vector<16xi32>
    %swap3A_41 = vector.shape_cast %add3A_36 : vector<16xi32> to vector<1x16xi32>
    tpu.vector_store %arg7[%swap3A_37, %swap3A_38], %swap3A_41 {strides = array<i32>} : memref<4x256xi32, #tpu.memory_space<vmem>>, vector<1x16xi32>,
    %add3A_42 = arith.constant 0 : i32
    %add3A_43 = arith.addi %mul3A_32, %add3A_42 : i32
    %add3A_44 = arith.constant 1 : i32
    %add3A_45 = arith.addi %add3A_43, %add3A_44 : i32
    %add3A_46 = vector.broadcast %add3A_45 : i32 to vector<16xi32>
    %add3A_47 = arith.addi %mul3A_5, %add3A_46 : vector<16xi32>
    %swap3A_48 = arith.constant 0 : i32
    %swap3A_49 = arith.index_cast %swap3A_48 : i32 to index
    %swap3A_50 = arith.constant 128 : index
    %swap3A_51 = tpu.vector_load %arg7[%swap3A_49, %swap3A_50] {strides = array<i32>} : memref<4x256xi32, #tpu.memory_space<vmem>>, vector<1x16xi32>,
    %swap3A_52 = vector.shape_cast %swap3A_51 : vector<1x16xi32> to vector<16xi32>
    %swap3A_53 = vector.shape_cast %add3A_47 : vector<16xi32> to vector<1x16xi32>
    tpu.vector_store %arg7[%swap3A_49, %swap3A_50], %swap3A_53 {strides = array<i32>} : memref<4x256xi32, #tpu.memory_space<vmem>>, vector<1x16xi32>,
    %add3A_54 = arith.constant 16 : i32
    %add3A_55 = arith.addi %mul3A_2, %add3A_54 : i32
    %mul3A_56 = arith.constant 200 : i32
    %mul3A_57 = arith.muli %add3A_55, %mul3A_56 : i32
    %add3A_58 = arith.constant 0 : i32
    %add3A_59 = arith.addi %mul3A_57, %add3A_58 : i32
    %add3A_60 = vector.broadcast %add3A_59 : i32 to vector<16xi32>
    %add3A_61 = arith.addi %mul3A_5, %add3A_60 : vector<16xi32>
    %swap3A_62 = arith.constant 0 : i32
    %swap3A_63 = arith.index_cast %swap3A_62 : i32 to index
    %swap3A_64 = arith.constant 16 : index
    %swap3A_65 = tpu.vector_load %arg7[%swap3A_63, %swap3A_64] {strides = array<i32>} : memref<4x256xi32, #tpu.memory_space<vmem>>, vector<1x16xi32>,
    %swap3A_66 = vector.shape_cast %swap3A_65 : vector<1x16xi32> to vector<16xi32>
    %swap3A_67 = vector.shape_cast %add3A_61 : vector<16xi32> to vector<1x16xi32>
    tpu.vector_store %arg7[%swap3A_63, %swap3A_64], %swap3A_67 {strides = array<i32>} : memref<4x256xi32, #tpu.memory_space<vmem>>, vector<1x16xi32>,
    %add3A_68 = arith.constant 0 : i32
    %add3A_69 = arith.addi %mul3A_57, %add3A_68 : i32
    %add3A_70 = arith.constant 1 : i32
    %add3A_71 = arith.addi %add3A_69, %add3A_70 : i32
    %add3A_72 = vector.broadcast %add3A_71 : i32 to vector<16xi32>
    %add3A_73 = arith.addi %mul3A_5, %add3A_72 : vector<16xi32>
    %swap3A_74 = arith.constant 0 : i32
    %swap3A_75 = arith.index_cast %swap3A_74 : i32 to index
    %swap3A_76 = arith.constant 144 : index
    %swap3A_77 = tpu.vector_load %arg7[%swap3A_75, %swap3A_76] {strides = array<i32>} : memref<4x256xi32, #tpu.memory_space<vmem>>, vector<1x16xi32>,
    %swap3A_78 = vector.shape_cast %swap3A_77 : vector<1x16xi32> to vector<16xi32>
    %swap3A_79 = vector.shape_cast %add3A_73 : vector<16xi32> to vector<1x16xi32>
    tpu.vector_store %arg7[%swap3A_75, %swap3A_76], %swap3A_79 {strides = array<i32>} : memref<4x256xi32, #tpu.memory_space<vmem>>, vector<1x16xi32>,
    %add3A_80 = arith.constant 32 : i32
    %add3A_81 = arith.addi %mul3A_2, %add3A_80 : i32
    %mul3A_82 = arith.constant 200 : i32
    %mul3A_83 = arith.muli %add3A_81, %mul3A_82 : i32
    %add3A_84 = arith.constant 0 : i32
    %add3A_85 = arith.addi %mul3A_83, %add3A_84 : i32
    %add3A_86 = vector.broadcast %add3A_85 : i32 to vector<16xi32>
    %add3A_87 = arith.addi %mul3A_5, %add3A_86 : vector<16xi32>
    %swap3A_88 = arith.constant 0 : i32
    %swap3A_89 = arith.index_cast %swap3A_88 : i32 to index
    %swap3A_90 = arith.constant 32 : index
    %swap3A_91 = tpu.vector_load %arg7[%swap3A_89, %swap3A_90] {strides = array<i32>} : memref<4x256xi32, #tpu.memory_space<vmem>>, vector<1x16xi32>,
    %swap3A_92 = vector.shape_cast %swap3A_91 : vector<1x16xi32> to vector<16xi32>
    %swap3A_93 = vector.shape_cast %add3A_87 : vector<16xi32> to vector<1x16xi32>
    tpu.vector_store %arg7[%swap3A_89, %swap3A_90], %swap3A_93 {strides = array<i32>} : memref<4x256xi32, #tpu.memory_space<vmem>>, vector<1x16xi32>,
    %add3A_94 = arith.constant 0 : i32
    %add3A_95 = arith.addi %mul3A_83, %add3A_94 : i32
    %add3A_96 = arith.constant 1 : i32
    %add3A_97 = arith.addi %add3A_95, %add3A_96 : i32
    %add3A_98 = vector.broadcast %add3A_97 : i32 to vector<16xi32>
    %add3A_99 = arith.addi %mul3A_5, %add3A_98 : vector<16xi32>
    %swap3A_100 = arith.constant 0 : i32
    %swap3A_101 = arith.index_cast %swap3A_100 : i32 to index
    %swap3A_102 = arith.constant 160 : index
    %swap3A_103 = tpu.vector_load %arg7[%swap3A_101, %swap3A_102] {strides = array<i32>} : memref<4x256xi32, #tpu.memory_space<vmem>>, vector<1x16xi32>,
    %swap3A_104 = vector.shape_cast %swap3A_103 : vector<1x16xi32> to vector<16xi32>
    %swap3A_105 = vector.shape_cast %add3A_99 : vector<16xi32> to vector<1x16xi32>
    tpu.vector_store %arg7[%swap3A_101, %swap3A_102], %swap3A_105 {strides = array<i32>} : memref<4x256xi32, #tpu.memory_space<vmem>>, vector<1x16xi32>,
    %add3A_106 = arith.constant 48 : i32
    %add3A_107 = arith.addi %mul3A_2, %add3A_106 : i32
    %mul3A_108 = arith.constant 200 : i32
    %mul3A_109 = arith.muli %add3A_107, %mul3A_108 : i32
    %add3A_110 = arith.constant 0 : i32
    %add3A_111 = arith.addi %mul3A_109, %add3A_110 : i32
    %add3A_112 = vector.broadcast %add3A_111 : i32 to vector<16xi32>
    %add3A_113 = arith.addi %mul3A_5, %add3A_112 : vector<16xi32>
    %swap3A_114 = arith.constant 0 : i32
    %swap3A_115 = arith.index_cast %swap3A_114 : i32 to index
    %swap3A_116 = arith.constant 48 : index
    %swap3A_117 = tpu.vector_load %arg7[%swap3A_115, %swap3A_116] {strides = array<i32>} : memref<4x256xi32, #tpu.memory_space<vmem>>, vector<1x16xi32>,
    %swap3A_118 = vector.shape_cast %swap3A_117 : vector<1x16xi32> to vector<16xi32>
    %swap3A_119 = vector.shape_cast %add3A_113 : vector<16xi32> to vector<1x16xi32>
    tpu.vector_store %arg7[%swap3A_115, %swap3A_116], %swap3A_119 {strides = array<i32>} : memref<4x256xi32, #tpu.memory_space<vmem>>, vector<1x16xi32>,
    %add3A_120 = arith.constant 0 : i32
    %add3A_121 = arith.addi %mul3A_109, %add3A_120 : i32
    %add3A_122 = arith.constant 1 : i32
    %add3A_123 = arith.addi %add3A_121, %add3A_122 : i32
    %add3A_124 = vector.broadcast %add3A_123 : i32 to vector<16xi32>
    %add3A_125 = arith.addi %mul3A_5, %add3A_124 : vector<16xi32>
    %swap3A_126 = arith.constant 0 : i32
    %swap3A_127 = arith.index_cast %swap3A_126 : i32 to index
    %swap3A_128 = arith.constant 176 : index
    %swap3A_129 = tpu.vector_load %arg7[%swap3A_127, %swap3A_128] {strides = array<i32>} : memref<4x256xi32, #tpu.memory_space<vmem>>, vector<1x16xi32>,
    %swap3A_130 = vector.shape_cast %swap3A_129 : vector<1x16xi32> to vector<16xi32>
    %swap3A_131 = vector.shape_cast %add3A_125 : vector<16xi32> to vector<1x16xi32>
    tpu.vector_store %arg7[%swap3A_127, %swap3A_128], %swap3A_131 {strides = array<i32>} : memref<4x256xi32, #tpu.memory_space<vmem>>, vector<1x16xi32>,
    %add3A_132 = arith.constant 64 : i32
    %add3A_133 = arith.addi %mul3A_2, %add3A_132 : i32
    %mul3A_134 = arith.constant 200 : i32
    %mul3A_135 = arith.muli %add3A_133, %mul3A_134 : i32
    %add3A_136 = arith.constant 0 : i32
    %add3A_137 = arith.addi %mul3A_135, %add3A_136 : i32
    %add3A_138 = vector.broadcast %add3A_137 : i32 to vector<16xi32>
    %add3A_139 = arith.addi %mul3A_5, %add3A_138 : vector<16xi32>
    %swap3A_140 = arith.constant 0 : i32
    %swap3A_141 = arith.index_cast %swap3A_140 : i32 to index
    %swap3A_142 = arith.constant 64 : index
    %swap3A_143 = tpu.vector_load %arg7[%swap3A_141, %swap3A_142] {strides = array<i32>} : memref<4x256xi32, #tpu.memory_space<vmem>>, vector<1x16xi32>,
    %swap3A_144 = vector.shape_cast %swap3A_143 : vector<1x16xi32> to vector<16xi32>
    %swap3A_145 = vector.shape_cast %add3A_139 : vector<16xi32> to vector<1x16xi32>
    tpu.vector_store %arg7[%swap3A_141, %swap3A_142], %swap3A_145 {strides = array<i32>} : memref<4x256xi32, #tpu.memory_space<vmem>>, vector<1x16xi32>,
    %add3A_146 = arith.constant 0 : i32
    %add3A_147 = arith.addi %mul3A_135, %add3A_146 : i32
    %add3A_148 = arith.constant 1 : i32
    %add3A_149 = arith.addi %add3A_147, %add3A_148 : i32
    %add3A_150 = vector.broadcast %add3A_149 : i32 to vector<16xi32>
    %add3A_151 = arith.addi %mul3A_5, %add3A_150 : vector<16xi32>
    %swap3A_152 = arith.constant 0 : i32
    %swap3A_153 = arith.index_cast %swap3A_152 : i32 to index
    %swap3A_154 = arith.constant 192 : index
    %swap3A_155 = tpu.vector_load %arg7[%swap3A_153, %swap3A_154] {strides = array<i32>} : memref<4x256xi32, #tpu.memory_space<vmem>>, vector<1x16xi32>,
    %swap3A_156 = vector.shape_cast %swap3A_155 : vector<1x16xi32> to vector<16xi32>
    %swap3A_157 = vector.shape_cast %add3A_151 : vector<16xi32> to vector<1x16xi32>
    tpu.vector_store %arg7[%swap3A_153, %swap3A_154], %swap3A_157 {strides = array<i32>} : memref<4x256xi32, #tpu.memory_space<vmem>>, vector<1x16xi32>,
    %add3A_158 = arith.constant 80 : i32
    %add3A_159 = arith.addi %mul3A_2, %add3A_158 : i32
    %mul3A_160 = arith.constant 200 : i32
    %mul3A_161 = arith.muli %add3A_159, %mul3A_160 : i32
    %add3A_162 = arith.constant 0 : i32
    %add3A_163 = arith.addi %mul3A_161, %add3A_162 : i32
    %add3A_164 = vector.broadcast %add3A_163 : i32 to vector<16xi32>
    %add3A_165 = arith.addi %mul3A_5, %add3A_164 : vector<16xi32>
    %swap3A_166 = arith.constant 0 : i32
    %swap3A_167 = arith.index_cast %swap3A_166 : i32 to index
    %swap3A_168 = arith.constant 80 : index
    %swap3A_169 = tpu.vector_load %arg7[%swap3A_167, %swap3A_168] {strides = array<i32>} : memref<4x256xi32, #tpu.memory_space<vmem>>, vector<1x16xi32>,
    %swap3A_170 = vector.shape_cast %swap3A_169 : vector<1x16xi32> to vector<16xi32>
    %swap3A_171 = vector.shape_cast %add3A_165 : vector<16xi32> to vector<1x16xi32>
    tpu.vector_store %arg7[%swap3A_167, %swap3A_168], %swap3A_171 {strides = array<i32>} : memref<4x256xi32, #tpu.memory_space<vmem>>, vector<1x16xi32>,
    %add3A_172 = arith.constant 0 : i32
    %add3A_173 = arith.addi %mul3A_161, %add3A_172 : i32
    %add3A_174 = arith.constant 1 : i32
    %add3A_175 = arith.addi %add3A_173, %add3A_174 : i32
    %add3A_176 = vector.broadcast %add3A_175 : i32 to vector<16xi32>
    %add3A_177 = arith.addi %mul3A_5, %add3A_176 : vector<16xi32>
    %swap3A_178 = arith.constant 0 : i32
    %swap3A_179 = arith.index_cast %swap3A_178 : i32 to index
    %swap3A_180 = arith.constant 208 : index
    %swap3A_181 = tpu.vector_load %arg7[%swap3A_179, %swap3A_180] {strides = array<i32>} : memref<4x256xi32, #tpu.memory_space<vmem>>, vector<1x16xi32>,
    %swap3A_182 = vector.shape_cast %swap3A_181 : vector<1x16xi32> to vector<16xi32>
    %swap3A_183 = vector.shape_cast %add3A_177 : vector<16xi32> to vector<1x16xi32>
    tpu.vector_store %arg7[%swap3A_179, %swap3A_180], %swap3A_183 {strides = array<i32>} : memref<4x256xi32, #tpu.memory_space<vmem>>, vector<1x16xi32>,
    %add3A_184 = arith.constant 96 : i32
    %add3A_185 = arith.addi %mul3A_2, %add3A_184 : i32
    %mul3A_186 = arith.constant 200 : i32
    %mul3A_187 = arith.muli %add3A_185, %mul3A_186 : i32
    %add3A_188 = arith.constant 0 : i32
    %add3A_189 = arith.addi %mul3A_187, %add3A_188 : i32
    %add3A_190 = vector.broadcast %add3A_189 : i32 to vector<16xi32>
    %add3A_191 = arith.addi %mul3A_5, %add3A_190 : vector<16xi32>
    %swap3A_192 = arith.constant 0 : i32
    %swap3A_193 = arith.index_cast %swap3A_192 : i32 to index
    %swap3A_194 = arith.constant 96 : index
    %swap3A_195 = tpu.vector_load %arg7[%swap3A_193, %swap3A_194] {strides = array<i32>} : memref<4x256xi32, #tpu.memory_space<vmem>>, vector<1x16xi32>,
    %swap3A_196 = vector.shape_cast %swap3A_195 : vector<1x16xi32> to vector<16xi32>
    %swap3A_197 = vector.shape_cast %add3A_191 : vector<16xi32> to vector<1x16xi32>
    tpu.vector_store %arg7[%swap3A_193, %swap3A_194], %swap3A_197 {strides = array<i32>} : memref<4x256xi32, #tpu.memory_space<vmem>>, vector<1x16xi32>,
    %add3A_198 = arith.constant 0 : i32
    %add3A_199 = arith.addi %mul3A_187, %add3A_198 : i32
    %add3A_200 = arith.constant 1 : i32
    %add3A_201 = arith.addi %add3A_199, %add3A_200 : i32
    %add3A_202 = vector.broadcast %add3A_201 : i32 to vector<16xi32>
    %add3A_203 = arith.addi %mul3A_5, %add3A_202 : vector<16xi32>
    %swap3A_204 = arith.constant 0 : i32
    %swap3A_205 = arith.index_cast %swap3A_204 : i32 to index
    %swap3A_206 = arith.constant 224 : index
    %swap3A_207 = tpu.vector_load %arg7[%swap3A_205, %swap3A_206] {strides = array<i32>} : memref<4x256xi32, #tpu.memory_space<vmem>>, vector<1x16xi32>,
    %swap3A_208 = vector.shape_cast %swap3A_207 : vector<1x16xi32> to vector<16xi32>
    %swap3A_209 = vector.shape_cast %add3A_203 : vector<16xi32> to vector<1x16xi32>
    tpu.vector_store %arg7[%swap3A_205, %swap3A_206], %swap3A_209 {strides = array<i32>} : memref<4x256xi32, #tpu.memory_space<vmem>>, vector<1x16xi32>,
    %add3A_210 = arith.constant 112 : i32
    %add3A_211 = arith.addi %mul3A_2, %add3A_210 : i32
    %mul3A_212 = arith.constant 200 : i32
    %mul3A_213 = arith.muli %add3A_211, %mul3A_212 : i32
    %add3A_214 = arith.constant 0 : i32
    %add3A_215 = arith.addi %mul3A_213, %add3A_214 : i32
    %add3A_216 = vector.broadcast %add3A_215 : i32 to vector<16xi32>
    %add3A_217 = arith.addi %mul3A_5, %add3A_216 : vector<16xi32>
    %swap3A_218 = arith.constant 0 : i32
    %swap3A_219 = arith.index_cast %swap3A_218 : i32 to index
    %swap3A_220 = arith.constant 112 : index
    %swap3A_221 = tpu.vector_load %arg7[%swap3A_219, %swap3A_220] {strides = array<i32>} : memref<4x256xi32, #tpu.memory_space<vmem>>, vector<1x16xi32>,
    %swap3A_222 = vector.shape_cast %swap3A_221 : vector<1x16xi32> to vector<16xi32>
    %swap3A_223 = vector.shape_cast %add3A_217 : vector<16xi32> to vector<1x16xi32>
    tpu.vector_store %arg7[%swap3A_219, %swap3A_220], %swap3A_223 {strides = array<i32>} : memref<4x256xi32, #tpu.memory_space<vmem>>, vector<1x16xi32>,
    %add3A_224 = arith.constant 0 : i32
    %add3A_225 = arith.addi %mul3A_213, %add3A_224 : i32
    %add3A_226 = arith.constant 1 : i32
    %add3A_227 = arith.addi %add3A_225, %add3A_226 : i32
    %add3A_228 = vector.broadcast %add3A_227 : i32 to vector<16xi32>
    %add3A_229 = arith.addi %mul3A_5, %add3A_228 : vector<16xi32>
    %swap3A_230 = arith.constant 0 : i32
    %swap3A_231 = arith.index_cast %swap3A_230 : i32 to index
    %swap3A_232 = arith.constant 240 : index
    %swap3A_233 = tpu.vector_load %arg7[%swap3A_231, %swap3A_232] {strides = array<i32>} : memref<4x256xi32, #tpu.memory_space<vmem>>, vector<1x16xi32>,
    %swap3A_234 = vector.shape_cast %swap3A_233 : vector<1x16xi32> to vector<16xi32>
    %swap3A_235 = vector.shape_cast %add3A_229 : vector<16xi32> to vector<1x16xi32>
    tpu.vector_store %arg7[%swap3A_231, %swap3A_232], %swap3A_235 {strides = array<i32>} : memref<4x256xi32, #tpu.memory_space<vmem>>, vector<1x16xi32>,
    %dma_start3A_236 = arith.constant 2 : i32
    %dma_start3A_237 = arith.constant 1 : i32
    %dma_start3A_238 = arith.constant 0 : i32
    %dma_start3A_239 = arith.constant 0 : i32
    %dma_start3A_240 = tpu.memref_slice %arg6[%dma_start3A_237, %dma_start3A_238, %dma_start3A_239] : memref<4x256x64xf32, #tpu.memory_space<vmem>> -> memref<1x128x64xf32, #tpu.memory_space<vmem>>
    %dma_start3A_241 = tpu.memref_squeeze %dma_start3A_240 : memref<1x128x64xf32, #tpu.memory_space<vmem>> -> memref<128x64xf32, #tpu.memory_space<vmem>>
    %dma_start3A_242 = arith.constant 0 : i32
    %dma_start3A_243 = tpu.memref_slice %arg5[%dma_start3A_236, %dma_start3A_242] : memref<200x128xi32, #tpu.memory_space<vmem>> -> memref<1x128xi32, #tpu.memory_space<vmem>>
    %dma_start3A_244 = tpu.memref_squeeze %dma_start3A_243 : memref<1x128xi32, #tpu.memory_space<vmem>> -> memref<128xi32, #tpu.memory_space<vmem>>
    %dma_start3A_245 = arith.constant 0 : i32
    %dma_start3A_246 = arith.constant 0 : i32
    %dma_start3A_247 = tpu.memref_slice %arg3[%dma_start3A_245, %dma_start3A_246] : memref<1000000x64xf32, #tpu.memory_space<hbm>> -> memref<1000000x64xf32, #tpu.memory_space<hbm>>
    tpu.enqueue_indirect_dma source(%dma_start3A_247 : memref<1000000x64xf32, #tpu.memory_space<hbm>>) target(%dma_start3A_241 : memref<128x64xf32, #tpu.memory_space<vmem>>) offsets(%dma_start3A_244 : memref<128xi32, #tpu.memory_space<vmem>>) semaphore(%arg9 : memref<!tpu.dma_semaphore, #tpu.memory_space<semaphore_mem>>)
    %dma_start3A_248 = arith.constant 3 : i32
    %dma_start3A_249 = arith.constant 1 : i32
    %dma_start3A_250 = arith.constant 128 : i32
    %dma_start3A_251 = arith.constant 0 : i32
    %dma_start3A_252 = tpu.memref_slice %arg6[%dma_start3A_249, %dma_start3A_250, %dma_start3A_251] : memref<4x256x64xf32, #tpu.memory_space<vmem>> -> memref<1x128x64xf32, #tpu.memory_space<vmem>>
    %dma_start3A_253 = tpu.memref_squeeze %dma_start3A_252 : memref<1x128x64xf32, #tpu.memory_space<vmem>> -> memref<128x64xf32, #tpu.memory_space<vmem>>
    %dma_start3A_254 = arith.constant 0 : i32
    %dma_start3A_255 = tpu.memref_slice %arg5[%dma_start3A_248, %dma_start3A_254] : memref<200x128xi32, #tpu.memory_space<vmem>> -> memref<1x128xi32, #tpu.memory_space<vmem>>
    %dma_start3A_256 = tpu.memref_squeeze %dma_start3A_255 : memref<1x128xi32, #tpu.memory_space<vmem>> -> memref<128xi32, #tpu.memory_space<vmem>>
    %dma_start3A_257 = arith.constant 0 : i32
    %dma_start3A_258 = arith.constant 0 : i32
    %dma_start3A_259 = tpu.memref_slice %arg3[%dma_start3A_257, %dma_start3A_258] : memref<1000000x64xf32, #tpu.memory_space<hbm>> -> memref<1000000x64xf32, #tpu.memory_space<hbm>>
    tpu.enqueue_indirect_dma source(%dma_start3A_259 : memref<1000000x64xf32, #tpu.memory_space<hbm>>) target(%dma_start3A_253 : memref<128x64xf32, #tpu.memory_space<vmem>>) offsets(%dma_start3A_256 : memref<128xi32, #tpu.memory_space<vmem>>) semaphore(%arg9 : memref<!tpu.dma_semaphore, #tpu.memory_space<semaphore_mem>>)
    %add3A_260 = arith.constant 0 : i32
    %add3A_261 = arith.addi %mul3A_2, %add3A_260 : i32
    %mul3A_262 = arith.constant 200 : i32
    %mul3A_263 = arith.muli %add3A_261, %mul3A_262 : i32
    %add3A_264 = arith.constant 2 : i32
    %add3A_265 = arith.addi %mul3A_263, %add3A_264 : i32
    %add3A_266 = vector.broadcast %add3A_265 : i32 to vector<16xi32>
    %add3A_267 = arith.addi %mul3A_5, %add3A_266 : vector<16xi32>
    %swap3A_268 = arith.constant 1 : i32
    %swap3A_269 = arith.index_cast %swap3A_268 : i32 to index
    %swap3A_270 = arith.constant 0 : index
    %swap3A_271 = tpu.vector_load %arg7[%swap3A_269, %swap3A_270] {strides = array<i32>} : memref<4x256xi32, #tpu.memory_space<vmem>>, vector<1x16xi32>,
    %swap3A_272 = vector.shape_cast %swap3A_271 : vector<1x16xi32> to vector<16xi32>
    %swap3A_273 = vector.shape_cast %add3A_267 : vector<16xi32> to vector<1x16xi32>
    tpu.vector_store %arg7[%swap3A_269, %swap3A_270], %swap3A_273 {strides = array<i32>} : memref<4x256xi32, #tpu.memory_space<vmem>>, vector<1x16xi32>,
    %add3A_274 = arith.constant 2 : i32
    %add3A_275 = arith.addi %mul3A_263, %add3A_274 : i32
    %add3A_276 = arith.constant 1 : i32
    %add3A_277 = arith.addi %add3A_275, %add3A_276 : i32
    %add3A_278 = vector.broadcast %add3A_277 : i32 to vector<16xi32>
    %add3A_279 = arith.addi %mul3A_5, %add3A_278 : vector<16xi32>
    %swap3A_280 = arith.constant 1 : i32
    %swap3A_281 = arith.index_cast %swap3A_280 : i32 to index
    %swap3A_282 = arith.constant 128 : index
    %swap3A_283 = tpu.vector_load %arg7[%swap3A_281, %swap3A_282] {strides = array<i32>} : memref<4x256xi32, #tpu.memory_space<vmem>>, vector<1x16xi32>,
    %swap3A_284 = vector.shape_cast %swap3A_283 : vector<1x16xi32> to vector<16xi32>
    %swap3A_285 = vector.shape_cast %add3A_279 : vector<16xi32> to vector<1x16xi32>
    tpu.vector_store %arg7[%swap3A_281, %swap3A_282], %swap3A_285 {strides = array<i32>} : memref<4x256xi32, #tpu.memory_space<vmem>>, vector<1x16xi32>,
    %add3A_286 = arith.constant 16 : i32
    %add3A_287 = arith.addi %mul3A_2, %add3A_286 : i32
    %mul3A_288 = arith.constant 200 : i32
    %mul3A_289 = arith.muli %add3A_287, %mul3A_288 : i32
    %add3A_290 = arith.constant 2 : i32
    %add3A_291 = arith.addi %mul3A_289, %add3A_290 : i32
    %add3A_292 = vector.broadcast %add3A_291 : i32 to vector<16xi32>
    %add3A_293 = arith.addi %mul3A_5, %add3A_292 : vector<16xi32>
    %swap3A_294 = arith.constant 1 : i32
    %swap3A_295 = arith.index_cast %swap3A_294 : i32 to index
    %swap3A_296 = arith.constant 16 : index
    %swap3A_297 = tpu.vector_load %arg7[%swap3A_295, %swap3A_296] {strides = array<i32>} : memref<4x256xi32, #tpu.memory_space<vmem>>, vector<1x16xi32>,
    %swap3A_298 = vector.shape_cast %swap3A_297 : vector<1x16xi32> to vector<16xi32>
    %swap3A_299 = vector.shape_cast %add3A_293 : vector<16xi32> to vector<1x16xi32>
    tpu.vector_store %arg7[%swap3A_295, %swap3A_296], %swap3A_299 {strides = array<i32>} : memref<4x256xi32, #tpu.memory_space<vmem>>, vector<1x16xi32>,
    %add3A_300 = arith.constant 2 : i32
    %add3A_301 = arith.addi %mul3A_289, %add3A_300 : i32
    %add3A_302 = arith.constant 1 : i32
    %add3A_303 = arith.addi %add3A_301, %add3A_302 : i32
    %add3A_304 = vector.broadcast %add3A_303 : i32 to vector<16xi32>
    %add3A_305 = arith.addi %mul3A_5, %add3A_304 : vector<16xi32>
    %swap3A_306 = arith.constant 1 : i32
    %swap3A_307 = arith.index_cast %swap3A_306 : i32 to index
    %swap3A_308 = arith.constant 144 : index
    %swap3A_309 = tpu.vector_load %arg7[%swap3A_307, %swap3A_308] {strides = array<i32>} : memref<4x256xi32, #tpu.memory_space<vmem>>, vector<1x16xi32>,
    %swap3A_310 = vector.shape_cast %swap3A_309 : vector<1x16xi32> to vector<16xi32>
    %swap3A_311 = vector.shape_cast %add3A_305 : vector<16xi32> to vector<1x16xi32>
    tpu.vector_store %arg7[%swap3A_307, %swap3A_308], %swap3A_311 {strides = array<i32>} : memref<4x256xi32, #tpu.memory_space<vmem>>, vector<1x16xi32>,
    %add3A_312 = arith.constant 32 : i32
    %add3A_313 = arith.addi %mul3A_2, %add3A_312 : i32
    %mul3A_314 = arith.constant 200 : i32
    %mul3A_315 = arith.muli %add3A_313, %mul3A_314 : i32
    %add3A_316 = arith.constant 2 : i32
    %add3A_317 = arith.addi %mul3A_315, %add3A_316 : i32
    %add3A_318 = vector.broadcast %add3A_317 : i32 to vector<16xi32>
    %add3A_319 = arith.addi %mul3A_5, %add3A_318 : vector<16xi32>
    %swap3A_320 = arith.constant 1 : i32
    %swap3A_321 = arith.index_cast %swap3A_320 : i32 to index
    %swap3A_322 = arith.constant 32 : index
    %swap3A_323 = tpu.vector_load %arg7[%swap3A_321, %swap3A_322] {strides = array<i32>} : memref<4x256xi32, #tpu.memory_space<vmem>>, vector<1x16xi32>,
    %swap3A_324 = vector.shape_cast %swap3A_323 : vector<1x16xi32> to vector<16xi32>
    %swap3A_325 = vector.shape_cast %add3A_319 : vector<16xi32> to vector<1x16xi32>
    tpu.vector_store %arg7[%swap3A_321, %swap3A_322], %swap3A_325 {strides = array<i32>} : memref<4x256xi32, #tpu.memory_space<vmem>>, vector<1x16xi32>,
    %add3A_326 = arith.constant 2 : i32
    %add3A_327 = arith.addi %mul3A_315, %add3A_326 : i32
    %add3A_328 = arith.constant 1 : i32
    %add3A_329 = arith.addi %add3A_327, %add3A_328 : i32
    %add3A_330 = vector.broadcast %add3A_329 : i32 to vector<16xi32>
    %add3A_331 = arith.addi %mul3A_5, %add3A_330 : vector<16xi32>
    %swap3A_332 = arith.constant 1 : i32
    %swap3A_333 = arith.index_cast %swap3A_332 : i32 to index
    %swap3A_334 = arith.constant 160 : index
    %swap3A_335 = tpu.vector_load %arg7[%swap3A_333, %swap3A_334] {strides = array<i32>} : memref<4x256xi32, #tpu.memory_space<vmem>>, vector<1x16xi32>,
    %swap3A_336 = vector.shape_cast %swap3A_335 : vector<1x16xi32> to vector<16xi32>
    %swap3A_337 = vector.shape_cast %add3A_331 : vector<16xi32> to vector<1x16xi32>
    tpu.vector_store %arg7[%swap3A_333, %swap3A_334], %swap3A_337 {strides = array<i32>} : memref<4x256xi32, #tpu.memory_space<vmem>>, vector<1x16xi32>,
    %add3A_338 = arith.constant 48 : i32
    %add3A_339 = arith.addi %mul3A_2, %add3A_338 : i32
    %mul3A_340 = arith.constant 200 : i32
    %mul3A_341 = arith.muli %add3A_339, %mul3A_340 : i32
    %add3A_342 = arith.constant 2 : i32
    %add3A_343 = arith.addi %mul3A_341, %add3A_342 : i32
    %add3A_344 = vector.broadcast %add3A_343 : i32 to vector<16xi32>
    %add3A_345 = arith.addi %mul3A_5, %add3A_344 : vector<16xi32>
    %swap3A_346 = arith.constant 1 : i32
    %swap3A_347 = arith.index_cast %swap3A_346 : i32 to index
    %swap3A_348 = arith.constant 48 : index
    %swap3A_349 = tpu.vector_load %arg7[%swap3A_347, %swap3A_348] {strides = array<i32>} : memref<4x256xi32, #tpu.memory_space<vmem>>, vector<1x16xi32>,
    %swap3A_350 = vector.shape_cast %swap3A_349 : vector<1x16xi32> to vector<16xi32>
    %swap3A_351 = vector.shape_cast %add3A_345 : vector<16xi32> to vector<1x16xi32>
    tpu.vector_store %arg7[%swap3A_347, %swap3A_348], %swap3A_351 {strides = array<i32>} : memref<4x256xi32, #tpu.memory_space<vmem>>, vector<1x16xi32>,
    %add3A_352 = arith.constant 2 : i32
    %add3A_353 = arith.addi %mul3A_341, %add3A_352 : i32
    %add3A_354 = arith.constant 1 : i32
    %add3A_355 = arith.addi %add3A_353, %add3A_354 : i32
    %add3A_356 = vector.broadcast %add3A_355 : i32 to vector<16xi32>
    %add3A_357 = arith.addi %mul3A_5, %add3A_356 : vector<16xi32>
    %swap3A_358 = arith.constant 1 : i32
    %swap3A_359 = arith.index_cast %swap3A_358 : i32 to index
    %swap3A_360 = arith.constant 176 : index
    %swap3A_361 = tpu.vector_load %arg7[%swap3A_359, %swap3A_360] {strides = array<i32>} : memref<4x256xi32, #tpu.memory_space<vmem>>, vector<1x16xi32>,
    %swap3A_362 = vector.shape_cast %swap3A_361 : vector<1x16xi32> to vector<16xi32>
    %swap3A_363 = vector.shape_cast %add3A_357 : vector<16xi32> to vector<1x16xi32>
    tpu.vector_store %arg7[%swap3A_359, %swap3A_360], %swap3A_363 {strides = array<i32>} : memref<4x256xi32, #tpu.memory_space<vmem>>, vector<1x16xi32>,
    %add3A_364 = arith.constant 64 : i32
    %add3A_365 = arith.addi %mul3A_2, %add3A_364 : i32
    %mul3A_366 = arith.constant 200 : i32
    %mul3A_367 = arith.muli %add3A_365, %mul3A_366 : i32
    %add3A_368 = arith.constant 2 : i32
    %add3A_369 = arith.addi %mul3A_367, %add3A_368 : i32
    %add3A_370 = vector.broadcast %add3A_369 : i32 to vector<16xi32>
    %add3A_371 = arith.addi %mul3A_5, %add3A_370 : vector<16xi32>
    %swap3A_372 = arith.constant 1 : i32
    %swap3A_373 = arith.index_cast %swap3A_372 : i32 to index
    %swap3A_374 = arith.constant 64 : index
    %swap3A_375 = tpu.vector_load %arg7[%swap3A_373, %swap3A_374] {strides = array<i32>} : memref<4x256xi32, #tpu.memory_space<vmem>>, vector<1x16xi32>,
    %swap3A_376 = vector.shape_cast %swap3A_375 : vector<1x16xi32> to vector<16xi32>
    %swap3A_377 = vector.shape_cast %add3A_371 : vector<16xi32> to vector<1x16xi32>
    tpu.vector_store %arg7[%swap3A_373, %swap3A_374], %swap3A_377 {strides = array<i32>} : memref<4x256xi32, #tpu.memory_space<vmem>>, vector<1x16xi32>,
    %add3A_378 = arith.constant 2 : i32
    %add3A_379 = arith.addi %mul3A_367, %add3A_378 : i32
    %add3A_380 = arith.constant 1 : i32
    %add3A_381 = arith.addi %add3A_379, %add3A_380 : i32
    %add3A_382 = vector.broadcast %add3A_381 : i32 to vector<16xi32>
    %add3A_383 = arith.addi %mul3A_5, %add3A_382 : vector<16xi32>
    %swap3A_384 = arith.constant 1 : i32
    %swap3A_385 = arith.index_cast %swap3A_384 : i32 to index
    %swap3A_386 = arith.constant 192 : index
    %swap3A_387 = tpu.vector_load %arg7[%swap3A_385, %swap3A_386] {strides = array<i32>} : memref<4x256xi32, #tpu.memory_space<vmem>>, vector<1x16xi32>,
    %swap3A_388 = vector.shape_cast %swap3A_387 : vector<1x16xi32> to vector<16xi32>
    %swap3A_389 = vector.shape_cast %add3A_383 : vector<16xi32> to vector<1x16xi32>
    tpu.vector_store %arg7[%swap3A_385, %swap3A_386], %swap3A_389 {strides = array<i32>} : memref<4x256xi32, #tpu.memory_space<vmem>>, vector<1x16xi32>,
    %add3A_390 = arith.constant 80 : i32
    %add3A_391 = arith.addi %mul3A_2, %add3A_390 : i32
    %mul3A_392 = arith.constant 200 : i32
    %mul3A_393 = arith.muli %add3A_391, %mul3A_392 : i32
    %add3A_394 = arith.constant 2 : i32
    %add3A_395 = arith.addi %mul3A_393, %add3A_394 : i32
    %add3A_396 = vector.broadcast %add3A_395 : i32 to vector<16xi32>
    %add3A_397 = arith.addi %mul3A_5, %add3A_396 : vector<16xi32>
    %swap3A_398 = arith.constant 1 : i32
    %swap3A_399 = arith.index_cast %swap3A_398 : i32 to index
    %swap3A_400 = arith.constant 80 : index
    %swap3A_401 = tpu.vector_load %arg7[%swap3A_399, %swap3A_400] {strides = array<i32>} : memref<4x256xi32, #tpu.memory_space<vmem>>, vector<1x16xi32>,
    %swap3A_402 = vector.shape_cast %swap3A_401 : vector<1x16xi32> to vector<16xi32>
    %swap3A_403 = vector.shape_cast %add3A_397 : vector<16xi32> to vector<1x16xi32>
    tpu.vector_store %arg7[%swap3A_399, %swap3A_400], %swap3A_403 {strides = array<i32>} : memref<4x256xi32, #tpu.memory_space<vmem>>, vector<1x16xi32>,
    %add3A_404 = arith.constant 2 : i32
    %add3A_405 = arith.addi %mul3A_393, %add3A_404 : i32
    %add3A_406 = arith.constant 1 : i32
    %add3A_407 = arith.addi %add3A_405, %add3A_406 : i32
    %add3A_408 = vector.broadcast %add3A_407 : i32 to vector<16xi32>
    %add3A_409 = arith.addi %mul3A_5, %add3A_408 : vector<16xi32>
    %swap3A_410 = arith.constant 1 : i32
    %swap3A_411 = arith.index_cast %swap3A_410 : i32 to index
    %swap3A_412 = arith.constant 208 : index
    %swap3A_413 = tpu.vector_load %arg7[%swap3A_411, %swap3A_412] {strides = array<i32>} : memref<4x256xi32, #tpu.memory_space<vmem>>, vector<1x16xi32>,
    %swap3A_414 = vector.shape_cast %swap3A_413 : vector<1x16xi32> to vector<16xi32>
    %swap3A_415 = vector.shape_cast %add3A_409 : vector<16xi32> to vector<1x16xi32>
    tpu.vector_store %arg7[%swap3A_411, %swap3A_412], %swap3A_415 {strides = array<i32>} : memref<4x256xi32, #tpu.memory_space<vmem>>, vector<1x16xi32>,
    %add3A_416 = arith.constant 96 : i32
    %add3A_417 = arith.addi %mul3A_2, %add3A_416 : i32
    %mul3A_418 = arith.constant 200 : i32
    %mul3A_419 = arith.muli %add3A_417, %mul3A_418 : i32
    %add3A_420 = arith.constant 2 : i32
    %add3A_421 = arith.addi %mul3A_419, %add3A_420 : i32
    %add3A_422 = vector.broadcast %add3A_421 : i32 to vector<16xi32>
    %add3A_423 = arith.addi %mul3A_5, %add3A_422 : vector<16xi32>
    %swap3A_424 = arith.constant 1 : i32
    %swap3A_425 = arith.index_cast %swap3A_424 : i32 to index
    %swap3A_426 = arith.constant 96 : index
    %swap3A_427 = tpu.vector_load %arg7[%swap3A_425, %swap3A_426] {strides = array<i32>} : memref<4x256xi32, #tpu.memory_space<vmem>>, vector<1x16xi32>,
    %swap3A_428 = vector.shape_cast %swap3A_427 : vector<1x16xi32> to vector<16xi32>
    %swap3A_429 = vector.shape_cast %add3A_423 : vector<16xi32> to vector<1x16xi32>
    tpu.vector_store %arg7[%swap3A_425, %swap3A_426], %swap3A_429 {strides = array<i32>} : memref<4x256xi32, #tpu.memory_space<vmem>>, vector<1x16xi32>,
    %add3A_430 = arith.constant 2 : i32
    %add3A_431 = arith.addi %mul3A_419, %add3A_430 : i32
    %add3A_432 = arith.constant 1 : i32
    %add3A_433 = arith.addi %add3A_431, %add3A_432 : i32
    %add3A_434 = vector.broadcast %add3A_433 : i32 to vector<16xi32>
    %add3A_435 = arith.addi %mul3A_5, %add3A_434 : vector<16xi32>
    %swap3A_436 = arith.constant 1 : i32
    %swap3A_437 = arith.index_cast %swap3A_436 : i32 to index
    %swap3A_438 = arith.constant 224 : index
    %swap3A_439 = tpu.vector_load %arg7[%swap3A_437, %swap3A_438] {strides = array<i32>} : memref<4x256xi32, #tpu.memory_space<vmem>>, vector<1x16xi32>,
    %swap3A_440 = vector.shape_cast %swap3A_439 : vector<1x16xi32> to vector<16xi32>
    %swap3A_441 = vector.shape_cast %add3A_435 : vector<16xi32> to vector<1x16xi32>
    tpu.vector_store %arg7[%swap3A_437, %swap3A_438], %swap3A_441 {strides = array<i32>} : memref<4x256xi32, #tpu.memory_space<vmem>>, vector<1x16xi32>,
    %add3A_442 = arith.constant 112 : i32
    %add3A_443 = arith.addi %mul3A_2, %add3A_442 : i32
    %mul3A_444 = arith.constant 200 : i32
    %mul3A_445 = arith.muli %add3A_443, %mul3A_444 : i32
    %add3A_446 = arith.constant 2 : i32
    %add3A_447 = arith.addi %mul3A_445, %add3A_446 : i32
    %add3A_448 = vector.broadcast %add3A_447 : i32 to vector<16xi32>
    %add3A_449 = arith.addi %mul3A_5, %add3A_448 : vector<16xi32>
    %swap3A_450 = arith.constant 1 : i32
    %swap3A_451 = arith.index_cast %swap3A_450 : i32 to index
    %swap3A_452 = arith.constant 112 : index
    %swap3A_453 = tpu.vector_load %arg7[%swap3A_451, %swap3A_452] {strides = array<i32>} : memref<4x256xi32, #tpu.memory_space<vmem>>, vector<1x16xi32>,
    %swap3A_454 = vector.shape_cast %swap3A_453 : vector<1x16xi32> to vector<16xi32>
    %swap3A_455 = vector.shape_cast %add3A_449 : vector<16xi32> to vector<1x16xi32>
    tpu.vector_store %arg7[%swap3A_451, %swap3A_452], %swap3A_455 {strides = array<i32>} : memref<4x256xi32, #tpu.memory_space<vmem>>, vector<1x16xi32>,
    %add3A_456 = arith.constant 2 : i32
    %add3A_457 = arith.addi %mul3A_445, %add3A_456 : i32
    %add3A_458 = arith.constant 1 : i32
    %add3A_459 = arith.addi %add3A_457, %add3A_458 : i32
    %add3A_460 = vector.broadcast %add3A_459 : i32 to vector<16xi32>
    %add3A_461 = arith.addi %mul3A_5, %add3A_460 : vector<16xi32>
    %swap3A_462 = arith.constant 1 : i32
    %swap3A_463 = arith.index_cast %swap3A_462 : i32 to index
    %swap3A_464 = arith.constant 240 : index
    %swap3A_465 = tpu.vector_load %arg7[%swap3A_463, %swap3A_464] {strides = array<i32>} : memref<4x256xi32, #tpu.memory_space<vmem>>, vector<1x16xi32>,
    %swap3A_466 = vector.shape_cast %swap3A_465 : vector<1x16xi32> to vector<16xi32>
    %swap3A_467 = vector.shape_cast %add3A_461 : vector<16xi32> to vector<1x16xi32>
    tpu.vector_store %arg7[%swap3A_463, %swap3A_464], %swap3A_467 {strides = array<i32>} : memref<4x256xi32, #tpu.memory_space<vmem>>, vector<1x16xi32>,
    %dma_start3A_468 = arith.constant 4 : i32
    %dma_start3A_469 = arith.constant 2 : i32
    %dma_start3A_470 = arith.constant 0 : i32
    %dma_start3A_471 = arith.constant 0 : i32
    %dma_start3A_472 = tpu.memref_slice %arg6[%dma_start3A_469, %dma_start3A_470, %dma_start3A_471] : memref<4x256x64xf32, #tpu.memory_space<vmem>> -> memref<1x128x64xf32, #tpu.memory_space<vmem>>
    %dma_start3A_473 = tpu.memref_squeeze %dma_start3A_472 : memref<1x128x64xf32, #tpu.memory_space<vmem>> -> memref<128x64xf32, #tpu.memory_space<vmem>>
    %dma_start3A_474 = arith.constant 0 : i32
    %dma_start3A_475 = tpu.memref_slice %arg5[%dma_start3A_468, %dma_start3A_474] : memref<200x128xi32, #tpu.memory_space<vmem>> -> memref<1x128xi32, #tpu.memory_space<vmem>>
    %dma_start3A_476 = tpu.memref_squeeze %dma_start3A_475 : memref<1x128xi32, #tpu.memory_space<vmem>> -> memref<128xi32, #tpu.memory_space<vmem>>
    %dma_start3A_477 = arith.constant 0 : i32
    %dma_start3A_478 = arith.constant 0 : i32
    %dma_start3A_479 = tpu.memref_slice %arg3[%dma_start3A_477, %dma_start3A_478] : memref<1000000x64xf32, #tpu.memory_space<hbm>> -> memref<1000000x64xf32, #tpu.memory_space<hbm>>
    tpu.enqueue_indirect_dma source(%dma_start3A_479 : memref<1000000x64xf32, #tpu.memory_space<hbm>>) target(%dma_start3A_473 : memref<128x64xf32, #tpu.memory_space<vmem>>) offsets(%dma_start3A_476 : memref<128xi32, #tpu.memory_space<vmem>>) semaphore(%arg10 : memref<!tpu.dma_semaphore, #tpu.memory_space<semaphore_mem>>)
    %dma_start3A_480 = arith.constant 5 : i32
    %dma_start3A_481 = arith.constant 2 : i32
    %dma_start3A_482 = arith.constant 128 : i32
    %dma_start3A_483 = arith.constant 0 : i32
    %dma_start3A_484 = tpu.memref_slice %arg6[%dma_start3A_481, %dma_start3A_482, %dma_start3A_483] : memref<4x256x64xf32, #tpu.memory_space<vmem>> -> memref<1x128x64xf32, #tpu.memory_space<vmem>>
    %dma_start3A_485 = tpu.memref_squeeze %dma_start3A_484 : memref<1x128x64xf32, #tpu.memory_space<vmem>> -> memref<128x64xf32, #tpu.memory_space<vmem>>
    %dma_start3A_486 = arith.constant 0 : i32
    %dma_start3A_487 = tpu.memref_slice %arg5[%dma_start3A_480, %dma_start3A_486] : memref<200x128xi32, #tpu.memory_space<vmem>> -> memref<1x128xi32, #tpu.memory_space<vmem>>
    %dma_start3A_488 = tpu.memref_squeeze %dma_start3A_487 : memref<1x128xi32, #tpu.memory_space<vmem>> -> memref<128xi32, #tpu.memory_space<vmem>>
    %dma_start3A_489 = arith.constant 0 : i32
    %dma_start3A_490 = arith.constant 0 : i32
    %dma_start3A_491 = tpu.memref_slice %arg3[%dma_start3A_489, %dma_start3A_490] : memref<1000000x64xf32, #tpu.memory_space<hbm>> -> memref<1000000x64xf32, #tpu.memory_space<hbm>>
    tpu.enqueue_indirect_dma source(%dma_start3A_491 : memref<1000000x64xf32, #tpu.memory_space<hbm>>) target(%dma_start3A_485 : memref<128x64xf32, #tpu.memory_space<vmem>>) offsets(%dma_start3A_488 : memref<128xi32, #tpu.memory_space<vmem>>) semaphore(%arg10 : memref<!tpu.dma_semaphore, #tpu.memory_space<semaphore_mem>>)
    %add3A_492 = arith.constant 0 : i32
    %add3A_493 = arith.addi %mul3A_2, %add3A_492 : i32
    %mul3A_494 = arith.constant 200 : i32
    %mul3A_495 = arith.muli %add3A_493, %mul3A_494 : i32
    %add3A_496 = arith.constant 4 : i32
    %add3A_497 = arith.addi %mul3A_495, %add3A_496 : i32
    %add3A_498 = vector.broadcast %add3A_497 : i32 to vector<16xi32>
    %add3A_499 = arith.addi %mul3A_5, %add3A_498 : vector<16xi32>
    %swap3A_500 = arith.constant 2 : i32
    %swap3A_501 = arith.index_cast %swap3A_500 : i32 to index
    %swap3A_502 = arith.constant 0 : index
    %swap3A_503 = tpu.vector_load %arg7[%swap3A_501, %swap3A_502] {strides = array<i32>} : memref<4x256xi32, #tpu.memory_space<vmem>>, vector<1x16xi32>,
    %swap3A_504 = vector.shape_cast %swap3A_503 : vector<1x16xi32> to vector<16xi32>
    %swap3A_505 = vector.shape_cast %add3A_499 : vector<16xi32> to vector<1x16xi32>
    tpu.vector_store %arg7[%swap3A_501, %swap3A_502], %swap3A_505 {strides = array<i32>} : memref<4x256xi32, #tpu.memory_space<vmem>>, vector<1x16xi32>,
    %add3A_506 = arith.constant 4 : i32
    %add3A_507 = arith.addi %mul3A_495, %add3A_506 : i32
    %add3A_508 = arith.constant 1 : i32
    %add3A_509 = arith.addi %add3A_507, %add3A_508 : i32
    %add3A_510 = vector.broadcast %add3A_509 : i32 to vector<16xi32>
    %add3A_511 = arith.addi %mul3A_5, %add3A_510 : vector<16xi32>
    %swap3A_512 = arith.constant 2 : i32
    %swap3A_513 = arith.index_cast %swap3A_512 : i32 to index
    %swap3A_514 = arith.constant 128 : index
    %swap3A_515 = tpu.vector_load %arg7[%swap3A_513, %swap3A_514] {strides = array<i32>} : memref<4x256xi32, #tpu.memory_space<vmem>>, vector<1x16xi32>,
    %swap3A_516 = vector.shape_cast %swap3A_515 : vector<1x16xi32> to vector<16xi32>
    %swap3A_517 = vector.shape_cast %add3A_511 : vector<16xi32> to vector<1x16xi32>
    tpu.vector_store %arg7[%swap3A_513, %swap3A_514], %swap3A_517 {strides = array<i32>} : memref<4x256xi32, #tpu.memory_space<vmem>>, vector<1x16xi32>,
    %add3A_518 = arith.constant 16 : i32
    %add3A_519 = arith.addi %mul3A_2, %add3A_518 : i32
    %mul3A_520 = arith.constant 200 : i32
    %mul3A_521 = arith.muli %add3A_519, %mul3A_520 : i32
    %add3A_522 = arith.constant 4 : i32
    %add3A_523 = arith.addi %mul3A_521, %add3A_522 : i32
    %add3A_524 = vector.broadcast %add3A_523 : i32 to vector<16xi32>
    %add3A_525 = arith.addi %mul3A_5, %add3A_524 : vector<16xi32>
    %swap3A_526 = arith.constant 2 : i32
    %swap3A_527 = arith.index_cast %swap3A_526 : i32 to index
    %swap3A_528 = arith.constant 16 : index
    %swap3A_529 = tpu.vector_load %arg7[%swap3A_527, %swap3A_528] {strides = array<i32>} : memref<4x256xi32, #tpu.memory_space<vmem>>, vector<1x16xi32>,
    %swap3A_530 = vector.shape_cast %swap3A_529 : vector<1x16xi32> to vector<16xi32>
    %swap3A_531 = vector.shape_cast %add3A_525 : vector<16xi32> to vector<1x16xi32>
    tpu.vector_store %arg7[%swap3A_527, %swap3A_528], %swap3A_531 {strides = array<i32>} : memref<4x256xi32, #tpu.memory_space<vmem>>, vector<1x16xi32>,
    %add3A_532 = arith.constant 4 : i32
    %add3A_533 = arith.addi %mul3A_521, %add3A_532 : i32
    %add3A_534 = arith.constant 1 : i32
    %add3A_535 = arith.addi %add3A_533, %add3A_534 : i32
    %add3A_536 = vector.broadcast %add3A_535 : i32 to vector<16xi32>
    %add3A_537 = arith.addi %mul3A_5, %add3A_536 : vector<16xi32>
    %swap3A_538 = arith.constant 2 : i32
    %swap3A_539 = arith.index_cast %swap3A_538 : i32 to index
    %swap3A_540 = arith.constant 144 : index
    %swap3A_541 = tpu.vector_load %arg7[%swap3A_539, %swap3A_540] {strides = array<i32>} : memref<4x256xi32, #tpu.memory_space<vmem>>, vector<1x16xi32>,
    %swap3A_542 = vector.shape_cast %swap3A_541 : vector<1x16xi32> to vector<16xi32>
    %swap3A_543 = vector.shape_cast %add3A_537 : vector<16xi32> to vector<1x16xi32>
    tpu.vector_store %arg7[%swap3A_539, %swap3A_540], %swap3A_543 {strides = array<i32>} : memref<4x256xi32, #tpu.memory_space<vmem>>, vector<1x16xi32>,
    %add3A_544 = arith.constant 32 : i32
    %add3A_545 = arith.addi %mul3A_2, %add3A_544 : i32
    %mul3A_546 = arith.constant 200 : i32
    %mul3A_547 = arith.muli %add3A_545, %mul3A_546 : i32
    %add3A_548 = arith.constant 4 : i32
    %add3A_549 = arith.addi %mul3A_547, %add3A_548 : i32
    %add3A_550 = vector.broadcast %add3A_549 : i32 to vector<16xi32>
    %add3A_551 = arith.addi %mul3A_5, %add3A_550 : vector<16xi32>
    %swap3A_552 = arith.constant 2 : i32
    %swap3A_553 = arith.index_cast %swap3A_552 : i32 to index
    %swap3A_554 = arith.constant 32 : index
    %swap3A_555 = tpu.vector_load %arg7[%swap3A_553, %swap3A_554] {strides = array<i32>} : memref<4x256xi32, #tpu.memory_space<vmem>>, vector<1x16xi32>,
    %swap3A_556 = vector.shape_cast %swap3A_555 : vector<1x16xi32> to vector<16xi32>
    %swap3A_557 = vector.shape_cast %add3A_551 : vector<16xi32> to vector<1x16xi32>
    tpu.vector_store %arg7[%swap3A_553, %swap3A_554], %swap3A_557 {strides = array<i32>} : memref<4x256xi32, #tpu.memory_space<vmem>>, vector<1x16xi32>,
    %add3A_558 = arith.constant 4 : i32
    %add3A_559 = arith.addi %mul3A_547, %add3A_558 : i32
    %add3A_560 = arith.constant 1 : i32
    %add3A_561 = arith.addi %add3A_559, %add3A_560 : i32
    %add3A_562 = vector.broadcast %add3A_561 : i32 to vector<16xi32>
    %add3A_563 = arith.addi %mul3A_5, %add3A_562 : vector<16xi32>
    %swap3A_564 = arith.constant 2 : i32
    %swap3A_565 = arith.index_cast %swap3A_564 : i32 to index
    %swap3A_566 = arith.constant 160 : index
    %swap3A_567 = tpu.vector_load %arg7[%swap3A_565, %swap3A_566] {strides = array<i32>} : memref<4x256xi32, #tpu.memory_space<vmem>>, vector<1x16xi32>,
    %swap3A_568 = vector.shape_cast %swap3A_567 : vector<1x16xi32> to vector<16xi32>
    %swap3A_569 = vector.shape_cast %add3A_563 : vector<16xi32> to vector<1x16xi32>
    tpu.vector_store %arg7[%swap3A_565, %swap3A_566], %swap3A_569 {strides = array<i32>} : memref<4x256xi32, #tpu.memory_space<vmem>>, vector<1x16xi32>,
    %add3A_570 = arith.constant 48 : i32
    %add3A_571 = arith.addi %mul3A_2, %add3A_570 : i32
    %mul3A_572 = arith.constant 200 : i32
    %mul3A_573 = arith.muli %add3A_571, %mul3A_572 : i32
    %add3A_574 = arith.constant 4 : i32
    %add3A_575 = arith.addi %mul3A_573, %add3A_574 : i32
    %add3A_576 = vector.broadcast %add3A_575 : i32 to vector<16xi32>
    %add3A_577 = arith.addi %mul3A_5, %add3A_576 : vector<16xi32>
    %swap3A_578 = arith.constant 2 : i32
    %swap3A_579 = arith.index_cast %swap3A_578 : i32 to index
    %swap3A_580 = arith.constant 48 : index
    %swap3A_581 = tpu.vector_load %arg7[%swap3A_579, %swap3A_580] {strides = array<i32>} : memref<4x256xi32, #tpu.memory_space<vmem>>, vector<1x16xi32>,
    %swap3A_582 = vector.shape_cast %swap3A_581 : vector<1x16xi32> to vector<16xi32>
    %swap3A_583 = vector.shape_cast %add3A_577 : vector<16xi32> to vector<1x16xi32>
    tpu.vector_store %arg7[%swap3A_579, %swap3A_580], %swap3A_583 {strides = array<i32>} : memref<4x256xi32, #tpu.memory_space<vmem>>, vector<1x16xi32>,
    %add3A_584 = arith.constant 4 : i32
    %add3A_585 = arith.addi %mul3A_573, %add3A_584 : i32
    %add3A_586 = arith.constant 1 : i32
    %add3A_587 = arith.addi %add3A_585, %add3A_586 : i32
    %add3A_588 = vector.broadcast %add3A_587 : i32 to vector<16xi32>
    %add3A_589 = arith.addi %mul3A_5, %add3A_588 : vector<16xi32>
    %swap3A_590 = arith.constant 2 : i32
    %swap3A_591 = arith.index_cast %swap3A_590 : i32 to index
    %swap3A_592 = arith.constant 176 : index
    %swap3A_593 = tpu.vector_load %arg7[%swap3A_591, %swap3A_592] {strides = array<i32>} : memref<4x256xi32, #tpu.memory_space<vmem>>, vector<1x16xi32>,
    %swap3A_594 = vector.shape_cast %swap3A_593 : vector<1x16xi32> to vector<16xi32>
    %swap3A_595 = vector.shape_cast %add3A_589 : vector<16xi32> to vector<1x16xi32>
    tpu.vector_store %arg7[%swap3A_591, %swap3A_592], %swap3A_595 {strides = array<i32>} : memref<4x256xi32, #tpu.memory_space<vmem>>, vector<1x16xi32>,
    %add3A_596 = arith.constant 64 : i32
    %add3A_597 = arith.addi %mul3A_2, %add3A_596 : i32
    %mul3A_598 = arith.constant 200 : i32
    %mul3A_599 = arith.muli %add3A_597, %mul3A_598 : i32
    %add3A_600 = arith.constant 4 : i32
    %add3A_601 = arith.addi %mul3A_599, %add3A_600 : i32
    %add3A_602 = vector.broadcast %add3A_601 : i32 to vector<16xi32>
    %add3A_603 = arith.addi %mul3A_5, %add3A_602 : vector<16xi32>
    %swap3A_604 = arith.constant 2 : i32
    %swap3A_605 = arith.index_cast %swap3A_604 : i32 to index
    %swap3A_606 = arith.constant 64 : index
    %swap3A_607 = tpu.vector_load %arg7[%swap3A_605, %swap3A_606] {strides = array<i32>} : memref<4x256xi32, #tpu.memory_space<vmem>>, vector<1x16xi32>,
    %swap3A_608 = vector.shape_cast %swap3A_607 : vector<1x16xi32> to vector<16xi32>
    %swap3A_609 = vector.shape_cast %add3A_603 : vector<16xi32> to vector<1x16xi32>
    tpu.vector_store %arg7[%swap3A_605, %swap3A_606], %swap3A_609 {strides = array<i32>} : memref<4x256xi32, #tpu.memory_space<vmem>>, vector<1x16xi32>,
    %add3A_610 = arith.constant 4 : i32
    %add3A_611 = arith.addi %mul3A_599, %add3A_610 : i32
    %add3A_612 = arith.constant 1 : i32
    %add3A_613 = arith.addi %add3A_611, %add3A_612 : i32
    %add3A_614 = vector.broadcast %add3A_613 : i32 to vector<16xi32>
    %add3A_615 = arith.addi %mul3A_5, %add3A_614 : vector<16xi32>
    %swap3A_616 = arith.constant 2 : i32
    %swap3A_617 = arith.index_cast %swap3A_616 : i32 to index
    %swap3A_618 = arith.constant 192 : index
    %swap3A_619 = tpu.vector_load %arg7[%swap3A_617, %swap3A_618] {strides = array<i32>} : memref<4x256xi32, #tpu.memory_space<vmem>>, vector<1x16xi32>,
    %swap3A_620 = vector.shape_cast %swap3A_619 : vector<1x16xi32> to vector<16xi32>
    %swap3A_621 = vector.shape_cast %add3A_615 : vector<16xi32> to vector<1x16xi32>
    tpu.vector_store %arg7[%swap3A_617, %swap3A_618], %swap3A_621 {strides = array<i32>} : memref<4x256xi32, #tpu.memory_space<vmem>>, vector<1x16xi32>,
    %add3A_622 = arith.constant 80 : i32
    %add3A_623 = arith.addi %mul3A_2, %add3A_622 : i32
    %mul3A_624 = arith.constant 200 : i32
    %mul3A_625 = arith.muli %add3A_623, %mul3A_624 : i32
    %add3A_626 = arith.constant 4 : i32
    %add3A_627 = arith.addi %mul3A_625, %add3A_626 : i32
    %add3A_628 = vector.broadcast %add3A_627 : i32 to vector<16xi32>
    %add3A_629 = arith.addi %mul3A_5, %add3A_628 : vector<16xi32>
    %swap3A_630 = arith.constant 2 : i32
    %swap3A_631 = arith.index_cast %swap3A_630 : i32 to index
    %swap3A_632 = arith.constant 80 : index
    %swap3A_633 = tpu.vector_load %arg7[%swap3A_631, %swap3A_632] {strides = array<i32>} : memref<4x256xi32, #tpu.memory_space<vmem>>, vector<1x16xi32>,
    %swap3A_634 = vector.shape_cast %swap3A_633 : vector<1x16xi32> to vector<16xi32>
    %swap3A_635 = vector.shape_cast %add3A_629 : vector<16xi32> to vector<1x16xi32>
    tpu.vector_store %arg7[%swap3A_631, %swap3A_632], %swap3A_635 {strides = array<i32>} : memref<4x256xi32, #tpu.memory_space<vmem>>, vector<1x16xi32>,
    %add3A_636 = arith.constant 4 : i32
    %add3A_637 = arith.addi %mul3A_625, %add3A_636 : i32
    %add3A_638 = arith.constant 1 : i32
    %add3A_639 = arith.addi %add3A_637, %add3A_638 : i32
    %add3A_640 = vector.broadcast %add3A_639 : i32 to vector<16xi32>
    %add3A_641 = arith.addi %mul3A_5, %add3A_640 : vector<16xi32>
    %swap3A_642 = arith.constant 2 : i32
    %swap3A_643 = arith.index_cast %swap3A_642 : i32 to index
    %swap3A_644 = arith.constant 208 : index
    %swap3A_645 = tpu.vector_load %arg7[%swap3A_643, %swap3A_644] {strides = array<i32>} : memref<4x256xi32, #tpu.memory_space<vmem>>, vector<1x16xi32>,
    %swap3A_646 = vector.shape_cast %swap3A_645 : vector<1x16xi32> to vector<16xi32>
    %swap3A_647 = vector.shape_cast %add3A_641 : vector<16xi32> to vector<1x16xi32>
    tpu.vector_store %arg7[%swap3A_643, %swap3A_644], %swap3A_647 {strides = array<i32>} : memref<4x256xi32, #tpu.memory_space<vmem>>, vector<1x16xi32>,
    %add3A_648 = arith.constant 96 : i32
    %add3A_649 = arith.addi %mul3A_2, %add3A_648 : i32
    %mul3A_650 = arith.constant 200 : i32
    %mul3A_651 = arith.muli %add3A_649, %mul3A_650 : i32
    %add3A_652 = arith.constant 4 : i32
    %add3A_653 = arith.addi %mul3A_651, %add3A_652 : i32
    %add3A_654 = vector.broadcast %add3A_653 : i32 to vector<16xi32>
    %add3A_655 = arith.addi %mul3A_5, %add3A_654 : vector<16xi32>
    %swap3A_656 = arith.constant 2 : i32
    %swap3A_657 = arith.index_cast %swap3A_656 : i32 to index
    %swap3A_658 = arith.constant 96 : index
    %swap3A_659 = tpu.vector_load %arg7[%swap3A_657, %swap3A_658] {strides = array<i32>} : memref<4x256xi32, #tpu.memory_space<vmem>>, vector<1x16xi32>,
    %swap3A_660 = vector.shape_cast %swap3A_659 : vector<1x16xi32> to vector<16xi32>
    %swap3A_661 = vector.shape_cast %add3A_655 : vector<16xi32> to vector<1x16xi32>
    tpu.vector_store %arg7[%swap3A_657, %swap3A_658], %swap3A_661 {strides = array<i32>} : memref<4x256xi32, #tpu.memory_space<vmem>>, vector<1x16xi32>,
    %add3A_662 = arith.constant 4 : i32
    %add3A_663 = arith.addi %mul3A_651, %add3A_662 : i32
    %add3A_664 = arith.constant 1 : i32
    %add3A_665 = arith.addi %add3A_663, %add3A_664 : i32
    %add3A_666 = vector.broadcast %add3A_665 : i32 to vector<16xi32>
    %add3A_667 = arith.addi %mul3A_5, %add3A_666 : vector<16xi32>
    %swap3A_668 = arith.constant 2 : i32
    %swap3A_669 = arith.index_cast %swap3A_668 : i32 to index
    %swap3A_670 = arith.constant 224 : index
    %swap3A_671 = tpu.vector_load %arg7[%swap3A_669, %swap3A_670] {strides = array<i32>} : memref<4x256xi32, #tpu.memory_space<vmem>>, vector<1x16xi32>,
    %swap3A_672 = vector.shape_cast %swap3A_671 : vector<1x16xi32> to vector<16xi32>
    %swap3A_673 = vector.shape_cast %add3A_667 : vector<16xi32> to vector<1x16xi32>
    tpu.vector_store %arg7[%swap3A_669, %swap3A_670], %swap3A_673 {strides = array<i32>} : memref<4x256xi32, #tpu.memory_space<vmem>>, vector<1x16xi32>,
    %add3A_674 = arith.constant 112 : i32
    %add3A_675 = arith.addi %mul3A_2, %add3A_674 : i32
    %mul3A_676 = arith.constant 200 : i32
    %mul3A_677 = arith.muli %add3A_675, %mul3A_676 : i32
    %add3A_678 = arith.constant 4 : i32
    %add3A_679 = arith.addi %mul3A_677, %add3A_678 : i32
    %add3A_680 = vector.broadcast %add3A_679 : i32 to vector<16xi32>
    %add3A_681 = arith.addi %mul3A_5, %add3A_680 : vector<16xi32>
    %swap3A_682 = arith.constant 2 : i32
    %swap3A_683 = arith.index_cast %swap3A_682 : i32 to index
    %swap3A_684 = arith.constant 112 : index
    %swap3A_685 = tpu.vector_load %arg7[%swap3A_683, %swap3A_684] {strides = array<i32>} : memref<4x256xi32, #tpu.memory_space<vmem>>, vector<1x16xi32>,
    %swap3A_686 = vector.shape_cast %swap3A_685 : vector<1x16xi32> to vector<16xi32>
    %swap3A_687 = vector.shape_cast %add3A_681 : vector<16xi32> to vector<1x16xi32>
    tpu.vector_store %arg7[%swap3A_683, %swap3A_684], %swap3A_687 {strides = array<i32>} : memref<4x256xi32, #tpu.memory_space<vmem>>, vector<1x16xi32>,
    %add3A_688 = arith.constant 4 : i32
    %add3A_689 = arith.addi %mul3A_677, %add3A_688 : i32
    %add3A_690 = arith.constant 1 : i32
    %add3A_691 = arith.addi %add3A_689, %add3A_690 : i32
    %add3A_692 = vector.broadcast %add3A_691 : i32 to vector<16xi32>
    %add3A_693 = arith.addi %mul3A_5, %add3A_692 : vector<16xi32>
    %swap3A_694 = arith.constant 2 : i32
    %swap3A_695 = arith.index_cast %swap3A_694 : i32 to index
    %swap3A_696 = arith.constant 240 : index
    %swap3A_697 = tpu.vector_load %arg7[%swap3A_695, %swap3A_696] {strides = array<i32>} : memref<4x256xi32, #tpu.memory_space<vmem>>, vector<1x16xi32>,
    %swap3A_698 = vector.shape_cast %swap3A_697 : vector<1x16xi32> to vector<16xi32>
    %swap3A_699 = vector.shape_cast %add3A_693 : vector<16xi32> to vector<1x16xi32>
    tpu.vector_store %arg7[%swap3A_695, %swap3A_696], %swap3A_699 {strides = array<i32>} : memref<4x256xi32, #tpu.memory_space<vmem>>, vector<1x16xi32>,
    %dma_start3A_700 = arith.constant 6 : i32
    %dma_start3A_701 = arith.constant 3 : i32
    %dma_start3A_702 = arith.constant 0 : i32
    %dma_start3A_703 = arith.constant 0 : i32
    %dma_start3A_704 = tpu.memref_slice %arg6[%dma_start3A_701, %dma_start3A_702, %dma_start3A_703] : memref<4x256x64xf32, #tpu.memory_space<vmem>> -> memref<1x128x64xf32, #tpu.memory_space<vmem>>
    %dma_start3A_705 = tpu.memref_squeeze %dma_start3A_704 : memref<1x128x64xf32, #tpu.memory_space<vmem>> -> memref<128x64xf32, #tpu.memory_space<vmem>>
    %dma_start3A_706 = arith.constant 0 : i32
    %dma_start3A_707 = tpu.memref_slice %arg5[%dma_start3A_700, %dma_start3A_706] : memref<200x128xi32, #tpu.memory_space<vmem>> -> memref<1x128xi32, #tpu.memory_space<vmem>>
    %dma_start3A_708 = tpu.memref_squeeze %dma_start3A_707 : memref<1x128xi32, #tpu.memory_space<vmem>> -> memref<128xi32, #tpu.memory_space<vmem>>
    %dma_start3A_709 = arith.constant 0 : i32
    %dma_start3A_710 = arith.constant 0 : i32
    %dma_start3A_711 = tpu.memref_slice %arg3[%dma_start3A_709, %dma_start3A_710] : memref<1000000x64xf32, #tpu.memory_space<hbm>> -> memref<1000000x64xf32, #tpu.memory_space<hbm>>
    tpu.enqueue_indirect_dma source(%dma_start3A_711 : memref<1000000x64xf32, #tpu.memory_space<hbm>>) target(%dma_start3A_705 : memref<128x64xf32, #tpu.memory_space<vmem>>) offsets(%dma_start3A_708 : memref<128xi32, #tpu.memory_space<vmem>>) semaphore(%arg11 : memref<!tpu.dma_semaphore, #tpu.memory_space<semaphore_mem>>)
    %dma_start3A_712 = arith.constant 7 : i32
    %dma_start3A_713 = arith.constant 3 : i32
    %dma_start3A_714 = arith.constant 128 : i32
    %dma_start3A_715 = arith.constant 0 : i32
    %dma_start3A_716 = tpu.memref_slice %arg6[%dma_start3A_713, %dma_start3A_714, %dma_start3A_715] : memref<4x256x64xf32, #tpu.memory_space<vmem>> -> memref<1x128x64xf32, #tpu.memory_space<vmem>>
    %dma_start3A_717 = tpu.memref_squeeze %dma_start3A_716 : memref<1x128x64xf32, #tpu.memory_space<vmem>> -> memref<128x64xf32, #tpu.memory_space<vmem>>
    %dma_start3A_718 = arith.constant 0 : i32
    %dma_start3A_719 = tpu.memref_slice %arg5[%dma_start3A_712, %dma_start3A_718] : memref<200x128xi32, #tpu.memory_space<vmem>> -> memref<1x128xi32, #tpu.memory_space<vmem>>
    %dma_start3A_720 = tpu.memref_squeeze %dma_start3A_719 : memref<1x128xi32, #tpu.memory_space<vmem>> -> memref<128xi32, #tpu.memory_space<vmem>>
    %dma_start3A_721 = arith.constant 0 : i32
    %dma_start3A_722 = arith.constant 0 : i32
    %dma_start3A_723 = tpu.memref_slice %arg3[%dma_start3A_721, %dma_start3A_722] : memref<1000000x64xf32, #tpu.memory_space<hbm>> -> memref<1000000x64xf32, #tpu.memory_space<hbm>>
    tpu.enqueue_indirect_dma source(%dma_start3A_723 : memref<1000000x64xf32, #tpu.memory_space<hbm>>) target(%dma_start3A_717 : memref<128x64xf32, #tpu.memory_space<vmem>>) offsets(%dma_start3A_720 : memref<128xi32, #tpu.memory_space<vmem>>) semaphore(%arg11 : memref<!tpu.dma_semaphore, #tpu.memory_space<semaphore_mem>>)
    %add3A_724 = arith.constant 0 : i32
    %add3A_725 = arith.addi %mul3A_2, %add3A_724 : i32
    %mul3A_726 = arith.constant 200 : i32
    %mul3A_727 = arith.muli %add3A_725, %mul3A_726 : i32
    %add3A_728 = arith.constant 6 : i32
    %add3A_729 = arith.addi %mul3A_727, %add3A_728 : i32
    %add3A_730 = vector.broadcast %add3A_729 : i32 to vector<16xi32>
    %add3A_731 = arith.addi %mul3A_5, %add3A_730 : vector<16xi32>
    %swap3A_732 = arith.constant 3 : i32
    %swap3A_733 = arith.index_cast %swap3A_732 : i32 to index
    %swap3A_734 = arith.constant 0 : index
    %swap3A_735 = tpu.vector_load %arg7[%swap3A_733, %swap3A_734] {strides = array<i32>} : memref<4x256xi32, #tpu.memory_space<vmem>>, vector<1x16xi32>,
    %swap3A_736 = vector.shape_cast %swap3A_735 : vector<1x16xi32> to vector<16xi32>
    %swap3A_737 = vector.shape_cast %add3A_731 : vector<16xi32> to vector<1x16xi32>
    tpu.vector_store %arg7[%swap3A_733, %swap3A_734], %swap3A_737 {strides = array<i32>} : memref<4x256xi32, #tpu.memory_space<vmem>>, vector<1x16xi32>,
    %add3A_738 = arith.constant 6 : i32
    %add3A_739 = arith.addi %mul3A_727, %add3A_738 : i32
    %add3A_740 = arith.constant 1 : i32
    %add3A_741 = arith.addi %add3A_739, %add3A_740 : i32
    %add3A_742 = vector.broadcast %add3A_741 : i32 to vector<16xi32>
    %add3A_743 = arith.addi %mul3A_5, %add3A_742 : vector<16xi32>
    %swap3A_744 = arith.constant 3 : i32
    %swap3A_745 = arith.index_cast %swap3A_744 : i32 to index
    %swap3A_746 = arith.constant 128 : index
    %swap3A_747 = tpu.vector_load %arg7[%swap3A_745, %swap3A_746] {strides = array<i32>} : memref<4x256xi32, #tpu.memory_space<vmem>>, vector<1x16xi32>,
    %swap3A_748 = vector.shape_cast %swap3A_747 : vector<1x16xi32> to vector<16xi32>
    %swap3A_749 = vector.shape_cast %add3A_743 : vector<16xi32> to vector<1x16xi32>
    tpu.vector_store %arg7[%swap3A_745, %swap3A_746], %swap3A_749 {strides = array<i32>} : memref<4x256xi32, #tpu.memory_space<vmem>>, vector<1x16xi32>,
    %add3A_750 = arith.constant 16 : i32
    %add3A_751 = arith.addi %mul3A_2, %add3A_750 : i32
    %mul3A_752 = arith.constant 200 : i32
    %mul3A_753 = arith.muli %add3A_751, %mul3A_752 : i32
    %add3A_754 = arith.constant 6 : i32
    %add3A_755 = arith.addi %mul3A_753, %add3A_754 : i32
    %add3A_756 = vector.broadcast %add3A_755 : i32 to vector<16xi32>
    %add3A_757 = arith.addi %mul3A_5, %add3A_756 : vector<16xi32>
    %swap3A_758 = arith.constant 3 : i32
    %swap3A_759 = arith.index_cast %swap3A_758 : i32 to index
    %swap3A_760 = arith.constant 16 : index
    %swap3A_761 = tpu.vector_load %arg7[%swap3A_759, %swap3A_760] {strides = array<i32>} : memref<4x256xi32, #tpu.memory_space<vmem>>, vector<1x16xi32>,
    %swap3A_762 = vector.shape_cast %swap3A_761 : vector<1x16xi32> to vector<16xi32>
    %swap3A_763 = vector.shape_cast %add3A_757 : vector<16xi32> to vector<1x16xi32>
    tpu.vector_store %arg7[%swap3A_759, %swap3A_760], %swap3A_763 {strides = array<i32>} : memref<4x256xi32, #tpu.memory_space<vmem>>, vector<1x16xi32>,
    %add3A_764 = arith.constant 6 : i32
    %add3A_765 = arith.addi %mul3A_753, %add3A_764 : i32
    %add3A_766 = arith.constant 1 : i32
    %add3A_767 = arith.addi %add3A_765, %add3A_766 : i32
    %add3A_768 = vector.broadcast %add3A_767 : i32 to vector<16xi32>
    %add3A_769 = arith.addi %mul3A_5, %add3A_768 : vector<16xi32>
    %swap3A_770 = arith.constant 3 : i32
    %swap3A_771 = arith.index_cast %swap3A_770 : i32 to index
    %swap3A_772 = arith.constant 144 : index
    %swap3A_773 = tpu.vector_load %arg7[%swap3A_771, %swap3A_772] {strides = array<i32>} : memref<4x256xi32, #tpu.memory_space<vmem>>, vector<1x16xi32>,
    %swap3A_774 = vector.shape_cast %swap3A_773 : vector<1x16xi32> to vector<16xi32>
    %swap3A_775 = vector.shape_cast %add3A_769 : vector<16xi32> to vector<1x16xi32>
    tpu.vector_store %arg7[%swap3A_771, %swap3A_772], %swap3A_775 {strides = array<i32>} : memref<4x256xi32, #tpu.memory_space<vmem>>, vector<1x16xi32>,
    %add3A_776 = arith.constant 32 : i32
    %add3A_777 = arith.addi %mul3A_2, %add3A_776 : i32
    %mul3A_778 = arith.constant 200 : i32
    %mul3A_779 = arith.muli %add3A_777, %mul3A_778 : i32
    %add3A_780 = arith.constant 6 : i32
    %add3A_781 = arith.addi %mul3A_779, %add3A_780 : i32
    %add3A_782 = vector.broadcast %add3A_781 : i32 to vector<16xi32>
    %add3A_783 = arith.addi %mul3A_5, %add3A_782 : vector<16xi32>
    %swap3A_784 = arith.constant 3 : i32
    %swap3A_785 = arith.index_cast %swap3A_784 : i32 to index
    %swap3A_786 = arith.constant 32 : index
    %swap3A_787 = tpu.vector_load %arg7[%swap3A_785, %swap3A_786] {strides = array<i32>} : memref<4x256xi32, #tpu.memory_space<vmem>>, vector<1x16xi32>,
    %swap3A_788 = vector.shape_cast %swap3A_787 : vector<1x16xi32> to vector<16xi32>
    %swap3A_789 = vector.shape_cast %add3A_783 : vector<16xi32> to vector<1x16xi32>
    tpu.vector_store %arg7[%swap3A_785, %swap3A_786], %swap3A_789 {strides = array<i32>} : memref<4x256xi32, #tpu.memory_space<vmem>>, vector<1x16xi32>,
    %add3A_790 = arith.constant 6 : i32
    %add3A_791 = arith.addi %mul3A_779, %add3A_790 : i32
    %add3A_792 = arith.constant 1 : i32
    %add3A_793 = arith.addi %add3A_791, %add3A_792 : i32
    %add3A_794 = vector.broadcast %add3A_793 : i32 to vector<16xi32>
    %add3A_795 = arith.addi %mul3A_5, %add3A_794 : vector<16xi32>
    %swap3A_796 = arith.constant 3 : i32
    %swap3A_797 = arith.index_cast %swap3A_796 : i32 to index
    %swap3A_798 = arith.constant 160 : index
    %swap3A_799 = tpu.vector_load %arg7[%swap3A_797, %swap3A_798] {strides = array<i32>} : memref<4x256xi32, #tpu.memory_space<vmem>>, vector<1x16xi32>,
    %swap3A_800 = vector.shape_cast %swap3A_799 : vector<1x16xi32> to vector<16xi32>
    %swap3A_801 = vector.shape_cast %add3A_795 : vector<16xi32> to vector<1x16xi32>
    tpu.vector_store %arg7[%swap3A_797, %swap3A_798], %swap3A_801 {strides = array<i32>} : memref<4x256xi32, #tpu.memory_space<vmem>>, vector<1x16xi32>,
    %add3A_802 = arith.constant 48 : i32
    %add3A_803 = arith.addi %mul3A_2, %add3A_802 : i32
    %mul3A_804 = arith.constant 200 : i32
    %mul3A_805 = arith.muli %add3A_803, %mul3A_804 : i32
    %add3A_806 = arith.constant 6 : i32
    %add3A_807 = arith.addi %mul3A_805, %add3A_806 : i32
    %add3A_808 = vector.broadcast %add3A_807 : i32 to vector<16xi32>
    %add3A_809 = arith.addi %mul3A_5, %add3A_808 : vector<16xi32>
    %swap3A_810 = arith.constant 3 : i32
    %swap3A_811 = arith.index_cast %swap3A_810 : i32 to index
    %swap3A_812 = arith.constant 48 : index
    %swap3A_813 = tpu.vector_load %arg7[%swap3A_811, %swap3A_812] {strides = array<i32>} : memref<4x256xi32, #tpu.memory_space<vmem>>, vector<1x16xi32>,
    %swap3A_814 = vector.shape_cast %swap3A_813 : vector<1x16xi32> to vector<16xi32>
    %swap3A_815 = vector.shape_cast %add3A_809 : vector<16xi32> to vector<1x16xi32>
    tpu.vector_store %arg7[%swap3A_811, %swap3A_812], %swap3A_815 {strides = array<i32>} : memref<4x256xi32, #tpu.memory_space<vmem>>, vector<1x16xi32>,
    %add3A_816 = arith.constant 6 : i32
    %add3A_817 = arith.addi %mul3A_805, %add3A_816 : i32
    %add3A_818 = arith.constant 1 : i32
    %add3A_819 = arith.addi %add3A_817, %add3A_818 : i32
    %add3A_820 = vector.broadcast %add3A_819 : i32 to vector<16xi32>
    %add3A_821 = arith.addi %mul3A_5, %add3A_820 : vector<16xi32>
    %swap3A_822 = arith.constant 3 : i32
    %swap3A_823 = arith.index_cast %swap3A_822 : i32 to index
    %swap3A_824 = arith.constant 176 : index
    %swap3A_825 = tpu.vector_load %arg7[%swap3A_823, %swap3A_824] {strides = array<i32>} : memref<4x256xi32, #tpu.memory_space<vmem>>, vector<1x16xi32>,
    %swap3A_826 = vector.shape_cast %swap3A_825 : vector<1x16xi32> to vector<16xi32>
    %swap3A_827 = vector.shape_cast %add3A_821 : vector<16xi32> to vector<1x16xi32>
    tpu.vector_store %arg7[%swap3A_823, %swap3A_824], %swap3A_827 {strides = array<i32>} : memref<4x256xi32, #tpu.memory_space<vmem>>, vector<1x16xi32>,
    %add3A_828 = arith.constant 64 : i32
    %add3A_829 = arith.addi %mul3A_2, %add3A_828 : i32
    %mul3A_830 = arith.constant 200 : i32
    %mul3A_831 = arith.muli %add3A_829, %mul3A_830 : i32
    %add3A_832 = arith.constant 6 : i32
    %add3A_833 = arith.addi %mul3A_831, %add3A_832 : i32
    %add3A_834 = vector.broadcast %add3A_833 : i32 to vector<16xi32>
    %add3A_835 = arith.addi %mul3A_5, %add3A_834 : vector<16xi32>
    %swap3A_836 = arith.constant 3 : i32
    %swap3A_837 = arith.index_cast %swap3A_836 : i32 to index
    %swap3A_838 = arith.constant 64 : index
    %swap3A_839 = tpu.vector_load %arg7[%swap3A_837, %swap3A_838] {strides = array<i32>} : memref<4x256xi32, #tpu.memory_space<vmem>>, vector<1x16xi32>,
    %swap3A_840 = vector.shape_cast %swap3A_839 : vector<1x16xi32> to vector<16xi32>
    %swap3A_841 = vector.shape_cast %add3A_835 : vector<16xi32> to vector<1x16xi32>
    tpu.vector_store %arg7[%swap3A_837, %swap3A_838], %swap3A_841 {strides = array<i32>} : memref<4x256xi32, #tpu.memory_space<vmem>>, vector<1x16xi32>,
    %add3A_842 = arith.constant 6 : i32
    %add3A_843 = arith.addi %mul3A_831, %add3A_842 : i32
    %add3A_844 = arith.constant 1 : i32
    %add3A_845 = arith.addi %add3A_843, %add3A_844 : i32
    %add3A_846 = vector.broadcast %add3A_845 : i32 to vector<16xi32>
    %add3A_847 = arith.addi %mul3A_5, %add3A_846 : vector<16xi32>
    %swap3A_848 = arith.constant 3 : i32
    %swap3A_849 = arith.index_cast %swap3A_848 : i32 to index
    %swap3A_850 = arith.constant 192 : index
    %swap3A_851 = tpu.vector_load %arg7[%swap3A_849, %swap3A_850] {strides = array<i32>} : memref<4x256xi32, #tpu.memory_space<vmem>>, vector<1x16xi32>,
    %swap3A_852 = vector.shape_cast %swap3A_851 : vector<1x16xi32> to vector<16xi32>
    %swap3A_853 = vector.shape_cast %add3A_847 : vector<16xi32> to vector<1x16xi32>
    tpu.vector_store %arg7[%swap3A_849, %swap3A_850], %swap3A_853 {strides = array<i32>} : memref<4x256xi32, #tpu.memory_space<vmem>>, vector<1x16xi32>,
    %add3A_854 = arith.constant 80 : i32
    %add3A_855 = arith.addi %mul3A_2, %add3A_854 : i32
    %mul3A_856 = arith.constant 200 : i32
    %mul3A_857 = arith.muli %add3A_855, %mul3A_856 : i32
    %add3A_858 = arith.constant 6 : i32
    %add3A_859 = arith.addi %mul3A_857, %add3A_858 : i32
    %add3A_860 = vector.broadcast %add3A_859 : i32 to vector<16xi32>
    %add3A_861 = arith.addi %mul3A_5, %add3A_860 : vector<16xi32>
    %swap3A_862 = arith.constant 3 : i32
    %swap3A_863 = arith.index_cast %swap3A_862 : i32 to index
    %swap3A_864 = arith.constant 80 : index
    %swap3A_865 = tpu.vector_load %arg7[%swap3A_863, %swap3A_864] {strides = array<i32>} : memref<4x256xi32, #tpu.memory_space<vmem>>, vector<1x16xi32>,
    %swap3A_866 = vector.shape_cast %swap3A_865 : vector<1x16xi32> to vector<16xi32>
    %swap3A_867 = vector.shape_cast %add3A_861 : vector<16xi32> to vector<1x16xi32>
    tpu.vector_store %arg7[%swap3A_863, %swap3A_864], %swap3A_867 {strides = array<i32>} : memref<4x256xi32, #tpu.memory_space<vmem>>, vector<1x16xi32>,
    %add3A_868 = arith.constant 6 : i32
    %add3A_869 = arith.addi %mul3A_857, %add3A_868 : i32
    %add3A_870 = arith.constant 1 : i32
    %add3A_871 = arith.addi %add3A_869, %add3A_870 : i32
    %add3A_872 = vector.broadcast %add3A_871 : i32 to vector<16xi32>
    %add3A_873 = arith.addi %mul3A_5, %add3A_872 : vector<16xi32>
    %swap3A_874 = arith.constant 3 : i32
    %swap3A_875 = arith.index_cast %swap3A_874 : i32 to index
    %swap3A_876 = arith.constant 208 : index
    %swap3A_877 = tpu.vector_load %arg7[%swap3A_875, %swap3A_876] {strides = array<i32>} : memref<4x256xi32, #tpu.memory_space<vmem>>, vector<1x16xi32>,
    %swap3A_878 = vector.shape_cast %swap3A_877 : vector<1x16xi32> to vector<16xi32>
    %swap3A_879 = vector.shape_cast %add3A_873 : vector<16xi32> to vector<1x16xi32>
    tpu.vector_store %arg7[%swap3A_875, %swap3A_876], %swap3A_879 {strides = array<i32>} : memref<4x256xi32, #tpu.memory_space<vmem>>, vector<1x16xi32>,
    %add3A_880 = arith.constant 96 : i32
    %add3A_881 = arith.addi %mul3A_2, %add3A_880 : i32
    %mul3A_882 = arith.constant 200 : i32
    %mul3A_883 = arith.muli %add3A_881, %mul3A_882 : i32
    %add3A_884 = arith.constant 6 : i32
    %add3A_885 = arith.addi %mul3A_883, %add3A_884 : i32
    %add3A_886 = vector.broadcast %add3A_885 : i32 to vector<16xi32>
    %add3A_887 = arith.addi %mul3A_5, %add3A_886 : vector<16xi32>
    %swap3A_888 = arith.constant 3 : i32
    %swap3A_889 = arith.index_cast %swap3A_888 : i32 to index
    %swap3A_890 = arith.constant 96 : index
    %swap3A_891 = tpu.vector_load %arg7[%swap3A_889, %swap3A_890] {strides = array<i32>} : memref<4x256xi32, #tpu.memory_space<vmem>>, vector<1x16xi32>,
    %swap3A_892 = vector.shape_cast %swap3A_891 : vector<1x16xi32> to vector<16xi32>
    %swap3A_893 = vector.shape_cast %add3A_887 : vector<16xi32> to vector<1x16xi32>
    tpu.vector_store %arg7[%swap3A_889, %swap3A_890], %swap3A_893 {strides = array<i32>} : memref<4x256xi32, #tpu.memory_space<vmem>>, vector<1x16xi32>,
    %add3A_894 = arith.constant 6 : i32
    %add3A_895 = arith.addi %mul3A_883, %add3A_894 : i32
    %add3A_896 = arith.constant 1 : i32
    %add3A_897 = arith.addi %add3A_895, %add3A_896 : i32
    %add3A_898 = vector.broadcast %add3A_897 : i32 to vector<16xi32>
    %add3A_899 = arith.addi %mul3A_5, %add3A_898 : vector<16xi32>
    %swap3A_900 = arith.constant 3 : i32
    %swap3A_901 = arith.index_cast %swap3A_900 : i32 to index
    %swap3A_902 = arith.constant 224 : index
    %swap3A_903 = tpu.vector_load %arg7[%swap3A_901, %swap3A_902] {strides = array<i32>} : memref<4x256xi32, #tpu.memory_space<vmem>>, vector<1x16xi32>,
    %swap3A_904 = vector.shape_cast %swap3A_903 : vector<1x16xi32> to vector<16xi32>
    %swap3A_905 = vector.shape_cast %add3A_899 : vector<16xi32> to vector<1x16xi32>
    tpu.vector_store %arg7[%swap3A_901, %swap3A_902], %swap3A_905 {strides = array<i32>} : memref<4x256xi32, #tpu.memory_space<vmem>>, vector<1x16xi32>,
    %add3A_906 = arith.constant 112 : i32
    %add3A_907 = arith.addi %mul3A_2, %add3A_906 : i32
    %mul3A_908 = arith.constant 200 : i32
    %mul3A_909 = arith.muli %add3A_907, %mul3A_908 : i32
    %add3A_910 = arith.constant 6 : i32
    %add3A_911 = arith.addi %mul3A_909, %add3A_910 : i32
    %add3A_912 = vector.broadcast %add3A_911 : i32 to vector<16xi32>
    %add3A_913 = arith.addi %mul3A_5, %add3A_912 : vector<16xi32>
    %swap3A_914 = arith.constant 3 : i32
    %swap3A_915 = arith.index_cast %swap3A_914 : i32 to index
    %swap3A_916 = arith.constant 112 : index
    %swap3A_917 = tpu.vector_load %arg7[%swap3A_915, %swap3A_916] {strides = array<i32>} : memref<4x256xi32, #tpu.memory_space<vmem>>, vector<1x16xi32>,
    %swap3A_918 = vector.shape_cast %swap3A_917 : vector<1x16xi32> to vector<16xi32>
    %swap3A_919 = vector.shape_cast %add3A_913 : vector<16xi32> to vector<1x16xi32>
    tpu.vector_store %arg7[%swap3A_915, %swap3A_916], %swap3A_919 {strides = array<i32>} : memref<4x256xi32, #tpu.memory_space<vmem>>, vector<1x16xi32>,
    %add3A_920 = arith.constant 6 : i32
    %add3A_921 = arith.addi %mul3A_909, %add3A_920 : i32
    %add3A_922 = arith.constant 1 : i32
    %add3A_923 = arith.addi %add3A_921, %add3A_922 : i32
    %add3A_924 = vector.broadcast %add3A_923 : i32 to vector<16xi32>
    %add3A_925 = arith.addi %mul3A_5, %add3A_924 : vector<16xi32>
    %swap3A_926 = arith.constant 3 : i32
    %swap3A_927 = arith.index_cast %swap3A_926 : i32 to index
    %swap3A_928 = arith.constant 240 : index
    %swap3A_929 = tpu.vector_load %arg7[%swap3A_927, %swap3A_928] {strides = array<i32>} : memref<4x256xi32, #tpu.memory_space<vmem>>, vector<1x16xi32>,
    %swap3A_930 = vector.shape_cast %swap3A_929 : vector<1x16xi32> to vector<16xi32>
    %swap3A_931 = vector.shape_cast %add3A_925 : vector<16xi32> to vector<1x16xi32>
    tpu.vector_store %arg7[%swap3A_927, %swap3A_928], %swap3A_931 {strides = array<i32>} : memref<4x256xi32, #tpu.memory_space<vmem>>, vector<1x16xi32>,
    %scan3A = arith.constant 0 : i32
    %scan3A_932 = arith.constant 0 : i32
    %scan3A_933 = arith.constant 25 : i32
    %scan3A_934 = arith.addi %scan3A_932, %scan3A_933 : i32
    %scan3A_935 = arith.constant 1 : i32
    scf.for %scan3A_984 = %scan3A_932 to %scan3A_934 step %scan3A_935  : i32 {
      %mul3A_985 = arith.constant 4 : i32
      %mul3A_986 = arith.muli %scan3A_984, %mul3A_985 : i32
      %add3A_987 = arith.constant 0 : i32
      %add3A_988 = arith.addi %mul3A_986, %add3A_987 : i32
      %mul3A_989 = arith.constant 2 : i32
      %mul3A_990 = arith.muli %mul3A_989, %add3A_988 : i32
      %dma_wait3A_991 = arith.constant 0 : i32
      %dma_wait3A_992 = arith.constant 0 : i32
      %dma_wait3A_993 = arith.constant 0 : i32
      %dma_wait3A_994 = tpu.memref_slice %arg6[%dma_wait3A_991, %dma_wait3A_992, %dma_wait3A_993] : memref<4x256x64xf32, #tpu.memory_space<vmem>> -> memref<1x128x64xf32, #tpu.memory_space<vmem>>
      %dma_wait3A_995 = tpu.memref_squeeze %dma_wait3A_994 : memref<1x128x64xf32, #tpu.memory_space<vmem>> -> memref<128x64xf32, #tpu.memory_space<vmem>>
      %dma_wait3A_996 = arith.constant 0 : i32
      %dma_wait3A_997 = tpu.memref_slice %arg5[%mul3A_990, %dma_wait3A_996] : memref<200x128xi32, #tpu.memory_space<vmem>> -> memref<1x128xi32, #tpu.memory_space<vmem>>
      %dma_wait3A_998 = tpu.memref_squeeze %dma_wait3A_997 : memref<1x128xi32, #tpu.memory_space<vmem>> -> memref<128xi32, #tpu.memory_space<vmem>>
      %dma_wait3A_999 = arith.constant 0 : i32
      %dma_wait3A_1000 = arith.constant 0 : i32
      %dma_wait3A_1001 = tpu.memref_slice %arg3[%dma_wait3A_999, %dma_wait3A_1000] : memref<1000000x64xf32, #tpu.memory_space<hbm>> -> memref<1000000x64xf32, #tpu.memory_space<hbm>>
      tpu.wait_indirect_dma semaphore(%arg8 : memref<!tpu.dma_semaphore, #tpu.memory_space<semaphore_mem>>) src(%dma_wait3A_1001 : memref<1000000x64xf32, #tpu.memory_space<hbm>>) dst(%dma_wait3A_995 : memref<128x64xf32, #tpu.memory_space<vmem>>)
      %mul3A_1002 = arith.constant 2 : i32
      %mul3A_1003 = arith.muli %mul3A_1002, %add3A_988 : i32
      %add3A_1004 = arith.constant 1 : i32
      %add3A_1005 = arith.addi %mul3A_1003, %add3A_1004 : i32
      %dma_wait3A_1006 = arith.constant 0 : i32
      %dma_wait3A_1007 = arith.constant 128 : i32
      %dma_wait3A_1008 = arith.constant 0 : i32
      %dma_wait3A_1009 = tpu.memref_slice %arg6[%dma_wait3A_1006, %dma_wait3A_1007, %dma_wait3A_1008] : memref<4x256x64xf32, #tpu.memory_space<vmem>> -> memref<1x128x64xf32, #tpu.memory_space<vmem>>
      %dma_wait3A_1010 = tpu.memref_squeeze %dma_wait3A_1009 : memref<1x128x64xf32, #tpu.memory_space<vmem>> -> memref<128x64xf32, #tpu.memory_space<vmem>>
      %dma_wait3A_1011 = arith.constant 0 : i32
      %dma_wait3A_1012 = tpu.memref_slice %arg5[%add3A_1005, %dma_wait3A_1011] : memref<200x128xi32, #tpu.memory_space<vmem>> -> memref<1x128xi32, #tpu.memory_space<vmem>>
      %dma_wait3A_1013 = tpu.memref_squeeze %dma_wait3A_1012 : memref<1x128xi32, #tpu.memory_space<vmem>> -> memref<128xi32, #tpu.memory_space<vmem>>
      %dma_wait3A_1014 = arith.constant 0 : i32
      %dma_wait3A_1015 = arith.constant 0 : i32
      %dma_wait3A_1016 = tpu.memref_slice %arg3[%dma_wait3A_1014, %dma_wait3A_1015] : memref<1000000x64xf32, #tpu.memory_space<hbm>> -> memref<1000000x64xf32, #tpu.memory_space<hbm>>
      tpu.wait_indirect_dma semaphore(%arg8 : memref<!tpu.dma_semaphore, #tpu.memory_space<semaphore_mem>>) src(%dma_wait3A_1016 : memref<1000000x64xf32, #tpu.memory_space<hbm>>) dst(%dma_wait3A_1010 : memref<128x64xf32, #tpu.memory_space<vmem>>)
      %scan3A_1017 = arith.constant 0 : i32
      %scan3A_1018 = arith.constant 0 : i32
      %scan3A_1019 = arith.constant 32 : i32
      %scan3A_1020 = arith.addi %scan3A_1018, %scan3A_1019 : i32
      %scan3A_1021 = arith.constant 1 : i32
      scf.for %scan3A_1210 = %scan3A_1018 to %scan3A_1020 step %scan3A_1021  : i32 {
        %mul3A_1211 = arith.constant 8 : i32
        %mul3A_1212 = arith.muli %scan3A_1210, %mul3A_1211 : i32
        %add3A_1213 = arith.constant 0 : i32
        %add3A_1214 = arith.addi %mul3A_1212, %add3A_1213 : i32
        %get3A = arith.constant 0 : i32
        %get3A_1215 = arith.index_cast %get3A : i32 to index
        %get3A_1216 = arith.index_cast %add3A_1214 : i32 to index
        %get3A_1217 = arith.constant 0 : index
        %get3A_1218 = tpu.vector_load %arg6[%get3A_1215, %get3A_1216, %get3A_1217] {strides = array<i32>} : memref<4x256x64xf32, #tpu.memory_space<vmem>>, vector<1x1x16xf32>,
        %get3A_1219 = vector.shape_cast %get3A_1218 : vector<1x1x16xf32> to vector<16xf32>
        %mul3A_1220 = arith.constant 8.000000e+00 : f32
        %mul3A_1221 = vector.broadcast %mul3A_1220 : f32 to vector<16xf32>
        %mul3A_1222 = arith.mulf %get3A_1219, %mul3A_1221 : vector<16xf32>
        %add3A_1223 = arith.constant 0 : i32
        %add3A_1224 = arith.addi %mul3A_1212, %add3A_1223 : i32
        %swap3A_1225 = arith.constant 0 : i32
        %swap3A_1226 = arith.index_cast %swap3A_1225 : i32 to index
        %swap3A_1227 = arith.index_cast %add3A_1224 : i32 to index
        %swap3A_1228 = arith.constant 0 : index
        %swap3A_1229 = tpu.vector_load %arg6[%swap3A_1226, %swap3A_1227, %swap3A_1228] {strides = array<i32>} : memref<4x256x64xf32, #tpu.memory_space<vmem>>, vector<1x1x16xf32>,
        %swap3A_1230 = vector.shape_cast %swap3A_1229 : vector<1x1x16xf32> to vector<16xf32>
        %swap3A_1231 = vector.shape_cast %mul3A_1222 : vector<16xf32> to vector<1x1x16xf32>
        tpu.vector_store %arg6[%swap3A_1226, %swap3A_1227, %swap3A_1228], %swap3A_1231 {strides = array<i32>} : memref<4x256x64xf32, #tpu.memory_space<vmem>>, vector<1x1x16xf32>,
        %add3A_1232 = arith.constant 0 : i32
        %add3A_1233 = arith.addi %mul3A_1212, %add3A_1232 : i32
        %get3A_1234 = arith.constant 0 : i32
        %get3A_1235 = arith.index_cast %get3A_1234 : i32 to index
        %get3A_1236 = arith.index_cast %add3A_1233 : i32 to index
        %get3A_1237 = arith.constant 16 : index
        %get3A_1238 = tpu.vector_load %arg6[%get3A_1235, %get3A_1236, %get3A_1237] {strides = array<i32>} : memref<4x256x64xf32, #tpu.memory_space<vmem>>, vector<1x1x16xf32>,
        %get3A_1239 = vector.shape_cast %get3A_1238 : vector<1x1x16xf32> to vector<16xf32>
        %mul3A_1240 = arith.constant 8.000000e+00 : f32
        %mul3A_1241 = vector.broadcast %mul3A_1240 : f32 to vector<16xf32>
        %mul3A_1242 = arith.mulf %get3A_1239, %mul3A_1241 : vector<16xf32>
        %add3A_1243 = arith.constant 0 : i32
        %add3A_1244 = arith.addi %mul3A_1212, %add3A_1243 : i32
        %swap3A_1245 = arith.constant 0 : i32
        %swap3A_1246 = arith.index_cast %swap3A_1245 : i32 to index
        %swap3A_1247 = arith.index_cast %add3A_1244 : i32 to index
        %swap3A_1248 = arith.constant 16 : index
        %swap3A_1249 = tpu.vector_load %arg6[%swap3A_1246, %swap3A_1247, %swap3A_1248] {strides = array<i32>} : memref<4x256x64xf32, #tpu.memory_space<vmem>>, vector<1x1x16xf32>,
        %swap3A_1250 = vector.shape_cast %swap3A_1249 : vector<1x1x16xf32> to vector<16xf32>
        %swap3A_1251 = vector.shape_cast %mul3A_1242 : vector<16xf32> to vector<1x1x16xf32>
        tpu.vector_store %arg6[%swap3A_1246, %swap3A_1247, %swap3A_1248], %swap3A_1251 {strides = array<i32>} : memref<4x256x64xf32, #tpu.memory_space<vmem>>, vector<1x1x16xf32>,
        %add3A_1252 = arith.constant 0 : i32
        %add3A_1253 = arith.addi %mul3A_1212, %add3A_1252 : i32
        %get3A_1254 = arith.constant 0 : i32
        %get3A_1255 = arith.index_cast %get3A_1254 : i32 to index
        %get3A_1256 = arith.index_cast %add3A_1253 : i32 to index
        %get3A_1257 = arith.constant 32 : index
        %get3A_1258 = tpu.vector_load %arg6[%get3A_1255, %get3A_1256, %get3A_1257] {strides = array<i32>} : memref<4x256x64xf32, #tpu.memory_space<vmem>>, vector<1x1x16xf32>,
        %get3A_1259 = vector.shape_cast %get3A_1258 : vector<1x1x16xf32> to vector<16xf32>
        %mul3A_1260 = arith.constant 8.000000e+00 : f32
        %mul3A_1261 = vector.broadcast %mul3A_1260 : f32 to vector<16xf32>
        %mul3A_1262 = arith.mulf %get3A_1259, %mul3A_1261 : vector<16xf32>
        %add3A_1263 = arith.constant 0 : i32
        %add3A_1264 = arith.addi %mul3A_1212, %add3A_1263 : i32
        %swap3A_1265 = arith.constant 0 : i32
        %swap3A_1266 = arith.index_cast %swap3A_1265 : i32 to index
        %swap3A_1267 = arith.index_cast %add3A_1264 : i32 to index
        %swap3A_1268 = arith.constant 32 : index
        %swap3A_1269 = tpu.vector_load %arg6[%swap3A_1266, %swap3A_1267, %swap3A_1268] {strides = array<i32>} : memref<4x256x64xf32, #tpu.memory_space<vmem>>, vector<1x1x16xf32>,
        %swap3A_1270 = vector.shape_cast %swap3A_1269 : vector<1x1x16xf32> to vector<16xf32>
        %swap3A_1271 = vector.shape_cast %mul3A_1262 : vector<16xf32> to vector<1x1x16xf32>
        tpu.vector_store %arg6[%swap3A_1266, %swap3A_1267, %swap3A_1268], %swap3A_1271 {strides = array<i32>} : memref<4x256x64xf32, #tpu.memory_space<vmem>>, vector<1x1x16xf32>,
        %add3A_1272 = arith.constant 0 : i32
        %add3A_1273 = arith.addi %mul3A_1212, %add3A_1272 : i32
        %get3A_1274 = arith.constant 0 : i32
        %get3A_1275 = arith.index_cast %get3A_1274 : i32 to index
        %get3A_1276 = arith.index_cast %add3A_1273 : i32 to index
        %get3A_1277 = arith.constant 48 : index
        %get3A_1278 = tpu.vector_load %arg6[%get3A_1275, %get3A_1276, %get3A_1277] {strides = array<i32>} : memref<4x256x64xf32, #tpu.memory_space<vmem>>, vector<1x1x16xf32>,
        %get3A_1279 = vector.shape_cast %get3A_1278 : vector<1x1x16xf32> to vector<16xf32>
        %mul3A_1280 = arith.constant 8.000000e+00 : f32
        %mul3A_1281 = vector.broadcast %mul3A_1280 : f32 to vector<16xf32>
        %mul3A_1282 = arith.mulf %get3A_1279, %mul3A_1281 : vector<16xf32>
        %add3A_1283 = arith.constant 0 : i32
        %add3A_1284 = arith.addi %mul3A_1212, %add3A_1283 : i32
        %swap3A_1285 = arith.constant 0 : i32
        %swap3A_1286 = arith.index_cast %swap3A_1285 : i32 to index
        %swap3A_1287 = arith.index_cast %add3A_1284 : i32 to index
        %swap3A_1288 = arith.constant 48 : index
        %swap3A_1289 = tpu.vector_load %arg6[%swap3A_1286, %swap3A_1287, %swap3A_1288] {strides = array<i32>} : memref<4x256x64xf32, #tpu.memory_space<vmem>>, vector<1x1x16xf32>,
        %swap3A_1290 = vector.shape_cast %swap3A_1289 : vector<1x1x16xf32> to vector<16xf32>
        %swap3A_1291 = vector.shape_cast %mul3A_1282 : vector<16xf32> to vector<1x1x16xf32>
        tpu.vector_store %arg6[%swap3A_1286, %swap3A_1287, %swap3A_1288], %swap3A_1291 {strides = array<i32>} : memref<4x256x64xf32, #tpu.memory_space<vmem>>, vector<1x1x16xf32>,
        %add3A_1292 = arith.constant 1 : i32
        %add3A_1293 = arith.addi %mul3A_1212, %add3A_1292 : i32
        %get3A_1294 = arith.constant 0 : i32
        %get3A_1295 = arith.index_cast %get3A_1294 : i32 to index
        %get3A_1296 = arith.index_cast %add3A_1293 : i32 to index
        %get3A_1297 = arith.constant 0 : index
        %get3A_1298 = tpu.vector_load %arg6[%get3A_1295, %get3A_1296, %get3A_1297] {strides = array<i32>} : memref<4x256x64xf32, #tpu.memory_space<vmem>>, vector<1x1x16xf32>,
        %get3A_1299 = vector.shape_cast %get3A_1298 : vector<1x1x16xf32> to vector<16xf32>
        %mul3A_1300 = arith.constant 8.000000e+00 : f32
        %mul3A_1301 = vector.broadcast %mul3A_1300 : f32 to vector<16xf32>
        %mul3A_1302 = arith.mulf %get3A_1299, %mul3A_1301 : vector<16xf32>
        %add3A_1303 = arith.constant 1 : i32
        %add3A_1304 = arith.addi %mul3A_1212, %add3A_1303 : i32
        %swap3A_1305 = arith.constant 0 : i32
        %swap3A_1306 = arith.index_cast %swap3A_1305 : i32 to index
        %swap3A_1307 = arith.index_cast %add3A_1304 : i32 to index
        %swap3A_1308 = arith.constant 0 : index
        %swap3A_1309 = tpu.vector_load %arg6[%swap3A_1306, %swap3A_1307, %swap3A_1308] {strides = array<i32>} : memref<4x256x64xf32, #tpu.memory_space<vmem>>, vector<1x1x16xf32>,
        %swap3A_1310 = vector.shape_cast %swap3A_1309 : vector<1x1x16xf32> to vector<16xf32>
        %swap3A_1311 = vector.shape_cast %mul3A_1302 : vector<16xf32> to vector<1x1x16xf32>
        tpu.vector_store %arg6[%swap3A_1306, %swap3A_1307, %swap3A_1308], %swap3A_1311 {strides = array<i32>} : memref<4x256x64xf32, #tpu.memory_space<vmem>>, vector<1x1x16xf32>,
        %add3A_1312 = arith.constant 1 : i32
        %add3A_1313 = arith.addi %mul3A_1212, %add3A_1312 : i32
        %get3A_1314 = arith.constant 0 : i32
        %get3A_1315 = arith.index_cast %get3A_1314 : i32 to index
        %get3A_1316 = arith.index_cast %add3A_1313 : i32 to index
        %get3A_1317 = arith.constant 16 : index
        %get3A_1318 = tpu.vector_load %arg6[%get3A_1315, %get3A_1316, %get3A_1317] {strides = array<i32>} : memref<4x256x64xf32, #tpu.memory_space<vmem>>, vector<1x1x16xf32>,
        %get3A_1319 = vector.shape_cast %get3A_1318 : vector<1x1x16xf32> to vector<16xf32>
        %mul3A_1320 = arith.constant 8.000000e+00 : f32
        %mul3A_1321 = vector.broadcast %mul3A_1320 : f32 to vector<16xf32>
        %mul3A_1322 = arith.mulf %get3A_1319, %mul3A_1321 : vector<16xf32>
        %add3A_1323 = arith.constant 1 : i32
        %add3A_1324 = arith.addi %mul3A_1212, %add3A_1323 : i32
        %swap3A_1325 = arith.constant 0 : i32
        %swap3A_1326 = arith.index_cast %swap3A_1325 : i32 to index
        %swap3A_1327 = arith.index_cast %add3A_1324 : i32 to index
        %swap3A_1328 = arith.constant 16 : index
        %swap3A_1329 = tpu.vector_load %arg6[%swap3A_1326, %swap3A_1327, %swap3A_1328] {strides = array<i32>} : memref<4x256x64xf32, #tpu.memory_space<vmem>>, vector<1x1x16xf32>,
        %swap3A_1330 = vector.shape_cast %swap3A_1329 : vector<1x1x16xf32> to vector<16xf32>
        %swap3A_1331 = vector.shape_cast %mul3A_1322 : vector<16xf32> to vector<1x1x16xf32>
        tpu.vector_store %arg6[%swap3A_1326, %swap3A_1327, %swap3A_1328], %swap3A_1331 {strides = array<i32>} : memref<4x256x64xf32, #tpu.memory_space<vmem>>, vector<1x1x16xf32>,
        %add3A_1332 = arith.constant 1 : i32
        %add3A_1333 = arith.addi %mul3A_1212, %add3A_1332 : i32
        %get3A_1334 = arith.constant 0 : i32
        %get3A_1335 = arith.index_cast %get3A_1334 : i32 to index
        %get3A_1336 = arith.index_cast %add3A_1333 : i32 to index
        %get3A_1337 = arith.constant 32 : index
        %get3A_1338 = tpu.vector_load %arg6[%get3A_1335, %get3A_1336, %get3A_1337] {strides = array<i32>} : memref<4x256x64xf32, #tpu.memory_space<vmem>>, vector<1x1x16xf32>,
        %get3A_1339 = vector.shape_cast %get3A_1338 : vector<1x1x16xf32> to vector<16xf32>
        %mul3A_1340 = arith.constant 8.000000e+00 : f32
        %mul3A_1341 = vector.broadcast %mul3A_1340 : f32 to vector<16xf32>
        %mul3A_1342 = arith.mulf %get3A_1339, %mul3A_1341 : vector<16xf32>
        %add3A_1343 = arith.constant 1 : i32
        %add3A_1344 = arith.addi %mul3A_1212, %add3A_1343 : i32
        %swap3A_1345 = arith.constant 0 : i32
        %swap3A_1346 = arith.index_cast %swap3A_1345 : i32 to index
        %swap3A_1347 = arith.index_cast %add3A_1344 : i32 to index
        %swap3A_1348 = arith.constant 32 : index
        %swap3A_1349 = tpu.vector_load %arg6[%swap3A_1346, %swap3A_1347, %swap3A_1348] {strides = array<i32>} : memref<4x256x64xf32, #tpu.memory_space<vmem>>, vector<1x1x16xf32>,
        %swap3A_1350 = vector.shape_cast %swap3A_1349 : vector<1x1x16xf32> to vector<16xf32>
        %swap3A_1351 = vector.shape_cast %mul3A_1342 : vector<16xf32> to vector<1x1x16xf32>
        tpu.vector_store %arg6[%swap3A_1346, %swap3A_1347, %swap3A_1348], %swap3A_1351 {strides = array<i32>} : memref<4x256x64xf32, #tpu.memory_space<vmem>>, vector<1x1x16xf32>,
        %add3A_1352 = arith.constant 1 : i32
        %add3A_1353 = arith.addi %mul3A_1212, %add3A_1352 : i32
        %get3A_1354 = arith.constant 0 : i32
        %get3A_1355 = arith.index_cast %get3A_1354 : i32 to index
        %get3A_1356 = arith.index_cast %add3A_1353 : i32 to index
        %get3A_1357 = arith.constant 48 : index
        %get3A_1358 = tpu.vector_load %arg6[%get3A_1355, %get3A_1356, %get3A_1357] {strides = array<i32>} : memref<4x256x64xf32, #tpu.memory_space<vmem>>, vector<1x1x16xf32>,
        %get3A_1359 = vector.shape_cast %get3A_1358 : vector<1x1x16xf32> to vector<16xf32>
        %mul3A_1360 = arith.constant 8.000000e+00 : f32
        %mul3A_1361 = vector.broadcast %mul3A_1360 : f32 to vector<16xf32>
        %mul3A_1362 = arith.mulf %get3A_1359, %mul3A_1361 : vector<16xf32>
        %add3A_1363 = arith.constant 1 : i32
        %add3A_1364 = arith.addi %mul3A_1212, %add3A_1363 : i32
        %swap3A_1365 = arith.constant 0 : i32
        %swap3A_1366 = arith.index_cast %swap3A_1365 : i32 to index
        %swap3A_1367 = arith.index_cast %add3A_1364 : i32 to index
        %swap3A_1368 = arith.constant 48 : index
        %swap3A_1369 = tpu.vector_load %arg6[%swap3A_1366, %swap3A_1367, %swap3A_1368] {strides = array<i32>} : memref<4x256x64xf32, #tpu.memory_space<vmem>>, vector<1x1x16xf32>,
        %swap3A_1370 = vector.shape_cast %swap3A_1369 : vector<1x1x16xf32> to vector<16xf32>
        %swap3A_1371 = vector.shape_cast %mul3A_1362 : vector<16xf32> to vector<1x1x16xf32>
        tpu.vector_store %arg6[%swap3A_1366, %swap3A_1367, %swap3A_1368], %swap3A_1371 {strides = array<i32>} : memref<4x256x64xf32, #tpu.memory_space<vmem>>, vector<1x1x16xf32>,
        %add3A_1372 = arith.constant 2 : i32
        %add3A_1373 = arith.addi %mul3A_1212, %add3A_1372 : i32
        %get3A_1374 = arith.constant 0 : i32
        %get3A_1375 = arith.index_cast %get3A_1374 : i32 to index
        %get3A_1376 = arith.index_cast %add3A_1373 : i32 to index
        %get3A_1377 = arith.constant 0 : index
        %get3A_1378 = tpu.vector_load %arg6[%get3A_1375, %get3A_1376, %get3A_1377] {strides = array<i32>} : memref<4x256x64xf32, #tpu.memory_space<vmem>>, vector<1x1x16xf32>,
        %get3A_1379 = vector.shape_cast %get3A_1378 : vector<1x1x16xf32> to vector<16xf32>
        %mul3A_1380 = arith.constant 8.000000e+00 : f32
        %mul3A_1381 = vector.broadcast %mul3A_1380 : f32 to vector<16xf32>
        %mul3A_1382 = arith.mulf %get3A_1379, %mul3A_1381 : vector<16xf32>
        %add3A_1383 = arith.constant 2 : i32
        %add3A_1384 = arith.addi %mul3A_1212, %add3A_1383 : i32
        %swap3A_1385 = arith.constant 0 : i32
        %swap3A_1386 = arith.index_cast %swap3A_1385 : i32 to index
        %swap3A_1387 = arith.index_cast %add3A_1384 : i32 to index
        %swap3A_1388 = arith.constant 0 : index
        %swap3A_1389 = tpu.vector_load %arg6[%swap3A_1386, %swap3A_1387, %swap3A_1388] {strides = array<i32>} : memref<4x256x64xf32, #tpu.memory_space<vmem>>, vector<1x1x16xf32>,
        %swap3A_1390 = vector.shape_cast %swap3A_1389 : vector<1x1x16xf32> to vector<16xf32>
        %swap3A_1391 = vector.shape_cast %mul3A_1382 : vector<16xf32> to vector<1x1x16xf32>
        tpu.vector_store %arg6[%swap3A_1386, %swap3A_1387, %swap3A_1388], %swap3A_1391 {strides = array<i32>} : memref<4x256x64xf32, #tpu.memory_space<vmem>>, vector<1x1x16xf32>,
        %add3A_1392 = arith.constant 2 : i32
        %add3A_1393 = arith.addi %mul3A_1212, %add3A_1392 : i32
        %get3A_1394 = arith.constant 0 : i32
        %get3A_1395 = arith.index_cast %get3A_1394 : i32 to index
        %get3A_1396 = arith.index_cast %add3A_1393 : i32 to index
        %get3A_1397 = arith.constant 16 : index
        %get3A_1398 = tpu.vector_load %arg6[%get3A_1395, %get3A_1396, %get3A_1397] {strides = array<i32>} : memref<4x256x64xf32, #tpu.memory_space<vmem>>, vector<1x1x16xf32>,
        %get3A_1399 = vector.shape_cast %get3A_1398 : vector<1x1x16xf32> to vector<16xf32>
        %mul3A_1400 = arith.constant 8.000000e+00 : f32
        %mul3A_1401 = vector.broadcast %mul3A_1400 : f32 to vector<16xf32>
        %mul3A_1402 = arith.mulf %get3A_1399, %mul3A_1401 : vector<16xf32>
        %add3A_1403 = arith.constant 2 : i32
        %add3A_1404 = arith.addi %mul3A_1212, %add3A_1403 : i32
        %swap3A_1405 = arith.constant 0 : i32
        %swap3A_1406 = arith.index_cast %swap3A_1405 : i32 to index
        %swap3A_1407 = arith.index_cast %add3A_1404 : i32 to index
        %swap3A_1408 = arith.constant 16 : index
        %swap3A_1409 = tpu.vector_load %arg6[%swap3A_1406, %swap3A_1407, %swap3A_1408] {strides = array<i32>} : memref<4x256x64xf32, #tpu.memory_space<vmem>>, vector<1x1x16xf32>,
        %swap3A_1410 = vector.shape_cast %swap3A_1409 : vector<1x1x16xf32> to vector<16xf32>
        %swap3A_1411 = vector.shape_cast %mul3A_1402 : vector<16xf32> to vector<1x1x16xf32>
        tpu.vector_store %arg6[%swap3A_1406, %swap3A_1407, %swap3A_1408], %swap3A_1411 {strides = array<i32>} : memref<4x256x64xf32, #tpu.memory_space<vmem>>, vector<1x1x16xf32>,
        %add3A_1412 = arith.constant 2 : i32
        %add3A_1413 = arith.addi %mul3A_1212, %add3A_1412 : i32
        %get3A_1414 = arith.constant 0 : i32
        %get3A_1415 = arith.index_cast %get3A_1414 : i32 to index
        %get3A_1416 = arith.index_cast %add3A_1413 : i32 to index
        %get3A_1417 = arith.constant 32 : index
        %get3A_1418 = tpu.vector_load %arg6[%get3A_1415, %get3A_1416, %get3A_1417] {strides = array<i32>} : memref<4x256x64xf32, #tpu.memory_space<vmem>>, vector<1x1x16xf32>,
        %get3A_1419 = vector.shape_cast %get3A_1418 : vector<1x1x16xf32> to vector<16xf32>
        %mul3A_1420 = arith.constant 8.000000e+00 : f32
        %mul3A_1421 = vector.broadcast %mul3A_1420 : f32 to vector<16xf32>
        %mul3A_1422 = arith.mulf %get3A_1419, %mul3A_1421 : vector<16xf32>
        %add3A_1423 = arith.constant 2 : i32
        %add3A_1424 = arith.addi %mul3A_1212, %add3A_1423 : i32
        %swap3A_1425 = arith.constant 0 : i32
        %swap3A_1426 = arith.index_cast %swap3A_1425 : i32 to index
        %swap3A_1427 = arith.index_cast %add3A_1424 : i32 to index
        %swap3A_1428 = arith.constant 32 : index
        %swap3A_1429 = tpu.vector_load %arg6[%swap3A_1426, %swap3A_1427, %swap3A_1428] {strides = array<i32>} : memref<4x256x64xf32, #tpu.memory_space<vmem>>, vector<1x1x16xf32>,
        %swap3A_1430 = vector.shape_cast %swap3A_1429 : vector<1x1x16xf32> to vector<16xf32>
        %swap3A_1431 = vector.shape_cast %mul3A_1422 : vector<16xf32> to vector<1x1x16xf32>
        tpu.vector_store %arg6[%swap3A_1426, %swap3A_1427, %swap3A_1428], %swap3A_1431 {strides = array<i32>} : memref<4x256x64xf32, #tpu.memory_space<vmem>>, vector<1x1x16xf32>,
        %add3A_1432 = arith.constant 2 : i32
        %add3A_1433 = arith.addi %mul3A_1212, %add3A_1432 : i32
        %get3A_1434 = arith.constant 0 : i32
        %get3A_1435 = arith.index_cast %get3A_1434 : i32 to index
        %get3A_1436 = arith.index_cast %add3A_1433 : i32 to index
        %get3A_1437 = arith.constant 48 : index
        %get3A_1438 = tpu.vector_load %arg6[%get3A_1435, %get3A_1436, %get3A_1437] {strides = array<i32>} : memref<4x256x64xf32, #tpu.memory_space<vmem>>, vector<1x1x16xf32>,
        %get3A_1439 = vector.shape_cast %get3A_1438 : vector<1x1x16xf32> to vector<16xf32>
        %mul3A_1440 = arith.constant 8.000000e+00 : f32
        %mul3A_1441 = vector.broadcast %mul3A_1440 : f32 to vector<16xf32>
        %mul3A_1442 = arith.mulf %get3A_1439, %mul3A_1441 : vector<16xf32>
        %add3A_1443 = arith.constant 2 : i32
        %add3A_1444 = arith.addi %mul3A_1212, %add3A_1443 : i32
        %swap3A_1445 = arith.constant 0 : i32
        %swap3A_1446 = arith.index_cast %swap3A_1445 : i32 to index
        %swap3A_1447 = arith.index_cast %add3A_1444 : i32 to index
        %swap3A_1448 = arith.constant 48 : index
        %swap3A_1449 = tpu.vector_load %arg6[%swap3A_1446, %swap3A_1447, %swap3A_1448] {strides = array<i32>} : memref<4x256x64xf32, #tpu.memory_space<vmem>>, vector<1x1x16xf32>,
        %swap3A_1450 = vector.shape_cast %swap3A_1449 : vector<1x1x16xf32> to vector<16xf32>
        %swap3A_1451 = vector.shape_cast %mul3A_1442 : vector<16xf32> to vector<1x1x16xf32>
        tpu.vector_store %arg6[%swap3A_1446, %swap3A_1447, %swap3A_1448], %swap3A_1451 {strides = array<i32>} : memref<4x256x64xf32, #tpu.memory_space<vmem>>, vector<1x1x16xf32>,
        %add3A_1452 = arith.constant 3 : i32
        %add3A_1453 = arith.addi %mul3A_1212, %add3A_1452 : i32
        %get3A_1454 = arith.constant 0 : i32
        %get3A_1455 = arith.index_cast %get3A_1454 : i32 to index
        %get3A_1456 = arith.index_cast %add3A_1453 : i32 to index
        %get3A_1457 = arith.constant 0 : index
        %get3A_1458 = tpu.vector_load %arg6[%get3A_1455, %get3A_1456, %get3A_1457] {strides = array<i32>} : memref<4x256x64xf32, #tpu.memory_space<vmem>>, vector<1x1x16xf32>,
        %get3A_1459 = vector.shape_cast %get3A_1458 : vector<1x1x16xf32> to vector<16xf32>
        %mul3A_1460 = arith.constant 8.000000e+00 : f32
        %mul3A_1461 = vector.broadcast %mul3A_1460 : f32 to vector<16xf32>
        %mul3A_1462 = arith.mulf %get3A_1459, %mul3A_1461 : vector<16xf32>
        %add3A_1463 = arith.constant 3 : i32
        %add3A_1464 = arith.addi %mul3A_1212, %add3A_1463 : i32
        %swap3A_1465 = arith.constant 0 : i32
        %swap3A_1466 = arith.index_cast %swap3A_1465 : i32 to index
        %swap3A_1467 = arith.index_cast %add3A_1464 : i32 to index
        %swap3A_1468 = arith.constant 0 : index
        %swap3A_1469 = tpu.vector_load %arg6[%swap3A_1466, %swap3A_1467, %swap3A_1468] {strides = array<i32>} : memref<4x256x64xf32, #tpu.memory_space<vmem>>, vector<1x1x16xf32>,
        %swap3A_1470 = vector.shape_cast %swap3A_1469 : vector<1x1x16xf32> to vector<16xf32>
        %swap3A_1471 = vector.shape_cast %mul3A_1462 : vector<16xf32> to vector<1x1x16xf32>
        tpu.vector_store %arg6[%swap3A_1466, %swap3A_1467, %swap3A_1468], %swap3A_1471 {strides = array<i32>} : memref<4x256x64xf32, #tpu.memory_space<vmem>>, vector<1x1x16xf32>,
        %add3A_1472 = arith.constant 3 : i32
        %add3A_1473 = arith.addi %mul3A_1212, %add3A_1472 : i32
        %get3A_1474 = arith.constant 0 : i32
        %get3A_1475 = arith.index_cast %get3A_1474 : i32 to index
        %get3A_1476 = arith.index_cast %add3A_1473 : i32 to index
        %get3A_1477 = arith.constant 16 : index
        %get3A_1478 = tpu.vector_load %arg6[%get3A_1475, %get3A_1476, %get3A_1477] {strides = array<i32>} : memref<4x256x64xf32, #tpu.memory_space<vmem>>, vector<1x1x16xf32>,
        %get3A_1479 = vector.shape_cast %get3A_1478 : vector<1x1x16xf32> to vector<16xf32>
        %mul3A_1480 = arith.constant 8.000000e+00 : f32
        %mul3A_1481 = vector.broadcast %mul3A_1480 : f32 to vector<16xf32>
        %mul3A_1482 = arith.mulf %get3A_1479, %mul3A_1481 : vector<16xf32>
        %add3A_1483 = arith.constant 3 : i32
        %add3A_1484 = arith.addi %mul3A_1212, %add3A_1483 : i32
        %swap3A_1485 = arith.constant 0 : i32
        %swap3A_1486 = arith.index_cast %swap3A_1485 : i32 to index
        %swap3A_1487 = arith.index_cast %add3A_1484 : i32 to index
        %swap3A_1488 = arith.constant 16 : index
        %swap3A_1489 = tpu.vector_load %arg6[%swap3A_1486, %swap3A_1487, %swap3A_1488] {strides = array<i32>} : memref<4x256x64xf32, #tpu.memory_space<vmem>>, vector<1x1x16xf32>,
        %swap3A_1490 = vector.shape_cast %swap3A_1489 : vector<1x1x16xf32> to vector<16xf32>
        %swap3A_1491 = vector.shape_cast %mul3A_1482 : vector<16xf32> to vector<1x1x16xf32>
        tpu.vector_store %arg6[%swap3A_1486, %swap3A_1487, %swap3A_1488], %swap3A_1491 {strides = array<i32>} : memref<4x256x64xf32, #tpu.memory_space<vmem>>, vector<1x1x16xf32>,
        %add3A_1492 = arith.constant 3 : i32
        %add3A_1493 = arith.addi %mul3A_1212, %add3A_1492 : i32
        %get3A_1494 = arith.constant 0 : i32
        %get3A_1495 = arith.index_cast %get3A_1494 : i32 to index
        %get3A_1496 = arith.index_cast %add3A_1493 : i32 to index
        %get3A_1497 = arith.constant 32 : index
        %get3A_1498 = tpu.vector_load %arg6[%get3A_1495, %get3A_1496, %get3A_1497] {strides = array<i32>} : memref<4x256x64xf32, #tpu.memory_space<vmem>>, vector<1x1x16xf32>,
        %get3A_1499 = vector.shape_cast %get3A_1498 : vector<1x1x16xf32> to vector<16xf32>
        %mul3A_1500 = arith.constant 8.000000e+00 : f32
        %mul3A_1501 = vector.broadcast %mul3A_1500 : f32 to vector<16xf32>
        %mul3A_1502 = arith.mulf %get3A_1499, %mul3A_1501 : vector<16xf32>
        %add3A_1503 = arith.constant 3 : i32
        %add3A_1504 = arith.addi %mul3A_1212, %add3A_1503 : i32
        %swap3A_1505 = arith.constant 0 : i32
        %swap3A_1506 = arith.index_cast %swap3A_1505 : i32 to index
        %swap3A_1507 = arith.index_cast %add3A_1504 : i32 to index
        %swap3A_1508 = arith.constant 32 : index
        %swap3A_1509 = tpu.vector_load %arg6[%swap3A_1506, %swap3A_1507, %swap3A_1508] {strides = array<i32>} : memref<4x256x64xf32, #tpu.memory_space<vmem>>, vector<1x1x16xf32>,
        %swap3A_1510 = vector.shape_cast %swap3A_1509 : vector<1x1x16xf32> to vector<16xf32>
        %swap3A_1511 = vector.shape_cast %mul3A_1502 : vector<16xf32> to vector<1x1x16xf32>
        tpu.vector_store %arg6[%swap3A_1506, %swap3A_1507, %swap3A_1508], %swap3A_1511 {strides = array<i32>} : memref<4x256x64xf32, #tpu.memory_space<vmem>>, vector<1x1x16xf32>,
        %add3A_1512 = arith.constant 3 : i32
        %add3A_1513 = arith.addi %mul3A_1212, %add3A_1512 : i32
        %get3A_1514 = arith.constant 0 : i32
        %get3A_1515 = arith.index_cast %get3A_1514 : i32 to index
        %get3A_1516 = arith.index_cast %add3A_1513 : i32 to index
        %get3A_1517 = arith.constant 48 : index
        %get3A_1518 = tpu.vector_load %arg6[%get3A_1515, %get3A_1516, %get3A_1517] {strides = array<i32>} : memref<4x256x64xf32, #tpu.memory_space<vmem>>, vector<1x1x16xf32>,
        %get3A_1519 = vector.shape_cast %get3A_1518 : vector<1x1x16xf32> to vector<16xf32>
        %mul3A_1520 = arith.constant 8.000000e+00 : f32
        %mul3A_1521 = vector.broadcast %mul3A_1520 : f32 to vector<16xf32>
        %mul3A_1522 = arith.mulf %get3A_1519, %mul3A_1521 : vector<16xf32>
        %add3A_1523 = arith.constant 3 : i32
        %add3A_1524 = arith.addi %mul3A_1212, %add3A_1523 : i32
        %swap3A_1525 = arith.constant 0 : i32
        %swap3A_1526 = arith.index_cast %swap3A_1525 : i32 to index
        %swap3A_1527 = arith.index_cast %add3A_1524 : i32 to index
        %swap3A_1528 = arith.constant 48 : index
        %swap3A_1529 = tpu.vector_load %arg6[%swap3A_1526, %swap3A_1527, %swap3A_1528] {strides = array<i32>} : memref<4x256x64xf32, #tpu.memory_space<vmem>>, vector<1x1x16xf32>,
        %swap3A_1530 = vector.shape_cast %swap3A_1529 : vector<1x1x16xf32> to vector<16xf32>
        %swap3A_1531 = vector.shape_cast %mul3A_1522 : vector<16xf32> to vector<1x1x16xf32>
        tpu.vector_store %arg6[%swap3A_1526, %swap3A_1527, %swap3A_1528], %swap3A_1531 {strides = array<i32>} : memref<4x256x64xf32, #tpu.memory_space<vmem>>, vector<1x1x16xf32>,
        %add3A_1532 = arith.constant 4 : i32
        %add3A_1533 = arith.addi %mul3A_1212, %add3A_1532 : i32
        %get3A_1534 = arith.constant 0 : i32
        %get3A_1535 = arith.index_cast %get3A_1534 : i32 to index
        %get3A_1536 = arith.index_cast %add3A_1533 : i32 to index
        %get3A_1537 = arith.constant 0 : index
        %get3A_1538 = tpu.vector_load %arg6[%get3A_1535, %get3A_1536, %get3A_1537] {strides = array<i32>} : memref<4x256x64xf32, #tpu.memory_space<vmem>>, vector<1x1x16xf32>,
        %get3A_1539 = vector.shape_cast %get3A_1538 : vector<1x1x16xf32> to vector<16xf32>
        %mul3A_1540 = arith.constant 8.000000e+00 : f32
        %mul3A_1541 = vector.broadcast %mul3A_1540 : f32 to vector<16xf32>
        %mul3A_1542 = arith.mulf %get3A_1539, %mul3A_1541 : vector<16xf32>
        %add3A_1543 = arith.constant 4 : i32
        %add3A_1544 = arith.addi %mul3A_1212, %add3A_1543 : i32
        %swap3A_1545 = arith.constant 0 : i32
        %swap3A_1546 = arith.index_cast %swap3A_1545 : i32 to index
        %swap3A_1547 = arith.index_cast %add3A_1544 : i32 to index
        %swap3A_1548 = arith.constant 0 : index
        %swap3A_1549 = tpu.vector_load %arg6[%swap3A_1546, %swap3A_1547, %swap3A_1548] {strides = array<i32>} : memref<4x256x64xf32, #tpu.memory_space<vmem>>, vector<1x1x16xf32>,
        %swap3A_1550 = vector.shape_cast %swap3A_1549 : vector<1x1x16xf32> to vector<16xf32>
        %swap3A_1551 = vector.shape_cast %mul3A_1542 : vector<16xf32> to vector<1x1x16xf32>
        tpu.vector_store %arg6[%swap3A_1546, %swap3A_1547, %swap3A_1548], %swap3A_1551 {strides = array<i32>} : memref<4x256x64xf32, #tpu.memory_space<vmem>>, vector<1x1x16xf32>,
        %add3A_1552 = arith.constant 4 : i32
        %add3A_1553 = arith.addi %mul3A_1212, %add3A_1552 : i32
        %get3A_1554 = arith.constant 0 : i32
        %get3A_1555 = arith.index_cast %get3A_1554 : i32 to index
        %get3A_1556 = arith.index_cast %add3A_1553 : i32 to index
        %get3A_1557 = arith.constant 16 : index
        %get3A_1558 = tpu.vector_load %arg6[%get3A_1555, %get3A_1556, %get3A_1557] {strides = array<i32>} : memref<4x256x64xf32, #tpu.memory_space<vmem>>, vector<1x1x16xf32>,
        %get3A_1559 = vector.shape_cast %get3A_1558 : vector<1x1x16xf32> to vector<16xf32>
        %mul3A_1560 = arith.constant 8.000000e+00 : f32
        %mul3A_1561 = vector.broadcast %mul3A_1560 : f32 to vector<16xf32>
        %mul3A_1562 = arith.mulf %get3A_1559, %mul3A_1561 : vector<16xf32>
        %add3A_1563 = arith.constant 4 : i32
        %add3A_1564 = arith.addi %mul3A_1212, %add3A_1563 : i32
        %swap3A_1565 = arith.constant 0 : i32
        %swap3A_1566 = arith.index_cast %swap3A_1565 : i32 to index
        %swap3A_1567 = arith.index_cast %add3A_1564 : i32 to index
        %swap3A_1568 = arith.constant 16 : index
        %swap3A_1569 = tpu.vector_load %arg6[%swap3A_1566, %swap3A_1567, %swap3A_1568] {strides = array<i32>} : memref<4x256x64xf32, #tpu.memory_space<vmem>>, vector<1x1x16xf32>,
        %swap3A_1570 = vector.shape_cast %swap3A_1569 : vector<1x1x16xf32> to vector<16xf32>
        %swap3A_1571 = vector.shape_cast %mul3A_1562 : vector<16xf32> to vector<1x1x16xf32>
        tpu.vector_store %arg6[%swap3A_1566, %swap3A_1567, %swap3A_1568], %swap3A_1571 {strides = array<i32>} : memref<4x256x64xf32, #tpu.memory_space<vmem>>, vector<1x1x16xf32>,
        %add3A_1572 = arith.constant 4 : i32
        %add3A_1573 = arith.addi %mul3A_1212, %add3A_1572 : i32
        %get3A_1574 = arith.constant 0 : i32
        %get3A_1575 = arith.index_cast %get3A_1574 : i32 to index
        %get3A_1576 = arith.index_cast %add3A_1573 : i32 to index
        %get3A_1577 = arith.constant 32 : index
        %get3A_1578 = tpu.vector_load %arg6[%get3A_1575, %get3A_1576, %get3A_1577] {strides = array<i32>} : memref<4x256x64xf32, #tpu.memory_space<vmem>>, vector<1x1x16xf32>,
        %get3A_1579 = vector.shape_cast %get3A_1578 : vector<1x1x16xf32> to vector<16xf32>
        %mul3A_1580 = arith.constant 8.000000e+00 : f32
        %mul3A_1581 = vector.broadcast %mul3A_1580 : f32 to vector<16xf32>
        %mul3A_1582 = arith.mulf %get3A_1579, %mul3A_1581 : vector<16xf32>
        %add3A_1583 = arith.constant 4 : i32
        %add3A_1584 = arith.addi %mul3A_1212, %add3A_1583 : i32
        %swap3A_1585 = arith.constant 0 : i32
        %swap3A_1586 = arith.index_cast %swap3A_1585 : i32 to index
        %swap3A_1587 = arith.index_cast %add3A_1584 : i32 to index
        %swap3A_1588 = arith.constant 32 : index
        %swap3A_1589 = tpu.vector_load %arg6[%swap3A_1586, %swap3A_1587, %swap3A_1588] {strides = array<i32>} : memref<4x256x64xf32, #tpu.memory_space<vmem>>, vector<1x1x16xf32>,
        %swap3A_1590 = vector.shape_cast %swap3A_1589 : vector<1x1x16xf32> to vector<16xf32>
        %swap3A_1591 = vector.shape_cast %mul3A_1582 : vector<16xf32> to vector<1x1x16xf32>
        tpu.vector_store %arg6[%swap3A_1586, %swap3A_1587, %swap3A_1588], %swap3A_1591 {strides = array<i32>} : memref<4x256x64xf32, #tpu.memory_space<vmem>>, vector<1x1x16xf32>,
        %add3A_1592 = arith.constant 4 : i32
        %add3A_1593 = arith.addi %mul3A_1212, %add3A_1592 : i32
        %get3A_1594 = arith.constant 0 : i32
        %get3A_1595 = arith.index_cast %get3A_1594 : i32 to index
        %get3A_1596 = arith.index_cast %add3A_1593 : i32 to index
        %get3A_1597 = arith.constant 48 : index
        %get3A_1598 = tpu.vector_load %arg6[%get3A_1595, %get3A_1596, %get3A_1597] {strides = array<i32>} : memref<4x256x64xf32, #tpu.memory_space<vmem>>, vector<1x1x16xf32>,
        %get3A_1599 = vector.shape_cast %get3A_1598 : vector<1x1x16xf32> to vector<16xf32>
        %mul3A_1600 = arith.constant 8.000000e+00 : f32
        %mul3A_1601 = vector.broadcast %mul3A_1600 : f32 to vector<16xf32>
        %mul3A_1602 = arith.mulf %get3A_1599, %mul3A_1601 : vector<16xf32>
        %add3A_1603 = arith.constant 4 : i32
        %add3A_1604 = arith.addi %mul3A_1212, %add3A_1603 : i32
        %swap3A_1605 = arith.constant 0 : i32
        %swap3A_1606 = arith.index_cast %swap3A_1605 : i32 to index
        %swap3A_1607 = arith.index_cast %add3A_1604 : i32 to index
        %swap3A_1608 = arith.constant 48 : index
        %swap3A_1609 = tpu.vector_load %arg6[%swap3A_1606, %swap3A_1607, %swap3A_1608] {strides = array<i32>} : memref<4x256x64xf32, #tpu.memory_space<vmem>>, vector<1x1x16xf32>,
        %swap3A_1610 = vector.shape_cast %swap3A_1609 : vector<1x1x16xf32> to vector<16xf32>
        %swap3A_1611 = vector.shape_cast %mul3A_1602 : vector<16xf32> to vector<1x1x16xf32>
        tpu.vector_store %arg6[%swap3A_1606, %swap3A_1607, %swap3A_1608], %swap3A_1611 {strides = array<i32>} : memref<4x256x64xf32, #tpu.memory_space<vmem>>, vector<1x1x16xf32>,
        %add3A_1612 = arith.constant 5 : i32
        %add3A_1613 = arith.addi %mul3A_1212, %add3A_1612 : i32
        %get3A_1614 = arith.constant 0 : i32
        %get3A_1615 = arith.index_cast %get3A_1614 : i32 to index
        %get3A_1616 = arith.index_cast %add3A_1613 : i32 to index
        %get3A_1617 = arith.constant 0 : index
        %get3A_1618 = tpu.vector_load %arg6[%get3A_1615, %get3A_1616, %get3A_1617] {strides = array<i32>} : memref<4x256x64xf32, #tpu.memory_space<vmem>>, vector<1x1x16xf32>,
        %get3A_1619 = vector.shape_cast %get3A_1618 : vector<1x1x16xf32> to vector<16xf32>
        %mul3A_1620 = arith.constant 8.000000e+00 : f32
        %mul3A_1621 = vector.broadcast %mul3A_1620 : f32 to vector<16xf32>
        %mul3A_1622 = arith.mulf %get3A_1619, %mul3A_1621 : vector<16xf32>
        %add3A_1623 = arith.constant 5 : i32
        %add3A_1624 = arith.addi %mul3A_1212, %add3A_1623 : i32
        %swap3A_1625 = arith.constant 0 : i32
        %swap3A_1626 = arith.index_cast %swap3A_1625 : i32 to index
        %swap3A_1627 = arith.index_cast %add3A_1624 : i32 to index
        %swap3A_1628 = arith.constant 0 : index
        %swap3A_1629 = tpu.vector_load %arg6[%swap3A_1626, %swap3A_1627, %swap3A_1628] {strides = array<i32>} : memref<4x256x64xf32, #tpu.memory_space<vmem>>, vector<1x1x16xf32>,
        %swap3A_1630 = vector.shape_cast %swap3A_1629 : vector<1x1x16xf32> to vector<16xf32>
        %swap3A_1631 = vector.shape_cast %mul3A_1622 : vector<16xf32> to vector<1x1x16xf32>
        tpu.vector_store %arg6[%swap3A_1626, %swap3A_1627, %swap3A_1628], %swap3A_1631 {strides = array<i32>} : memref<4x256x64xf32, #tpu.memory_space<vmem>>, vector<1x1x16xf32>,
        %add3A_1632 = arith.constant 5 : i32
        %add3A_1633 = arith.addi %mul3A_1212, %add3A_1632 : i32
        %get3A_1634 = arith.constant 0 : i32
        %get3A_1635 = arith.index_cast %get3A_1634 : i32 to index
        %get3A_1636 = arith.index_cast %add3A_1633 : i32 to index
        %get3A_1637 = arith.constant 16 : index
        %get3A_1638 = tpu.vector_load %arg6[%get3A_1635, %get3A_1636, %get3A_1637] {strides = array<i32>} : memref<4x256x64xf32, #tpu.memory_space<vmem>>, vector<1x1x16xf32>,
        %get3A_1639 = vector.shape_cast %get3A_1638 : vector<1x1x16xf32> to vector<16xf32>
        %mul3A_1640 = arith.constant 8.000000e+00 : f32
        %mul3A_1641 = vector.broadcast %mul3A_1640 : f32 to vector<16xf32>
        %mul3A_1642 = arith.mulf %get3A_1639, %mul3A_1641 : vector<16xf32>
        %add3A_1643 = arith.constant 5 : i32
        %add3A_1644 = arith.addi %mul3A_1212, %add3A_1643 : i32
        %swap3A_1645 = arith.constant 0 : i32
        %swap3A_1646 = arith.index_cast %swap3A_1645 : i32 to index
        %swap3A_1647 = arith.index_cast %add3A_1644 : i32 to index
        %swap3A_1648 = arith.constant 16 : index
        %swap3A_1649 = tpu.vector_load %arg6[%swap3A_1646, %swap3A_1647, %swap3A_1648] {strides = array<i32>} : memref<4x256x64xf32, #tpu.memory_space<vmem>>, vector<1x1x16xf32>,
        %swap3A_1650 = vector.shape_cast %swap3A_1649 : vector<1x1x16xf32> to vector<16xf32>
        %swap3A_1651 = vector.shape_cast %mul3A_1642 : vector<16xf32> to vector<1x1x16xf32>
        tpu.vector_store %arg6[%swap3A_1646, %swap3A_1647, %swap3A_1648], %swap3A_1651 {strides = array<i32>} : memref<4x256x64xf32, #tpu.memory_space<vmem>>, vector<1x1x16xf32>,
        %add3A_1652 = arith.constant 5 : i32
        %add3A_1653 = arith.addi %mul3A_1212, %add3A_1652 : i32
        %get3A_1654 = arith.constant 0 : i32
        %get3A_1655 = arith.index_cast %get3A_1654 : i32 to index
        %get3A_1656 = arith.index_cast %add3A_1653 : i32 to index
        %get3A_1657 = arith.constant 32 : index
        %get3A_1658 = tpu.vector_load %arg6[%get3A_1655, %get3A_1656, %get3A_1657] {strides = array<i32>} : memref<4x256x64xf32, #tpu.memory_space<vmem>>, vector<1x1x16xf32>,
        %get3A_1659 = vector.shape_cast %get3A_1658 : vector<1x1x16xf32> to vector<16xf32>
        %mul3A_1660 = arith.constant 8.000000e+00 : f32
        %mul3A_1661 = vector.broadcast %mul3A_1660 : f32 to vector<16xf32>
        %mul3A_1662 = arith.mulf %get3A_1659, %mul3A_1661 : vector<16xf32>
        %add3A_1663 = arith.constant 5 : i32
        %add3A_1664 = arith.addi %mul3A_1212, %add3A_1663 : i32
        %swap3A_1665 = arith.constant 0 : i32
        %swap3A_1666 = arith.index_cast %swap3A_1665 : i32 to index
        %swap3A_1667 = arith.index_cast %add3A_1664 : i32 to index
        %swap3A_1668 = arith.constant 32 : index
        %swap3A_1669 = tpu.vector_load %arg6[%swap3A_1666, %swap3A_1667, %swap3A_1668] {strides = array<i32>} : memref<4x256x64xf32, #tpu.memory_space<vmem>>, vector<1x1x16xf32>,
        %swap3A_1670 = vector.shape_cast %swap3A_1669 : vector<1x1x16xf32> to vector<16xf32>
        %swap3A_1671 = vector.shape_cast %mul3A_1662 : vector<16xf32> to vector<1x1x16xf32>
        tpu.vector_store %arg6[%swap3A_1666, %swap3A_1667, %swap3A_1668], %swap3A_1671 {strides = array<i32>} : memref<4x256x64xf32, #tpu.memory_space<vmem>>, vector<1x1x16xf32>,
        %add3A_1672 = arith.constant 5 : i32
        %add3A_1673 = arith.addi %mul3A_1212, %add3A_1672 : i32
        %get3A_1674 = arith.constant 0 : i32
        %get3A_1675 = arith.index_cast %get3A_1674 : i32 to index
        %get3A_1676 = arith.index_cast %add3A_1673 : i32 to index
        %get3A_1677 = arith.constant 48 : index
        %get3A_1678 = tpu.vector_load %arg6[%get3A_1675, %get3A_1676, %get3A_1677] {strides = array<i32>} : memref<4x256x64xf32, #tpu.memory_space<vmem>>, vector<1x1x16xf32>,
        %get3A_1679 = vector.shape_cast %get3A_1678 : vector<1x1x16xf32> to vector<16xf32>
        %mul3A_1680 = arith.constant 8.000000e+00 : f32
        %mul3A_1681 = vector.broadcast %mul3A_1680 : f32 to vector<16xf32>
        %mul3A_1682 = arith.mulf %get3A_1679, %mul3A_1681 : vector<16xf32>
        %add3A_1683 = arith.constant 5 : i32
        %add3A_1684 = arith.addi %mul3A_1212, %add3A_1683 : i32
        %swap3A_1685 = arith.constant 0 : i32
        %swap3A_1686 = arith.index_cast %swap3A_1685 : i32 to index
        %swap3A_1687 = arith.index_cast %add3A_1684 : i32 to index
        %swap3A_1688 = arith.constant 48 : index
        %swap3A_1689 = tpu.vector_load %arg6[%swap3A_1686, %swap3A_1687, %swap3A_1688] {strides = array<i32>} : memref<4x256x64xf32, #tpu.memory_space<vmem>>, vector<1x1x16xf32>,
        %swap3A_1690 = vector.shape_cast %swap3A_1689 : vector<1x1x16xf32> to vector<16xf32>
        %swap3A_1691 = vector.shape_cast %mul3A_1682 : vector<16xf32> to vector<1x1x16xf32>
        tpu.vector_store %arg6[%swap3A_1686, %swap3A_1687, %swap3A_1688], %swap3A_1691 {strides = array<i32>} : memref<4x256x64xf32, #tpu.memory_space<vmem>>, vector<1x1x16xf32>,
        %add3A_1692 = arith.constant 6 : i32
        %add3A_1693 = arith.addi %mul3A_1212, %add3A_1692 : i32
        %get3A_1694 = arith.constant 0 : i32
        %get3A_1695 = arith.index_cast %get3A_1694 : i32 to index
        %get3A_1696 = arith.index_cast %add3A_1693 : i32 to index
        %get3A_1697 = arith.constant 0 : index
        %get3A_1698 = tpu.vector_load %arg6[%get3A_1695, %get3A_1696, %get3A_1697] {strides = array<i32>} : memref<4x256x64xf32, #tpu.memory_space<vmem>>, vector<1x1x16xf32>,
        %get3A_1699 = vector.shape_cast %get3A_1698 : vector<1x1x16xf32> to vector<16xf32>
        %mul3A_1700 = arith.constant 8.000000e+00 : f32
        %mul3A_1701 = vector.broadcast %mul3A_1700 : f32 to vector<16xf32>
        %mul3A_1702 = arith.mulf %get3A_1699, %mul3A_1701 : vector<16xf32>
        %add3A_1703 = arith.constant 6 : i32
        %add3A_1704 = arith.addi %mul3A_1212, %add3A_1703 : i32
        %swap3A_1705 = arith.constant 0 : i32
        %swap3A_1706 = arith.index_cast %swap3A_1705 : i32 to index
        %swap3A_1707 = arith.index_cast %add3A_1704 : i32 to index
        %swap3A_1708 = arith.constant 0 : index
        %swap3A_1709 = tpu.vector_load %arg6[%swap3A_1706, %swap3A_1707, %swap3A_1708] {strides = array<i32>} : memref<4x256x64xf32, #tpu.memory_space<vmem>>, vector<1x1x16xf32>,
        %swap3A_1710 = vector.shape_cast %swap3A_1709 : vector<1x1x16xf32> to vector<16xf32>
        %swap3A_1711 = vector.shape_cast %mul3A_1702 : vector<16xf32> to vector<1x1x16xf32>
        tpu.vector_store %arg6[%swap3A_1706, %swap3A_1707, %swap3A_1708], %swap3A_1711 {strides = array<i32>} : memref<4x256x64xf32, #tpu.memory_space<vmem>>, vector<1x1x16xf32>,
        %add3A_1712 = arith.constant 6 : i32
        %add3A_1713 = arith.addi %mul3A_1212, %add3A_1712 : i32
        %get3A_1714 = arith.constant 0 : i32
        %get3A_1715 = arith.index_cast %get3A_1714 : i32 to index
        %get3A_1716 = arith.index_cast %add3A_1713 : i32 to index
        %get3A_1717 = arith.constant 16 : index
        %get3A_1718 = tpu.vector_load %arg6[%get3A_1715, %get3A_1716, %get3A_1717] {strides = array<i32>} : memref<4x256x64xf32, #tpu.memory_space<vmem>>, vector<1x1x16xf32>,
        %get3A_1719 = vector.shape_cast %get3A_1718 : vector<1x1x16xf32> to vector<16xf32>
        %mul3A_1720 = arith.constant 8.000000e+00 : f32
        %mul3A_1721 = vector.broadcast %mul3A_1720 : f32 to vector<16xf32>
        %mul3A_1722 = arith.mulf %get3A_1719, %mul3A_1721 : vector<16xf32>
        %add3A_1723 = arith.constant 6 : i32
        %add3A_1724 = arith.addi %mul3A_1212, %add3A_1723 : i32
        %swap3A_1725 = arith.constant 0 : i32
        %swap3A_1726 = arith.index_cast %swap3A_1725 : i32 to index
        %swap3A_1727 = arith.index_cast %add3A_1724 : i32 to index
        %swap3A_1728 = arith.constant 16 : index
        %swap3A_1729 = tpu.vector_load %arg6[%swap3A_1726, %swap3A_1727, %swap3A_1728] {strides = array<i32>} : memref<4x256x64xf32, #tpu.memory_space<vmem>>, vector<1x1x16xf32>,
        %swap3A_1730 = vector.shape_cast %swap3A_1729 : vector<1x1x16xf32> to vector<16xf32>
        %swap3A_1731 = vector.shape_cast %mul3A_1722 : vector<16xf32> to vector<1x1x16xf32>
        tpu.vector_store %arg6[%swap3A_1726, %swap3A_1727, %swap3A_1728], %swap3A_1731 {strides = array<i32>} : memref<4x256x64xf32, #tpu.memory_space<vmem>>, vector<1x1x16xf32>,
        %add3A_1732 = arith.constant 6 : i32
        %add3A_1733 = arith.addi %mul3A_1212, %add3A_1732 : i32
        %get3A_1734 = arith.constant 0 : i32
        %get3A_1735 = arith.index_cast %get3A_1734 : i32 to index
        %get3A_1736 = arith.index_cast %add3A_1733 : i32 to index
        %get3A_1737 = arith.constant 32 : index
        %get3A_1738 = tpu.vector_load %arg6[%get3A_1735, %get3A_1736, %get3A_1737] {strides = array<i32>} : memref<4x256x64xf32, #tpu.memory_space<vmem>>, vector<1x1x16xf32>,
        %get3A_1739 = vector.shape_cast %get3A_1738 : vector<1x1x16xf32> to vector<16xf32>
        %mul3A_1740 = arith.constant 8.000000e+00 : f32
        %mul3A_1741 = vector.broadcast %mul3A_1740 : f32 to vector<16xf32>
        %mul3A_1742 = arith.mulf %get3A_1739, %mul3A_1741 : vector<16xf32>
        %add3A_1743 = arith.constant 6 : i32
        %add3A_1744 = arith.addi %mul3A_1212, %add3A_1743 : i32
        %swap3A_1745 = arith.constant 0 : i32
        %swap3A_1746 = arith.index_cast %swap3A_1745 : i32 to index
        %swap3A_1747 = arith.index_cast %add3A_1744 : i32 to index
        %swap3A_1748 = arith.constant 32 : index
        %swap3A_1749 = tpu.vector_load %arg6[%swap3A_1746, %swap3A_1747, %swap3A_1748] {strides = array<i32>} : memref<4x256x64xf32, #tpu.memory_space<vmem>>, vector<1x1x16xf32>,
        %swap3A_1750 = vector.shape_cast %swap3A_1749 : vector<1x1x16xf32> to vector<16xf32>
        %swap3A_1751 = vector.shape_cast %mul3A_1742 : vector<16xf32> to vector<1x1x16xf32>
        tpu.vector_store %arg6[%swap3A_1746, %swap3A_1747, %swap3A_1748], %swap3A_1751 {strides = array<i32>} : memref<4x256x64xf32, #tpu.memory_space<vmem>>, vector<1x1x16xf32>,
        %add3A_1752 = arith.constant 6 : i32
        %add3A_1753 = arith.addi %mul3A_1212, %add3A_1752 : i32
        %get3A_1754 = arith.constant 0 : i32
        %get3A_1755 = arith.index_cast %get3A_1754 : i32 to index
        %get3A_1756 = arith.index_cast %add3A_1753 : i32 to index
        %get3A_1757 = arith.constant 48 : index
        %get3A_1758 = tpu.vector_load %arg6[%get3A_1755, %get3A_1756, %get3A_1757] {strides = array<i32>} : memref<4x256x64xf32, #tpu.memory_space<vmem>>, vector<1x1x16xf32>,
        %get3A_1759 = vector.shape_cast %get3A_1758 : vector<1x1x16xf32> to vector<16xf32>
        %mul3A_1760 = arith.constant 8.000000e+00 : f32
        %mul3A_1761 = vector.broadcast %mul3A_1760 : f32 to vector<16xf32>
        %mul3A_1762 = arith.mulf %get3A_1759, %mul3A_1761 : vector<16xf32>
        %add3A_1763 = arith.constant 6 : i32
        %add3A_1764 = arith.addi %mul3A_1212, %add3A_1763 : i32
        %swap3A_1765 = arith.constant 0 : i32
        %swap3A_1766 = arith.index_cast %swap3A_1765 : i32 to index
        %swap3A_1767 = arith.index_cast %add3A_1764 : i32 to index
        %swap3A_1768 = arith.constant 48 : index
        %swap3A_1769 = tpu.vector_load %arg6[%swap3A_1766, %swap3A_1767, %swap3A_1768] {strides = array<i32>} : memref<4x256x64xf32, #tpu.memory_space<vmem>>, vector<1x1x16xf32>,
        %swap3A_1770 = vector.shape_cast %swap3A_1769 : vector<1x1x16xf32> to vector<16xf32>
        %swap3A_1771 = vector.shape_cast %mul3A_1762 : vector<16xf32> to vector<1x1x16xf32>
        tpu.vector_store %arg6[%swap3A_1766, %swap3A_1767, %swap3A_1768], %swap3A_1771 {strides = array<i32>} : memref<4x256x64xf32, #tpu.memory_space<vmem>>, vector<1x1x16xf32>,
        %add3A_1772 = arith.constant 7 : i32
        %add3A_1773 = arith.addi %mul3A_1212, %add3A_1772 : i32
        %get3A_1774 = arith.constant 0 : i32
        %get3A_1775 = arith.index_cast %get3A_1774 : i32 to index
        %get3A_1776 = arith.index_cast %add3A_1773 : i32 to index
        %get3A_1777 = arith.constant 0 : index
        %get3A_1778 = tpu.vector_load %arg6[%get3A_1775, %get3A_1776, %get3A_1777] {strides = array<i32>} : memref<4x256x64xf32, #tpu.memory_space<vmem>>, vector<1x1x16xf32>,
        %get3A_1779 = vector.shape_cast %get3A_1778 : vector<1x1x16xf32> to vector<16xf32>
        %mul3A_1780 = arith.constant 8.000000e+00 : f32
        %mul3A_1781 = vector.broadcast %mul3A_1780 : f32 to vector<16xf32>
        %mul3A_1782 = arith.mulf %get3A_1779, %mul3A_1781 : vector<16xf32>
        %add3A_1783 = arith.constant 7 : i32
        %add3A_1784 = arith.addi %mul3A_1212, %add3A_1783 : i32
        %swap3A_1785 = arith.constant 0 : i32
        %swap3A_1786 = arith.index_cast %swap3A_1785 : i32 to index
        %swap3A_1787 = arith.index_cast %add3A_1784 : i32 to index
        %swap3A_1788 = arith.constant 0 : index
        %swap3A_1789 = tpu.vector_load %arg6[%swap3A_1786, %swap3A_1787, %swap3A_1788] {strides = array<i32>} : memref<4x256x64xf32, #tpu.memory_space<vmem>>, vector<1x1x16xf32>,
        %swap3A_1790 = vector.shape_cast %swap3A_1789 : vector<1x1x16xf32> to vector<16xf32>
        %swap3A_1791 = vector.shape_cast %mul3A_1782 : vector<16xf32> to vector<1x1x16xf32>
        tpu.vector_store %arg6[%swap3A_1786, %swap3A_1787, %swap3A_1788], %swap3A_1791 {strides = array<i32>} : memref<4x256x64xf32, #tpu.memory_space<vmem>>, vector<1x1x16xf32>,
        %add3A_1792 = arith.constant 7 : i32
        %add3A_1793 = arith.addi %mul3A_1212, %add3A_1792 : i32
        %get3A_1794 = arith.constant 0 : i32
        %get3A_1795 = arith.index_cast %get3A_1794 : i32 to index
        %get3A_1796 = arith.index_cast %add3A_1793 : i32 to index
        %get3A_1797 = arith.constant 16 : index
        %get3A_1798 = tpu.vector_load %arg6[%get3A_1795, %get3A_1796, %get3A_1797] {strides = array<i32>} : memref<4x256x64xf32, #tpu.memory_space<vmem>>, vector<1x1x16xf32>,
        %get3A_1799 = vector.shape_cast %get3A_1798 : vector<1x1x16xf32> to vector<16xf32>
        %mul3A_1800 = arith.constant 8.000000e+00 : f32
        %mul3A_1801 = vector.broadcast %mul3A_1800 : f32 to vector<16xf32>
        %mul3A_1802 = arith.mulf %get3A_1799, %mul3A_1801 : vector<16xf32>
        %add3A_1803 = arith.constant 7 : i32
        %add3A_1804 = arith.addi %mul3A_1212, %add3A_1803 : i32
        %swap3A_1805 = arith.constant 0 : i32
        %swap3A_1806 = arith.index_cast %swap3A_1805 : i32 to index
        %swap3A_1807 = arith.index_cast %add3A_1804 : i32 to index
        %swap3A_1808 = arith.constant 16 : index
        %swap3A_1809 = tpu.vector_load %arg6[%swap3A_1806, %swap3A_1807, %swap3A_1808] {strides = array<i32>} : memref<4x256x64xf32, #tpu.memory_space<vmem>>, vector<1x1x16xf32>,
        %swap3A_1810 = vector.shape_cast %swap3A_1809 : vector<1x1x16xf32> to vector<16xf32>
        %swap3A_1811 = vector.shape_cast %mul3A_1802 : vector<16xf32> to vector<1x1x16xf32>
        tpu.vector_store %arg6[%swap3A_1806, %swap3A_1807, %swap3A_1808], %swap3A_1811 {strides = array<i32>} : memref<4x256x64xf32, #tpu.memory_space<vmem>>, vector<1x1x16xf32>,
        %add3A_1812 = arith.constant 7 : i32
        %add3A_1813 = arith.addi %mul3A_1212, %add3A_1812 : i32
        %get3A_1814 = arith.constant 0 : i32
        %get3A_1815 = arith.index_cast %get3A_1814 : i32 to index
        %get3A_1816 = arith.index_cast %add3A_1813 : i32 to index
        %get3A_1817 = arith.constant 32 : index
        %get3A_1818 = tpu.vector_load %arg6[%get3A_1815, %get3A_1816, %get3A_1817] {strides = array<i32>} : memref<4x256x64xf32, #tpu.memory_space<vmem>>, vector<1x1x16xf32>,
        %get3A_1819 = vector.shape_cast %get3A_1818 : vector<1x1x16xf32> to vector<16xf32>
        %mul3A_1820 = arith.constant 8.000000e+00 : f32
        %mul3A_1821 = vector.broadcast %mul3A_1820 : f32 to vector<16xf32>
        %mul3A_1822 = arith.mulf %get3A_1819, %mul3A_1821 : vector<16xf32>
        %add3A_1823 = arith.constant 7 : i32
        %add3A_1824 = arith.addi %mul3A_1212, %add3A_1823 : i32
        %swap3A_1825 = arith.constant 0 : i32
        %swap3A_1826 = arith.index_cast %swap3A_1825 : i32 to index
        %swap3A_1827 = arith.index_cast %add3A_1824 : i32 to index
        %swap3A_1828 = arith.constant 32 : index
        %swap3A_1829 = tpu.vector_load %arg6[%swap3A_1826, %swap3A_1827, %swap3A_1828] {strides = array<i32>} : memref<4x256x64xf32, #tpu.memory_space<vmem>>, vector<1x1x16xf32>,
        %swap3A_1830 = vector.shape_cast %swap3A_1829 : vector<1x1x16xf32> to vector<16xf32>
        %swap3A_1831 = vector.shape_cast %mul3A_1822 : vector<16xf32> to vector<1x1x16xf32>
        tpu.vector_store %arg6[%swap3A_1826, %swap3A_1827, %swap3A_1828], %swap3A_1831 {strides = array<i32>} : memref<4x256x64xf32, #tpu.memory_space<vmem>>, vector<1x1x16xf32>,
        %add3A_1832 = arith.constant 7 : i32
        %add3A_1833 = arith.addi %mul3A_1212, %add3A_1832 : i32
        %get3A_1834 = arith.constant 0 : i32
        %get3A_1835 = arith.index_cast %get3A_1834 : i32 to index
        %get3A_1836 = arith.index_cast %add3A_1833 : i32 to index
        %get3A_1837 = arith.constant 48 : index
        %get3A_1838 = tpu.vector_load %arg6[%get3A_1835, %get3A_1836, %get3A_1837] {strides = array<i32>} : memref<4x256x64xf32, #tpu.memory_space<vmem>>, vector<1x1x16xf32>,
        %get3A_1839 = vector.shape_cast %get3A_1838 : vector<1x1x16xf32> to vector<16xf32>
        %mul3A_1840 = arith.constant 8.000000e+00 : f32
        %mul3A_1841 = vector.broadcast %mul3A_1840 : f32 to vector<16xf32>
        %mul3A_1842 = arith.mulf %get3A_1839, %mul3A_1841 : vector<16xf32>
        %add3A_1843 = arith.constant 7 : i32
        %add3A_1844 = arith.addi %mul3A_1212, %add3A_1843 : i32
        %swap3A_1845 = arith.constant 0 : i32
        %swap3A_1846 = arith.index_cast %swap3A_1845 : i32 to index
        %swap3A_1847 = arith.index_cast %add3A_1844 : i32 to index
        %swap3A_1848 = arith.constant 48 : index
        %swap3A_1849 = tpu.vector_load %arg6[%swap3A_1846, %swap3A_1847, %swap3A_1848] {strides = array<i32>} : memref<4x256x64xf32, #tpu.memory_space<vmem>>, vector<1x1x16xf32>,
        %swap3A_1850 = vector.shape_cast %swap3A_1849 : vector<1x1x16xf32> to vector<16xf32>
        %swap3A_1851 = vector.shape_cast %mul3A_1842 : vector<16xf32> to vector<1x1x16xf32>
        tpu.vector_store %arg6[%swap3A_1846, %swap3A_1847, %swap3A_1848], %swap3A_1851 {strides = array<i32>} : memref<4x256x64xf32, #tpu.memory_space<vmem>>, vector<1x1x16xf32>,
      }
      %scan3A_1022 = arith.constant 32 : i32
      %dma_start3A_1023 = arith.constant 0 : i32
      %dma_start3A_1024 = arith.constant 0 : i32
      %dma_start3A_1025 = arith.constant 0 : i32
      %dma_start3A_1026 = arith.constant 0 : i32
      %dma_start3A_1027 = tpu.memref_slice %arg6[%dma_start3A_1023, %dma_start3A_1025, %dma_start3A_1026] : memref<4x256x64xf32, #tpu.memory_space<vmem>> -> memref<1x256x64xf32, #tpu.memory_space<vmem>>
      %dma_start3A_1028 = tpu.memref_squeeze %dma_start3A_1027 : memref<1x256x64xf32, #tpu.memory_space<vmem>> -> memref<256x64xf32, #tpu.memory_space<vmem>>
      %dma_start3A_1029 = arith.constant 0 : i32
      %dma_start3A_1030 = tpu.memref_slice %arg7[%dma_start3A_1024, %dma_start3A_1029] : memref<4x256xi32, #tpu.memory_space<vmem>> -> memref<1x256xi32, #tpu.memory_space<vmem>>
      %dma_start3A_1031 = tpu.memref_squeeze %dma_start3A_1030 : memref<1x256xi32, #tpu.memory_space<vmem>> -> memref<256xi32, #tpu.memory_space<vmem>>
      %dma_start3A_1032 = arith.constant 0 : i32
      %dma_start3A_1033 = arith.constant 0 : i32
      %dma_start3A_1034 = tpu.memref_slice %arg4[%dma_start3A_1032, %dma_start3A_1033] : memref<819200x64xf32, #tpu.memory_space<hbm>> -> memref<819200x64xf32, #tpu.memory_space<hbm>>
      tpu.enqueue_indirect_dma source(%dma_start3A_1028 : memref<256x64xf32, #tpu.memory_space<vmem>>) target(%dma_start3A_1034 : memref<819200x64xf32, #tpu.memory_space<hbm>>) offsets(%dma_start3A_1031 : memref<256xi32, #tpu.memory_space<vmem>>) semaphore(%arg12 : memref<!tpu.dma_semaphore, #tpu.memory_space<semaphore_mem>>)
      %add3A_1035 = arith.constant 4 : i32
      %add3A_1036 = arith.addi %add3A_988, %add3A_1035 : i32
      %lt3A = arith.constant 100 : i32
      %lt3A_1037 = arith.cmpi slt, %add3A_1036, %lt3A : i32
      %convert_element_type3A = arith.extui %lt3A_1037 : i1 to i32
      %cond3A = arith.constant 0 : i32
      %cond3A_1038 = arith.cmpi ne, %convert_element_type3A, %cond3A : i32
      scf.if %cond3A_1038 {
        %dma_wait3A_1210 = arith.constant 0 : i32
        %dma_wait3A_1211 = arith.constant 0 : i32
        %dma_wait3A_1212 = arith.constant 0 : i32
        %dma_wait3A_1213 = arith.constant 0 : i32
        %dma_wait3A_1214 = tpu.memref_slice %arg6[%dma_wait3A_1210, %dma_wait3A_1212, %dma_wait3A_1213] : memref<4x256x64xf32, #tpu.memory_space<vmem>> -> memref<1x256x64xf32, #tpu.memory_space<vmem>>
        %dma_wait3A_1215 = tpu.memref_squeeze %dma_wait3A_1214 : memref<1x256x64xf32, #tpu.memory_space<vmem>> -> memref<256x64xf32, #tpu.memory_space<vmem>>
        %dma_wait3A_1216 = arith.constant 0 : i32
        %dma_wait3A_1217 = tpu.memref_slice %arg7[%dma_wait3A_1211, %dma_wait3A_1216] : memref<4x256xi32, #tpu.memory_space<vmem>> -> memref<1x256xi32, #tpu.memory_space<vmem>>
        %dma_wait3A_1218 = tpu.memref_squeeze %dma_wait3A_1217 : memref<1x256xi32, #tpu.memory_space<vmem>> -> memref<256xi32, #tpu.memory_space<vmem>>
        %dma_wait3A_1219 = arith.constant 0 : i32
        %dma_wait3A_1220 = arith.constant 0 : i32
        %dma_wait3A_1221 = tpu.memref_slice %arg4[%dma_wait3A_1219, %dma_wait3A_1220] : memref<819200x64xf32, #tpu.memory_space<hbm>> -> memref<819200x64xf32, #tpu.memory_space<hbm>>
        tpu.wait_indirect_dma semaphore(%arg12 : memref<!tpu.dma_semaphore, #tpu.memory_space<semaphore_mem>>) src(%dma_wait3A_1215 : memref<256x64xf32, #tpu.memory_space<vmem>>) dst(%dma_wait3A_1221 : memref<819200x64xf32, #tpu.memory_space<hbm>>)
        %add3A_1222 = arith.constant 4 : i32
        %add3A_1223 = arith.addi %add3A_988, %add3A_1222 : i32
        %mul3A_1224 = arith.constant 2 : i32
        %mul3A_1225 = arith.muli %mul3A_1224, %add3A_1223 : i32
        %dma_start3A_1226 = arith.constant 0 : i32
        %dma_start3A_1227 = arith.constant 0 : i32
        %dma_start3A_1228 = arith.constant 0 : i32
        %dma_start3A_1229 = tpu.memref_slice %arg6[%dma_start3A_1226, %dma_start3A_1227, %dma_start3A_1228] : memref<4x256x64xf32, #tpu.memory_space<vmem>> -> memref<1x128x64xf32, #tpu.memory_space<vmem>>
        %dma_start3A_1230 = tpu.memref_squeeze %dma_start3A_1229 : memref<1x128x64xf32, #tpu.memory_space<vmem>> -> memref<128x64xf32, #tpu.memory_space<vmem>>
        %dma_start3A_1231 = arith.constant 0 : i32
        %dma_start3A_1232 = tpu.memref_slice %arg5[%mul3A_1225, %dma_start3A_1231] : memref<200x128xi32, #tpu.memory_space<vmem>> -> memref<1x128xi32, #tpu.memory_space<vmem>>
        %dma_start3A_1233 = tpu.memref_squeeze %dma_start3A_1232 : memref<1x128xi32, #tpu.memory_space<vmem>> -> memref<128xi32, #tpu.memory_space<vmem>>
        %dma_start3A_1234 = arith.constant 0 : i32
        %dma_start3A_1235 = arith.constant 0 : i32
        %dma_start3A_1236 = tpu.memref_slice %arg3[%dma_start3A_1234, %dma_start3A_1235] : memref<1000000x64xf32, #tpu.memory_space<hbm>> -> memref<1000000x64xf32, #tpu.memory_space<hbm>>
        tpu.enqueue_indirect_dma source(%dma_start3A_1236 : memref<1000000x64xf32, #tpu.memory_space<hbm>>) target(%dma_start3A_1230 : memref<128x64xf32, #tpu.memory_space<vmem>>) offsets(%dma_start3A_1233 : memref<128xi32, #tpu.memory_space<vmem>>) semaphore(%arg8 : memref<!tpu.dma_semaphore, #tpu.memory_space<semaphore_mem>>)
        %mul3A_1237 = arith.constant 2 : i32
        %mul3A_1238 = arith.muli %mul3A_1237, %add3A_1223 : i32
        %add3A_1239 = arith.constant 1 : i32
        %add3A_1240 = arith.addi %mul3A_1238, %add3A_1239 : i32
        %dma_start3A_1241 = arith.constant 0 : i32
        %dma_start3A_1242 = arith.constant 128 : i32
        %dma_start3A_1243 = arith.constant 0 : i32
        %dma_start3A_1244 = tpu.memref_slice %arg6[%dma_start3A_1241, %dma_start3A_1242, %dma_start3A_1243] : memref<4x256x64xf32, #tpu.memory_space<vmem>> -> memref<1x128x64xf32, #tpu.memory_space<vmem>>
        %dma_start3A_1245 = tpu.memref_squeeze %dma_start3A_1244 : memref<1x128x64xf32, #tpu.memory_space<vmem>> -> memref<128x64xf32, #tpu.memory_space<vmem>>
        %dma_start3A_1246 = arith.constant 0 : i32
        %dma_start3A_1247 = tpu.memref_slice %arg5[%add3A_1240, %dma_start3A_1246] : memref<200x128xi32, #tpu.memory_space<vmem>> -> memref<1x128xi32, #tpu.memory_space<vmem>>
        %dma_start3A_1248 = tpu.memref_squeeze %dma_start3A_1247 : memref<1x128xi32, #tpu.memory_space<vmem>> -> memref<128xi32, #tpu.memory_space<vmem>>
        %dma_start3A_1249 = arith.constant 0 : i32
        %dma_start3A_1250 = arith.constant 0 : i32
        %dma_start3A_1251 = tpu.memref_slice %arg3[%dma_start3A_1249, %dma_start3A_1250] : memref<1000000x64xf32, #tpu.memory_space<hbm>> -> memref<1000000x64xf32, #tpu.memory_space<hbm>>
        tpu.enqueue_indirect_dma source(%dma_start3A_1251 : memref<1000000x64xf32, #tpu.memory_space<hbm>>) target(%dma_start3A_1245 : memref<128x64xf32, #tpu.memory_space<vmem>>) offsets(%dma_start3A_1248 : memref<128xi32, #tpu.memory_space<vmem>>) semaphore(%arg8 : memref<!tpu.dma_semaphore, #tpu.memory_space<semaphore_mem>>)
        %add3A_1252 = arith.constant 0 : i32
        %add3A_1253 = arith.addi %mul3A_2, %add3A_1252 : i32
        %mul3A_1254 = arith.constant 200 : i32
        %mul3A_1255 = arith.muli %add3A_1253, %mul3A_1254 : i32
        %mul3A_1256 = arith.constant 2 : i32
        %mul3A_1257 = arith.muli %mul3A_1256, %add3A_1223 : i32
        %add3A_1258 = arith.addi %mul3A_1255, %mul3A_1257 : i32
        %add3A_1259 = vector.broadcast %add3A_1258 : i32 to vector<16xi32>
        %add3A_1260 = arith.addi %mul3A_5, %add3A_1259 : vector<16xi32>
        %swap3A_1261 = arith.constant 0 : i32
        %swap3A_1262 = arith.index_cast %swap3A_1261 : i32 to index
        %swap3A_1263 = arith.constant 0 : index
        %swap3A_1264 = tpu.vector_load %arg7[%swap3A_1262, %swap3A_1263] {strides = array<i32>} : memref<4x256xi32, #tpu.memory_space<vmem>>, vector<1x16xi32>,
        %swap3A_1265 = vector.shape_cast %swap3A_1264 : vector<1x16xi32> to vector<16xi32>
        %swap3A_1266 = vector.shape_cast %add3A_1260 : vector<16xi32> to vector<1x16xi32>
        tpu.vector_store %arg7[%swap3A_1262, %swap3A_1263], %swap3A_1266 {strides = array<i32>} : memref<4x256xi32, #tpu.memory_space<vmem>>, vector<1x16xi32>,
        %mul3A_1267 = arith.constant 2 : i32
        %mul3A_1268 = arith.muli %mul3A_1267, %add3A_1223 : i32
        %add3A_1269 = arith.addi %mul3A_1255, %mul3A_1268 : i32
        %add3A_1270 = arith.constant 1 : i32
        %add3A_1271 = arith.addi %add3A_1269, %add3A_1270 : i32
        %add3A_1272 = vector.broadcast %add3A_1271 : i32 to vector<16xi32>
        %add3A_1273 = arith.addi %mul3A_5, %add3A_1272 : vector<16xi32>
        %swap3A_1274 = arith.constant 0 : i32
        %swap3A_1275 = arith.index_cast %swap3A_1274 : i32 to index
        %swap3A_1276 = arith.constant 128 : index
        %swap3A_1277 = tpu.vector_load %arg7[%swap3A_1275, %swap3A_1276] {strides = array<i32>} : memref<4x256xi32, #tpu.memory_space<vmem>>, vector<1x16xi32>,
        %swap3A_1278 = vector.shape_cast %swap3A_1277 : vector<1x16xi32> to vector<16xi32>
        %swap3A_1279 = vector.shape_cast %add3A_1273 : vector<16xi32> to vector<1x16xi32>
        tpu.vector_store %arg7[%swap3A_1275, %swap3A_1276], %swap3A_1279 {strides = array<i32>} : memref<4x256xi32, #tpu.memory_space<vmem>>, vector<1x16xi32>,
        %add3A_1280 = arith.constant 16 : i32
        %add3A_1281 = arith.addi %mul3A_2, %add3A_1280 : i32
        %mul3A_1282 = arith.constant 200 : i32
        %mul3A_1283 = arith.muli %add3A_1281, %mul3A_1282 : i32
        %mul3A_1284 = arith.constant 2 : i32
        %mul3A_1285 = arith.muli %mul3A_1284, %add3A_1223 : i32
        %add3A_1286 = arith.addi %mul3A_1283, %mul3A_1285 : i32
        %add3A_1287 = vector.broadcast %add3A_1286 : i32 to vector<16xi32>
        %add3A_1288 = arith.addi %mul3A_5, %add3A_1287 : vector<16xi32>
        %swap3A_1289 = arith.constant 0 : i32
        %swap3A_1290 = arith.index_cast %swap3A_1289 : i32 to index
        %swap3A_1291 = arith.constant 16 : index
        %swap3A_1292 = tpu.vector_load %arg7[%swap3A_1290, %swap3A_1291] {strides = array<i32>} : memref<4x256xi32, #tpu.memory_space<vmem>>, vector<1x16xi32>,
        %swap3A_1293 = vector.shape_cast %swap3A_1292 : vector<1x16xi32> to vector<16xi32>
        %swap3A_1294 = vector.shape_cast %add3A_1288 : vector<16xi32> to vector<1x16xi32>
        tpu.vector_store %arg7[%swap3A_1290, %swap3A_1291], %swap3A_1294 {strides = array<i32>} : memref<4x256xi32, #tpu.memory_space<vmem>>, vector<1x16xi32>,
        %mul3A_1295 = arith.constant 2 : i32
        %mul3A_1296 = arith.muli %mul3A_1295, %add3A_1223 : i32
        %add3A_1297 = arith.addi %mul3A_1283, %mul3A_1296 : i32
        %add3A_1298 = arith.constant 1 : i32
        %add3A_1299 = arith.addi %add3A_1297, %add3A_1298 : i32
        %add3A_1300 = vector.broadcast %add3A_1299 : i32 to vector<16xi32>
        %add3A_1301 = arith.addi %mul3A_5, %add3A_1300 : vector<16xi32>
        %swap3A_1302 = arith.constant 0 : i32
        %swap3A_1303 = arith.index_cast %swap3A_1302 : i32 to index
        %swap3A_1304 = arith.constant 144 : index
        %swap3A_1305 = tpu.vector_load %arg7[%swap3A_1303, %swap3A_1304] {strides = array<i32>} : memref<4x256xi32, #tpu.memory_space<vmem>>, vector<1x16xi32>,
        %swap3A_1306 = vector.shape_cast %swap3A_1305 : vector<1x16xi32> to vector<16xi32>
        %swap3A_1307 = vector.shape_cast %add3A_1301 : vector<16xi32> to vector<1x16xi32>
        tpu.vector_store %arg7[%swap3A_1303, %swap3A_1304], %swap3A_1307 {strides = array<i32>} : memref<4x256xi32, #tpu.memory_space<vmem>>, vector<1x16xi32>,
        %add3A_1308 = arith.constant 32 : i32
        %add3A_1309 = arith.addi %mul3A_2, %add3A_1308 : i32
        %mul3A_1310 = arith.constant 200 : i32
        %mul3A_1311 = arith.muli %add3A_1309, %mul3A_1310 : i32
        %mul3A_1312 = arith.constant 2 : i32
        %mul3A_1313 = arith.muli %mul3A_1312, %add3A_1223 : i32
        %add3A_1314 = arith.addi %mul3A_1311, %mul3A_1313 : i32
        %add3A_1315 = vector.broadcast %add3A_1314 : i32 to vector<16xi32>
        %add3A_1316 = arith.addi %mul3A_5, %add3A_1315 : vector<16xi32>
        %swap3A_1317 = arith.constant 0 : i32
        %swap3A_1318 = arith.index_cast %swap3A_1317 : i32 to index
        %swap3A_1319 = arith.constant 32 : index
        %swap3A_1320 = tpu.vector_load %arg7[%swap3A_1318, %swap3A_1319] {strides = array<i32>} : memref<4x256xi32, #tpu.memory_space<vmem>>, vector<1x16xi32>,
        %swap3A_1321 = vector.shape_cast %swap3A_1320 : vector<1x16xi32> to vector<16xi32>
        %swap3A_1322 = vector.shape_cast %add3A_1316 : vector<16xi32> to vector<1x16xi32>
        tpu.vector_store %arg7[%swap3A_1318, %swap3A_1319], %swap3A_1322 {strides = array<i32>} : memref<4x256xi32, #tpu.memory_space<vmem>>, vector<1x16xi32>,
        %mul3A_1323 = arith.constant 2 : i32
        %mul3A_1324 = arith.muli %mul3A_1323, %add3A_1223 : i32
        %add3A_1325 = arith.addi %mul3A_1311, %mul3A_1324 : i32
        %add3A_1326 = arith.constant 1 : i32
        %add3A_1327 = arith.addi %add3A_1325, %add3A_1326 : i32
        %add3A_1328 = vector.broadcast %add3A_1327 : i32 to vector<16xi32>
        %add3A_1329 = arith.addi %mul3A_5, %add3A_1328 : vector<16xi32>
        %swap3A_1330 = arith.constant 0 : i32
        %swap3A_1331 = arith.index_cast %swap3A_1330 : i32 to index
        %swap3A_1332 = arith.constant 160 : index
        %swap3A_1333 = tpu.vector_load %arg7[%swap3A_1331, %swap3A_1332] {strides = array<i32>} : memref<4x256xi32, #tpu.memory_space<vmem>>, vector<1x16xi32>,
        %swap3A_1334 = vector.shape_cast %swap3A_1333 : vector<1x16xi32> to vector<16xi32>
        %swap3A_1335 = vector.shape_cast %add3A_1329 : vector<16xi32> to vector<1x16xi32>
        tpu.vector_store %arg7[%swap3A_1331, %swap3A_1332], %swap3A_1335 {strides = array<i32>} : memref<4x256xi32, #tpu.memory_space<vmem>>, vector<1x16xi32>,
        %add3A_1336 = arith.constant 48 : i32
        %add3A_1337 = arith.addi %mul3A_2, %add3A_1336 : i32
        %mul3A_1338 = arith.constant 200 : i32
        %mul3A_1339 = arith.muli %add3A_1337, %mul3A_1338 : i32
        %mul3A_1340 = arith.constant 2 : i32
        %mul3A_1341 = arith.muli %mul3A_1340, %add3A_1223 : i32
        %add3A_1342 = arith.addi %mul3A_1339, %mul3A_1341 : i32
        %add3A_1343 = vector.broadcast %add3A_1342 : i32 to vector<16xi32>
        %add3A_1344 = arith.addi %mul3A_5, %add3A_1343 : vector<16xi32>
        %swap3A_1345 = arith.constant 0 : i32
        %swap3A_1346 = arith.index_cast %swap3A_1345 : i32 to index
        %swap3A_1347 = arith.constant 48 : index
        %swap3A_1348 = tpu.vector_load %arg7[%swap3A_1346, %swap3A_1347] {strides = array<i32>} : memref<4x256xi32, #tpu.memory_space<vmem>>, vector<1x16xi32>,
        %swap3A_1349 = vector.shape_cast %swap3A_1348 : vector<1x16xi32> to vector<16xi32>
        %swap3A_1350 = vector.shape_cast %add3A_1344 : vector<16xi32> to vector<1x16xi32>
        tpu.vector_store %arg7[%swap3A_1346, %swap3A_1347], %swap3A_1350 {strides = array<i32>} : memref<4x256xi32, #tpu.memory_space<vmem>>, vector<1x16xi32>,
        %mul3A_1351 = arith.constant 2 : i32
        %mul3A_1352 = arith.muli %mul3A_1351, %add3A_1223 : i32
        %add3A_1353 = arith.addi %mul3A_1339, %mul3A_1352 : i32
        %add3A_1354 = arith.constant 1 : i32
        %add3A_1355 = arith.addi %add3A_1353, %add3A_1354 : i32
        %add3A_1356 = vector.broadcast %add3A_1355 : i32 to vector<16xi32>
        %add3A_1357 = arith.addi %mul3A_5, %add3A_1356 : vector<16xi32>
        %swap3A_1358 = arith.constant 0 : i32
        %swap3A_1359 = arith.index_cast %swap3A_1358 : i32 to index
        %swap3A_1360 = arith.constant 176 : index
        %swap3A_1361 = tpu.vector_load %arg7[%swap3A_1359, %swap3A_1360] {strides = array<i32>} : memref<4x256xi32, #tpu.memory_space<vmem>>, vector<1x16xi32>,
        %swap3A_1362 = vector.shape_cast %swap3A_1361 : vector<1x16xi32> to vector<16xi32>
        %swap3A_1363 = vector.shape_cast %add3A_1357 : vector<16xi32> to vector<1x16xi32>
        tpu.vector_store %arg7[%swap3A_1359, %swap3A_1360], %swap3A_1363 {strides = array<i32>} : memref<4x256xi32, #tpu.memory_space<vmem>>, vector<1x16xi32>,
        %add3A_1364 = arith.constant 64 : i32
        %add3A_1365 = arith.addi %mul3A_2, %add3A_1364 : i32
        %mul3A_1366 = arith.constant 200 : i32
        %mul3A_1367 = arith.muli %add3A_1365, %mul3A_1366 : i32
        %mul3A_1368 = arith.constant 2 : i32
        %mul3A_1369 = arith.muli %mul3A_1368, %add3A_1223 : i32
        %add3A_1370 = arith.addi %mul3A_1367, %mul3A_1369 : i32
        %add3A_1371 = vector.broadcast %add3A_1370 : i32 to vector<16xi32>
        %add3A_1372 = arith.addi %mul3A_5, %add3A_1371 : vector<16xi32>
        %swap3A_1373 = arith.constant 0 : i32
        %swap3A_1374 = arith.index_cast %swap3A_1373 : i32 to index
        %swap3A_1375 = arith.constant 64 : index
        %swap3A_1376 = tpu.vector_load %arg7[%swap3A_1374, %swap3A_1375] {strides = array<i32>} : memref<4x256xi32, #tpu.memory_space<vmem>>, vector<1x16xi32>,
        %swap3A_1377 = vector.shape_cast %swap3A_1376 : vector<1x16xi32> to vector<16xi32>
        %swap3A_1378 = vector.shape_cast %add3A_1372 : vector<16xi32> to vector<1x16xi32>
        tpu.vector_store %arg7[%swap3A_1374, %swap3A_1375], %swap3A_1378 {strides = array<i32>} : memref<4x256xi32, #tpu.memory_space<vmem>>, vector<1x16xi32>,
        %mul3A_1379 = arith.constant 2 : i32
        %mul3A_1380 = arith.muli %mul3A_1379, %add3A_1223 : i32
        %add3A_1381 = arith.addi %mul3A_1367, %mul3A_1380 : i32
        %add3A_1382 = arith.constant 1 : i32
        %add3A_1383 = arith.addi %add3A_1381, %add3A_1382 : i32
        %add3A_1384 = vector.broadcast %add3A_1383 : i32 to vector<16xi32>
        %add3A_1385 = arith.addi %mul3A_5, %add3A_1384 : vector<16xi32>
        %swap3A_1386 = arith.constant 0 : i32
        %swap3A_1387 = arith.index_cast %swap3A_1386 : i32 to index
        %swap3A_1388 = arith.constant 192 : index
        %swap3A_1389 = tpu.vector_load %arg7[%swap3A_1387, %swap3A_1388] {strides = array<i32>} : memref<4x256xi32, #tpu.memory_space<vmem>>, vector<1x16xi32>,
        %swap3A_1390 = vector.shape_cast %swap3A_1389 : vector<1x16xi32> to vector<16xi32>
        %swap3A_1391 = vector.shape_cast %add3A_1385 : vector<16xi32> to vector<1x16xi32>
        tpu.vector_store %arg7[%swap3A_1387, %swap3A_1388], %swap3A_1391 {strides = array<i32>} : memref<4x256xi32, #tpu.memory_space<vmem>>, vector<1x16xi32>,
        %add3A_1392 = arith.constant 80 : i32
        %add3A_1393 = arith.addi %mul3A_2, %add3A_1392 : i32
        %mul3A_1394 = arith.constant 200 : i32
        %mul3A_1395 = arith.muli %add3A_1393, %mul3A_1394 : i32
        %mul3A_1396 = arith.constant 2 : i32
        %mul3A_1397 = arith.muli %mul3A_1396, %add3A_1223 : i32
        %add3A_1398 = arith.addi %mul3A_1395, %mul3A_1397 : i32
        %add3A_1399 = vector.broadcast %add3A_1398 : i32 to vector<16xi32>
        %add3A_1400 = arith.addi %mul3A_5, %add3A_1399 : vector<16xi32>
        %swap3A_1401 = arith.constant 0 : i32
        %swap3A_1402 = arith.index_cast %swap3A_1401 : i32 to index
        %swap3A_1403 = arith.constant 80 : index
        %swap3A_1404 = tpu.vector_load %arg7[%swap3A_1402, %swap3A_1403] {strides = array<i32>} : memref<4x256xi32, #tpu.memory_space<vmem>>, vector<1x16xi32>,
        %swap3A_1405 = vector.shape_cast %swap3A_1404 : vector<1x16xi32> to vector<16xi32>
        %swap3A_1406 = vector.shape_cast %add3A_1400 : vector<16xi32> to vector<1x16xi32>
        tpu.vector_store %arg7[%swap3A_1402, %swap3A_1403], %swap3A_1406 {strides = array<i32>} : memref<4x256xi32, #tpu.memory_space<vmem>>, vector<1x16xi32>,
        %mul3A_1407 = arith.constant 2 : i32
        %mul3A_1408 = arith.muli %mul3A_1407, %add3A_1223 : i32
        %add3A_1409 = arith.addi %mul3A_1395, %mul3A_1408 : i32
        %add3A_1410 = arith.constant 1 : i32
        %add3A_1411 = arith.addi %add3A_1409, %add3A_1410 : i32
        %add3A_1412 = vector.broadcast %add3A_1411 : i32 to vector<16xi32>
        %add3A_1413 = arith.addi %mul3A_5, %add3A_1412 : vector<16xi32>
        %swap3A_1414 = arith.constant 0 : i32
        %swap3A_1415 = arith.index_cast %swap3A_1414 : i32 to index
        %swap3A_1416 = arith.constant 208 : index
        %swap3A_1417 = tpu.vector_load %arg7[%swap3A_1415, %swap3A_1416] {strides = array<i32>} : memref<4x256xi32, #tpu.memory_space<vmem>>, vector<1x16xi32>,
        %swap3A_1418 = vector.shape_cast %swap3A_1417 : vector<1x16xi32> to vector<16xi32>
        %swap3A_1419 = vector.shape_cast %add3A_1413 : vector<16xi32> to vector<1x16xi32>
        tpu.vector_store %arg7[%swap3A_1415, %swap3A_1416], %swap3A_1419 {strides = array<i32>} : memref<4x256xi32, #tpu.memory_space<vmem>>, vector<1x16xi32>,
        %add3A_1420 = arith.constant 96 : i32
        %add3A_1421 = arith.addi %mul3A_2, %add3A_1420 : i32
        %mul3A_1422 = arith.constant 200 : i32
        %mul3A_1423 = arith.muli %add3A_1421, %mul3A_1422 : i32
        %mul3A_1424 = arith.constant 2 : i32
        %mul3A_1425 = arith.muli %mul3A_1424, %add3A_1223 : i32
        %add3A_1426 = arith.addi %mul3A_1423, %mul3A_1425 : i32
        %add3A_1427 = vector.broadcast %add3A_1426 : i32 to vector<16xi32>
        %add3A_1428 = arith.addi %mul3A_5, %add3A_1427 : vector<16xi32>
        %swap3A_1429 = arith.constant 0 : i32
        %swap3A_1430 = arith.index_cast %swap3A_1429 : i32 to index
        %swap3A_1431 = arith.constant 96 : index
        %swap3A_1432 = tpu.vector_load %arg7[%swap3A_1430, %swap3A_1431] {strides = array<i32>} : memref<4x256xi32, #tpu.memory_space<vmem>>, vector<1x16xi32>,
        %swap3A_1433 = vector.shape_cast %swap3A_1432 : vector<1x16xi32> to vector<16xi32>
        %swap3A_1434 = vector.shape_cast %add3A_1428 : vector<16xi32> to vector<1x16xi32>
        tpu.vector_store %arg7[%swap3A_1430, %swap3A_1431], %swap3A_1434 {strides = array<i32>} : memref<4x256xi32, #tpu.memory_space<vmem>>, vector<1x16xi32>,
        %mul3A_1435 = arith.constant 2 : i32
        %mul3A_1436 = arith.muli %mul3A_1435, %add3A_1223 : i32
        %add3A_1437 = arith.addi %mul3A_1423, %mul3A_1436 : i32
        %add3A_1438 = arith.constant 1 : i32
        %add3A_1439 = arith.addi %add3A_1437, %add3A_1438 : i32
        %add3A_1440 = vector.broadcast %add3A_1439 : i32 to vector<16xi32>
        %add3A_1441 = arith.addi %mul3A_5, %add3A_1440 : vector<16xi32>
        %swap3A_1442 = arith.constant 0 : i32
        %swap3A_1443 = arith.index_cast %swap3A_1442 : i32 to index
        %swap3A_1444 = arith.constant 224 : index
        %swap3A_1445 = tpu.vector_load %arg7[%swap3A_1443, %swap3A_1444] {strides = array<i32>} : memref<4x256xi32, #tpu.memory_space<vmem>>, vector<1x16xi32>,
        %swap3A_1446 = vector.shape_cast %swap3A_1445 : vector<1x16xi32> to vector<16xi32>
        %swap3A_1447 = vector.shape_cast %add3A_1441 : vector<16xi32> to vector<1x16xi32>
        tpu.vector_store %arg7[%swap3A_1443, %swap3A_1444], %swap3A_1447 {strides = array<i32>} : memref<4x256xi32, #tpu.memory_space<vmem>>, vector<1x16xi32>,
        %add3A_1448 = arith.constant 112 : i32
        %add3A_1449 = arith.addi %mul3A_2, %add3A_1448 : i32
        %mul3A_1450 = arith.constant 200 : i32
        %mul3A_1451 = arith.muli %add3A_1449, %mul3A_1450 : i32
        %mul3A_1452 = arith.constant 2 : i32
        %mul3A_1453 = arith.muli %mul3A_1452, %add3A_1223 : i32
        %add3A_1454 = arith.addi %mul3A_1451, %mul3A_1453 : i32
        %add3A_1455 = vector.broadcast %add3A_1454 : i32 to vector<16xi32>
        %add3A_1456 = arith.addi %mul3A_5, %add3A_1455 : vector<16xi32>
        %swap3A_1457 = arith.constant 0 : i32
        %swap3A_1458 = arith.index_cast %swap3A_1457 : i32 to index
        %swap3A_1459 = arith.constant 112 : index
        %swap3A_1460 = tpu.vector_load %arg7[%swap3A_1458, %swap3A_1459] {strides = array<i32>} : memref<4x256xi32, #tpu.memory_space<vmem>>, vector<1x16xi32>,
        %swap3A_1461 = vector.shape_cast %swap3A_1460 : vector<1x16xi32> to vector<16xi32>
        %swap3A_1462 = vector.shape_cast %add3A_1456 : vector<16xi32> to vector<1x16xi32>
        tpu.vector_store %arg7[%swap3A_1458, %swap3A_1459], %swap3A_1462 {strides = array<i32>} : memref<4x256xi32, #tpu.memory_space<vmem>>, vector<1x16xi32>,
        %mul3A_1463 = arith.constant 2 : i32
        %mul3A_1464 = arith.muli %mul3A_1463, %add3A_1223 : i32
        %add3A_1465 = arith.addi %mul3A_1451, %mul3A_1464 : i32
        %add3A_1466 = arith.constant 1 : i32
        %add3A_1467 = arith.addi %add3A_1465, %add3A_1466 : i32
        %add3A_1468 = vector.broadcast %add3A_1467 : i32 to vector<16xi32>
        %add3A_1469 = arith.addi %mul3A_5, %add3A_1468 : vector<16xi32>
        %swap3A_1470 = arith.constant 0 : i32
        %swap3A_1471 = arith.index_cast %swap3A_1470 : i32 to index
        %swap3A_1472 = arith.constant 240 : index
        %swap3A_1473 = tpu.vector_load %arg7[%swap3A_1471, %swap3A_1472] {strides = array<i32>} : memref<4x256xi32, #tpu.memory_space<vmem>>, vector<1x16xi32>,
        %swap3A_1474 = vector.shape_cast %swap3A_1473 : vector<1x16xi32> to vector<16xi32>
        %swap3A_1475 = vector.shape_cast %add3A_1469 : vector<16xi32> to vector<1x16xi32>
        tpu.vector_store %arg7[%swap3A_1471, %swap3A_1472], %swap3A_1475 {strides = array<i32>} : memref<4x256xi32, #tpu.memory_space<vmem>>, vector<1x16xi32>,
      } else {
      }
      %mul3A_1039 = arith.constant 4 : i32
      %mul3A_1040 = arith.muli %scan3A_984, %mul3A_1039 : i32
      %add3A_1041 = arith.constant 1 : i32
      %add3A_1042 = arith.addi %mul3A_1040, %add3A_1041 : i32
      %mul3A_1043 = arith.constant 2 : i32
      %mul3A_1044 = arith.muli %mul3A_1043, %add3A_1042 : i32
      %dma_wait3A_1045 = arith.constant 1 : i32
      %dma_wait3A_1046 = arith.constant 0 : i32
      %dma_wait3A_1047 = arith.constant 0 : i32
      %dma_wait3A_1048 = tpu.memref_slice %arg6[%dma_wait3A_1045, %dma_wait3A_1046, %dma_wait3A_1047] : memref<4x256x64xf32, #tpu.memory_space<vmem>> -> memref<1x128x64xf32, #tpu.memory_space<vmem>>
      %dma_wait3A_1049 = tpu.memref_squeeze %dma_wait3A_1048 : memref<1x128x64xf32, #tpu.memory_space<vmem>> -> memref<128x64xf32, #tpu.memory_space<vmem>>
      %dma_wait3A_1050 = arith.constant 0 : i32
      %dma_wait3A_1051 = tpu.memref_slice %arg5[%mul3A_1044, %dma_wait3A_1050] : memref<200x128xi32, #tpu.memory_space<vmem>> -> memref<1x128xi32, #tpu.memory_space<vmem>>
      %dma_wait3A_1052 = tpu.memref_squeeze %dma_wait3A_1051 : memref<1x128xi32, #tpu.memory_space<vmem>> -> memref<128xi32, #tpu.memory_space<vmem>>
      %dma_wait3A_1053 = arith.constant 0 : i32
      %dma_wait3A_1054 = arith.constant 0 : i32
      %dma_wait3A_1055 = tpu.memref_slice %arg3[%dma_wait3A_1053, %dma_wait3A_1054] : memref<1000000x64xf32, #tpu.memory_space<hbm>> -> memref<1000000x64xf32, #tpu.memory_space<hbm>>
      tpu.wait_indirect_dma semaphore(%arg9 : memref<!tpu.dma_semaphore, #tpu.memory_space<semaphore_mem>>) src(%dma_wait3A_1055 : memref<1000000x64xf32, #tpu.memory_space<hbm>>) dst(%dma_wait3A_1049 : memref<128x64xf32, #tpu.memory_space<vmem>>)
      %mul3A_1056 = arith.constant 2 : i32
      %mul3A_1057 = arith.muli %mul3A_1056, %add3A_1042 : i32
      %add3A_1058 = arith.constant 1 : i32
      %add3A_1059 = arith.addi %mul3A_1057, %add3A_1058 : i32
      %dma_wait3A_1060 = arith.constant 1 : i32
      %dma_wait3A_1061 = arith.constant 128 : i32
      %dma_wait3A_1062 = arith.constant 0 : i32
      %dma_wait3A_1063 = tpu.memref_slice %arg6[%dma_wait3A_1060, %dma_wait3A_1061, %dma_wait3A_1062] : memref<4x256x64xf32, #tpu.memory_space<vmem>> -> memref<1x128x64xf32, #tpu.memory_space<vmem>>
      %dma_wait3A_1064 = tpu.memref_squeeze %dma_wait3A_1063 : memref<1x128x64xf32, #tpu.memory_space<vmem>> -> memref<128x64xf32, #tpu.memory_space<vmem>>
      %dma_wait3A_1065 = arith.constant 0 : i32
      %dma_wait3A_1066 = tpu.memref_slice %arg5[%add3A_1059, %dma_wait3A_1065] : memref<200x128xi32, #tpu.memory_space<vmem>> -> memref<1x128xi32, #tpu.memory_space<vmem>>
      %dma_wait3A_1067 = tpu.memref_squeeze %dma_wait3A_1066 : memref<1x128xi32, #tpu.memory_space<vmem>> -> memref<128xi32, #tpu.memory_space<vmem>>
      %dma_wait3A_1068 = arith.constant 0 : i32
      %dma_wait3A_1069 = arith.constant 0 : i32
      %dma_wait3A_1070 = tpu.memref_slice %arg3[%dma_wait3A_1068, %dma_wait3A_1069] : memref<1000000x64xf32, #tpu.memory_space<hbm>> -> memref<1000000x64xf32, #tpu.memory_space<hbm>>
      tpu.wait_indirect_dma semaphore(%arg9 : memref<!tpu.dma_semaphore, #tpu.memory_space<semaphore_mem>>) src(%dma_wait3A_1070 : memref<1000000x64xf32, #tpu.memory_space<hbm>>) dst(%dma_wait3A_1064 : memref<128x64xf32, #tpu.memory_space<vmem>>)
      %scan3A_1071 = arith.constant 0 : i32
      %scan3A_1072 = arith.constant 0 : i32
      %scan3A_1073 = arith.constant 32 : i32
      %scan3A_1074 = arith.addi %scan3A_1072, %scan3A_1073 : i32
      %scan3A_1075 = arith.constant 1 : i32
      scf.for %scan3A_1210 = %scan3A_1072 to %scan3A_1074 step %scan3A_1075  : i32 {
        %mul3A_1211 = arith.constant 8 : i32
        %mul3A_1212 = arith.muli %scan3A_1210, %mul3A_1211 : i32
        %add3A_1213 = arith.constant 0 : i32
        %add3A_1214 = arith.addi %mul3A_1212, %add3A_1213 : i32
        %get3A = arith.constant 1 : i32
        %get3A_1215 = arith.index_cast %get3A : i32 to index
        %get3A_1216 = arith.index_cast %add3A_1214 : i32 to index
        %get3A_1217 = arith.constant 0 : index
        %get3A_1218 = tpu.vector_load %arg6[%get3A_1215, %get3A_1216, %get3A_1217] {strides = array<i32>} : memref<4x256x64xf32, #tpu.memory_space<vmem>>, vector<1x1x16xf32>,
        %get3A_1219 = vector.shape_cast %get3A_1218 : vector<1x1x16xf32> to vector<16xf32>
        %mul3A_1220 = arith.constant 8.000000e+00 : f32
        %mul3A_1221 = vector.broadcast %mul3A_1220 : f32 to vector<16xf32>
        %mul3A_1222 = arith.mulf %get3A_1219, %mul3A_1221 : vector<16xf32>
        %add3A_1223 = arith.constant 0 : i32
        %add3A_1224 = arith.addi %mul3A_1212, %add3A_1223 : i32
        %swap3A_1225 = arith.constant 1 : i32
        %swap3A_1226 = arith.index_cast %swap3A_1225 : i32 to index
        %swap3A_1227 = arith.index_cast %add3A_1224 : i32 to index
        %swap3A_1228 = arith.constant 0 : index
        %swap3A_1229 = tpu.vector_load %arg6[%swap3A_1226, %swap3A_1227, %swap3A_1228] {strides = array<i32>} : memref<4x256x64xf32, #tpu.memory_space<vmem>>, vector<1x1x16xf32>,
        %swap3A_1230 = vector.shape_cast %swap3A_1229 : vector<1x1x16xf32> to vector<16xf32>
        %swap3A_1231 = vector.shape_cast %mul3A_1222 : vector<16xf32> to vector<1x1x16xf32>
        tpu.vector_store %arg6[%swap3A_1226, %swap3A_1227, %swap3A_1228], %swap3A_1231 {strides = array<i32>} : memref<4x256x64xf32, #tpu.memory_space<vmem>>, vector<1x1x16xf32>,
        %add3A_1232 = arith.constant 0 : i32
        %add3A_1233 = arith.addi %mul3A_1212, %add3A_1232 : i32
        %get3A_1234 = arith.constant 1 : i32
        %get3A_1235 = arith.index_cast %get3A_1234 : i32 to index
        %get3A_1236 = arith.index_cast %add3A_1233 : i32 to index
        %get3A_1237 = arith.constant 16 : index
        %get3A_1238 = tpu.vector_load %arg6[%get3A_1235, %get3A_1236, %get3A_1237] {strides = array<i32>} : memref<4x256x64xf32, #tpu.memory_space<vmem>>, vector<1x1x16xf32>,
        %get3A_1239 = vector.shape_cast %get3A_1238 : vector<1x1x16xf32> to vector<16xf32>
        %mul3A_1240 = arith.constant 8.000000e+00 : f32
        %mul3A_1241 = vector.broadcast %mul3A_1240 : f32 to vector<16xf32>
        %mul3A_1242 = arith.mulf %get3A_1239, %mul3A_1241 : vector<16xf32>
        %add3A_1243 = arith.constant 0 : i32
        %add3A_1244 = arith.addi %mul3A_1212, %add3A_1243 : i32
        %swap3A_1245 = arith.constant 1 : i32
        %swap3A_1246 = arith.index_cast %swap3A_1245 : i32 to index
        %swap3A_1247 = arith.index_cast %add3A_1244 : i32 to index
        %swap3A_1248 = arith.constant 16 : index
        %swap3A_1249 = tpu.vector_load %arg6[%swap3A_1246, %swap3A_1247, %swap3A_1248] {strides = array<i32>} : memref<4x256x64xf32, #tpu.memory_space<vmem>>, vector<1x1x16xf32>,
        %swap3A_1250 = vector.shape_cast %swap3A_1249 : vector<1x1x16xf32> to vector<16xf32>
        %swap3A_1251 = vector.shape_cast %mul3A_1242 : vector<16xf32> to vector<1x1x16xf32>
        tpu.vector_store %arg6[%swap3A_1246, %swap3A_1247, %swap3A_1248], %swap3A_1251 {strides = array<i32>} : memref<4x256x64xf32, #tpu.memory_space<vmem>>, vector<1x1x16xf32>,
        %add3A_1252 = arith.constant 0 : i32
        %add3A_1253 = arith.addi %mul3A_1212, %add3A_1252 : i32
        %get3A_1254 = arith.constant 1 : i32
        %get3A_1255 = arith.index_cast %get3A_1254 : i32 to index
        %get3A_1256 = arith.index_cast %add3A_1253 : i32 to index
        %get3A_1257 = arith.constant 32 : index
        %get3A_1258 = tpu.vector_load %arg6[%get3A_1255, %get3A_1256, %get3A_1257] {strides = array<i32>} : memref<4x256x64xf32, #tpu.memory_space<vmem>>, vector<1x1x16xf32>,
        %get3A_1259 = vector.shape_cast %get3A_1258 : vector<1x1x16xf32> to vector<16xf32>
        %mul3A_1260 = arith.constant 8.000000e+00 : f32
        %mul3A_1261 = vector.broadcast %mul3A_1260 : f32 to vector<16xf32>
        %mul3A_1262 = arith.mulf %get3A_1259, %mul3A_1261 : vector<16xf32>
        %add3A_1263 = arith.constant 0 : i32
        %add3A_1264 = arith.addi %mul3A_1212, %add3A_1263 : i32
        %swap3A_1265 = arith.constant 1 : i32
        %swap3A_1266 = arith.index_cast %swap3A_1265 : i32 to index
        %swap3A_1267 = arith.index_cast %add3A_1264 : i32 to index
        %swap3A_1268 = arith.constant 32 : index
        %swap3A_1269 = tpu.vector_load %arg6[%swap3A_1266, %swap3A_1267, %swap3A_1268] {strides = array<i32>} : memref<4x256x64xf32, #tpu.memory_space<vmem>>, vector<1x1x16xf32>,
        %swap3A_1270 = vector.shape_cast %swap3A_1269 : vector<1x1x16xf32> to vector<16xf32>
        %swap3A_1271 = vector.shape_cast %mul3A_1262 : vector<16xf32> to vector<1x1x16xf32>
        tpu.vector_store %arg6[%swap3A_1266, %swap3A_1267, %swap3A_1268], %swap3A_1271 {strides = array<i32>} : memref<4x256x64xf32, #tpu.memory_space<vmem>>, vector<1x1x16xf32>,
        %add3A_1272 = arith.constant 0 : i32
        %add3A_1273 = arith.addi %mul3A_1212, %add3A_1272 : i32
        %get3A_1274 = arith.constant 1 : i32
        %get3A_1275 = arith.index_cast %get3A_1274 : i32 to index
        %get3A_1276 = arith.index_cast %add3A_1273 : i32 to index
        %get3A_1277 = arith.constant 48 : index
        %get3A_1278 = tpu.vector_load %arg6[%get3A_1275, %get3A_1276, %get3A_1277] {strides = array<i32>} : memref<4x256x64xf32, #tpu.memory_space<vmem>>, vector<1x1x16xf32>,
        %get3A_1279 = vector.shape_cast %get3A_1278 : vector<1x1x16xf32> to vector<16xf32>
        %mul3A_1280 = arith.constant 8.000000e+00 : f32
        %mul3A_1281 = vector.broadcast %mul3A_1280 : f32 to vector<16xf32>
        %mul3A_1282 = arith.mulf %get3A_1279, %mul3A_1281 : vector<16xf32>
        %add3A_1283 = arith.constant 0 : i32
        %add3A_1284 = arith.addi %mul3A_1212, %add3A_1283 : i32
        %swap3A_1285 = arith.constant 1 : i32
        %swap3A_1286 = arith.index_cast %swap3A_1285 : i32 to index
        %swap3A_1287 = arith.index_cast %add3A_1284 : i32 to index
        %swap3A_1288 = arith.constant 48 : index
        %swap3A_1289 = tpu.vector_load %arg6[%swap3A_1286, %swap3A_1287, %swap3A_1288] {strides = array<i32>} : memref<4x256x64xf32, #tpu.memory_space<vmem>>, vector<1x1x16xf32>,
        %swap3A_1290 = vector.shape_cast %swap3A_1289 : vector<1x1x16xf32> to vector<16xf32>
        %swap3A_1291 = vector.shape_cast %mul3A_1282 : vector<16xf32> to vector<1x1x16xf32>
        tpu.vector_store %arg6[%swap3A_1286, %swap3A_1287, %swap3A_1288], %swap3A_1291 {strides = array<i32>} : memref<4x256x64xf32, #tpu.memory_space<vmem>>, vector<1x1x16xf32>,
        %add3A_1292 = arith.constant 1 : i32
        %add3A_1293 = arith.addi %mul3A_1212, %add3A_1292 : i32
        %get3A_1294 = arith.constant 1 : i32
        %get3A_1295 = arith.index_cast %get3A_1294 : i32 to index
        %get3A_1296 = arith.index_cast %add3A_1293 : i32 to index
        %get3A_1297 = arith.constant 0 : index
        %get3A_1298 = tpu.vector_load %arg6[%get3A_1295, %get3A_1296, %get3A_1297] {strides = array<i32>} : memref<4x256x64xf32, #tpu.memory_space<vmem>>, vector<1x1x16xf32>,
        %get3A_1299 = vector.shape_cast %get3A_1298 : vector<1x1x16xf32> to vector<16xf32>
        %mul3A_1300 = arith.constant 8.000000e+00 : f32
        %mul3A_1301 = vector.broadcast %mul3A_1300 : f32 to vector<16xf32>
        %mul3A_1302 = arith.mulf %get3A_1299, %mul3A_1301 : vector<16xf32>
        %add3A_1303 = arith.constant 1 : i32
        %add3A_1304 = arith.addi %mul3A_1212, %add3A_1303 : i32
        %swap3A_1305 = arith.constant 1 : i32
        %swap3A_1306 = arith.index_cast %swap3A_1305 : i32 to index
        %swap3A_1307 = arith.index_cast %add3A_1304 : i32 to index
        %swap3A_1308 = arith.constant 0 : index
        %swap3A_1309 = tpu.vector_load %arg6[%swap3A_1306, %swap3A_1307, %swap3A_1308] {strides = array<i32>} : memref<4x256x64xf32, #tpu.memory_space<vmem>>, vector<1x1x16xf32>,
        %swap3A_1310 = vector.shape_cast %swap3A_1309 : vector<1x1x16xf32> to vector<16xf32>
        %swap3A_1311 = vector.shape_cast %mul3A_1302 : vector<16xf32> to vector<1x1x16xf32>
        tpu.vector_store %arg6[%swap3A_1306, %swap3A_1307, %swap3A_1308], %swap3A_1311 {strides = array<i32>} : memref<4x256x64xf32, #tpu.memory_space<vmem>>, vector<1x1x16xf32>,
        %add3A_1312 = arith.constant 1 : i32
        %add3A_1313 = arith.addi %mul3A_1212, %add3A_1312 : i32
        %get3A_1314 = arith.constant 1 : i32
        %get3A_1315 = arith.index_cast %get3A_1314 : i32 to index
        %get3A_1316 = arith.index_cast %add3A_1313 : i32 to index
        %get3A_1317 = arith.constant 16 : index
        %get3A_1318 = tpu.vector_load %arg6[%get3A_1315, %get3A_1316, %get3A_1317] {strides = array<i32>} : memref<4x256x64xf32, #tpu.memory_space<vmem>>, vector<1x1x16xf32>,
        %get3A_1319 = vector.shape_cast %get3A_1318 : vector<1x1x16xf32> to vector<16xf32>
        %mul3A_1320 = arith.constant 8.000000e+00 : f32
        %mul3A_1321 = vector.broadcast %mul3A_1320 : f32 to vector<16xf32>
        %mul3A_1322 = arith.mulf %get3A_1319, %mul3A_1321 : vector<16xf32>
        %add3A_1323 = arith.constant 1 : i32
        %add3A_1324 = arith.addi %mul3A_1212, %add3A_1323 : i32
        %swap3A_1325 = arith.constant 1 : i32
        %swap3A_1326 = arith.index_cast %swap3A_1325 : i32 to index
        %swap3A_1327 = arith.index_cast %add3A_1324 : i32 to index
        %swap3A_1328 = arith.constant 16 : index
        %swap3A_1329 = tpu.vector_load %arg6[%swap3A_1326, %swap3A_1327, %swap3A_1328] {strides = array<i32>} : memref<4x256x64xf32, #tpu.memory_space<vmem>>, vector<1x1x16xf32>,
        %swap3A_1330 = vector.shape_cast %swap3A_1329 : vector<1x1x16xf32> to vector<16xf32>
        %swap3A_1331 = vector.shape_cast %mul3A_1322 : vector<16xf32> to vector<1x1x16xf32>
        tpu.vector_store %arg6[%swap3A_1326, %swap3A_1327, %swap3A_1328], %swap3A_1331 {strides = array<i32>} : memref<4x256x64xf32, #tpu.memory_space<vmem>>, vector<1x1x16xf32>,
        %add3A_1332 = arith.constant 1 : i32
        %add3A_1333 = arith.addi %mul3A_1212, %add3A_1332 : i32
        %get3A_1334 = arith.constant 1 : i32
        %get3A_1335 = arith.index_cast %get3A_1334 : i32 to index
        %get3A_1336 = arith.index_cast %add3A_1333 : i32 to index
        %get3A_1337 = arith.constant 32 : index
        %get3A_1338 = tpu.vector_load %arg6[%get3A_1335, %get3A_1336, %get3A_1337] {strides = array<i32>} : memref<4x256x64xf32, #tpu.memory_space<vmem>>, vector<1x1x16xf32>,
        %get3A_1339 = vector.shape_cast %get3A_1338 : vector<1x1x16xf32> to vector<16xf32>
        %mul3A_1340 = arith.constant 8.000000e+00 : f32
        %mul3A_1341 = vector.broadcast %mul3A_1340 : f32 to vector<16xf32>
        %mul3A_1342 = arith.mulf %get3A_1339, %mul3A_1341 : vector<16xf32>
        %add3A_1343 = arith.constant 1 : i32
        %add3A_1344 = arith.addi %mul3A_1212, %add3A_1343 : i32
        %swap3A_1345 = arith.constant 1 : i32
        %swap3A_1346 = arith.index_cast %swap3A_1345 : i32 to index
        %swap3A_1347 = arith.index_cast %add3A_1344 : i32 to index
        %swap3A_1348 = arith.constant 32 : index
        %swap3A_1349 = tpu.vector_load %arg6[%swap3A_1346, %swap3A_1347, %swap3A_1348] {strides = array<i32>} : memref<4x256x64xf32, #tpu.memory_space<vmem>>, vector<1x1x16xf32>,
        %swap3A_1350 = vector.shape_cast %swap3A_1349 : vector<1x1x16xf32> to vector<16xf32>
        %swap3A_1351 = vector.shape_cast %mul3A_1342 : vector<16xf32> to vector<1x1x16xf32>
        tpu.vector_store %arg6[%swap3A_1346, %swap3A_1347, %swap3A_1348], %swap3A_1351 {strides = array<i32>} : memref<4x256x64xf32, #tpu.memory_space<vmem>>, vector<1x1x16xf32>,
        %add3A_1352 = arith.constant 1 : i32
        %add3A_1353 = arith.addi %mul3A_1212, %add3A_1352 : i32
        %get3A_1354 = arith.constant 1 : i32
        %get3A_1355 = arith.index_cast %get3A_1354 : i32 to index
        %get3A_1356 = arith.index_cast %add3A_1353 : i32 to index
        %get3A_1357 = arith.constant 48 : index
        %get3A_1358 = tpu.vector_load %arg6[%get3A_1355, %get3A_1356, %get3A_1357] {strides = array<i32>} : memref<4x256x64xf32, #tpu.memory_space<vmem>>, vector<1x1x16xf32>,
        %get3A_1359 = vector.shape_cast %get3A_1358 : vector<1x1x16xf32> to vector<16xf32>
        %mul3A_1360 = arith.constant 8.000000e+00 : f32
        %mul3A_1361 = vector.broadcast %mul3A_1360 : f32 to vector<16xf32>
        %mul3A_1362 = arith.mulf %get3A_1359, %mul3A_1361 : vector<16xf32>
        %add3A_1363 = arith.constant 1 : i32
        %add3A_1364 = arith.addi %mul3A_1212, %add3A_1363 : i32
        %swap3A_1365 = arith.constant 1 : i32
        %swap3A_1366 = arith.index_cast %swap3A_1365 : i32 to index
        %swap3A_1367 = arith.index_cast %add3A_1364 : i32 to index
        %swap3A_1368 = arith.constant 48 : index
        %swap3A_1369 = tpu.vector_load %arg6[%swap3A_1366, %swap3A_1367, %swap3A_1368] {strides = array<i32>} : memref<4x256x64xf32, #tpu.memory_space<vmem>>, vector<1x1x16xf32>,
        %swap3A_1370 = vector.shape_cast %swap3A_1369 : vector<1x1x16xf32> to vector<16xf32>
        %swap3A_1371 = vector.shape_cast %mul3A_1362 : vector<16xf32> to vector<1x1x16xf32>
        tpu.vector_store %arg6[%swap3A_1366, %swap3A_1367, %swap3A_1368], %swap3A_1371 {strides = array<i32>} : memref<4x256x64xf32, #tpu.memory_space<vmem>>, vector<1x1x16xf32>,
        %add3A_1372 = arith.constant 2 : i32
        %add3A_1373 = arith.addi %mul3A_1212, %add3A_1372 : i32
        %get3A_1374 = arith.constant 1 : i32
        %get3A_1375 = arith.index_cast %get3A_1374 : i32 to index
        %get3A_1376 = arith.index_cast %add3A_1373 : i32 to index
        %get3A_1377 = arith.constant 0 : index
        %get3A_1378 = tpu.vector_load %arg6[%get3A_1375, %get3A_1376, %get3A_1377] {strides = array<i32>} : memref<4x256x64xf32, #tpu.memory_space<vmem>>, vector<1x1x16xf32>,
        %get3A_1379 = vector.shape_cast %get3A_1378 : vector<1x1x16xf32> to vector<16xf32>
        %mul3A_1380 = arith.constant 8.000000e+00 : f32
        %mul3A_1381 = vector.broadcast %mul3A_1380 : f32 to vector<16xf32>
        %mul3A_1382 = arith.mulf %get3A_1379, %mul3A_1381 : vector<16xf32>
        %add3A_1383 = arith.constant 2 : i32
        %add3A_1384 = arith.addi %mul3A_1212, %add3A_1383 : i32
        %swap3A_1385 = arith.constant 1 : i32
        %swap3A_1386 = arith.index_cast %swap3A_1385 : i32 to index
        %swap3A_1387 = arith.index_cast %add3A_1384 : i32 to index
        %swap3A_1388 = arith.constant 0 : index
        %swap3A_1389 = tpu.vector_load %arg6[%swap3A_1386, %swap3A_1387, %swap3A_1388] {strides = array<i32>} : memref<4x256x64xf32, #tpu.memory_space<vmem>>, vector<1x1x16xf32>,
        %swap3A_1390 = vector.shape_cast %swap3A_1389 : vector<1x1x16xf32> to vector<16xf32>
        %swap3A_1391 = vector.shape_cast %mul3A_1382 : vector<16xf32> to vector<1x1x16xf32>
        tpu.vector_store %arg6[%swap3A_1386, %swap3A_1387, %swap3A_1388], %swap3A_1391 {strides = array<i32>} : memref<4x256x64xf32, #tpu.memory_space<vmem>>, vector<1x1x16xf32>,
        %add3A_1392 = arith.constant 2 : i32
        %add3A_1393 = arith.addi %mul3A_1212, %add3A_1392 : i32
        %get3A_1394 = arith.constant 1 : i32
        %get3A_1395 = arith.index_cast %get3A_1394 : i32 to index
        %get3A_1396 = arith.index_cast %add3A_1393 : i32 to index
        %get3A_1397 = arith.constant 16 : index
        %get3A_1398 = tpu.vector_load %arg6[%get3A_1395, %get3A_1396, %get3A_1397] {strides = array<i32>} : memref<4x256x64xf32, #tpu.memory_space<vmem>>, vector<1x1x16xf32>,
        %get3A_1399 = vector.shape_cast %get3A_1398 : vector<1x1x16xf32> to vector<16xf32>
        %mul3A_1400 = arith.constant 8.000000e+00 : f32
        %mul3A_1401 = vector.broadcast %mul3A_1400 : f32 to vector<16xf32>
        %mul3A_1402 = arith.mulf %get3A_1399, %mul3A_1401 : vector<16xf32>
        %add3A_1403 = arith.constant 2 : i32
        %add3A_1404 = arith.addi %mul3A_1212, %add3A_1403 : i32
        %swap3A_1405 = arith.constant 1 : i32
        %swap3A_1406 = arith.index_cast %swap3A_1405 : i32 to index
        %swap3A_1407 = arith.index_cast %add3A_1404 : i32 to index
        %swap3A_1408 = arith.constant 16 : index
        %swap3A_1409 = tpu.vector_load %arg6[%swap3A_1406, %swap3A_1407, %swap3A_1408] {strides = array<i32>} : memref<4x256x64xf32, #tpu.memory_space<vmem>>, vector<1x1x16xf32>,
        %swap3A_1410 = vector.shape_cast %swap3A_1409 : vector<1x1x16xf32> to vector<16xf32>
        %swap3A_1411 = vector.shape_cast %mul3A_1402 : vector<16xf32> to vector<1x1x16xf32>
        tpu.vector_store %arg6[%swap3A_1406, %swap3A_1407, %swap3A_1408], %swap3A_1411 {strides = array<i32>} : memref<4x256x64xf32, #tpu.memory_space<vmem>>, vector<1x1x16xf32>,
        %add3A_1412 = arith.constant 2 : i32
        %add3A_1413 = arith.addi %mul3A_1212, %add3A_1412 : i32
        %get3A_1414 = arith.constant 1 : i32
        %get3A_1415 = arith.index_cast %get3A_1414 : i32 to index
        %get3A_1416 = arith.index_cast %add3A_1413 : i32 to index
        %get3A_1417 = arith.constant 32 : index
        %get3A_1418 = tpu.vector_load %arg6[%get3A_1415, %get3A_1416, %get3A_1417] {strides = array<i32>} : memref<4x256x64xf32, #tpu.memory_space<vmem>>, vector<1x1x16xf32>,
        %get3A_1419 = vector.shape_cast %get3A_1418 : vector<1x1x16xf32> to vector<16xf32>
        %mul3A_1420 = arith.constant 8.000000e+00 : f32
        %mul3A_1421 = vector.broadcast %mul3A_1420 : f32 to vector<16xf32>
        %mul3A_1422 = arith.mulf %get3A_1419, %mul3A_1421 : vector<16xf32>
        %add3A_1423 = arith.constant 2 : i32
        %add3A_1424 = arith.addi %mul3A_1212, %add3A_1423 : i32
        %swap3A_1425 = arith.constant 1 : i32
        %swap3A_1426 = arith.index_cast %swap3A_1425 : i32 to index
        %swap3A_1427 = arith.index_cast %add3A_1424 : i32 to index
        %swap3A_1428 = arith.constant 32 : index
        %swap3A_1429 = tpu.vector_load %arg6[%swap3A_1426, %swap3A_1427, %swap3A_1428] {strides = array<i32>} : memref<4x256x64xf32, #tpu.memory_space<vmem>>, vector<1x1x16xf32>,
        %swap3A_1430 = vector.shape_cast %swap3A_1429 : vector<1x1x16xf32> to vector<16xf32>
        %swap3A_1431 = vector.shape_cast %mul3A_1422 : vector<16xf32> to vector<1x1x16xf32>
        tpu.vector_store %arg6[%swap3A_1426, %swap3A_1427, %swap3A_1428], %swap3A_1431 {strides = array<i32>} : memref<4x256x64xf32, #tpu.memory_space<vmem>>, vector<1x1x16xf32>,
        %add3A_1432 = arith.constant 2 : i32
        %add3A_1433 = arith.addi %mul3A_1212, %add3A_1432 : i32
        %get3A_1434 = arith.constant 1 : i32
        %get3A_1435 = arith.index_cast %get3A_1434 : i32 to index
        %get3A_1436 = arith.index_cast %add3A_1433 : i32 to index
        %get3A_1437 = arith.constant 48 : index
        %get3A_1438 = tpu.vector_load %arg6[%get3A_1435, %get3A_1436, %get3A_1437] {strides = array<i32>} : memref<4x256x64xf32, #tpu.memory_space<vmem>>, vector<1x1x16xf32>,
        %get3A_1439 = vector.shape_cast %get3A_1438 : vector<1x1x16xf32> to vector<16xf32>
        %mul3A_1440 = arith.constant 8.000000e+00 : f32
        %mul3A_1441 = vector.broadcast %mul3A_1440 : f32 to vector<16xf32>
        %mul3A_1442 = arith.mulf %get3A_1439, %mul3A_1441 : vector<16xf32>
        %add3A_1443 = arith.constant 2 : i32
        %add3A_1444 = arith.addi %mul3A_1212, %add3A_1443 : i32
        %swap3A_1445 = arith.constant 1 : i32
        %swap3A_1446 = arith.index_cast %swap3A_1445 : i32 to index
        %swap3A_1447 = arith.index_cast %add3A_1444 : i32 to index
        %swap3A_1448 = arith.constant 48 : index
        %swap3A_1449 = tpu.vector_load %arg6[%swap3A_1446, %swap3A_1447, %swap3A_1448] {strides = array<i32>} : memref<4x256x64xf32, #tpu.memory_space<vmem>>, vector<1x1x16xf32>,
        %swap3A_1450 = vector.shape_cast %swap3A_1449 : vector<1x1x16xf32> to vector<16xf32>
        %swap3A_1451 = vector.shape_cast %mul3A_1442 : vector<16xf32> to vector<1x1x16xf32>
        tpu.vector_store %arg6[%swap3A_1446, %swap3A_1447, %swap3A_1448], %swap3A_1451 {strides = array<i32>} : memref<4x256x64xf32, #tpu.memory_space<vmem>>, vector<1x1x16xf32>,
        %add3A_1452 = arith.constant 3 : i32
        %add3A_1453 = arith.addi %mul3A_1212, %add3A_1452 : i32
        %get3A_1454 = arith.constant 1 : i32
        %get3A_1455 = arith.index_cast %get3A_1454 : i32 to index
        %get3A_1456 = arith.index_cast %add3A_1453 : i32 to index
        %get3A_1457 = arith.constant 0 : index
        %get3A_1458 = tpu.vector_load %arg6[%get3A_1455, %get3A_1456, %get3A_1457] {strides = array<i32>} : memref<4x256x64xf32, #tpu.memory_space<vmem>>, vector<1x1x16xf32>,
        %get3A_1459 = vector.shape_cast %get3A_1458 : vector<1x1x16xf32> to vector<16xf32>
        %mul3A_1460 = arith.constant 8.000000e+00 : f32
        %mul3A_1461 = vector.broadcast %mul3A_1460 : f32 to vector<16xf32>
        %mul3A_1462 = arith.mulf %get3A_1459, %mul3A_1461 : vector<16xf32>
        %add3A_1463 = arith.constant 3 : i32
        %add3A_1464 = arith.addi %mul3A_1212, %add3A_1463 : i32
        %swap3A_1465 = arith.constant 1 : i32
        %swap3A_1466 = arith.index_cast %swap3A_1465 : i32 to index
        %swap3A_1467 = arith.index_cast %add3A_1464 : i32 to index
        %swap3A_1468 = arith.constant 0 : index
        %swap3A_1469 = tpu.vector_load %arg6[%swap3A_1466, %swap3A_1467, %swap3A_1468] {strides = array<i32>} : memref<4x256x64xf32, #tpu.memory_space<vmem>>, vector<1x1x16xf32>,
        %swap3A_1470 = vector.shape_cast %swap3A_1469 : vector<1x1x16xf32> to vector<16xf32>
        %swap3A_1471 = vector.shape_cast %mul3A_1462 : vector<16xf32> to vector<1x1x16xf32>
        tpu.vector_store %arg6[%swap3A_1466, %swap3A_1467, %swap3A_1468], %swap3A_1471 {strides = array<i32>} : memref<4x256x64xf32, #tpu.memory_space<vmem>>, vector<1x1x16xf32>,
        %add3A_1472 = arith.constant 3 : i32
        %add3A_1473 = arith.addi %mul3A_1212, %add3A_1472 : i32
        %get3A_1474 = arith.constant 1 : i32
        %get3A_1475 = arith.index_cast %get3A_1474 : i32 to index
        %get3A_1476 = arith.index_cast %add3A_1473 : i32 to index
        %get3A_1477 = arith.constant 16 : index
        %get3A_1478 = tpu.vector_load %arg6[%get3A_1475, %get3A_1476, %get3A_1477] {strides = array<i32>} : memref<4x256x64xf32, #tpu.memory_space<vmem>>, vector<1x1x16xf32>,
        %get3A_1479 = vector.shape_cast %get3A_1478 : vector<1x1x16xf32> to vector<16xf32>
        %mul3A_1480 = arith.constant 8.000000e+00 : f32
        %mul3A_1481 = vector.broadcast %mul3A_1480 : f32 to vector<16xf32>
        %mul3A_1482 = arith.mulf %get3A_1479, %mul3A_1481 : vector<16xf32>
        %add3A_1483 = arith.constant 3 : i32
        %add3A_1484 = arith.addi %mul3A_1212, %add3A_1483 : i32
        %swap3A_1485 = arith.constant 1 : i32
        %swap3A_1486 = arith.index_cast %swap3A_1485 : i32 to index
        %swap3A_1487 = arith.index_cast %add3A_1484 : i32 to index
        %swap3A_1488 = arith.constant 16 : index
        %swap3A_1489 = tpu.vector_load %arg6[%swap3A_1486, %swap3A_1487, %swap3A_1488] {strides = array<i32>} : memref<4x256x64xf32, #tpu.memory_space<vmem>>, vector<1x1x16xf32>,
        %swap3A_1490 = vector.shape_cast %swap3A_1489 : vector<1x1x16xf32> to vector<16xf32>
        %swap3A_1491 = vector.shape_cast %mul3A_1482 : vector<16xf32> to vector<1x1x16xf32>
        tpu.vector_store %arg6[%swap3A_1486, %swap3A_1487, %swap3A_1488], %swap3A_1491 {strides = array<i32>} : memref<4x256x64xf32, #tpu.memory_space<vmem>>, vector<1x1x16xf32>,
        %add3A_1492 = arith.constant 3 : i32
        %add3A_1493 = arith.addi %mul3A_1212, %add3A_1492 : i32
        %get3A_1494 = arith.constant 1 : i32
        %get3A_1495 = arith.index_cast %get3A_1494 : i32 to index
        %get3A_1496 = arith.index_cast %add3A_1493 : i32 to index
        %get3A_1497 = arith.constant 32 : index
        %get3A_1498 = tpu.vector_load %arg6[%get3A_1495, %get3A_1496, %get3A_1497] {strides = array<i32>} : memref<4x256x64xf32, #tpu.memory_space<vmem>>, vector<1x1x16xf32>,
        %get3A_1499 = vector.shape_cast %get3A_1498 : vector<1x1x16xf32> to vector<16xf32>
        %mul3A_1500 = arith.constant 8.000000e+00 : f32
        %mul3A_1501 = vector.broadcast %mul3A_1500 : f32 to vector<16xf32>
        %mul3A_1502 = arith.mulf %get3A_1499, %mul3A_1501 : vector<16xf32>
        %add3A_1503 = arith.constant 3 : i32
        %add3A_1504 = arith.addi %mul3A_1212, %add3A_1503 : i32
        %swap3A_1505 = arith.constant 1 : i32
        %swap3A_1506 = arith.index_cast %swap3A_1505 : i32 to index
        %swap3A_1507 = arith.index_cast %add3A_1504 : i32 to index
        %swap3A_1508 = arith.constant 32 : index
        %swap3A_1509 = tpu.vector_load %arg6[%swap3A_1506, %swap3A_1507, %swap3A_1508] {strides = array<i32>} : memref<4x256x64xf32, #tpu.memory_space<vmem>>, vector<1x1x16xf32>,
        %swap3A_1510 = vector.shape_cast %swap3A_1509 : vector<1x1x16xf32> to vector<16xf32>
        %swap3A_1511 = vector.shape_cast %mul3A_1502 : vector<16xf32> to vector<1x1x16xf32>
        tpu.vector_store %arg6[%swap3A_1506, %swap3A_1507, %swap3A_1508], %swap3A_1511 {strides = array<i32>} : memref<4x256x64xf32, #tpu.memory_space<vmem>>, vector<1x1x16xf32>,
        %add3A_1512 = arith.constant 3 : i32
        %add3A_1513 = arith.addi %mul3A_1212, %add3A_1512 : i32
        %get3A_1514 = arith.constant 1 : i32
        %get3A_1515 = arith.index_cast %get3A_1514 : i32 to index
        %get3A_1516 = arith.index_cast %add3A_1513 : i32 to index
        %get3A_1517 = arith.constant 48 : index
        %get3A_1518 = tpu.vector_load %arg6[%get3A_1515, %get3A_1516, %get3A_1517] {strides = array<i32>} : memref<4x256x64xf32, #tpu.memory_space<vmem>>, vector<1x1x16xf32>,
        %get3A_1519 = vector.shape_cast %get3A_1518 : vector<1x1x16xf32> to vector<16xf32>
        %mul3A_1520 = arith.constant 8.000000e+00 : f32
        %mul3A_1521 = vector.broadcast %mul3A_1520 : f32 to vector<16xf32>
        %mul3A_1522 = arith.mulf %get3A_1519, %mul3A_1521 : vector<16xf32>
        %add3A_1523 = arith.constant 3 : i32
        %add3A_1524 = arith.addi %mul3A_1212, %add3A_1523 : i32
        %swap3A_1525 = arith.constant 1 : i32
        %swap3A_1526 = arith.index_cast %swap3A_1525 : i32 to index
        %swap3A_1527 = arith.index_cast %add3A_1524 : i32 to index
        %swap3A_1528 = arith.constant 48 : index
        %swap3A_1529 = tpu.vector_load %arg6[%swap3A_1526, %swap3A_1527, %swap3A_1528] {strides = array<i32>} : memref<4x256x64xf32, #tpu.memory_space<vmem>>, vector<1x1x16xf32>,
        %swap3A_1530 = vector.shape_cast %swap3A_1529 : vector<1x1x16xf32> to vector<16xf32>
        %swap3A_1531 = vector.shape_cast %mul3A_1522 : vector<16xf32> to vector<1x1x16xf32>
        tpu.vector_store %arg6[%swap3A_1526, %swap3A_1527, %swap3A_1528], %swap3A_1531 {strides = array<i32>} : memref<4x256x64xf32, #tpu.memory_space<vmem>>, vector<1x1x16xf32>,
        %add3A_1532 = arith.constant 4 : i32
        %add3A_1533 = arith.addi %mul3A_1212, %add3A_1532 : i32
        %get3A_1534 = arith.constant 1 : i32
        %get3A_1535 = arith.index_cast %get3A_1534 : i32 to index
        %get3A_1536 = arith.index_cast %add3A_1533 : i32 to index
        %get3A_1537 = arith.constant 0 : index
        %get3A_1538 = tpu.vector_load %arg6[%get3A_1535, %get3A_1536, %get3A_1537] {strides = array<i32>} : memref<4x256x64xf32, #tpu.memory_space<vmem>>, vector<1x1x16xf32>,
        %get3A_1539 = vector.shape_cast %get3A_1538 : vector<1x1x16xf32> to vector<16xf32>
        %mul3A_1540 = arith.constant 8.000000e+00 : f32
        %mul3A_1541 = vector.broadcast %mul3A_1540 : f32 to vector<16xf32>
        %mul3A_1542 = arith.mulf %get3A_1539, %mul3A_1541 : vector<16xf32>
        %add3A_1543 = arith.constant 4 : i32
        %add3A_1544 = arith.addi %mul3A_1212, %add3A_1543 : i32
        %swap3A_1545 = arith.constant 1 : i32
        %swap3A_1546 = arith.index_cast %swap3A_1545 : i32 to index
        %swap3A_1547 = arith.index_cast %add3A_1544 : i32 to index
        %swap3A_1548 = arith.constant 0 : index
        %swap3A_1549 = tpu.vector_load %arg6[%swap3A_1546, %swap3A_1547, %swap3A_1548] {strides = array<i32>} : memref<4x256x64xf32, #tpu.memory_space<vmem>>, vector<1x1x16xf32>,
        %swap3A_1550 = vector.shape_cast %swap3A_1549 : vector<1x1x16xf32> to vector<16xf32>
        %swap3A_1551 = vector.shape_cast %mul3A_1542 : vector<16xf32> to vector<1x1x16xf32>
        tpu.vector_store %arg6[%swap3A_1546, %swap3A_1547, %swap3A_1548], %swap3A_1551 {strides = array<i32>} : memref<4x256x64xf32, #tpu.memory_space<vmem>>, vector<1x1x16xf32>,
        %add3A_1552 = arith.constant 4 : i32
        %add3A_1553 = arith.addi %mul3A_1212, %add3A_1552 : i32
        %get3A_1554 = arith.constant 1 : i32
        %get3A_1555 = arith.index_cast %get3A_1554 : i32 to index
        %get3A_1556 = arith.index_cast %add3A_1553 : i32 to index
        %get3A_1557 = arith.constant 16 : index
        %get3A_1558 = tpu.vector_load %arg6[%get3A_1555, %get3A_1556, %get3A_1557] {strides = array<i32>} : memref<4x256x64xf32, #tpu.memory_space<vmem>>, vector<1x1x16xf32>,
        %get3A_1559 = vector.shape_cast %get3A_1558 : vector<1x1x16xf32> to vector<16xf32>
        %mul3A_1560 = arith.constant 8.000000e+00 : f32
        %mul3A_1561 = vector.broadcast %mul3A_1560 : f32 to vector<16xf32>
        %mul3A_1562 = arith.mulf %get3A_1559, %mul3A_1561 : vector<16xf32>
        %add3A_1563 = arith.constant 4 : i32
        %add3A_1564 = arith.addi %mul3A_1212, %add3A_1563 : i32
        %swap3A_1565 = arith.constant 1 : i32
        %swap3A_1566 = arith.index_cast %swap3A_1565 : i32 to index
        %swap3A_1567 = arith.index_cast %add3A_1564 : i32 to index
        %swap3A_1568 = arith.constant 16 : index
        %swap3A_1569 = tpu.vector_load %arg6[%swap3A_1566, %swap3A_1567, %swap3A_1568] {strides = array<i32>} : memref<4x256x64xf32, #tpu.memory_space<vmem>>, vector<1x1x16xf32>,
        %swap3A_1570 = vector.shape_cast %swap3A_1569 : vector<1x1x16xf32> to vector<16xf32>
        %swap3A_1571 = vector.shape_cast %mul3A_1562 : vector<16xf32> to vector<1x1x16xf32>
        tpu.vector_store %arg6[%swap3A_1566, %swap3A_1567, %swap3A_1568], %swap3A_1571 {strides = array<i32>} : memref<4x256x64xf32, #tpu.memory_space<vmem>>, vector<1x1x16xf32>,
        %add3A_1572 = arith.constant 4 : i32
        %add3A_1573 = arith.addi %mul3A_1212, %add3A_1572 : i32
        %get3A_1574 = arith.constant 1 : i32
        %get3A_1575 = arith.index_cast %get3A_1574 : i32 to index
        %get3A_1576 = arith.index_cast %add3A_1573 : i32 to index
        %get3A_1577 = arith.constant 32 : index
        %get3A_1578 = tpu.vector_load %arg6[%get3A_1575, %get3A_1576, %get3A_1577] {strides = array<i32>} : memref<4x256x64xf32, #tpu.memory_space<vmem>>, vector<1x1x16xf32>,
        %get3A_1579 = vector.shape_cast %get3A_1578 : vector<1x1x16xf32> to vector<16xf32>
        %mul3A_1580 = arith.constant 8.000000e+00 : f32
        %mul3A_1581 = vector.broadcast %mul3A_1580 : f32 to vector<16xf32>
        %mul3A_1582 = arith.mulf %get3A_1579, %mul3A_1581 : vector<16xf32>
        %add3A_1583 = arith.constant 4 : i32
        %add3A_1584 = arith.addi %mul3A_1212, %add3A_1583 : i32
        %swap3A_1585 = arith.constant 1 : i32
        %swap3A_1586 = arith.index_cast %swap3A_1585 : i32 to index
        %swap3A_1587 = arith.index_cast %add3A_1584 : i32 to index
        %swap3A_1588 = arith.constant 32 : index
        %swap3A_1589 = tpu.vector_load %arg6[%swap3A_1586, %swap3A_1587, %swap3A_1588] {strides = array<i32>} : memref<4x256x64xf32, #tpu.memory_space<vmem>>, vector<1x1x16xf32>,
        %swap3A_1590 = vector.shape_cast %swap3A_1589 : vector<1x1x16xf32> to vector<16xf32>
        %swap3A_1591 = vector.shape_cast %mul3A_1582 : vector<16xf32> to vector<1x1x16xf32>
        tpu.vector_store %arg6[%swap3A_1586, %swap3A_1587, %swap3A_1588], %swap3A_1591 {strides = array<i32>} : memref<4x256x64xf32, #tpu.memory_space<vmem>>, vector<1x1x16xf32>,
        %add3A_1592 = arith.constant 4 : i32
        %add3A_1593 = arith.addi %mul3A_1212, %add3A_1592 : i32
        %get3A_1594 = arith.constant 1 : i32
        %get3A_1595 = arith.index_cast %get3A_1594 : i32 to index
        %get3A_1596 = arith.index_cast %add3A_1593 : i32 to index
        %get3A_1597 = arith.constant 48 : index
        %get3A_1598 = tpu.vector_load %arg6[%get3A_1595, %get3A_1596, %get3A_1597] {strides = array<i32>} : memref<4x256x64xf32, #tpu.memory_space<vmem>>, vector<1x1x16xf32>,
        %get3A_1599 = vector.shape_cast %get3A_1598 : vector<1x1x16xf32> to vector<16xf32>
        %mul3A_1600 = arith.constant 8.000000e+00 : f32
        %mul3A_1601 = vector.broadcast %mul3A_1600 : f32 to vector<16xf32>
        %mul3A_1602 = arith.mulf %get3A_1599, %mul3A_1601 : vector<16xf32>
        %add3A_1603 = arith.constant 4 : i32
        %add3A_1604 = arith.addi %mul3A_1212, %add3A_1603 : i32
        %swap3A_1605 = arith.constant 1 : i32
        %swap3A_1606 = arith.index_cast %swap3A_1605 : i32 to index
        %swap3A_1607 = arith.index_cast %add3A_1604 : i32 to index
        %swap3A_1608 = arith.constant 48 : index
        %swap3A_1609 = tpu.vector_load %arg6[%swap3A_1606, %swap3A_1607, %swap3A_1608] {strides = array<i32>} : memref<4x256x64xf32, #tpu.memory_space<vmem>>, vector<1x1x16xf32>,
        %swap3A_1610 = vector.shape_cast %swap3A_1609 : vector<1x1x16xf32> to vector<16xf32>
        %swap3A_1611 = vector.shape_cast %mul3A_1602 : vector<16xf32> to vector<1x1x16xf32>
        tpu.vector_store %arg6[%swap3A_1606, %swap3A_1607, %swap3A_1608], %swap3A_1611 {strides = array<i32>} : memref<4x256x64xf32, #tpu.memory_space<vmem>>, vector<1x1x16xf32>,
        %add3A_1612 = arith.constant 5 : i32
        %add3A_1613 = arith.addi %mul3A_1212, %add3A_1612 : i32
        %get3A_1614 = arith.constant 1 : i32
        %get3A_1615 = arith.index_cast %get3A_1614 : i32 to index
        %get3A_1616 = arith.index_cast %add3A_1613 : i32 to index
        %get3A_1617 = arith.constant 0 : index
        %get3A_1618 = tpu.vector_load %arg6[%get3A_1615, %get3A_1616, %get3A_1617] {strides = array<i32>} : memref<4x256x64xf32, #tpu.memory_space<vmem>>, vector<1x1x16xf32>,
        %get3A_1619 = vector.shape_cast %get3A_1618 : vector<1x1x16xf32> to vector<16xf32>
        %mul3A_1620 = arith.constant 8.000000e+00 : f32
        %mul3A_1621 = vector.broadcast %mul3A_1620 : f32 to vector<16xf32>
        %mul3A_1622 = arith.mulf %get3A_1619, %mul3A_1621 : vector<16xf32>
        %add3A_1623 = arith.constant 5 : i32
        %add3A_1624 = arith.addi %mul3A_1212, %add3A_1623 : i32
        %swap3A_1625 = arith.constant 1 : i32
        %swap3A_1626 = arith.index_cast %swap3A_1625 : i32 to index
        %swap3A_1627 = arith.index_cast %add3A_1624 : i32 to index
        %swap3A_1628 = arith.constant 0 : index
        %swap3A_1629 = tpu.vector_load %arg6[%swap3A_1626, %swap3A_1627, %swap3A_1628] {strides = array<i32>} : memref<4x256x64xf32, #tpu.memory_space<vmem>>, vector<1x1x16xf32>,
        %swap3A_1630 = vector.shape_cast %swap3A_1629 : vector<1x1x16xf32> to vector<16xf32>
        %swap3A_1631 = vector.shape_cast %mul3A_1622 : vector<16xf32> to vector<1x1x16xf32>
        tpu.vector_store %arg6[%swap3A_1626, %swap3A_1627, %swap3A_1628], %swap3A_1631 {strides = array<i32>} : memref<4x256x64xf32, #tpu.memory_space<vmem>>, vector<1x1x16xf32>,
        %add3A_1632 = arith.constant 5 : i32
        %add3A_1633 = arith.addi %mul3A_1212, %add3A_1632 : i32
        %get3A_1634 = arith.constant 1 : i32
        %get3A_1635 = arith.index_cast %get3A_1634 : i32 to index
        %get3A_1636 = arith.index_cast %add3A_1633 : i32 to index
        %get3A_1637 = arith.constant 16 : index
        %get3A_1638 = tpu.vector_load %arg6[%get3A_1635, %get3A_1636, %get3A_1637] {strides = array<i32>} : memref<4x256x64xf32, #tpu.memory_space<vmem>>, vector<1x1x16xf32>,
        %get3A_1639 = vector.shape_cast %get3A_1638 : vector<1x1x16xf32> to vector<16xf32>
        %mul3A_1640 = arith.constant 8.000000e+00 : f32
        %mul3A_1641 = vector.broadcast %mul3A_1640 : f32 to vector<16xf32>
        %mul3A_1642 = arith.mulf %get3A_1639, %mul3A_1641 : vector<16xf32>
        %add3A_1643 = arith.constant 5 : i32
        %add3A_1644 = arith.addi %mul3A_1212, %add3A_1643 : i32
        %swap3A_1645 = arith.constant 1 : i32
        %swap3A_1646 = arith.index_cast %swap3A_1645 : i32 to index
        %swap3A_1647 = arith.index_cast %add3A_1644 : i32 to index
        %swap3A_1648 = arith.constant 16 : index
        %swap3A_1649 = tpu.vector_load %arg6[%swap3A_1646, %swap3A_1647, %swap3A_1648] {strides = array<i32>} : memref<4x256x64xf32, #tpu.memory_space<vmem>>, vector<1x1x16xf32>,
        %swap3A_1650 = vector.shape_cast %swap3A_1649 : vector<1x1x16xf32> to vector<16xf32>
        %swap3A_1651 = vector.shape_cast %mul3A_1642 : vector<16xf32> to vector<1x1x16xf32>
        tpu.vector_store %arg6[%swap3A_1646, %swap3A_1647, %swap3A_1648], %swap3A_1651 {strides = array<i32>} : memref<4x256x64xf32, #tpu.memory_space<vmem>>, vector<1x1x16xf32>,
        %add3A_1652 = arith.constant 5 : i32
        %add3A_1653 = arith.addi %mul3A_1212, %add3A_1652 : i32
        %get3A_1654 = arith.constant 1 : i32
        %get3A_1655 = arith.index_cast %get3A_1654 : i32 to index
        %get3A_1656 = arith.index_cast %add3A_1653 : i32 to index
        %get3A_1657 = arith.constant 32 : index
        %get3A_1658 = tpu.vector_load %arg6[%get3A_1655, %get3A_1656, %get3A_1657] {strides = array<i32>} : memref<4x256x64xf32, #tpu.memory_space<vmem>>, vector<1x1x16xf32>,
        %get3A_1659 = vector.shape_cast %get3A_1658 : vector<1x1x16xf32> to vector<16xf32>
        %mul3A_1660 = arith.constant 8.000000e+00 : f32
        %mul3A_1661 = vector.broadcast %mul3A_1660 : f32 to vector<16xf32>
        %mul3A_1662 = arith.mulf %get3A_1659, %mul3A_1661 : vector<16xf32>
        %add3A_1663 = arith.constant 5 : i32
        %add3A_1664 = arith.addi %mul3A_1212, %add3A_1663 : i32
        %swap3A_1665 = arith.constant 1 : i32
        %swap3A_1666 = arith.index_cast %swap3A_1665 : i32 to index
        %swap3A_1667 = arith.index_cast %add3A_1664 : i32 to index
        %swap3A_1668 = arith.constant 32 : index
        %swap3A_1669 = tpu.vector_load %arg6[%swap3A_1666, %swap3A_1667, %swap3A_1668] {strides = array<i32>} : memref<4x256x64xf32, #tpu.memory_space<vmem>>, vector<1x1x16xf32>,
        %swap3A_1670 = vector.shape_cast %swap3A_1669 : vector<1x1x16xf32> to vector<16xf32>
        %swap3A_1671 = vector.shape_cast %mul3A_1662 : vector<16xf32> to vector<1x1x16xf32>
        tpu.vector_store %arg6[%swap3A_1666, %swap3A_1667, %swap3A_1668], %swap3A_1671 {strides = array<i32>} : memref<4x256x64xf32, #tpu.memory_space<vmem>>, vector<1x1x16xf32>,
        %add3A_1672 = arith.constant 5 : i32
        %add3A_1673 = arith.addi %mul3A_1212, %add3A_1672 : i32
        %get3A_1674 = arith.constant 1 : i32
        %get3A_1675 = arith.index_cast %get3A_1674 : i32 to index
        %get3A_1676 = arith.index_cast %add3A_1673 : i32 to index
        %get3A_1677 = arith.constant 48 : index
        %get3A_1678 = tpu.vector_load %arg6[%get3A_1675, %get3A_1676, %get3A_1677] {strides = array<i32>} : memref<4x256x64xf32, #tpu.memory_space<vmem>>, vector<1x1x16xf32>,
        %get3A_1679 = vector.shape_cast %get3A_1678 : vector<1x1x16xf32> to vector<16xf32>
        %mul3A_1680 = arith.constant 8.000000e+00 : f32
        %mul3A_1681 = vector.broadcast %mul3A_1680 : f32 to vector<16xf32>
        %mul3A_1682 = arith.mulf %get3A_1679, %mul3A_1681 : vector<16xf32>
        %add3A_1683 = arith.constant 5 : i32
        %add3A_1684 = arith.addi %mul3A_1212, %add3A_1683 : i32
        %swap3A_1685 = arith.constant 1 : i32
        %swap3A_1686 = arith.index_cast %swap3A_1685 : i32 to index
        %swap3A_1687 = arith.index_cast %add3A_1684 : i32 to index
        %swap3A_1688 = arith.constant 48 : index
        %swap3A_1689 = tpu.vector_load %arg6[%swap3A_1686, %swap3A_1687, %swap3A_1688] {strides = array<i32>} : memref<4x256x64xf32, #tpu.memory_space<vmem>>, vector<1x1x16xf32>,
        %swap3A_1690 = vector.shape_cast %swap3A_1689 : vector<1x1x16xf32> to vector<16xf32>
        %swap3A_1691 = vector.shape_cast %mul3A_1682 : vector<16xf32> to vector<1x1x16xf32>
        tpu.vector_store %arg6[%swap3A_1686, %swap3A_1687, %swap3A_1688], %swap3A_1691 {strides = array<i32>} : memref<4x256x64xf32, #tpu.memory_space<vmem>>, vector<1x1x16xf32>,
        %add3A_1692 = arith.constant 6 : i32
        %add3A_1693 = arith.addi %mul3A_1212, %add3A_1692 : i32
        %get3A_1694 = arith.constant 1 : i32
        %get3A_1695 = arith.index_cast %get3A_1694 : i32 to index
        %get3A_1696 = arith.index_cast %add3A_1693 : i32 to index
        %get3A_1697 = arith.constant 0 : index
        %get3A_1698 = tpu.vector_load %arg6[%get3A_1695, %get3A_1696, %get3A_1697] {strides = array<i32>} : memref<4x256x64xf32, #tpu.memory_space<vmem>>, vector<1x1x16xf32>,
        %get3A_1699 = vector.shape_cast %get3A_1698 : vector<1x1x16xf32> to vector<16xf32>
        %mul3A_1700 = arith.constant 8.000000e+00 : f32
        %mul3A_1701 = vector.broadcast %mul3A_1700 : f32 to vector<16xf32>
        %mul3A_1702 = arith.mulf %get3A_1699, %mul3A_1701 : vector<16xf32>
        %add3A_1703 = arith.constant 6 : i32
        %add3A_1704 = arith.addi %mul3A_1212, %add3A_1703 : i32
        %swap3A_1705 = arith.constant 1 : i32
        %swap3A_1706 = arith.index_cast %swap3A_1705 : i32 to index
        %swap3A_1707 = arith.index_cast %add3A_1704 : i32 to index
        %swap3A_1708 = arith.constant 0 : index
        %swap3A_1709 = tpu.vector_load %arg6[%swap3A_1706, %swap3A_1707, %swap3A_1708] {strides = array<i32>} : memref<4x256x64xf32, #tpu.memory_space<vmem>>, vector<1x1x16xf32>,
        %swap3A_1710 = vector.shape_cast %swap3A_1709 : vector<1x1x16xf32> to vector<16xf32>
        %swap3A_1711 = vector.shape_cast %mul3A_1702 : vector<16xf32> to vector<1x1x16xf32>
        tpu.vector_store %arg6[%swap3A_1706, %swap3A_1707, %swap3A_1708], %swap3A_1711 {strides = array<i32>} : memref<4x256x64xf32, #tpu.memory_space<vmem>>, vector<1x1x16xf32>,
        %add3A_1712 = arith.constant 6 : i32
        %add3A_1713 = arith.addi %mul3A_1212, %add3A_1712 : i32
        %get3A_1714 = arith.constant 1 : i32
        %get3A_1715 = arith.index_cast %get3A_1714 : i32 to index
        %get3A_1716 = arith.index_cast %add3A_1713 : i32 to index
        %get3A_1717 = arith.constant 16 : index
        %get3A_1718 = tpu.vector_load %arg6[%get3A_1715, %get3A_1716, %get3A_1717] {strides = array<i32>} : memref<4x256x64xf32, #tpu.memory_space<vmem>>, vector<1x1x16xf32>,
        %get3A_1719 = vector.shape_cast %get3A_1718 : vector<1x1x16xf32> to vector<16xf32>
        %mul3A_1720 = arith.constant 8.000000e+00 : f32
        %mul3A_1721 = vector.broadcast %mul3A_1720 : f32 to vector<16xf32>
        %mul3A_1722 = arith.mulf %get3A_1719, %mul3A_1721 : vector<16xf32>
        %add3A_1723 = arith.constant 6 : i32
        %add3A_1724 = arith.addi %mul3A_1212, %add3A_1723 : i32
        %swap3A_1725 = arith.constant 1 : i32
        %swap3A_1726 = arith.index_cast %swap3A_1725 : i32 to index
        %swap3A_1727 = arith.index_cast %add3A_1724 : i32 to index
        %swap3A_1728 = arith.constant 16 : index
        %swap3A_1729 = tpu.vector_load %arg6[%swap3A_1726, %swap3A_1727, %swap3A_1728] {strides = array<i32>} : memref<4x256x64xf32, #tpu.memory_space<vmem>>, vector<1x1x16xf32>,
        %swap3A_1730 = vector.shape_cast %swap3A_1729 : vector<1x1x16xf32> to vector<16xf32>
        %swap3A_1731 = vector.shape_cast %mul3A_1722 : vector<16xf32> to vector<1x1x16xf32>
        tpu.vector_store %arg6[%swap3A_1726, %swap3A_1727, %swap3A_1728], %swap3A_1731 {strides = array<i32>} : memref<4x256x64xf32, #tpu.memory_space<vmem>>, vector<1x1x16xf32>,
        %add3A_1732 = arith.constant 6 : i32
        %add3A_1733 = arith.addi %mul3A_1212, %add3A_1732 : i32
        %get3A_1734 = arith.constant 1 : i32
        %get3A_1735 = arith.index_cast %get3A_1734 : i32 to index
        %get3A_1736 = arith.index_cast %add3A_1733 : i32 to index
        %get3A_1737 = arith.constant 32 : index
        %get3A_1738 = tpu.vector_load %arg6[%get3A_1735, %get3A_1736, %get3A_1737] {strides = array<i32>} : memref<4x256x64xf32, #tpu.memory_space<vmem>>, vector<1x1x16xf32>,
        %get3A_1739 = vector.shape_cast %get3A_1738 : vector<1x1x16xf32> to vector<16xf32>
        %mul3A_1740 = arith.constant 8.000000e+00 : f32
        %mul3A_1741 = vector.broadcast %mul3A_1740 : f32 to vector<16xf32>
        %mul3A_1742 = arith.mulf %get3A_1739, %mul3A_1741 : vector<16xf32>
        %add3A_1743 = arith.constant 6 : i32
        %add3A_1744 = arith.addi %mul3A_1212, %add3A_1743 : i32
        %swap3A_1745 = arith.constant 1 : i32
        %swap3A_1746 = arith.index_cast %swap3A_1745 : i32 to index
        %swap3A_1747 = arith.index_cast %add3A_1744 : i32 to index
        %swap3A_1748 = arith.constant 32 : index
        %swap3A_1749 = tpu.vector_load %arg6[%swap3A_1746, %swap3A_1747, %swap3A_1748] {strides = array<i32>} : memref<4x256x64xf32, #tpu.memory_space<vmem>>, vector<1x1x16xf32>,
        %swap3A_1750 = vector.shape_cast %swap3A_1749 : vector<1x1x16xf32> to vector<16xf32>
        %swap3A_1751 = vector.shape_cast %mul3A_1742 : vector<16xf32> to vector<1x1x16xf32>
        tpu.vector_store %arg6[%swap3A_1746, %swap3A_1747, %swap3A_1748], %swap3A_1751 {strides = array<i32>} : memref<4x256x64xf32, #tpu.memory_space<vmem>>, vector<1x1x16xf32>,
        %add3A_1752 = arith.constant 6 : i32
        %add3A_1753 = arith.addi %mul3A_1212, %add3A_1752 : i32
        %get3A_1754 = arith.constant 1 : i32
        %get3A_1755 = arith.index_cast %get3A_1754 : i32 to index
        %get3A_1756 = arith.index_cast %add3A_1753 : i32 to index
        %get3A_1757 = arith.constant 48 : index
        %get3A_1758 = tpu.vector_load %arg6[%get3A_1755, %get3A_1756, %get3A_1757] {strides = array<i32>} : memref<4x256x64xf32, #tpu.memory_space<vmem>>, vector<1x1x16xf32>,
        %get3A_1759 = vector.shape_cast %get3A_1758 : vector<1x1x16xf32> to vector<16xf32>
        %mul3A_1760 = arith.constant 8.000000e+00 : f32
        %mul3A_1761 = vector.broadcast %mul3A_1760 : f32 to vector<16xf32>
        %mul3A_1762 = arith.mulf %get3A_1759, %mul3A_1761 : vector<16xf32>
        %add3A_1763 = arith.constant 6 : i32
        %add3A_1764 = arith.addi %mul3A_1212, %add3A_1763 : i32
        %swap3A_1765 = arith.constant 1 : i32
        %swap3A_1766 = arith.index_cast %swap3A_1765 : i32 to index
        %swap3A_1767 = arith.index_cast %add3A_1764 : i32 to index
        %swap3A_1768 = arith.constant 48 : index
        %swap3A_1769 = tpu.vector_load %arg6[%swap3A_1766, %swap3A_1767, %swap3A_1768] {strides = array<i32>} : memref<4x256x64xf32, #tpu.memory_space<vmem>>, vector<1x1x16xf32>,
        %swap3A_1770 = vector.shape_cast %swap3A_1769 : vector<1x1x16xf32> to vector<16xf32>
        %swap3A_1771 = vector.shape_cast %mul3A_1762 : vector<16xf32> to vector<1x1x16xf32>
        tpu.vector_store %arg6[%swap3A_1766, %swap3A_1767, %swap3A_1768], %swap3A_1771 {strides = array<i32>} : memref<4x256x64xf32, #tpu.memory_space<vmem>>, vector<1x1x16xf32>,
        %add3A_1772 = arith.constant 7 : i32
        %add3A_1773 = arith.addi %mul3A_1212, %add3A_1772 : i32
        %get3A_1774 = arith.constant 1 : i32
        %get3A_1775 = arith.index_cast %get3A_1774 : i32 to index
        %get3A_1776 = arith.index_cast %add3A_1773 : i32 to index
        %get3A_1777 = arith.constant 0 : index
        %get3A_1778 = tpu.vector_load %arg6[%get3A_1775, %get3A_1776, %get3A_1777] {strides = array<i32>} : memref<4x256x64xf32, #tpu.memory_space<vmem>>, vector<1x1x16xf32>,
        %get3A_1779 = vector.shape_cast %get3A_1778 : vector<1x1x16xf32> to vector<16xf32>
        %mul3A_1780 = arith.constant 8.000000e+00 : f32
        %mul3A_1781 = vector.broadcast %mul3A_1780 : f32 to vector<16xf32>
        %mul3A_1782 = arith.mulf %get3A_1779, %mul3A_1781 : vector<16xf32>
        %add3A_1783 = arith.constant 7 : i32
        %add3A_1784 = arith.addi %mul3A_1212, %add3A_1783 : i32
        %swap3A_1785 = arith.constant 1 : i32
        %swap3A_1786 = arith.index_cast %swap3A_1785 : i32 to index
        %swap3A_1787 = arith.index_cast %add3A_1784 : i32 to index
        %swap3A_1788 = arith.constant 0 : index
        %swap3A_1789 = tpu.vector_load %arg6[%swap3A_1786, %swap3A_1787, %swap3A_1788] {strides = array<i32>} : memref<4x256x64xf32, #tpu.memory_space<vmem>>, vector<1x1x16xf32>,
        %swap3A_1790 = vector.shape_cast %swap3A_1789 : vector<1x1x16xf32> to vector<16xf32>
        %swap3A_1791 = vector.shape_cast %mul3A_1782 : vector<16xf32> to vector<1x1x16xf32>
        tpu.vector_store %arg6[%swap3A_1786, %swap3A_1787, %swap3A_1788], %swap3A_1791 {strides = array<i32>} : memref<4x256x64xf32, #tpu.memory_space<vmem>>, vector<1x1x16xf32>,
        %add3A_1792 = arith.constant 7 : i32
        %add3A_1793 = arith.addi %mul3A_1212, %add3A_1792 : i32
        %get3A_1794 = arith.constant 1 : i32
        %get3A_1795 = arith.index_cast %get3A_1794 : i32 to index
        %get3A_1796 = arith.index_cast %add3A_1793 : i32 to index
        %get3A_1797 = arith.constant 16 : index
        %get3A_1798 = tpu.vector_load %arg6[%get3A_1795, %get3A_1796, %get3A_1797] {strides = array<i32>} : memref<4x256x64xf32, #tpu.memory_space<vmem>>, vector<1x1x16xf32>,
        %get3A_1799 = vector.shape_cast %get3A_1798 : vector<1x1x16xf32> to vector<16xf32>
        %mul3A_1800 = arith.constant 8.000000e+00 : f32
        %mul3A_1801 = vector.broadcast %mul3A_1800 : f32 to vector<16xf32>
        %mul3A_1802 = arith.mulf %get3A_1799, %mul3A_1801 : vector<16xf32>
        %add3A_1803 = arith.constant 7 : i32
        %add3A_1804 = arith.addi %mul3A_1212, %add3A_1803 : i32
        %swap3A_1805 = arith.constant 1 : i32
        %swap3A_1806 = arith.index_cast %swap3A_1805 : i32 to index
        %swap3A_1807 = arith.index_cast %add3A_1804 : i32 to index
        %swap3A_1808 = arith.constant 16 : index
        %swap3A_1809 = tpu.vector_load %arg6[%swap3A_1806, %swap3A_1807, %swap3A_1808] {strides = array<i32>} : memref<4x256x64xf32, #tpu.memory_space<vmem>>, vector<1x1x16xf32>,
        %swap3A_1810 = vector.shape_cast %swap3A_1809 : vector<1x1x16xf32> to vector<16xf32>
        %swap3A_1811 = vector.shape_cast %mul3A_1802 : vector<16xf32> to vector<1x1x16xf32>
        tpu.vector_store %arg6[%swap3A_1806, %swap3A_1807, %swap3A_1808], %swap3A_1811 {strides = array<i32>} : memref<4x256x64xf32, #tpu.memory_space<vmem>>, vector<1x1x16xf32>,
        %add3A_1812 = arith.constant 7 : i32
        %add3A_1813 = arith.addi %mul3A_1212, %add3A_1812 : i32
        %get3A_1814 = arith.constant 1 : i32
        %get3A_1815 = arith.index_cast %get3A_1814 : i32 to index
        %get3A_1816 = arith.index_cast %add3A_1813 : i32 to index
        %get3A_1817 = arith.constant 32 : index
        %get3A_1818 = tpu.vector_load %arg6[%get3A_1815, %get3A_1816, %get3A_1817] {strides = array<i32>} : memref<4x256x64xf32, #tpu.memory_space<vmem>>, vector<1x1x16xf32>,
        %get3A_1819 = vector.shape_cast %get3A_1818 : vector<1x1x16xf32> to vector<16xf32>
        %mul3A_1820 = arith.constant 8.000000e+00 : f32
        %mul3A_1821 = vector.broadcast %mul3A_1820 : f32 to vector<16xf32>
        %mul3A_1822 = arith.mulf %get3A_1819, %mul3A_1821 : vector<16xf32>
        %add3A_1823 = arith.constant 7 : i32
        %add3A_1824 = arith.addi %mul3A_1212, %add3A_1823 : i32
        %swap3A_1825 = arith.constant 1 : i32
        %swap3A_1826 = arith.index_cast %swap3A_1825 : i32 to index
        %swap3A_1827 = arith.index_cast %add3A_1824 : i32 to index
        %swap3A_1828 = arith.constant 32 : index
        %swap3A_1829 = tpu.vector_load %arg6[%swap3A_1826, %swap3A_1827, %swap3A_1828] {strides = array<i32>} : memref<4x256x64xf32, #tpu.memory_space<vmem>>, vector<1x1x16xf32>,
        %swap3A_1830 = vector.shape_cast %swap3A_1829 : vector<1x1x16xf32> to vector<16xf32>
        %swap3A_1831 = vector.shape_cast %mul3A_1822 : vector<16xf32> to vector<1x1x16xf32>
        tpu.vector_store %arg6[%swap3A_1826, %swap3A_1827, %swap3A_1828], %swap3A_1831 {strides = array<i32>} : memref<4x256x64xf32, #tpu.memory_space<vmem>>, vector<1x1x16xf32>,
        %add3A_1832 = arith.constant 7 : i32
        %add3A_1833 = arith.addi %mul3A_1212, %add3A_1832 : i32
        %get3A_1834 = arith.constant 1 : i32
        %get3A_1835 = arith.index_cast %get3A_1834 : i32 to index
        %get3A_1836 = arith.index_cast %add3A_1833 : i32 to index
        %get3A_1837 = arith.constant 48 : index
        %get3A_1838 = tpu.vector_load %arg6[%get3A_1835, %get3A_1836, %get3A_1837] {strides = array<i32>} : memref<4x256x64xf32, #tpu.memory_space<vmem>>, vector<1x1x16xf32>,
        %get3A_1839 = vector.shape_cast %get3A_1838 : vector<1x1x16xf32> to vector<16xf32>
        %mul3A_1840 = arith.constant 8.000000e+00 : f32
        %mul3A_1841 = vector.broadcast %mul3A_1840 : f32 to vector<16xf32>
        %mul3A_1842 = arith.mulf %get3A_1839, %mul3A_1841 : vector<16xf32>
        %add3A_1843 = arith.constant 7 : i32
        %add3A_1844 = arith.addi %mul3A_1212, %add3A_1843 : i32
        %swap3A_1845 = arith.constant 1 : i32
        %swap3A_1846 = arith.index_cast %swap3A_1845 : i32 to index
        %swap3A_1847 = arith.index_cast %add3A_1844 : i32 to index
        %swap3A_1848 = arith.constant 48 : index
        %swap3A_1849 = tpu.vector_load %arg6[%swap3A_1846, %swap3A_1847, %swap3A_1848] {strides = array<i32>} : memref<4x256x64xf32, #tpu.memory_space<vmem>>, vector<1x1x16xf32>,
        %swap3A_1850 = vector.shape_cast %swap3A_1849 : vector<1x1x16xf32> to vector<16xf32>
        %swap3A_1851 = vector.shape_cast %mul3A_1842 : vector<16xf32> to vector<1x1x16xf32>
        tpu.vector_store %arg6[%swap3A_1846, %swap3A_1847, %swap3A_1848], %swap3A_1851 {strides = array<i32>} : memref<4x256x64xf32, #tpu.memory_space<vmem>>, vector<1x1x16xf32>,
      }
      %scan3A_1076 = arith.constant 32 : i32
      %dma_start3A_1077 = arith.constant 1 : i32
      %dma_start3A_1078 = arith.constant 1 : i32
      %dma_start3A_1079 = arith.constant 0 : i32
      %dma_start3A_1080 = arith.constant 0 : i32
      %dma_start3A_1081 = tpu.memref_slice %arg6[%dma_start3A_1077, %dma_start3A_1079, %dma_start3A_1080] : memref<4x256x64xf32, #tpu.memory_space<vmem>> -> memref<1x256x64xf32, #tpu.memory_space<vmem>>
      %dma_start3A_1082 = tpu.memref_squeeze %dma_start3A_1081 : memref<1x256x64xf32, #tpu.memory_space<vmem>> -> memref<256x64xf32, #tpu.memory_space<vmem>>
      %dma_start3A_1083 = arith.constant 0 : i32
      %dma_start3A_1084 = tpu.memref_slice %arg7[%dma_start3A_1078, %dma_start3A_1083] : memref<4x256xi32, #tpu.memory_space<vmem>> -> memref<1x256xi32, #tpu.memory_space<vmem>>
      %dma_start3A_1085 = tpu.memref_squeeze %dma_start3A_1084 : memref<1x256xi32, #tpu.memory_space<vmem>> -> memref<256xi32, #tpu.memory_space<vmem>>
      %dma_start3A_1086 = arith.constant 0 : i32
      %dma_start3A_1087 = arith.constant 0 : i32
      %dma_start3A_1088 = tpu.memref_slice %arg4[%dma_start3A_1086, %dma_start3A_1087] : memref<819200x64xf32, #tpu.memory_space<hbm>> -> memref<819200x64xf32, #tpu.memory_space<hbm>>
      tpu.enqueue_indirect_dma source(%dma_start3A_1082 : memref<256x64xf32, #tpu.memory_space<vmem>>) target(%dma_start3A_1088 : memref<819200x64xf32, #tpu.memory_space<hbm>>) offsets(%dma_start3A_1085 : memref<256xi32, #tpu.memory_space<vmem>>) semaphore(%arg13 : memref<!tpu.dma_semaphore, #tpu.memory_space<semaphore_mem>>)
      %add3A_1089 = arith.constant 4 : i32
      %add3A_1090 = arith.addi %add3A_1042, %add3A_1089 : i32
      %lt3A_1091 = arith.constant 100 : i32
      %lt3A_1092 = arith.cmpi slt, %add3A_1090, %lt3A_1091 : i32
      %convert_element_type3A_1093 = arith.extui %lt3A_1092 : i1 to i32
      %cond3A_1094 = arith.constant 0 : i32
      %cond3A_1095 = arith.cmpi ne, %convert_element_type3A_1093, %cond3A_1094 : i32
      scf.if %cond3A_1095 {
        %dma_wait3A_1210 = arith.constant 1 : i32
        %dma_wait3A_1211 = arith.constant 1 : i32
        %dma_wait3A_1212 = arith.constant 0 : i32
        %dma_wait3A_1213 = arith.constant 0 : i32
        %dma_wait3A_1214 = tpu.memref_slice %arg6[%dma_wait3A_1210, %dma_wait3A_1212, %dma_wait3A_1213] : memref<4x256x64xf32, #tpu.memory_space<vmem>> -> memref<1x256x64xf32, #tpu.memory_space<vmem>>
        %dma_wait3A_1215 = tpu.memref_squeeze %dma_wait3A_1214 : memref<1x256x64xf32, #tpu.memory_space<vmem>> -> memref<256x64xf32, #tpu.memory_space<vmem>>
        %dma_wait3A_1216 = arith.constant 0 : i32
        %dma_wait3A_1217 = tpu.memref_slice %arg7[%dma_wait3A_1211, %dma_wait3A_1216] : memref<4x256xi32, #tpu.memory_space<vmem>> -> memref<1x256xi32, #tpu.memory_space<vmem>>
        %dma_wait3A_1218 = tpu.memref_squeeze %dma_wait3A_1217 : memref<1x256xi32, #tpu.memory_space<vmem>> -> memref<256xi32, #tpu.memory_space<vmem>>
        %dma_wait3A_1219 = arith.constant 0 : i32
        %dma_wait3A_1220 = arith.constant 0 : i32
        %dma_wait3A_1221 = tpu.memref_slice %arg4[%dma_wait3A_1219, %dma_wait3A_1220] : memref<819200x64xf32, #tpu.memory_space<hbm>> -> memref<819200x64xf32, #tpu.memory_space<hbm>>
        tpu.wait_indirect_dma semaphore(%arg13 : memref<!tpu.dma_semaphore, #tpu.memory_space<semaphore_mem>>) src(%dma_wait3A_1215 : memref<256x64xf32, #tpu.memory_space<vmem>>) dst(%dma_wait3A_1221 : memref<819200x64xf32, #tpu.memory_space<hbm>>)
        %add3A_1222 = arith.constant 4 : i32
        %add3A_1223 = arith.addi %add3A_1042, %add3A_1222 : i32
        %mul3A_1224 = arith.constant 2 : i32
        %mul3A_1225 = arith.muli %mul3A_1224, %add3A_1223 : i32
        %dma_start3A_1226 = arith.constant 1 : i32
        %dma_start3A_1227 = arith.constant 0 : i32
        %dma_start3A_1228 = arith.constant 0 : i32
        %dma_start3A_1229 = tpu.memref_slice %arg6[%dma_start3A_1226, %dma_start3A_1227, %dma_start3A_1228] : memref<4x256x64xf32, #tpu.memory_space<vmem>> -> memref<1x128x64xf32, #tpu.memory_space<vmem>>
        %dma_start3A_1230 = tpu.memref_squeeze %dma_start3A_1229 : memref<1x128x64xf32, #tpu.memory_space<vmem>> -> memref<128x64xf32, #tpu.memory_space<vmem>>
        %dma_start3A_1231 = arith.constant 0 : i32
        %dma_start3A_1232 = tpu.memref_slice %arg5[%mul3A_1225, %dma_start3A_1231] : memref<200x128xi32, #tpu.memory_space<vmem>> -> memref<1x128xi32, #tpu.memory_space<vmem>>
        %dma_start3A_1233 = tpu.memref_squeeze %dma_start3A_1232 : memref<1x128xi32, #tpu.memory_space<vmem>> -> memref<128xi32, #tpu.memory_space<vmem>>
        %dma_start3A_1234 = arith.constant 0 : i32
        %dma_start3A_1235 = arith.constant 0 : i32
        %dma_start3A_1236 = tpu.memref_slice %arg3[%dma_start3A_1234, %dma_start3A_1235] : memref<1000000x64xf32, #tpu.memory_space<hbm>> -> memref<1000000x64xf32, #tpu.memory_space<hbm>>
        tpu.enqueue_indirect_dma source(%dma_start3A_1236 : memref<1000000x64xf32, #tpu.memory_space<hbm>>) target(%dma_start3A_1230 : memref<128x64xf32, #tpu.memory_space<vmem>>) offsets(%dma_start3A_1233 : memref<128xi32, #tpu.memory_space<vmem>>) semaphore(%arg9 : memref<!tpu.dma_semaphore, #tpu.memory_space<semaphore_mem>>)
        %mul3A_1237 = arith.constant 2 : i32
        %mul3A_1238 = arith.muli %mul3A_1237, %add3A_1223 : i32
        %add3A_1239 = arith.constant 1 : i32
        %add3A_1240 = arith.addi %mul3A_1238, %add3A_1239 : i32
        %dma_start3A_1241 = arith.constant 1 : i32
        %dma_start3A_1242 = arith.constant 128 : i32
        %dma_start3A_1243 = arith.constant 0 : i32
        %dma_start3A_1244 = tpu.memref_slice %arg6[%dma_start3A_1241, %dma_start3A_1242, %dma_start3A_1243] : memref<4x256x64xf32, #tpu.memory_space<vmem>> -> memref<1x128x64xf32, #tpu.memory_space<vmem>>
        %dma_start3A_1245 = tpu.memref_squeeze %dma_start3A_1244 : memref<1x128x64xf32, #tpu.memory_space<vmem>> -> memref<128x64xf32, #tpu.memory_space<vmem>>
        %dma_start3A_1246 = arith.constant 0 : i32
        %dma_start3A_1247 = tpu.memref_slice %arg5[%add3A_1240, %dma_start3A_1246] : memref<200x128xi32, #tpu.memory_space<vmem>> -> memref<1x128xi32, #tpu.memory_space<vmem>>
        %dma_start3A_1248 = tpu.memref_squeeze %dma_start3A_1247 : memref<1x128xi32, #tpu.memory_space<vmem>> -> memref<128xi32, #tpu.memory_space<vmem>>
        %dma_start3A_1249 = arith.constant 0 : i32
        %dma_start3A_1250 = arith.constant 0 : i32
        %dma_start3A_1251 = tpu.memref_slice %arg3[%dma_start3A_1249, %dma_start3A_1250] : memref<1000000x64xf32, #tpu.memory_space<hbm>> -> memref<1000000x64xf32, #tpu.memory_space<hbm>>
        tpu.enqueue_indirect_dma source(%dma_start3A_1251 : memref<1000000x64xf32, #tpu.memory_space<hbm>>) target(%dma_start3A_1245 : memref<128x64xf32, #tpu.memory_space<vmem>>) offsets(%dma_start3A_1248 : memref<128xi32, #tpu.memory_space<vmem>>) semaphore(%arg9 : memref<!tpu.dma_semaphore, #tpu.memory_space<semaphore_mem>>)
        %add3A_1252 = arith.constant 0 : i32
        %add3A_1253 = arith.addi %mul3A_2, %add3A_1252 : i32
        %mul3A_1254 = arith.constant 200 : i32
        %mul3A_1255 = arith.muli %add3A_1253, %mul3A_1254 : i32
        %mul3A_1256 = arith.constant 2 : i32
        %mul3A_1257 = arith.muli %mul3A_1256, %add3A_1223 : i32
        %add3A_1258 = arith.addi %mul3A_1255, %mul3A_1257 : i32
        %add3A_1259 = vector.broadcast %add3A_1258 : i32 to vector<16xi32>
        %add3A_1260 = arith.addi %mul3A_5, %add3A_1259 : vector<16xi32>
        %swap3A_1261 = arith.constant 1 : i32
        %swap3A_1262 = arith.index_cast %swap3A_1261 : i32 to index
        %swap3A_1263 = arith.constant 0 : index
        %swap3A_1264 = tpu.vector_load %arg7[%swap3A_1262, %swap3A_1263] {strides = array<i32>} : memref<4x256xi32, #tpu.memory_space<vmem>>, vector<1x16xi32>,
        %swap3A_1265 = vector.shape_cast %swap3A_1264 : vector<1x16xi32> to vector<16xi32>
        %swap3A_1266 = vector.shape_cast %add3A_1260 : vector<16xi32> to vector<1x16xi32>
        tpu.vector_store %arg7[%swap3A_1262, %swap3A_1263], %swap3A_1266 {strides = array<i32>} : memref<4x256xi32, #tpu.memory_space<vmem>>, vector<1x16xi32>,
        %mul3A_1267 = arith.constant 2 : i32
        %mul3A_1268 = arith.muli %mul3A_1267, %add3A_1223 : i32
        %add3A_1269 = arith.addi %mul3A_1255, %mul3A_1268 : i32
        %add3A_1270 = arith.constant 1 : i32
        %add3A_1271 = arith.addi %add3A_1269, %add3A_1270 : i32
        %add3A_1272 = vector.broadcast %add3A_1271 : i32 to vector<16xi32>
        %add3A_1273 = arith.addi %mul3A_5, %add3A_1272 : vector<16xi32>
        %swap3A_1274 = arith.constant 1 : i32
        %swap3A_1275 = arith.index_cast %swap3A_1274 : i32 to index
        %swap3A_1276 = arith.constant 128 : index
        %swap3A_1277 = tpu.vector_load %arg7[%swap3A_1275, %swap3A_1276] {strides = array<i32>} : memref<4x256xi32, #tpu.memory_space<vmem>>, vector<1x16xi32>,
        %swap3A_1278 = vector.shape_cast %swap3A_1277 : vector<1x16xi32> to vector<16xi32>
        %swap3A_1279 = vector.shape_cast %add3A_1273 : vector<16xi32> to vector<1x16xi32>
        tpu.vector_store %arg7[%swap3A_1275, %swap3A_1276], %swap3A_1279 {strides = array<i32>} : memref<4x256xi32, #tpu.memory_space<vmem>>, vector<1x16xi32>,
        %add3A_1280 = arith.constant 16 : i32
        %add3A_1281 = arith.addi %mul3A_2, %add3A_1280 : i32
        %mul3A_1282 = arith.constant 200 : i32
        %mul3A_1283 = arith.muli %add3A_1281, %mul3A_1282 : i32
        %mul3A_1284 = arith.constant 2 : i32
        %mul3A_1285 = arith.muli %mul3A_1284, %add3A_1223 : i32
        %add3A_1286 = arith.addi %mul3A_1283, %mul3A_1285 : i32
        %add3A_1287 = vector.broadcast %add3A_1286 : i32 to vector<16xi32>
        %add3A_1288 = arith.addi %mul3A_5, %add3A_1287 : vector<16xi32>
        %swap3A_1289 = arith.constant 1 : i32
        %swap3A_1290 = arith.index_cast %swap3A_1289 : i32 to index
        %swap3A_1291 = arith.constant 16 : index
        %swap3A_1292 = tpu.vector_load %arg7[%swap3A_1290, %swap3A_1291] {strides = array<i32>} : memref<4x256xi32, #tpu.memory_space<vmem>>, vector<1x16xi32>,
        %swap3A_1293 = vector.shape_cast %swap3A_1292 : vector<1x16xi32> to vector<16xi32>
        %swap3A_1294 = vector.shape_cast %add3A_1288 : vector<16xi32> to vector<1x16xi32>
        tpu.vector_store %arg7[%swap3A_1290, %swap3A_1291], %swap3A_1294 {strides = array<i32>} : memref<4x256xi32, #tpu.memory_space<vmem>>, vector<1x16xi32>,
        %mul3A_1295 = arith.constant 2 : i32
        %mul3A_1296 = arith.muli %mul3A_1295, %add3A_1223 : i32
        %add3A_1297 = arith.addi %mul3A_1283, %mul3A_1296 : i32
        %add3A_1298 = arith.constant 1 : i32
        %add3A_1299 = arith.addi %add3A_1297, %add3A_1298 : i32
        %add3A_1300 = vector.broadcast %add3A_1299 : i32 to vector<16xi32>
        %add3A_1301 = arith.addi %mul3A_5, %add3A_1300 : vector<16xi32>
        %swap3A_1302 = arith.constant 1 : i32
        %swap3A_1303 = arith.index_cast %swap3A_1302 : i32 to index
        %swap3A_1304 = arith.constant 144 : index
        %swap3A_1305 = tpu.vector_load %arg7[%swap3A_1303, %swap3A_1304] {strides = array<i32>} : memref<4x256xi32, #tpu.memory_space<vmem>>, vector<1x16xi32>,
        %swap3A_1306 = vector.shape_cast %swap3A_1305 : vector<1x16xi32> to vector<16xi32>
        %swap3A_1307 = vector.shape_cast %add3A_1301 : vector<16xi32> to vector<1x16xi32>
        tpu.vector_store %arg7[%swap3A_1303, %swap3A_1304], %swap3A_1307 {strides = array<i32>} : memref<4x256xi32, #tpu.memory_space<vmem>>, vector<1x16xi32>,
        %add3A_1308 = arith.constant 32 : i32
        %add3A_1309 = arith.addi %mul3A_2, %add3A_1308 : i32
        %mul3A_1310 = arith.constant 200 : i32
        %mul3A_1311 = arith.muli %add3A_1309, %mul3A_1310 : i32
        %mul3A_1312 = arith.constant 2 : i32
        %mul3A_1313 = arith.muli %mul3A_1312, %add3A_1223 : i32
        %add3A_1314 = arith.addi %mul3A_1311, %mul3A_1313 : i32
        %add3A_1315 = vector.broadcast %add3A_1314 : i32 to vector<16xi32>
        %add3A_1316 = arith.addi %mul3A_5, %add3A_1315 : vector<16xi32>
        %swap3A_1317 = arith.constant 1 : i32
        %swap3A_1318 = arith.index_cast %swap3A_1317 : i32 to index
        %swap3A_1319 = arith.constant 32 : index
        %swap3A_1320 = tpu.vector_load %arg7[%swap3A_1318, %swap3A_1319] {strides = array<i32>} : memref<4x256xi32, #tpu.memory_space<vmem>>, vector<1x16xi32>,
        %swap3A_1321 = vector.shape_cast %swap3A_1320 : vector<1x16xi32> to vector<16xi32>
        %swap3A_1322 = vector.shape_cast %add3A_1316 : vector<16xi32> to vector<1x16xi32>
        tpu.vector_store %arg7[%swap3A_1318, %swap3A_1319], %swap3A_1322 {strides = array<i32>} : memref<4x256xi32, #tpu.memory_space<vmem>>, vector<1x16xi32>,
        %mul3A_1323 = arith.constant 2 : i32
        %mul3A_1324 = arith.muli %mul3A_1323, %add3A_1223 : i32
        %add3A_1325 = arith.addi %mul3A_1311, %mul3A_1324 : i32
        %add3A_1326 = arith.constant 1 : i32
        %add3A_1327 = arith.addi %add3A_1325, %add3A_1326 : i32
        %add3A_1328 = vector.broadcast %add3A_1327 : i32 to vector<16xi32>
        %add3A_1329 = arith.addi %mul3A_5, %add3A_1328 : vector<16xi32>
        %swap3A_1330 = arith.constant 1 : i32
        %swap3A_1331 = arith.index_cast %swap3A_1330 : i32 to index
        %swap3A_1332 = arith.constant 160 : index
        %swap3A_1333 = tpu.vector_load %arg7[%swap3A_1331, %swap3A_1332] {strides = array<i32>} : memref<4x256xi32, #tpu.memory_space<vmem>>, vector<1x16xi32>,
        %swap3A_1334 = vector.shape_cast %swap3A_1333 : vector<1x16xi32> to vector<16xi32>
        %swap3A_1335 = vector.shape_cast %add3A_1329 : vector<16xi32> to vector<1x16xi32>
        tpu.vector_store %arg7[%swap3A_1331, %swap3A_1332], %swap3A_1335 {strides = array<i32>} : memref<4x256xi32, #tpu.memory_space<vmem>>, vector<1x16xi32>,
        %add3A_1336 = arith.constant 48 : i32
        %add3A_1337 = arith.addi %mul3A_2, %add3A_1336 : i32
        %mul3A_1338 = arith.constant 200 : i32
        %mul3A_1339 = arith.muli %add3A_1337, %mul3A_1338 : i32
        %mul3A_1340 = arith.constant 2 : i32
        %mul3A_1341 = arith.muli %mul3A_1340, %add3A_1223 : i32
        %add3A_1342 = arith.addi %mul3A_1339, %mul3A_1341 : i32
        %add3A_1343 = vector.broadcast %add3A_1342 : i32 to vector<16xi32>
        %add3A_1344 = arith.addi %mul3A_5, %add3A_1343 : vector<16xi32>
        %swap3A_1345 = arith.constant 1 : i32
        %swap3A_1346 = arith.index_cast %swap3A_1345 : i32 to index
        %swap3A_1347 = arith.constant 48 : index
        %swap3A_1348 = tpu.vector_load %arg7[%swap3A_1346, %swap3A_1347] {strides = array<i32>} : memref<4x256xi32, #tpu.memory_space<vmem>>, vector<1x16xi32>,
        %swap3A_1349 = vector.shape_cast %swap3A_1348 : vector<1x16xi32> to vector<16xi32>
        %swap3A_1350 = vector.shape_cast %add3A_1344 : vector<16xi32> to vector<1x16xi32>
        tpu.vector_store %arg7[%swap3A_1346, %swap3A_1347], %swap3A_1350 {strides = array<i32>} : memref<4x256xi32, #tpu.memory_space<vmem>>, vector<1x16xi32>,
        %mul3A_1351 = arith.constant 2 : i32
        %mul3A_1352 = arith.muli %mul3A_1351, %add3A_1223 : i32
        %add3A_1353 = arith.addi %mul3A_1339, %mul3A_1352 : i32
        %add3A_1354 = arith.constant 1 : i32
        %add3A_1355 = arith.addi %add3A_1353, %add3A_1354 : i32
        %add3A_1356 = vector.broadcast %add3A_1355 : i32 to vector<16xi32>
        %add3A_1357 = arith.addi %mul3A_5, %add3A_1356 : vector<16xi32>
        %swap3A_1358 = arith.constant 1 : i32
        %swap3A_1359 = arith.index_cast %swap3A_1358 : i32 to index
        %swap3A_1360 = arith.constant 176 : index
        %swap3A_1361 = tpu.vector_load %arg7[%swap3A_1359, %swap3A_1360] {strides = array<i32>} : memref<4x256xi32, #tpu.memory_space<vmem>>, vector<1x16xi32>,
        %swap3A_1362 = vector.shape_cast %swap3A_1361 : vector<1x16xi32> to vector<16xi32>
        %swap3A_1363 = vector.shape_cast %add3A_1357 : vector<16xi32> to vector<1x16xi32>
        tpu.vector_store %arg7[%swap3A_1359, %swap3A_1360], %swap3A_1363 {strides = array<i32>} : memref<4x256xi32, #tpu.memory_space<vmem>>, vector<1x16xi32>,
        %add3A_1364 = arith.constant 64 : i32
        %add3A_1365 = arith.addi %mul3A_2, %add3A_1364 : i32
        %mul3A_1366 = arith.constant 200 : i32
        %mul3A_1367 = arith.muli %add3A_1365, %mul3A_1366 : i32
        %mul3A_1368 = arith.constant 2 : i32
        %mul3A_1369 = arith.muli %mul3A_1368, %add3A_1223 : i32
        %add3A_1370 = arith.addi %mul3A_1367, %mul3A_1369 : i32
        %add3A_1371 = vector.broadcast %add3A_1370 : i32 to vector<16xi32>
        %add3A_1372 = arith.addi %mul3A_5, %add3A_1371 : vector<16xi32>
        %swap3A_1373 = arith.constant 1 : i32
        %swap3A_1374 = arith.index_cast %swap3A_1373 : i32 to index
        %swap3A_1375 = arith.constant 64 : index
        %swap3A_1376 = tpu.vector_load %arg7[%swap3A_1374, %swap3A_1375] {strides = array<i32>} : memref<4x256xi32, #tpu.memory_space<vmem>>, vector<1x16xi32>,
        %swap3A_1377 = vector.shape_cast %swap3A_1376 : vector<1x16xi32> to vector<16xi32>
        %swap3A_1378 = vector.shape_cast %add3A_1372 : vector<16xi32> to vector<1x16xi32>
        tpu.vector_store %arg7[%swap3A_1374, %swap3A_1375], %swap3A_1378 {strides = array<i32>} : memref<4x256xi32, #tpu.memory_space<vmem>>, vector<1x16xi32>,
        %mul3A_1379 = arith.constant 2 : i32
        %mul3A_1380 = arith.muli %mul3A_1379, %add3A_1223 : i32
        %add3A_1381 = arith.addi %mul3A_1367, %mul3A_1380 : i32
        %add3A_1382 = arith.constant 1 : i32
        %add3A_1383 = arith.addi %add3A_1381, %add3A_1382 : i32
        %add3A_1384 = vector.broadcast %add3A_1383 : i32 to vector<16xi32>
        %add3A_1385 = arith.addi %mul3A_5, %add3A_1384 : vector<16xi32>
        %swap3A_1386 = arith.constant 1 : i32
        %swap3A_1387 = arith.index_cast %swap3A_1386 : i32 to index
        %swap3A_1388 = arith.constant 192 : index
        %swap3A_1389 = tpu.vector_load %arg7[%swap3A_1387, %swap3A_1388] {strides = array<i32>} : memref<4x256xi32, #tpu.memory_space<vmem>>, vector<1x16xi32>,
        %swap3A_1390 = vector.shape_cast %swap3A_1389 : vector<1x16xi32> to vector<16xi32>
        %swap3A_1391 = vector.shape_cast %add3A_1385 : vector<16xi32> to vector<1x16xi32>
        tpu.vector_store %arg7[%swap3A_1387, %swap3A_1388], %swap3A_1391 {strides = array<i32>} : memref<4x256xi32, #tpu.memory_space<vmem>>, vector<1x16xi32>,
        %add3A_1392 = arith.constant 80 : i32
        %add3A_1393 = arith.addi %mul3A_2, %add3A_1392 : i32
        %mul3A_1394 = arith.constant 200 : i32
        %mul3A_1395 = arith.muli %add3A_1393, %mul3A_1394 : i32
        %mul3A_1396 = arith.constant 2 : i32
        %mul3A_1397 = arith.muli %mul3A_1396, %add3A_1223 : i32
        %add3A_1398 = arith.addi %mul3A_1395, %mul3A_1397 : i32
        %add3A_1399 = vector.broadcast %add3A_1398 : i32 to vector<16xi32>
        %add3A_1400 = arith.addi %mul3A_5, %add3A_1399 : vector<16xi32>
        %swap3A_1401 = arith.constant 1 : i32
        %swap3A_1402 = arith.index_cast %swap3A_1401 : i32 to index
        %swap3A_1403 = arith.constant 80 : index
        %swap3A_1404 = tpu.vector_load %arg7[%swap3A_1402, %swap3A_1403] {strides = array<i32>} : memref<4x256xi32, #tpu.memory_space<vmem>>, vector<1x16xi32>,
        %swap3A_1405 = vector.shape_cast %swap3A_1404 : vector<1x16xi32> to vector<16xi32>
        %swap3A_1406 = vector.shape_cast %add3A_1400 : vector<16xi32> to vector<1x16xi32>
        tpu.vector_store %arg7[%swap3A_1402, %swap3A_1403], %swap3A_1406 {strides = array<i32>} : memref<4x256xi32, #tpu.memory_space<vmem>>, vector<1x16xi32>,
        %mul3A_1407 = arith.constant 2 : i32
        %mul3A_1408 = arith.muli %mul3A_1407, %add3A_1223 : i32
        %add3A_1409 = arith.addi %mul3A_1395, %mul3A_1408 : i32
        %add3A_1410 = arith.constant 1 : i32
        %add3A_1411 = arith.addi %add3A_1409, %add3A_1410 : i32
        %add3A_1412 = vector.broadcast %add3A_1411 : i32 to vector<16xi32>
        %add3A_1413 = arith.addi %mul3A_5, %add3A_1412 : vector<16xi32>
        %swap3A_1414 = arith.constant 1 : i32
        %swap3A_1415 = arith.index_cast %swap3A_1414 : i32 to index
        %swap3A_1416 = arith.constant 208 : index
        %swap3A_1417 = tpu.vector_load %arg7[%swap3A_1415, %swap3A_1416] {strides = array<i32>} : memref<4x256xi32, #tpu.memory_space<vmem>>, vector<1x16xi32>,
        %swap3A_1418 = vector.shape_cast %swap3A_1417 : vector<1x16xi32> to vector<16xi32>
        %swap3A_1419 = vector.shape_cast %add3A_1413 : vector<16xi32> to vector<1x16xi32>
        tpu.vector_store %arg7[%swap3A_1415, %swap3A_1416], %swap3A_1419 {strides = array<i32>} : memref<4x256xi32, #tpu.memory_space<vmem>>, vector<1x16xi32>,
        %add3A_1420 = arith.constant 96 : i32
        %add3A_1421 = arith.addi %mul3A_2, %add3A_1420 : i32
        %mul3A_1422 = arith.constant 200 : i32
        %mul3A_1423 = arith.muli %add3A_1421, %mul3A_1422 : i32
        %mul3A_1424 = arith.constant 2 : i32
        %mul3A_1425 = arith.muli %mul3A_1424, %add3A_1223 : i32
        %add3A_1426 = arith.addi %mul3A_1423, %mul3A_1425 : i32
        %add3A_1427 = vector.broadcast %add3A_1426 : i32 to vector<16xi32>
        %add3A_1428 = arith.addi %mul3A_5, %add3A_1427 : vector<16xi32>
        %swap3A_1429 = arith.constant 1 : i32
        %swap3A_1430 = arith.index_cast %swap3A_1429 : i32 to index
        %swap3A_1431 = arith.constant 96 : index
        %swap3A_1432 = tpu.vector_load %arg7[%swap3A_1430, %swap3A_1431] {strides = array<i32>} : memref<4x256xi32, #tpu.memory_space<vmem>>, vector<1x16xi32>,
        %swap3A_1433 = vector.shape_cast %swap3A_1432 : vector<1x16xi32> to vector<16xi32>
        %swap3A_1434 = vector.shape_cast %add3A_1428 : vector<16xi32> to vector<1x16xi32>
        tpu.vector_store %arg7[%swap3A_1430, %swap3A_1431], %swap3A_1434 {strides = array<i32>} : memref<4x256xi32, #tpu.memory_space<vmem>>, vector<1x16xi32>,
        %mul3A_1435 = arith.constant 2 : i32
        %mul3A_1436 = arith.muli %mul3A_1435, %add3A_1223 : i32
        %add3A_1437 = arith.addi %mul3A_1423, %mul3A_1436 : i32
        %add3A_1438 = arith.constant 1 : i32
        %add3A_1439 = arith.addi %add3A_1437, %add3A_1438 : i32
        %add3A_1440 = vector.broadcast %add3A_1439 : i32 to vector<16xi32>
        %add3A_1441 = arith.addi %mul3A_5, %add3A_1440 : vector<16xi32>
        %swap3A_1442 = arith.constant 1 : i32
        %swap3A_1443 = arith.index_cast %swap3A_1442 : i32 to index
        %swap3A_1444 = arith.constant 224 : index
        %swap3A_1445 = tpu.vector_load %arg7[%swap3A_1443, %swap3A_1444] {strides = array<i32>} : memref<4x256xi32, #tpu.memory_space<vmem>>, vector<1x16xi32>,
        %swap3A_1446 = vector.shape_cast %swap3A_1445 : vector<1x16xi32> to vector<16xi32>
        %swap3A_1447 = vector.shape_cast %add3A_1441 : vector<16xi32> to vector<1x16xi32>
        tpu.vector_store %arg7[%swap3A_1443, %swap3A_1444], %swap3A_1447 {strides = array<i32>} : memref<4x256xi32, #tpu.memory_space<vmem>>, vector<1x16xi32>,
        %add3A_1448 = arith.constant 112 : i32
        %add3A_1449 = arith.addi %mul3A_2, %add3A_1448 : i32
        %mul3A_1450 = arith.constant 200 : i32
        %mul3A_1451 = arith.muli %add3A_1449, %mul3A_1450 : i32
        %mul3A_1452 = arith.constant 2 : i32
        %mul3A_1453 = arith.muli %mul3A_1452, %add3A_1223 : i32
        %add3A_1454 = arith.addi %mul3A_1451, %mul3A_1453 : i32
        %add3A_1455 = vector.broadcast %add3A_1454 : i32 to vector<16xi32>
        %add3A_1456 = arith.addi %mul3A_5, %add3A_1455 : vector<16xi32>
        %swap3A_1457 = arith.constant 1 : i32
        %swap3A_1458 = arith.index_cast %swap3A_1457 : i32 to index
        %swap3A_1459 = arith.constant 112 : index
        %swap3A_1460 = tpu.vector_load %arg7[%swap3A_1458, %swap3A_1459] {strides = array<i32>} : memref<4x256xi32, #tpu.memory_space<vmem>>, vector<1x16xi32>,
        %swap3A_1461 = vector.shape_cast %swap3A_1460 : vector<1x16xi32> to vector<16xi32>
        %swap3A_1462 = vector.shape_cast %add3A_1456 : vector<16xi32> to vector<1x16xi32>
        tpu.vector_store %arg7[%swap3A_1458, %swap3A_1459], %swap3A_1462 {strides = array<i32>} : memref<4x256xi32, #tpu.memory_space<vmem>>, vector<1x16xi32>,
        %mul3A_1463 = arith.constant 2 : i32
        %mul3A_1464 = arith.muli %mul3A_1463, %add3A_1223 : i32
        %add3A_1465 = arith.addi %mul3A_1451, %mul3A_1464 : i32
        %add3A_1466 = arith.constant 1 : i32
        %add3A_1467 = arith.addi %add3A_1465, %add3A_1466 : i32
        %add3A_1468 = vector.broadcast %add3A_1467 : i32 to vector<16xi32>
        %add3A_1469 = arith.addi %mul3A_5, %add3A_1468 : vector<16xi32>
        %swap3A_1470 = arith.constant 1 : i32
        %swap3A_1471 = arith.index_cast %swap3A_1470 : i32 to index
        %swap3A_1472 = arith.constant 240 : index
        %swap3A_1473 = tpu.vector_load %arg7[%swap3A_1471, %swap3A_1472] {strides = array<i32>} : memref<4x256xi32, #tpu.memory_space<vmem>>, vector<1x16xi32>,
        %swap3A_1474 = vector.shape_cast %swap3A_1473 : vector<1x16xi32> to vector<16xi32>
        %swap3A_1475 = vector.shape_cast %add3A_1469 : vector<16xi32> to vector<1x16xi32>
        tpu.vector_store %arg7[%swap3A_1471, %swap3A_1472], %swap3A_1475 {strides = array<i32>} : memref<4x256xi32, #tpu.memory_space<vmem>>, vector<1x16xi32>,
      } else {
      }
      %mul3A_1096 = arith.constant 4 : i32
      %mul3A_1097 = arith.muli %scan3A_984, %mul3A_1096 : i32
      %add3A_1098 = arith.constant 2 : i32
      %add3A_1099 = arith.addi %mul3A_1097, %add3A_1098 : i32
      %mul3A_1100 = arith.constant 2 : i32
      %mul3A_1101 = arith.muli %mul3A_1100, %add3A_1099 : i32
      %dma_wait3A_1102 = arith.constant 2 : i32
      %dma_wait3A_1103 = arith.constant 0 : i32
      %dma_wait3A_1104 = arith.constant 0 : i32
      %dma_wait3A_1105 = tpu.memref_slice %arg6[%dma_wait3A_1102, %dma_wait3A_1103, %dma_wait3A_1104] : memref<4x256x64xf32, #tpu.memory_space<vmem>> -> memref<1x128x64xf32, #tpu.memory_space<vmem>>
      %dma_wait3A_1106 = tpu.memref_squeeze %dma_wait3A_1105 : memref<1x128x64xf32, #tpu.memory_space<vmem>> -> memref<128x64xf32, #tpu.memory_space<vmem>>
      %dma_wait3A_1107 = arith.constant 0 : i32
      %dma_wait3A_1108 = tpu.memref_slice %arg5[%mul3A_1101, %dma_wait3A_1107] : memref<200x128xi32, #tpu.memory_space<vmem>> -> memref<1x128xi32, #tpu.memory_space<vmem>>
      %dma_wait3A_1109 = tpu.memref_squeeze %dma_wait3A_1108 : memref<1x128xi32, #tpu.memory_space<vmem>> -> memref<128xi32, #tpu.memory_space<vmem>>
      %dma_wait3A_1110 = arith.constant 0 : i32
      %dma_wait3A_1111 = arith.constant 0 : i32
      %dma_wait3A_1112 = tpu.memref_slice %arg3[%dma_wait3A_1110, %dma_wait3A_1111] : memref<1000000x64xf32, #tpu.memory_space<hbm>> -> memref<1000000x64xf32, #tpu.memory_space<hbm>>
      tpu.wait_indirect_dma semaphore(%arg10 : memref<!tpu.dma_semaphore, #tpu.memory_space<semaphore_mem>>) src(%dma_wait3A_1112 : memref<1000000x64xf32, #tpu.memory_space<hbm>>) dst(%dma_wait3A_1106 : memref<128x64xf32, #tpu.memory_space<vmem>>)
      %mul3A_1113 = arith.constant 2 : i32
      %mul3A_1114 = arith.muli %mul3A_1113, %add3A_1099 : i32
      %add3A_1115 = arith.constant 1 : i32
      %add3A_1116 = arith.addi %mul3A_1114, %add3A_1115 : i32
      %dma_wait3A_1117 = arith.constant 2 : i32
      %dma_wait3A_1118 = arith.constant 128 : i32
      %dma_wait3A_1119 = arith.constant 0 : i32
      %dma_wait3A_1120 = tpu.memref_slice %arg6[%dma_wait3A_1117, %dma_wait3A_1118, %dma_wait3A_1119] : memref<4x256x64xf32, #tpu.memory_space<vmem>> -> memref<1x128x64xf32, #tpu.memory_space<vmem>>
      %dma_wait3A_1121 = tpu.memref_squeeze %dma_wait3A_1120 : memref<1x128x64xf32, #tpu.memory_space<vmem>> -> memref<128x64xf32, #tpu.memory_space<vmem>>
      %dma_wait3A_1122 = arith.constant 0 : i32
      %dma_wait3A_1123 = tpu.memref_slice %arg5[%add3A_1116, %dma_wait3A_1122] : memref<200x128xi32, #tpu.memory_space<vmem>> -> memref<1x128xi32, #tpu.memory_space<vmem>>
      %dma_wait3A_1124 = tpu.memref_squeeze %dma_wait3A_1123 : memref<1x128xi32, #tpu.memory_space<vmem>> -> memref<128xi32, #tpu.memory_space<vmem>>
      %dma_wait3A_1125 = arith.constant 0 : i32
      %dma_wait3A_1126 = arith.constant 0 : i32
      %dma_wait3A_1127 = tpu.memref_slice %arg3[%dma_wait3A_1125, %dma_wait3A_1126] : memref<1000000x64xf32, #tpu.memory_space<hbm>> -> memref<1000000x64xf32, #tpu.memory_space<hbm>>
      tpu.wait_indirect_dma semaphore(%arg10 : memref<!tpu.dma_semaphore, #tpu.memory_space<semaphore_mem>>) src(%dma_wait3A_1127 : memref<1000000x64xf32, #tpu.memory_space<hbm>>) dst(%dma_wait3A_1121 : memref<128x64xf32, #tpu.memory_space<vmem>>)
      %scan3A_1128 = arith.constant 0 : i32
      %scan3A_1129 = arith.constant 0 : i32
      %scan3A_1130 = arith.constant 32 : i32
      %scan3A_1131 = arith.addi %scan3A_1129, %scan3A_1130 : i32
      %scan3A_1132 = arith.constant 1 : i32
      scf.for %scan3A_1210 = %scan3A_1129 to %scan3A_1131 step %scan3A_1132  : i32 {
        %mul3A_1211 = arith.constant 8 : i32
        %mul3A_1212 = arith.muli %scan3A_1210, %mul3A_1211 : i32
        %add3A_1213 = arith.constant 0 : i32
        %add3A_1214 = arith.addi %mul3A_1212, %add3A_1213 : i32
        %get3A = arith.constant 2 : i32
        %get3A_1215 = arith.index_cast %get3A : i32 to index
        %get3A_1216 = arith.index_cast %add3A_1214 : i32 to index
        %get3A_1217 = arith.constant 0 : index
        %get3A_1218 = tpu.vector_load %arg6[%get3A_1215, %get3A_1216, %get3A_1217] {strides = array<i32>} : memref<4x256x64xf32, #tpu.memory_space<vmem>>, vector<1x1x16xf32>,
        %get3A_1219 = vector.shape_cast %get3A_1218 : vector<1x1x16xf32> to vector<16xf32>
        %mul3A_1220 = arith.constant 8.000000e+00 : f32
        %mul3A_1221 = vector.broadcast %mul3A_1220 : f32 to vector<16xf32>
        %mul3A_1222 = arith.mulf %get3A_1219, %mul3A_1221 : vector<16xf32>
        %add3A_1223 = arith.constant 0 : i32
        %add3A_1224 = arith.addi %mul3A_1212, %add3A_1223 : i32
        %swap3A_1225 = arith.constant 2 : i32
        %swap3A_1226 = arith.index_cast %swap3A_1225 : i32 to index
        %swap3A_1227 = arith.index_cast %add3A_1224 : i32 to index
        %swap3A_1228 = arith.constant 0 : index
        %swap3A_1229 = tpu.vector_load %arg6[%swap3A_1226, %swap3A_1227, %swap3A_1228] {strides = array<i32>} : memref<4x256x64xf32, #tpu.memory_space<vmem>>, vector<1x1x16xf32>,
        %swap3A_1230 = vector.shape_cast %swap3A_1229 : vector<1x1x16xf32> to vector<16xf32>
        %swap3A_1231 = vector.shape_cast %mul3A_1222 : vector<16xf32> to vector<1x1x16xf32>
        tpu.vector_store %arg6[%swap3A_1226, %swap3A_1227, %swap3A_1228], %swap3A_1231 {strides = array<i32>} : memref<4x256x64xf32, #tpu.memory_space<vmem>>, vector<1x1x16xf32>,
        %add3A_1232 = arith.constant 0 : i32
        %add3A_1233 = arith.addi %mul3A_1212, %add3A_1232 : i32
        %get3A_1234 = arith.constant 2 : i32
        %get3A_1235 = arith.index_cast %get3A_1234 : i32 to index
        %get3A_1236 = arith.index_cast %add3A_1233 : i32 to index
        %get3A_1237 = arith.constant 16 : index
        %get3A_1238 = tpu.vector_load %arg6[%get3A_1235, %get3A_1236, %get3A_1237] {strides = array<i32>} : memref<4x256x64xf32, #tpu.memory_space<vmem>>, vector<1x1x16xf32>,
        %get3A_1239 = vector.shape_cast %get3A_1238 : vector<1x1x16xf32> to vector<16xf32>
        %mul3A_1240 = arith.constant 8.000000e+00 : f32
        %mul3A_1241 = vector.broadcast %mul3A_1240 : f32 to vector<16xf32>
        %mul3A_1242 = arith.mulf %get3A_1239, %mul3A_1241 : vector<16xf32>
        %add3A_1243 = arith.constant 0 : i32
        %add3A_1244 = arith.addi %mul3A_1212, %add3A_1243 : i32
        %swap3A_1245 = arith.constant 2 : i32
        %swap3A_1246 = arith.index_cast %swap3A_1245 : i32 to index
        %swap3A_1247 = arith.index_cast %add3A_1244 : i32 to index
        %swap3A_1248 = arith.constant 16 : index
        %swap3A_1249 = tpu.vector_load %arg6[%swap3A_1246, %swap3A_1247, %swap3A_1248] {strides = array<i32>} : memref<4x256x64xf32, #tpu.memory_space<vmem>>, vector<1x1x16xf32>,
        %swap3A_1250 = vector.shape_cast %swap3A_1249 : vector<1x1x16xf32> to vector<16xf32>
        %swap3A_1251 = vector.shape_cast %mul3A_1242 : vector<16xf32> to vector<1x1x16xf32>
        tpu.vector_store %arg6[%swap3A_1246, %swap3A_1247, %swap3A_1248], %swap3A_1251 {strides = array<i32>} : memref<4x256x64xf32, #tpu.memory_space<vmem>>, vector<1x1x16xf32>,
        %add3A_1252 = arith.constant 0 : i32
        %add3A_1253 = arith.addi %mul3A_1212, %add3A_1252 : i32
        %get3A_1254 = arith.constant 2 : i32
        %get3A_1255 = arith.index_cast %get3A_1254 : i32 to index
        %get3A_1256 = arith.index_cast %add3A_1253 : i32 to index
        %get3A_1257 = arith.constant 32 : index
        %get3A_1258 = tpu.vector_load %arg6[%get3A_1255, %get3A_1256, %get3A_1257] {strides = array<i32>} : memref<4x256x64xf32, #tpu.memory_space<vmem>>, vector<1x1x16xf32>,
        %get3A_1259 = vector.shape_cast %get3A_1258 : vector<1x1x16xf32> to vector<16xf32>
        %mul3A_1260 = arith.constant 8.000000e+00 : f32
        %mul3A_1261 = vector.broadcast %mul3A_1260 : f32 to vector<16xf32>
        %mul3A_1262 = arith.mulf %get3A_1259, %mul3A_1261 : vector<16xf32>
        %add3A_1263 = arith.constant 0 : i32
        %add3A_1264 = arith.addi %mul3A_1212, %add3A_1263 : i32
        %swap3A_1265 = arith.constant 2 : i32
        %swap3A_1266 = arith.index_cast %swap3A_1265 : i32 to index
        %swap3A_1267 = arith.index_cast %add3A_1264 : i32 to index
        %swap3A_1268 = arith.constant 32 : index
        %swap3A_1269 = tpu.vector_load %arg6[%swap3A_1266, %swap3A_1267, %swap3A_1268] {strides = array<i32>} : memref<4x256x64xf32, #tpu.memory_space<vmem>>, vector<1x1x16xf32>,
        %swap3A_1270 = vector.shape_cast %swap3A_1269 : vector<1x1x16xf32> to vector<16xf32>
        %swap3A_1271 = vector.shape_cast %mul3A_1262 : vector<16xf32> to vector<1x1x16xf32>
        tpu.vector_store %arg6[%swap3A_1266, %swap3A_1267, %swap3A_1268], %swap3A_1271 {strides = array<i32>} : memref<4x256x64xf32, #tpu.memory_space<vmem>>, vector<1x1x16xf32>,
        %add3A_1272 = arith.constant 0 : i32
        %add3A_1273 = arith.addi %mul3A_1212, %add3A_1272 : i32
        %get3A_1274 = arith.constant 2 : i32
        %get3A_1275 = arith.index_cast %get3A_1274 : i32 to index
        %get3A_1276 = arith.index_cast %add3A_1273 : i32 to index
        %get3A_1277 = arith.constant 48 : index
        %get3A_1278 = tpu.vector_load %arg6[%get3A_1275, %get3A_1276, %get3A_1277] {strides = array<i32>} : memref<4x256x64xf32, #tpu.memory_space<vmem>>, vector<1x1x16xf32>,
        %get3A_1279 = vector.shape_cast %get3A_1278 : vector<1x1x16xf32> to vector<16xf32>
        %mul3A_1280 = arith.constant 8.000000e+00 : f32
        %mul3A_1281 = vector.broadcast %mul3A_1280 : f32 to vector<16xf32>
        %mul3A_1282 = arith.mulf %get3A_1279, %mul3A_1281 : vector<16xf32>
        %add3A_1283 = arith.constant 0 : i32
        %add3A_1284 = arith.addi %mul3A_1212, %add3A_1283 : i32
        %swap3A_1285 = arith.constant 2 : i32
        %swap3A_1286 = arith.index_cast %swap3A_1285 : i32 to index
        %swap3A_1287 = arith.index_cast %add3A_1284 : i32 to index
        %swap3A_1288 = arith.constant 48 : index
        %swap3A_1289 = tpu.vector_load %arg6[%swap3A_1286, %swap3A_1287, %swap3A_1288] {strides = array<i32>} : memref<4x256x64xf32, #tpu.memory_space<vmem>>, vector<1x1x16xf32>,
        %swap3A_1290 = vector.shape_cast %swap3A_1289 : vector<1x1x16xf32> to vector<16xf32>
        %swap3A_1291 = vector.shape_cast %mul3A_1282 : vector<16xf32> to vector<1x1x16xf32>
        tpu.vector_store %arg6[%swap3A_1286, %swap3A_1287, %swap3A_1288], %swap3A_1291 {strides = array<i32>} : memref<4x256x64xf32, #tpu.memory_space<vmem>>, vector<1x1x16xf32>,
        %add3A_1292 = arith.constant 1 : i32
        %add3A_1293 = arith.addi %mul3A_1212, %add3A_1292 : i32
        %get3A_1294 = arith.constant 2 : i32
        %get3A_1295 = arith.index_cast %get3A_1294 : i32 to index
        %get3A_1296 = arith.index_cast %add3A_1293 : i32 to index
        %get3A_1297 = arith.constant 0 : index
        %get3A_1298 = tpu.vector_load %arg6[%get3A_1295, %get3A_1296, %get3A_1297] {strides = array<i32>} : memref<4x256x64xf32, #tpu.memory_space<vmem>>, vector<1x1x16xf32>,
        %get3A_1299 = vector.shape_cast %get3A_1298 : vector<1x1x16xf32> to vector<16xf32>
        %mul3A_1300 = arith.constant 8.000000e+00 : f32
        %mul3A_1301 = vector.broadcast %mul3A_1300 : f32 to vector<16xf32>
        %mul3A_1302 = arith.mulf %get3A_1299, %mul3A_1301 : vector<16xf32>
        %add3A_1303 = arith.constant 1 : i32
        %add3A_1304 = arith.addi %mul3A_1212, %add3A_1303 : i32
        %swap3A_1305 = arith.constant 2 : i32
        %swap3A_1306 = arith.index_cast %swap3A_1305 : i32 to index
        %swap3A_1307 = arith.index_cast %add3A_1304 : i32 to index
        %swap3A_1308 = arith.constant 0 : index
        %swap3A_1309 = tpu.vector_load %arg6[%swap3A_1306, %swap3A_1307, %swap3A_1308] {strides = array<i32>} : memref<4x256x64xf32, #tpu.memory_space<vmem>>, vector<1x1x16xf32>,
        %swap3A_1310 = vector.shape_cast %swap3A_1309 : vector<1x1x16xf32> to vector<16xf32>
        %swap3A_1311 = vector.shape_cast %mul3A_1302 : vector<16xf32> to vector<1x1x16xf32>
        tpu.vector_store %arg6[%swap3A_1306, %swap3A_1307, %swap3A_1308], %swap3A_1311 {strides = array<i32>} : memref<4x256x64xf32, #tpu.memory_space<vmem>>, vector<1x1x16xf32>,
        %add3A_1312 = arith.constant 1 : i32
        %add3A_1313 = arith.addi %mul3A_1212, %add3A_1312 : i32
        %get3A_1314 = arith.constant 2 : i32
        %get3A_1315 = arith.index_cast %get3A_1314 : i32 to index
        %get3A_1316 = arith.index_cast %add3A_1313 : i32 to index
        %get3A_1317 = arith.constant 16 : index
        %get3A_1318 = tpu.vector_load %arg6[%get3A_1315, %get3A_1316, %get3A_1317] {strides = array<i32>} : memref<4x256x64xf32, #tpu.memory_space<vmem>>, vector<1x1x16xf32>,
        %get3A_1319 = vector.shape_cast %get3A_1318 : vector<1x1x16xf32> to vector<16xf32>
        %mul3A_1320 = arith.constant 8.000000e+00 : f32
        %mul3A_1321 = vector.broadcast %mul3A_1320 : f32 to vector<16xf32>
        %mul3A_1322 = arith.mulf %get3A_1319, %mul3A_1321 : vector<16xf32>
        %add3A_1323 = arith.constant 1 : i32
        %add3A_1324 = arith.addi %mul3A_1212, %add3A_1323 : i32
        %swap3A_1325 = arith.constant 2 : i32
        %swap3A_1326 = arith.index_cast %swap3A_1325 : i32 to index
        %swap3A_1327 = arith.index_cast %add3A_1324 : i32 to index
        %swap3A_1328 = arith.constant 16 : index
        %swap3A_1329 = tpu.vector_load %arg6[%swap3A_1326, %swap3A_1327, %swap3A_1328] {strides = array<i32>} : memref<4x256x64xf32, #tpu.memory_space<vmem>>, vector<1x1x16xf32>,
        %swap3A_1330 = vector.shape_cast %swap3A_1329 : vector<1x1x16xf32> to vector<16xf32>
        %swap3A_1331 = vector.shape_cast %mul3A_1322 : vector<16xf32> to vector<1x1x16xf32>
        tpu.vector_store %arg6[%swap3A_1326, %swap3A_1327, %swap3A_1328], %swap3A_1331 {strides = array<i32>} : memref<4x256x64xf32, #tpu.memory_space<vmem>>, vector<1x1x16xf32>,
        %add3A_1332 = arith.constant 1 : i32
        %add3A_1333 = arith.addi %mul3A_1212, %add3A_1332 : i32
        %get3A_1334 = arith.constant 2 : i32
        %get3A_1335 = arith.index_cast %get3A_1334 : i32 to index
        %get3A_1336 = arith.index_cast %add3A_1333 : i32 to index
        %get3A_1337 = arith.constant 32 : index
        %get3A_1338 = tpu.vector_load %arg6[%get3A_1335, %get3A_1336, %get3A_1337] {strides = array<i32>} : memref<4x256x64xf32, #tpu.memory_space<vmem>>, vector<1x1x16xf32>,
        %get3A_1339 = vector.shape_cast %get3A_1338 : vector<1x1x16xf32> to vector<16xf32>
        %mul3A_1340 = arith.constant 8.000000e+00 : f32
        %mul3A_1341 = vector.broadcast %mul3A_1340 : f32 to vector<16xf32>
        %mul3A_1342 = arith.mulf %get3A_1339, %mul3A_1341 : vector<16xf32>
        %add3A_1343 = arith.constant 1 : i32
        %add3A_1344 = arith.addi %mul3A_1212, %add3A_1343 : i32
        %swap3A_1345 = arith.constant 2 : i32
        %swap3A_1346 = arith.index_cast %swap3A_1345 : i32 to index
        %swap3A_1347 = arith.index_cast %add3A_1344 : i32 to index
        %swap3A_1348 = arith.constant 32 : index
        %swap3A_1349 = tpu.vector_load %arg6[%swap3A_1346, %swap3A_1347, %swap3A_1348] {strides = array<i32>} : memref<4x256x64xf32, #tpu.memory_space<vmem>>, vector<1x1x16xf32>,
        %swap3A_1350 = vector.shape_cast %swap3A_1349 : vector<1x1x16xf32> to vector<16xf32>
        %swap3A_1351 = vector.shape_cast %mul3A_1342 : vector<16xf32> to vector<1x1x16xf32>
        tpu.vector_store %arg6[%swap3A_1346, %swap3A_1347, %swap3A_1348], %swap3A_1351 {strides = array<i32>} : memref<4x256x64xf32, #tpu.memory_space<vmem>>, vector<1x1x16xf32>,
        %add3A_1352 = arith.constant 1 : i32
        %add3A_1353 = arith.addi %mul3A_1212, %add3A_1352 : i32
        %get3A_1354 = arith.constant 2 : i32
        %get3A_1355 = arith.index_cast %get3A_1354 : i32 to index
        %get3A_1356 = arith.index_cast %add3A_1353 : i32 to index
        %get3A_1357 = arith.constant 48 : index
        %get3A_1358 = tpu.vector_load %arg6[%get3A_1355, %get3A_1356, %get3A_1357] {strides = array<i32>} : memref<4x256x64xf32, #tpu.memory_space<vmem>>, vector<1x1x16xf32>,
        %get3A_1359 = vector.shape_cast %get3A_1358 : vector<1x1x16xf32> to vector<16xf32>
        %mul3A_1360 = arith.constant 8.000000e+00 : f32
        %mul3A_1361 = vector.broadcast %mul3A_1360 : f32 to vector<16xf32>
        %mul3A_1362 = arith.mulf %get3A_1359, %mul3A_1361 : vector<16xf32>
        %add3A_1363 = arith.constant 1 : i32
        %add3A_1364 = arith.addi %mul3A_1212, %add3A_1363 : i32
        %swap3A_1365 = arith.constant 2 : i32
        %swap3A_1366 = arith.index_cast %swap3A_1365 : i32 to index
        %swap3A_1367 = arith.index_cast %add3A_1364 : i32 to index
        %swap3A_1368 = arith.constant 48 : index
        %swap3A_1369 = tpu.vector_load %arg6[%swap3A_1366, %swap3A_1367, %swap3A_1368] {strides = array<i32>} : memref<4x256x64xf32, #tpu.memory_space<vmem>>, vector<1x1x16xf32>,
        %swap3A_1370 = vector.shape_cast %swap3A_1369 : vector<1x1x16xf32> to vector<16xf32>
        %swap3A_1371 = vector.shape_cast %mul3A_1362 : vector<16xf32> to vector<1x1x16xf32>
        tpu.vector_store %arg6[%swap3A_1366, %swap3A_1367, %swap3A_1368], %swap3A_1371 {strides = array<i32>} : memref<4x256x64xf32, #tpu.memory_space<vmem>>, vector<1x1x16xf32>,
        %add3A_1372 = arith.constant 2 : i32
        %add3A_1373 = arith.addi %mul3A_1212, %add3A_1372 : i32
        %get3A_1374 = arith.constant 2 : i32
        %get3A_1375 = arith.index_cast %get3A_1374 : i32 to index
        %get3A_1376 = arith.index_cast %add3A_1373 : i32 to index
        %get3A_1377 = arith.constant 0 : index
        %get3A_1378 = tpu.vector_load %arg6[%get3A_1375, %get3A_1376, %get3A_1377] {strides = array<i32>} : memref<4x256x64xf32, #tpu.memory_space<vmem>>, vector<1x1x16xf32>,
        %get3A_1379 = vector.shape_cast %get3A_1378 : vector<1x1x16xf32> to vector<16xf32>
        %mul3A_1380 = arith.constant 8.000000e+00 : f32
        %mul3A_1381 = vector.broadcast %mul3A_1380 : f32 to vector<16xf32>
        %mul3A_1382 = arith.mulf %get3A_1379, %mul3A_1381 : vector<16xf32>
        %add3A_1383 = arith.constant 2 : i32
        %add3A_1384 = arith.addi %mul3A_1212, %add3A_1383 : i32
        %swap3A_1385 = arith.constant 2 : i32
        %swap3A_1386 = arith.index_cast %swap3A_1385 : i32 to index
        %swap3A_1387 = arith.index_cast %add3A_1384 : i32 to index
        %swap3A_1388 = arith.constant 0 : index
        %swap3A_1389 = tpu.vector_load %arg6[%swap3A_1386, %swap3A_1387, %swap3A_1388] {strides = array<i32>} : memref<4x256x64xf32, #tpu.memory_space<vmem>>, vector<1x1x16xf32>,
        %swap3A_1390 = vector.shape_cast %swap3A_1389 : vector<1x1x16xf32> to vector<16xf32>
        %swap3A_1391 = vector.shape_cast %mul3A_1382 : vector<16xf32> to vector<1x1x16xf32>
        tpu.vector_store %arg6[%swap3A_1386, %swap3A_1387, %swap3A_1388], %swap3A_1391 {strides = array<i32>} : memref<4x256x64xf32, #tpu.memory_space<vmem>>, vector<1x1x16xf32>,
        %add3A_1392 = arith.constant 2 : i32
        %add3A_1393 = arith.addi %mul3A_1212, %add3A_1392 : i32
        %get3A_1394 = arith.constant 2 : i32
        %get3A_1395 = arith.index_cast %get3A_1394 : i32 to index
        %get3A_1396 = arith.index_cast %add3A_1393 : i32 to index
        %get3A_1397 = arith.constant 16 : index
        %get3A_1398 = tpu.vector_load %arg6[%get3A_1395, %get3A_1396, %get3A_1397] {strides = array<i32>} : memref<4x256x64xf32, #tpu.memory_space<vmem>>, vector<1x1x16xf32>,
        %get3A_1399 = vector.shape_cast %get3A_1398 : vector<1x1x16xf32> to vector<16xf32>
        %mul3A_1400 = arith.constant 8.000000e+00 : f32
        %mul3A_1401 = vector.broadcast %mul3A_1400 : f32 to vector<16xf32>
        %mul3A_1402 = arith.mulf %get3A_1399, %mul3A_1401 : vector<16xf32>
        %add3A_1403 = arith.constant 2 : i32
        %add3A_1404 = arith.addi %mul3A_1212, %add3A_1403 : i32
        %swap3A_1405 = arith.constant 2 : i32
        %swap3A_1406 = arith.index_cast %swap3A_1405 : i32 to index
        %swap3A_1407 = arith.index_cast %add3A_1404 : i32 to index
        %swap3A_1408 = arith.constant 16 : index
        %swap3A_1409 = tpu.vector_load %arg6[%swap3A_1406, %swap3A_1407, %swap3A_1408] {strides = array<i32>} : memref<4x256x64xf32, #tpu.memory_space<vmem>>, vector<1x1x16xf32>,
        %swap3A_1410 = vector.shape_cast %swap3A_1409 : vector<1x1x16xf32> to vector<16xf32>
        %swap3A_1411 = vector.shape_cast %mul3A_1402 : vector<16xf32> to vector<1x1x16xf32>
        tpu.vector_store %arg6[%swap3A_1406, %swap3A_1407, %swap3A_1408], %swap3A_1411 {strides = array<i32>} : memref<4x256x64xf32, #tpu.memory_space<vmem>>, vector<1x1x16xf32>,
        %add3A_1412 = arith.constant 2 : i32
        %add3A_1413 = arith.addi %mul3A_1212, %add3A_1412 : i32
        %get3A_1414 = arith.constant 2 : i32
        %get3A_1415 = arith.index_cast %get3A_1414 : i32 to index
        %get3A_1416 = arith.index_cast %add3A_1413 : i32 to index
        %get3A_1417 = arith.constant 32 : index
        %get3A_1418 = tpu.vector_load %arg6[%get3A_1415, %get3A_1416, %get3A_1417] {strides = array<i32>} : memref<4x256x64xf32, #tpu.memory_space<vmem>>, vector<1x1x16xf32>,
        %get3A_1419 = vector.shape_cast %get3A_1418 : vector<1x1x16xf32> to vector<16xf32>
        %mul3A_1420 = arith.constant 8.000000e+00 : f32
        %mul3A_1421 = vector.broadcast %mul3A_1420 : f32 to vector<16xf32>
        %mul3A_1422 = arith.mulf %get3A_1419, %mul3A_1421 : vector<16xf32>
        %add3A_1423 = arith.constant 2 : i32
        %add3A_1424 = arith.addi %mul3A_1212, %add3A_1423 : i32
        %swap3A_1425 = arith.constant 2 : i32
        %swap3A_1426 = arith.index_cast %swap3A_1425 : i32 to index
        %swap3A_1427 = arith.index_cast %add3A_1424 : i32 to index
        %swap3A_1428 = arith.constant 32 : index
        %swap3A_1429 = tpu.vector_load %arg6[%swap3A_1426, %swap3A_1427, %swap3A_1428] {strides = array<i32>} : memref<4x256x64xf32, #tpu.memory_space<vmem>>, vector<1x1x16xf32>,
        %swap3A_1430 = vector.shape_cast %swap3A_1429 : vector<1x1x16xf32> to vector<16xf32>
        %swap3A_1431 = vector.shape_cast %mul3A_1422 : vector<16xf32> to vector<1x1x16xf32>
        tpu.vector_store %arg6[%swap3A_1426, %swap3A_1427, %swap3A_1428], %swap3A_1431 {strides = array<i32>} : memref<4x256x64xf32, #tpu.memory_space<vmem>>, vector<1x1x16xf32>,
        %add3A_1432 = arith.constant 2 : i32
        %add3A_1433 = arith.addi %mul3A_1212, %add3A_1432 : i32
        %get3A_1434 = arith.constant 2 : i32
        %get3A_1435 = arith.index_cast %get3A_1434 : i32 to index
        %get3A_1436 = arith.index_cast %add3A_1433 : i32 to index
        %get3A_1437 = arith.constant 48 : index
        %get3A_1438 = tpu.vector_load %arg6[%get3A_1435, %get3A_1436, %get3A_1437] {strides = array<i32>} : memref<4x256x64xf32, #tpu.memory_space<vmem>>, vector<1x1x16xf32>,
        %get3A_1439 = vector.shape_cast %get3A_1438 : vector<1x1x16xf32> to vector<16xf32>
        %mul3A_1440 = arith.constant 8.000000e+00 : f32
        %mul3A_1441 = vector.broadcast %mul3A_1440 : f32 to vector<16xf32>
        %mul3A_1442 = arith.mulf %get3A_1439, %mul3A_1441 : vector<16xf32>
        %add3A_1443 = arith.constant 2 : i32
        %add3A_1444 = arith.addi %mul3A_1212, %add3A_1443 : i32
        %swap3A_1445 = arith.constant 2 : i32
        %swap3A_1446 = arith.index_cast %swap3A_1445 : i32 to index
        %swap3A_1447 = arith.index_cast %add3A_1444 : i32 to index
        %swap3A_1448 = arith.constant 48 : index
        %swap3A_1449 = tpu.vector_load %arg6[%swap3A_1446, %swap3A_1447, %swap3A_1448] {strides = array<i32>} : memref<4x256x64xf32, #tpu.memory_space<vmem>>, vector<1x1x16xf32>,
        %swap3A_1450 = vector.shape_cast %swap3A_1449 : vector<1x1x16xf32> to vector<16xf32>
        %swap3A_1451 = vector.shape_cast %mul3A_1442 : vector<16xf32> to vector<1x1x16xf32>
        tpu.vector_store %arg6[%swap3A_1446, %swap3A_1447, %swap3A_1448], %swap3A_1451 {strides = array<i32>} : memref<4x256x64xf32, #tpu.memory_space<vmem>>, vector<1x1x16xf32>,
        %add3A_1452 = arith.constant 3 : i32
        %add3A_1453 = arith.addi %mul3A_1212, %add3A_1452 : i32
        %get3A_1454 = arith.constant 2 : i32
        %get3A_1455 = arith.index_cast %get3A_1454 : i32 to index
        %get3A_1456 = arith.index_cast %add3A_1453 : i32 to index
        %get3A_1457 = arith.constant 0 : index
        %get3A_1458 = tpu.vector_load %arg6[%get3A_1455, %get3A_1456, %get3A_1457] {strides = array<i32>} : memref<4x256x64xf32, #tpu.memory_space<vmem>>, vector<1x1x16xf32>,
        %get3A_1459 = vector.shape_cast %get3A_1458 : vector<1x1x16xf32> to vector<16xf32>
        %mul3A_1460 = arith.constant 8.000000e+00 : f32
        %mul3A_1461 = vector.broadcast %mul3A_1460 : f32 to vector<16xf32>
        %mul3A_1462 = arith.mulf %get3A_1459, %mul3A_1461 : vector<16xf32>
        %add3A_1463 = arith.constant 3 : i32
        %add3A_1464 = arith.addi %mul3A_1212, %add3A_1463 : i32
        %swap3A_1465 = arith.constant 2 : i32
        %swap3A_1466 = arith.index_cast %swap3A_1465 : i32 to index
        %swap3A_1467 = arith.index_cast %add3A_1464 : i32 to index
        %swap3A_1468 = arith.constant 0 : index
        %swap3A_1469 = tpu.vector_load %arg6[%swap3A_1466, %swap3A_1467, %swap3A_1468] {strides = array<i32>} : memref<4x256x64xf32, #tpu.memory_space<vmem>>, vector<1x1x16xf32>,
        %swap3A_1470 = vector.shape_cast %swap3A_1469 : vector<1x1x16xf32> to vector<16xf32>
        %swap3A_1471 = vector.shape_cast %mul3A_1462 : vector<16xf32> to vector<1x1x16xf32>
        tpu.vector_store %arg6[%swap3A_1466, %swap3A_1467, %swap3A_1468], %swap3A_1471 {strides = array<i32>} : memref<4x256x64xf32, #tpu.memory_space<vmem>>, vector<1x1x16xf32>,
        %add3A_1472 = arith.constant 3 : i32
        %add3A_1473 = arith.addi %mul3A_1212, %add3A_1472 : i32
        %get3A_1474 = arith.constant 2 : i32
        %get3A_1475 = arith.index_cast %get3A_1474 : i32 to index
        %get3A_1476 = arith.index_cast %add3A_1473 : i32 to index
        %get3A_1477 = arith.constant 16 : index
        %get3A_1478 = tpu.vector_load %arg6[%get3A_1475, %get3A_1476, %get3A_1477] {strides = array<i32>} : memref<4x256x64xf32, #tpu.memory_space<vmem>>, vector<1x1x16xf32>,
        %get3A_1479 = vector.shape_cast %get3A_1478 : vector<1x1x16xf32> to vector<16xf32>
        %mul3A_1480 = arith.constant 8.000000e+00 : f32
        %mul3A_1481 = vector.broadcast %mul3A_1480 : f32 to vector<16xf32>
        %mul3A_1482 = arith.mulf %get3A_1479, %mul3A_1481 : vector<16xf32>
        %add3A_1483 = arith.constant 3 : i32
        %add3A_1484 = arith.addi %mul3A_1212, %add3A_1483 : i32
        %swap3A_1485 = arith.constant 2 : i32
        %swap3A_1486 = arith.index_cast %swap3A_1485 : i32 to index
        %swap3A_1487 = arith.index_cast %add3A_1484 : i32 to index
        %swap3A_1488 = arith.constant 16 : index
        %swap3A_1489 = tpu.vector_load %arg6[%swap3A_1486, %swap3A_1487, %swap3A_1488] {strides = array<i32>} : memref<4x256x64xf32, #tpu.memory_space<vmem>>, vector<1x1x16xf32>,
        %swap3A_1490 = vector.shape_cast %swap3A_1489 : vector<1x1x16xf32> to vector<16xf32>
        %swap3A_1491 = vector.shape_cast %mul3A_1482 : vector<16xf32> to vector<1x1x16xf32>
        tpu.vector_store %arg6[%swap3A_1486, %swap3A_1487, %swap3A_1488], %swap3A_1491 {strides = array<i32>} : memref<4x256x64xf32, #tpu.memory_space<vmem>>, vector<1x1x16xf32>,
        %add3A_1492 = arith.constant 3 : i32
        %add3A_1493 = arith.addi %mul3A_1212, %add3A_1492 : i32
        %get3A_1494 = arith.constant 2 : i32
        %get3A_1495 = arith.index_cast %get3A_1494 : i32 to index
        %get3A_1496 = arith.index_cast %add3A_1493 : i32 to index
        %get3A_1497 = arith.constant 32 : index
        %get3A_1498 = tpu.vector_load %arg6[%get3A_1495, %get3A_1496, %get3A_1497] {strides = array<i32>} : memref<4x256x64xf32, #tpu.memory_space<vmem>>, vector<1x1x16xf32>,
        %get3A_1499 = vector.shape_cast %get3A_1498 : vector<1x1x16xf32> to vector<16xf32>
        %mul3A_1500 = arith.constant 8.000000e+00 : f32
        %mul3A_1501 = vector.broadcast %mul3A_1500 : f32 to vector<16xf32>
        %mul3A_1502 = arith.mulf %get3A_1499, %mul3A_1501 : vector<16xf32>
        %add3A_1503 = arith.constant 3 : i32
        %add3A_1504 = arith.addi %mul3A_1212, %add3A_1503 : i32
        %swap3A_1505 = arith.constant 2 : i32
        %swap3A_1506 = arith.index_cast %swap3A_1505 : i32 to index
        %swap3A_1507 = arith.index_cast %add3A_1504 : i32 to index
        %swap3A_1508 = arith.constant 32 : index
        %swap3A_1509 = tpu.vector_load %arg6[%swap3A_1506, %swap3A_1507, %swap3A_1508] {strides = array<i32>} : memref<4x256x64xf32, #tpu.memory_space<vmem>>, vector<1x1x16xf32>,
        %swap3A_1510 = vector.shape_cast %swap3A_1509 : vector<1x1x16xf32> to vector<16xf32>
        %swap3A_1511 = vector.shape_cast %mul3A_1502 : vector<16xf32> to vector<1x1x16xf32>
        tpu.vector_store %arg6[%swap3A_1506, %swap3A_1507, %swap3A_1508], %swap3A_1511 {strides = array<i32>} : memref<4x256x64xf32, #tpu.memory_space<vmem>>, vector<1x1x16xf32>,
        %add3A_1512 = arith.constant 3 : i32
        %add3A_1513 = arith.addi %mul3A_1212, %add3A_1512 : i32
        %get3A_1514 = arith.constant 2 : i32
        %get3A_1515 = arith.index_cast %get3A_1514 : i32 to index
        %get3A_1516 = arith.index_cast %add3A_1513 : i32 to index
        %get3A_1517 = arith.constant 48 : index
        %get3A_1518 = tpu.vector_load %arg6[%get3A_1515, %get3A_1516, %get3A_1517] {strides = array<i32>} : memref<4x256x64xf32, #tpu.memory_space<vmem>>, vector<1x1x16xf32>,
        %get3A_1519 = vector.shape_cast %get3A_1518 : vector<1x1x16xf32> to vector<16xf32>
        %mul3A_1520 = arith.constant 8.000000e+00 : f32
        %mul3A_1521 = vector.broadcast %mul3A_1520 : f32 to vector<16xf32>
        %mul3A_1522 = arith.mulf %get3A_1519, %mul3A_1521 : vector<16xf32>
        %add3A_1523 = arith.constant 3 : i32
        %add3A_1524 = arith.addi %mul3A_1212, %add3A_1523 : i32
        %swap3A_1525 = arith.constant 2 : i32
        %swap3A_1526 = arith.index_cast %swap3A_1525 : i32 to index
        %swap3A_1527 = arith.index_cast %add3A_1524 : i32 to index
        %swap3A_1528 = arith.constant 48 : index
        %swap3A_1529 = tpu.vector_load %arg6[%swap3A_1526, %swap3A_1527, %swap3A_1528] {strides = array<i32>} : memref<4x256x64xf32, #tpu.memory_space<vmem>>, vector<1x1x16xf32>,
        %swap3A_1530 = vector.shape_cast %swap3A_1529 : vector<1x1x16xf32> to vector<16xf32>
        %swap3A_1531 = vector.shape_cast %mul3A_1522 : vector<16xf32> to vector<1x1x16xf32>
        tpu.vector_store %arg6[%swap3A_1526, %swap3A_1527, %swap3A_1528], %swap3A_1531 {strides = array<i32>} : memref<4x256x64xf32, #tpu.memory_space<vmem>>, vector<1x1x16xf32>,
        %add3A_1532 = arith.constant 4 : i32
        %add3A_1533 = arith.addi %mul3A_1212, %add3A_1532 : i32
        %get3A_1534 = arith.constant 2 : i32
        %get3A_1535 = arith.index_cast %get3A_1534 : i32 to index
        %get3A_1536 = arith.index_cast %add3A_1533 : i32 to index
        %get3A_1537 = arith.constant 0 : index
        %get3A_1538 = tpu.vector_load %arg6[%get3A_1535, %get3A_1536, %get3A_1537] {strides = array<i32>} : memref<4x256x64xf32, #tpu.memory_space<vmem>>, vector<1x1x16xf32>,
        %get3A_1539 = vector.shape_cast %get3A_1538 : vector<1x1x16xf32> to vector<16xf32>
        %mul3A_1540 = arith.constant 8.000000e+00 : f32
        %mul3A_1541 = vector.broadcast %mul3A_1540 : f32 to vector<16xf32>
        %mul3A_1542 = arith.mulf %get3A_1539, %mul3A_1541 : vector<16xf32>
        %add3A_1543 = arith.constant 4 : i32
        %add3A_1544 = arith.addi %mul3A_1212, %add3A_1543 : i32
        %swap3A_1545 = arith.constant 2 : i32
        %swap3A_1546 = arith.index_cast %swap3A_1545 : i32 to index
        %swap3A_1547 = arith.index_cast %add3A_1544 : i32 to index
        %swap3A_1548 = arith.constant 0 : index
        %swap3A_1549 = tpu.vector_load %arg6[%swap3A_1546, %swap3A_1547, %swap3A_1548] {strides = array<i32>} : memref<4x256x64xf32, #tpu.memory_space<vmem>>, vector<1x1x16xf32>,
        %swap3A_1550 = vector.shape_cast %swap3A_1549 : vector<1x1x16xf32> to vector<16xf32>
        %swap3A_1551 = vector.shape_cast %mul3A_1542 : vector<16xf32> to vector<1x1x16xf32>
        tpu.vector_store %arg6[%swap3A_1546, %swap3A_1547, %swap3A_1548], %swap3A_1551 {strides = array<i32>} : memref<4x256x64xf32, #tpu.memory_space<vmem>>, vector<1x1x16xf32>,
        %add3A_1552 = arith.constant 4 : i32
        %add3A_1553 = arith.addi %mul3A_1212, %add3A_1552 : i32
        %get3A_1554 = arith.constant 2 : i32
        %get3A_1555 = arith.index_cast %get3A_1554 : i32 to index
        %get3A_1556 = arith.index_cast %add3A_1553 : i32 to index
        %get3A_1557 = arith.constant 16 : index
        %get3A_1558 = tpu.vector_load %arg6[%get3A_1555, %get3A_1556, %get3A_1557] {strides = array<i32>} : memref<4x256x64xf32, #tpu.memory_space<vmem>>, vector<1x1x16xf32>,
        %get3A_1559 = vector.shape_cast %get3A_1558 : vector<1x1x16xf32> to vector<16xf32>
        %mul3A_1560 = arith.constant 8.000000e+00 : f32
        %mul3A_1561 = vector.broadcast %mul3A_1560 : f32 to vector<16xf32>
        %mul3A_1562 = arith.mulf %get3A_1559, %mul3A_1561 : vector<16xf32>
        %add3A_1563 = arith.constant 4 : i32
        %add3A_1564 = arith.addi %mul3A_1212, %add3A_1563 : i32
        %swap3A_1565 = arith.constant 2 : i32
        %swap3A_1566 = arith.index_cast %swap3A_1565 : i32 to index
        %swap3A_1567 = arith.index_cast %add3A_1564 : i32 to index
        %swap3A_1568 = arith.constant 16 : index
        %swap3A_1569 = tpu.vector_load %arg6[%swap3A_1566, %swap3A_1567, %swap3A_1568] {strides = array<i32>} : memref<4x256x64xf32, #tpu.memory_space<vmem>>, vector<1x1x16xf32>,
        %swap3A_1570 = vector.shape_cast %swap3A_1569 : vector<1x1x16xf32> to vector<16xf32>
        %swap3A_1571 = vector.shape_cast %mul3A_1562 : vector<16xf32> to vector<1x1x16xf32>
        tpu.vector_store %arg6[%swap3A_1566, %swap3A_1567, %swap3A_1568], %swap3A_1571 {strides = array<i32>} : memref<4x256x64xf32, #tpu.memory_space<vmem>>, vector<1x1x16xf32>,
        %add3A_1572 = arith.constant 4 : i32
        %add3A_1573 = arith.addi %mul3A_1212, %add3A_1572 : i32
        %get3A_1574 = arith.constant 2 : i32
        %get3A_1575 = arith.index_cast %get3A_1574 : i32 to index
        %get3A_1576 = arith.index_cast %add3A_1573 : i32 to index
        %get3A_1577 = arith.constant 32 : index
        %get3A_1578 = tpu.vector_load %arg6[%get3A_1575, %get3A_1576, %get3A_1577] {strides = array<i32>} : memref<4x256x64xf32, #tpu.memory_space<vmem>>, vector<1x1x16xf32>,
        %get3A_1579 = vector.shape_cast %get3A_1578 : vector<1x1x16xf32> to vector<16xf32>
        %mul3A_1580 = arith.constant 8.000000e+00 : f32
        %mul3A_1581 = vector.broadcast %mul3A_1580 : f32 to vector<16xf32>
        %mul3A_1582 = arith.mulf %get3A_1579, %mul3A_1581 : vector<16xf32>
        %add3A_1583 = arith.constant 4 : i32
        %add3A_1584 = arith.addi %mul3A_1212, %add3A_1583 : i32
        %swap3A_1585 = arith.constant 2 : i32
        %swap3A_1586 = arith.index_cast %swap3A_1585 : i32 to index
        %swap3A_1587 = arith.index_cast %add3A_1584 : i32 to index
        %swap3A_1588 = arith.constant 32 : index
        %swap3A_1589 = tpu.vector_load %arg6[%swap3A_1586, %swap3A_1587, %swap3A_1588] {strides = array<i32>} : memref<4x256x64xf32, #tpu.memory_space<vmem>>, vector<1x1x16xf32>,
        %swap3A_1590 = vector.shape_cast %swap3A_1589 : vector<1x1x16xf32> to vector<16xf32>
        %swap3A_1591 = vector.shape_cast %mul3A_1582 : vector<16xf32> to vector<1x1x16xf32>
        tpu.vector_store %arg6[%swap3A_1586, %swap3A_1587, %swap3A_1588], %swap3A_1591 {strides = array<i32>} : memref<4x256x64xf32, #tpu.memory_space<vmem>>, vector<1x1x16xf32>,
        %add3A_1592 = arith.constant 4 : i32
        %add3A_1593 = arith.addi %mul3A_1212, %add3A_1592 : i32
        %get3A_1594 = arith.constant 2 : i32
        %get3A_1595 = arith.index_cast %get3A_1594 : i32 to index
        %get3A_1596 = arith.index_cast %add3A_1593 : i32 to index
        %get3A_1597 = arith.constant 48 : index
        %get3A_1598 = tpu.vector_load %arg6[%get3A_1595, %get3A_1596, %get3A_1597] {strides = array<i32>} : memref<4x256x64xf32, #tpu.memory_space<vmem>>, vector<1x1x16xf32>,
        %get3A_1599 = vector.shape_cast %get3A_1598 : vector<1x1x16xf32> to vector<16xf32>
        %mul3A_1600 = arith.constant 8.000000e+00 : f32
        %mul3A_1601 = vector.broadcast %mul3A_1600 : f32 to vector<16xf32>
        %mul3A_1602 = arith.mulf %get3A_1599, %mul3A_1601 : vector<16xf32>
        %add3A_1603 = arith.constant 4 : i32
        %add3A_1604 = arith.addi %mul3A_1212, %add3A_1603 : i32
        %swap3A_1605 = arith.constant 2 : i32
        %swap3A_1606 = arith.index_cast %swap3A_1605 : i32 to index
        %swap3A_1607 = arith.index_cast %add3A_1604 : i32 to index
        %swap3A_1608 = arith.constant 48 : index
        %swap3A_1609 = tpu.vector_load %arg6[%swap3A_1606, %swap3A_1607, %swap3A_1608] {strides = array<i32>} : memref<4x256x64xf32, #tpu.memory_space<vmem>>, vector<1x1x16xf32>,
        %swap3A_1610 = vector.shape_cast %swap3A_1609 : vector<1x1x16xf32> to vector<16xf32>
        %swap3A_1611 = vector.shape_cast %mul3A_1602 : vector<16xf32> to vector<1x1x16xf32>
        tpu.vector_store %arg6[%swap3A_1606, %swap3A_1607, %swap3A_1608], %swap3A_1611 {strides = array<i32>} : memref<4x256x64xf32, #tpu.memory_space<vmem>>, vector<1x1x16xf32>,
        %add3A_1612 = arith.constant 5 : i32
        %add3A_1613 = arith.addi %mul3A_1212, %add3A_1612 : i32
        %get3A_1614 = arith.constant 2 : i32
        %get3A_1615 = arith.index_cast %get3A_1614 : i32 to index
        %get3A_1616 = arith.index_cast %add3A_1613 : i32 to index
        %get3A_1617 = arith.constant 0 : index
        %get3A_1618 = tpu.vector_load %arg6[%get3A_1615, %get3A_1616, %get3A_1617] {strides = array<i32>} : memref<4x256x64xf32, #tpu.memory_space<vmem>>, vector<1x1x16xf32>,
        %get3A_1619 = vector.shape_cast %get3A_1618 : vector<1x1x16xf32> to vector<16xf32>
        %mul3A_1620 = arith.constant 8.000000e+00 : f32
        %mul3A_1621 = vector.broadcast %mul3A_1620 : f32 to vector<16xf32>
        %mul3A_1622 = arith.mulf %get3A_1619, %mul3A_1621 : vector<16xf32>
        %add3A_1623 = arith.constant 5 : i32
        %add3A_1624 = arith.addi %mul3A_1212, %add3A_1623 : i32
        %swap3A_1625 = arith.constant 2 : i32
        %swap3A_1626 = arith.index_cast %swap3A_1625 : i32 to index
        %swap3A_1627 = arith.index_cast %add3A_1624 : i32 to index
        %swap3A_1628 = arith.constant 0 : index
        %swap3A_1629 = tpu.vector_load %arg6[%swap3A_1626, %swap3A_1627, %swap3A_1628] {strides = array<i32>} : memref<4x256x64xf32, #tpu.memory_space<vmem>>, vector<1x1x16xf32>,
        %swap3A_1630 = vector.shape_cast %swap3A_1629 : vector<1x1x16xf32> to vector<16xf32>
        %swap3A_1631 = vector.shape_cast %mul3A_1622 : vector<16xf32> to vector<1x1x16xf32>
        tpu.vector_store %arg6[%swap3A_1626, %swap3A_1627, %swap3A_1628], %swap3A_1631 {strides = array<i32>} : memref<4x256x64xf32, #tpu.memory_space<vmem>>, vector<1x1x16xf32>,
        %add3A_1632 = arith.constant 5 : i32
        %add3A_1633 = arith.addi %mul3A_1212, %add3A_1632 : i32
        %get3A_1634 = arith.constant 2 : i32
        %get3A_1635 = arith.index_cast %get3A_1634 : i32 to index
        %get3A_1636 = arith.index_cast %add3A_1633 : i32 to index
        %get3A_1637 = arith.constant 16 : index
        %get3A_1638 = tpu.vector_load %arg6[%get3A_1635, %get3A_1636, %get3A_1637] {strides = array<i32>} : memref<4x256x64xf32, #tpu.memory_space<vmem>>, vector<1x1x16xf32>,
        %get3A_1639 = vector.shape_cast %get3A_1638 : vector<1x1x16xf32> to vector<16xf32>
        %mul3A_1640 = arith.constant 8.000000e+00 : f32
        %mul3A_1641 = vector.broadcast %mul3A_1640 : f32 to vector<16xf32>
        %mul3A_1642 = arith.mulf %get3A_1639, %mul3A_1641 : vector<16xf32>
        %add3A_1643 = arith.constant 5 : i32
        %add3A_1644 = arith.addi %mul3A_1212, %add3A_1643 : i32
        %swap3A_1645 = arith.constant 2 : i32
        %swap3A_1646 = arith.index_cast %swap3A_1645 : i32 to index
        %swap3A_1647 = arith.index_cast %add3A_1644 : i32 to index
        %swap3A_1648 = arith.constant 16 : index
        %swap3A_1649 = tpu.vector_load %arg6[%swap3A_1646, %swap3A_1647, %swap3A_1648] {strides = array<i32>} : memref<4x256x64xf32, #tpu.memory_space<vmem>>, vector<1x1x16xf32>,
        %swap3A_1650 = vector.shape_cast %swap3A_1649 : vector<1x1x16xf32> to vector<16xf32>
        %swap3A_1651 = vector.shape_cast %mul3A_1642 : vector<16xf32> to vector<1x1x16xf32>
        tpu.vector_store %arg6[%swap3A_1646, %swap3A_1647, %swap3A_1648], %swap3A_1651 {strides = array<i32>} : memref<4x256x64xf32, #tpu.memory_space<vmem>>, vector<1x1x16xf32>,
        %add3A_1652 = arith.constant 5 : i32
        %add3A_1653 = arith.addi %mul3A_1212, %add3A_1652 : i32
        %get3A_1654 = arith.constant 2 : i32
        %get3A_1655 = arith.index_cast %get3A_1654 : i32 to index
        %get3A_1656 = arith.index_cast %add3A_1653 : i32 to index
        %get3A_1657 = arith.constant 32 : index
        %get3A_1658 = tpu.vector_load %arg6[%get3A_1655, %get3A_1656, %get3A_1657] {strides = array<i32>} : memref<4x256x64xf32, #tpu.memory_space<vmem>>, vector<1x1x16xf32>,
        %get3A_1659 = vector.shape_cast %get3A_1658 : vector<1x1x16xf32> to vector<16xf32>
        %mul3A_1660 = arith.constant 8.000000e+00 : f32
        %mul3A_1661 = vector.broadcast %mul3A_1660 : f32 to vector<16xf32>
        %mul3A_1662 = arith.mulf %get3A_1659, %mul3A_1661 : vector<16xf32>
        %add3A_1663 = arith.constant 5 : i32
        %add3A_1664 = arith.addi %mul3A_1212, %add3A_1663 : i32
        %swap3A_1665 = arith.constant 2 : i32
        %swap3A_1666 = arith.index_cast %swap3A_1665 : i32 to index
        %swap3A_1667 = arith.index_cast %add3A_1664 : i32 to index
        %swap3A_1668 = arith.constant 32 : index
        %swap3A_1669 = tpu.vector_load %arg6[%swap3A_1666, %swap3A_1667, %swap3A_1668] {strides = array<i32>} : memref<4x256x64xf32, #tpu.memory_space<vmem>>, vector<1x1x16xf32>,
        %swap3A_1670 = vector.shape_cast %swap3A_1669 : vector<1x1x16xf32> to vector<16xf32>
        %swap3A_1671 = vector.shape_cast %mul3A_1662 : vector<16xf32> to vector<1x1x16xf32>
        tpu.vector_store %arg6[%swap3A_1666, %swap3A_1667, %swap3A_1668], %swap3A_1671 {strides = array<i32>} : memref<4x256x64xf32, #tpu.memory_space<vmem>>, vector<1x1x16xf32>,
        %add3A_1672 = arith.constant 5 : i32
        %add3A_1673 = arith.addi %mul3A_1212, %add3A_1672 : i32
        %get3A_1674 = arith.constant 2 : i32
        %get3A_1675 = arith.index_cast %get3A_1674 : i32 to index
        %get3A_1676 = arith.index_cast %add3A_1673 : i32 to index
        %get3A_1677 = arith.constant 48 : index
        %get3A_1678 = tpu.vector_load %arg6[%get3A_1675, %get3A_1676, %get3A_1677] {strides = array<i32>} : memref<4x256x64xf32, #tpu.memory_space<vmem>>, vector<1x1x16xf32>,
        %get3A_1679 = vector.shape_cast %get3A_1678 : vector<1x1x16xf32> to vector<16xf32>
        %mul3A_1680 = arith.constant 8.000000e+00 : f32
        %mul3A_1681 = vector.broadcast %mul3A_1680 : f32 to vector<16xf32>
        %mul3A_1682 = arith.mulf %get3A_1679, %mul3A_1681 : vector<16xf32>
        %add3A_1683 = arith.constant 5 : i32
        %add3A_1684 = arith.addi %mul3A_1212, %add3A_1683 : i32
        %swap3A_1685 = arith.constant 2 : i32
        %swap3A_1686 = arith.index_cast %swap3A_1685 : i32 to index
        %swap3A_1687 = arith.index_cast %add3A_1684 : i32 to index
        %swap3A_1688 = arith.constant 48 : index
        %swap3A_1689 = tpu.vector_load %arg6[%swap3A_1686, %swap3A_1687, %swap3A_1688] {strides = array<i32>} : memref<4x256x64xf32, #tpu.memory_space<vmem>>, vector<1x1x16xf32>,
        %swap3A_1690 = vector.shape_cast %swap3A_1689 : vector<1x1x16xf32> to vector<16xf32>
        %swap3A_1691 = vector.shape_cast %mul3A_1682 : vector<16xf32> to vector<1x1x16xf32>
        tpu.vector_store %arg6[%swap3A_1686, %swap3A_1687, %swap3A_1688], %swap3A_1691 {strides = array<i32>} : memref<4x256x64xf32, #tpu.memory_space<vmem>>, vector<1x1x16xf32>,
        %add3A_1692 = arith.constant 6 : i32
        %add3A_1693 = arith.addi %mul3A_1212, %add3A_1692 : i32
        %get3A_1694 = arith.constant 2 : i32
        %get3A_1695 = arith.index_cast %get3A_1694 : i32 to index
        %get3A_1696 = arith.index_cast %add3A_1693 : i32 to index
        %get3A_1697 = arith.constant 0 : index
        %get3A_1698 = tpu.vector_load %arg6[%get3A_1695, %get3A_1696, %get3A_1697] {strides = array<i32>} : memref<4x256x64xf32, #tpu.memory_space<vmem>>, vector<1x1x16xf32>,
        %get3A_1699 = vector.shape_cast %get3A_1698 : vector<1x1x16xf32> to vector<16xf32>
        %mul3A_1700 = arith.constant 8.000000e+00 : f32
        %mul3A_1701 = vector.broadcast %mul3A_1700 : f32 to vector<16xf32>
        %mul3A_1702 = arith.mulf %get3A_1699, %mul3A_1701 : vector<16xf32>
        %add3A_1703 = arith.constant 6 : i32
        %add3A_1704 = arith.addi %mul3A_1212, %add3A_1703 : i32
        %swap3A_1705 = arith.constant 2 : i32
        %swap3A_1706 = arith.index_cast %swap3A_1705 : i32 to index
        %swap3A_1707 = arith.index_cast %add3A_1704 : i32 to index
        %swap3A_1708 = arith.constant 0 : index
        %swap3A_1709 = tpu.vector_load %arg6[%swap3A_1706, %swap3A_1707, %swap3A_1708] {strides = array<i32>} : memref<4x256x64xf32, #tpu.memory_space<vmem>>, vector<1x1x16xf32>,
        %swap3A_1710 = vector.shape_cast %swap3A_1709 : vector<1x1x16xf32> to vector<16xf32>
        %swap3A_1711 = vector.shape_cast %mul3A_1702 : vector<16xf32> to vector<1x1x16xf32>
        tpu.vector_store %arg6[%swap3A_1706, %swap3A_1707, %swap3A_1708], %swap3A_1711 {strides = array<i32>} : memref<4x256x64xf32, #tpu.memory_space<vmem>>, vector<1x1x16xf32>,
        %add3A_1712 = arith.constant 6 : i32
        %add3A_1713 = arith.addi %mul3A_1212, %add3A_1712 : i32
        %get3A_1714 = arith.constant 2 : i32
        %get3A_1715 = arith.index_cast %get3A_1714 : i32 to index
        %get3A_1716 = arith.index_cast %add3A_1713 : i32 to index
        %get3A_1717 = arith.constant 16 : index
        %get3A_1718 = tpu.vector_load %arg6[%get3A_1715, %get3A_1716, %get3A_1717] {strides = array<i32>} : memref<4x256x64xf32, #tpu.memory_space<vmem>>, vector<1x1x16xf32>,
        %get3A_1719 = vector.shape_cast %get3A_1718 : vector<1x1x16xf32> to vector<16xf32>
        %mul3A_1720 = arith.constant 8.000000e+00 : f32
        %mul3A_1721 = vector.broadcast %mul3A_1720 : f32 to vector<16xf32>
        %mul3A_1722 = arith.mulf %get3A_1719, %mul3A_1721 : vector<16xf32>
        %add3A_1723 = arith.constant 6 : i32
        %add3A_1724 = arith.addi %mul3A_1212, %add3A_1723 : i32
        %swap3A_1725 = arith.constant 2 : i32
        %swap3A_1726 = arith.index_cast %swap3A_1725 : i32 to index
        %swap3A_1727 = arith.index_cast %add3A_1724 : i32 to index
        %swap3A_1728 = arith.constant 16 : index
        %swap3A_1729 = tpu.vector_load %arg6[%swap3A_1726, %swap3A_1727, %swap3A_1728] {strides = array<i32>} : memref<4x256x64xf32, #tpu.memory_space<vmem>>, vector<1x1x16xf32>,
        %swap3A_1730 = vector.shape_cast %swap3A_1729 : vector<1x1x16xf32> to vector<16xf32>
        %swap3A_1731 = vector.shape_cast %mul3A_1722 : vector<16xf32> to vector<1x1x16xf32>
        tpu.vector_store %arg6[%swap3A_1726, %swap3A_1727, %swap3A_1728], %swap3A_1731 {strides = array<i32>} : memref<4x256x64xf32, #tpu.memory_space<vmem>>, vector<1x1x16xf32>,
        %add3A_1732 = arith.constant 6 : i32
        %add3A_1733 = arith.addi %mul3A_1212, %add3A_1732 : i32
        %get3A_1734 = arith.constant 2 : i32
        %get3A_1735 = arith.index_cast %get3A_1734 : i32 to index
        %get3A_1736 = arith.index_cast %add3A_1733 : i32 to index
        %get3A_1737 = arith.constant 32 : index
        %get3A_1738 = tpu.vector_load %arg6[%get3A_1735, %get3A_1736, %get3A_1737] {strides = array<i32>} : memref<4x256x64xf32, #tpu.memory_space<vmem>>, vector<1x1x16xf32>,
        %get3A_1739 = vector.shape_cast %get3A_1738 : vector<1x1x16xf32> to vector<16xf32>
        %mul3A_1740 = arith.constant 8.000000e+00 : f32
        %mul3A_1741 = vector.broadcast %mul3A_1740 : f32 to vector<16xf32>
        %mul3A_1742 = arith.mulf %get3A_1739, %mul3A_1741 : vector<16xf32>
        %add3A_1743 = arith.constant 6 : i32
        %add3A_1744 = arith.addi %mul3A_1212, %add3A_1743 : i32
        %swap3A_1745 = arith.constant 2 : i32
        %swap3A_1746 = arith.index_cast %swap3A_1745 : i32 to index
        %swap3A_1747 = arith.index_cast %add3A_1744 : i32 to index
        %swap3A_1748 = arith.constant 32 : index
        %swap3A_1749 = tpu.vector_load %arg6[%swap3A_1746, %swap3A_1747, %swap3A_1748] {strides = array<i32>} : memref<4x256x64xf32, #tpu.memory_space<vmem>>, vector<1x1x16xf32>,
        %swap3A_1750 = vector.shape_cast %swap3A_1749 : vector<1x1x16xf32> to vector<16xf32>
        %swap3A_1751 = vector.shape_cast %mul3A_1742 : vector<16xf32> to vector<1x1x16xf32>
        tpu.vector_store %arg6[%swap3A_1746, %swap3A_1747, %swap3A_1748], %swap3A_1751 {strides = array<i32>} : memref<4x256x64xf32, #tpu.memory_space<vmem>>, vector<1x1x16xf32>,
        %add3A_1752 = arith.constant 6 : i32
        %add3A_1753 = arith.addi %mul3A_1212, %add3A_1752 : i32
        %get3A_1754 = arith.constant 2 : i32
        %get3A_1755 = arith.index_cast %get3A_1754 : i32 to index
        %get3A_1756 = arith.index_cast %add3A_1753 : i32 to index
        %get3A_1757 = arith.constant 48 : index
        %get3A_1758 = tpu.vector_load %arg6[%get3A_1755, %get3A_1756, %get3A_1757] {strides = array<i32>} : memref<4x256x64xf32, #tpu.memory_space<vmem>>, vector<1x1x16xf32>,
        %get3A_1759 = vector.shape_cast %get3A_1758 : vector<1x1x16xf32> to vector<16xf32>
        %mul3A_1760 = arith.constant 8.000000e+00 : f32
        %mul3A_1761 = vector.broadcast %mul3A_1760 : f32 to vector<16xf32>
        %mul3A_1762 = arith.mulf %get3A_1759, %mul3A_1761 : vector<16xf32>
        %add3A_1763 = arith.constant 6 : i32
        %add3A_1764 = arith.addi %mul3A_1212, %add3A_1763 : i32
        %swap3A_1765 = arith.constant 2 : i32
        %swap3A_1766 = arith.index_cast %swap3A_1765 : i32 to index
        %swap3A_1767 = arith.index_cast %add3A_1764 : i32 to index
        %swap3A_1768 = arith.constant 48 : index
        %swap3A_1769 = tpu.vector_load %arg6[%swap3A_1766, %swap3A_1767, %swap3A_1768] {strides = array<i32>} : memref<4x256x64xf32, #tpu.memory_space<vmem>>, vector<1x1x16xf32>,
        %swap3A_1770 = vector.shape_cast %swap3A_1769 : vector<1x1x16xf32> to vector<16xf32>
        %swap3A_1771 = vector.shape_cast %mul3A_1762 : vector<16xf32> to vector<1x1x16xf32>
        tpu.vector_store %arg6[%swap3A_1766, %swap3A_1767, %swap3A_1768], %swap3A_1771 {strides = array<i32>} : memref<4x256x64xf32, #tpu.memory_space<vmem>>, vector<1x1x16xf32>,
        %add3A_1772 = arith.constant 7 : i32
        %add3A_1773 = arith.addi %mul3A_1212, %add3A_1772 : i32
        %get3A_1774 = arith.constant 2 : i32
        %get3A_1775 = arith.index_cast %get3A_1774 : i32 to index
        %get3A_1776 = arith.index_cast %add3A_1773 : i32 to index
        %get3A_1777 = arith.constant 0 : index
        %get3A_1778 = tpu.vector_load %arg6[%get3A_1775, %get3A_1776, %get3A_1777] {strides = array<i32>} : memref<4x256x64xf32, #tpu.memory_space<vmem>>, vector<1x1x16xf32>,
        %get3A_1779 = vector.shape_cast %get3A_1778 : vector<1x1x16xf32> to vector<16xf32>
        %mul3A_1780 = arith.constant 8.000000e+00 : f32
        %mul3A_1781 = vector.broadcast %mul3A_1780 : f32 to vector<16xf32>
        %mul3A_1782 = arith.mulf %get3A_1779, %mul3A_1781 : vector<16xf32>
        %add3A_1783 = arith.constant 7 : i32
        %add3A_1784 = arith.addi %mul3A_1212, %add3A_1783 : i32
        %swap3A_1785 = arith.constant 2 : i32
        %swap3A_1786 = arith.index_cast %swap3A_1785 : i32 to index
        %swap3A_1787 = arith.index_cast %add3A_1784 : i32 to index
        %swap3A_1788 = arith.constant 0 : index
        %swap3A_1789 = tpu.vector_load %arg6[%swap3A_1786, %swap3A_1787, %swap3A_1788] {strides = array<i32>} : memref<4x256x64xf32, #tpu.memory_space<vmem>>, vector<1x1x16xf32>,
        %swap3A_1790 = vector.shape_cast %swap3A_1789 : vector<1x1x16xf32> to vector<16xf32>
        %swap3A_1791 = vector.shape_cast %mul3A_1782 : vector<16xf32> to vector<1x1x16xf32>
        tpu.vector_store %arg6[%swap3A_1786, %swap3A_1787, %swap3A_1788], %swap3A_1791 {strides = array<i32>} : memref<4x256x64xf32, #tpu.memory_space<vmem>>, vector<1x1x16xf32>,
        %add3A_1792 = arith.constant 7 : i32
        %add3A_1793 = arith.addi %mul3A_1212, %add3A_1792 : i32
        %get3A_1794 = arith.constant 2 : i32
        %get3A_1795 = arith.index_cast %get3A_1794 : i32 to index
        %get3A_1796 = arith.index_cast %add3A_1793 : i32 to index
        %get3A_1797 = arith.constant 16 : index
        %get3A_1798 = tpu.vector_load %arg6[%get3A_1795, %get3A_1796, %get3A_1797] {strides = array<i32>} : memref<4x256x64xf32, #tpu.memory_space<vmem>>, vector<1x1x16xf32>,
        %get3A_1799 = vector.shape_cast %get3A_1798 : vector<1x1x16xf32> to vector<16xf32>
        %mul3A_1800 = arith.constant 8.000000e+00 : f32
        %mul3A_1801 = vector.broadcast %mul3A_1800 : f32 to vector<16xf32>
        %mul3A_1802 = arith.mulf %get3A_1799, %mul3A_1801 : vector<16xf32>
        %add3A_1803 = arith.constant 7 : i32
        %add3A_1804 = arith.addi %mul3A_1212, %add3A_1803 : i32
        %swap3A_1805 = arith.constant 2 : i32
        %swap3A_1806 = arith.index_cast %swap3A_1805 : i32 to index
        %swap3A_1807 = arith.index_cast %add3A_1804 : i32 to index
        %swap3A_1808 = arith.constant 16 : index
        %swap3A_1809 = tpu.vector_load %arg6[%swap3A_1806, %swap3A_1807, %swap3A_1808] {strides = array<i32>} : memref<4x256x64xf32, #tpu.memory_space<vmem>>, vector<1x1x16xf32>,
        %swap3A_1810 = vector.shape_cast %swap3A_1809 : vector<1x1x16xf32> to vector<16xf32>
        %swap3A_1811 = vector.shape_cast %mul3A_1802 : vector<16xf32> to vector<1x1x16xf32>
        tpu.vector_store %arg6[%swap3A_1806, %swap3A_1807, %swap3A_1808], %swap3A_1811 {strides = array<i32>} : memref<4x256x64xf32, #tpu.memory_space<vmem>>, vector<1x1x16xf32>,
        %add3A_1812 = arith.constant 7 : i32
        %add3A_1813 = arith.addi %mul3A_1212, %add3A_1812 : i32
        %get3A_1814 = arith.constant 2 : i32
        %get3A_1815 = arith.index_cast %get3A_1814 : i32 to index
        %get3A_1816 = arith.index_cast %add3A_1813 : i32 to index
        %get3A_1817 = arith.constant 32 : index
        %get3A_1818 = tpu.vector_load %arg6[%get3A_1815, %get3A_1816, %get3A_1817] {strides = array<i32>} : memref<4x256x64xf32, #tpu.memory_space<vmem>>, vector<1x1x16xf32>,
        %get3A_1819 = vector.shape_cast %get3A_1818 : vector<1x1x16xf32> to vector<16xf32>
        %mul3A_1820 = arith.constant 8.000000e+00 : f32
        %mul3A_1821 = vector.broadcast %mul3A_1820 : f32 to vector<16xf32>
        %mul3A_1822 = arith.mulf %get3A_1819, %mul3A_1821 : vector<16xf32>
        %add3A_1823 = arith.constant 7 : i32
        %add3A_1824 = arith.addi %mul3A_1212, %add3A_1823 : i32
        %swap3A_1825 = arith.constant 2 : i32
        %swap3A_1826 = arith.index_cast %swap3A_1825 : i32 to index
        %swap3A_1827 = arith.index_cast %add3A_1824 : i32 to index
        %swap3A_1828 = arith.constant 32 : index
        %swap3A_1829 = tpu.vector_load %arg6[%swap3A_1826, %swap3A_1827, %swap3A_1828] {strides = array<i32>} : memref<4x256x64xf32, #tpu.memory_space<vmem>>, vector<1x1x16xf32>,
        %swap3A_1830 = vector.shape_cast %swap3A_1829 : vector<1x1x16xf32> to vector<16xf32>
        %swap3A_1831 = vector.shape_cast %mul3A_1822 : vector<16xf32> to vector<1x1x16xf32>
        tpu.vector_store %arg6[%swap3A_1826, %swap3A_1827, %swap3A_1828], %swap3A_1831 {strides = array<i32>} : memref<4x256x64xf32, #tpu.memory_space<vmem>>, vector<1x1x16xf32>,
        %add3A_1832 = arith.constant 7 : i32
        %add3A_1833 = arith.addi %mul3A_1212, %add3A_1832 : i32
        %get3A_1834 = arith.constant 2 : i32
        %get3A_1835 = arith.index_cast %get3A_1834 : i32 to index
        %get3A_1836 = arith.index_cast %add3A_1833 : i32 to index
        %get3A_1837 = arith.constant 48 : index
        %get3A_1838 = tpu.vector_load %arg6[%get3A_1835, %get3A_1836, %get3A_1837] {strides = array<i32>} : memref<4x256x64xf32, #tpu.memory_space<vmem>>, vector<1x1x16xf32>,
        %get3A_1839 = vector.shape_cast %get3A_1838 : vector<1x1x16xf32> to vector<16xf32>
        %mul3A_1840 = arith.constant 8.000000e+00 : f32
        %mul3A_1841 = vector.broadcast %mul3A_1840 : f32 to vector<16xf32>
        %mul3A_1842 = arith.mulf %get3A_1839, %mul3A_1841 : vector<16xf32>
        %add3A_1843 = arith.constant 7 : i32
        %add3A_1844 = arith.addi %mul3A_1212, %add3A_1843 : i32
        %swap3A_1845 = arith.constant 2 : i32
        %swap3A_1846 = arith.index_cast %swap3A_1845 : i32 to index
        %swap3A_1847 = arith.index_cast %add3A_1844 : i32 to index
        %swap3A_1848 = arith.constant 48 : index
        %swap3A_1849 = tpu.vector_load %arg6[%swap3A_1846, %swap3A_1847, %swap3A_1848] {strides = array<i32>} : memref<4x256x64xf32, #tpu.memory_space<vmem>>, vector<1x1x16xf32>,
        %swap3A_1850 = vector.shape_cast %swap3A_1849 : vector<1x1x16xf32> to vector<16xf32>
        %swap3A_1851 = vector.shape_cast %mul3A_1842 : vector<16xf32> to vector<1x1x16xf32>
        tpu.vector_store %arg6[%swap3A_1846, %swap3A_1847, %swap3A_1848], %swap3A_1851 {strides = array<i32>} : memref<4x256x64xf32, #tpu.memory_space<vmem>>, vector<1x1x16xf32>,
      }
      %scan3A_1133 = arith.constant 32 : i32
      %dma_start3A_1134 = arith.constant 2 : i32
      %dma_start3A_1135 = arith.constant 2 : i32
      %dma_start3A_1136 = arith.constant 0 : i32
      %dma_start3A_1137 = arith.constant 0 : i32
      %dma_start3A_1138 = tpu.memref_slice %arg6[%dma_start3A_1134, %dma_start3A_1136, %dma_start3A_1137] : memref<4x256x64xf32, #tpu.memory_space<vmem>> -> memref<1x256x64xf32, #tpu.memory_space<vmem>>
      %dma_start3A_1139 = tpu.memref_squeeze %dma_start3A_1138 : memref<1x256x64xf32, #tpu.memory_space<vmem>> -> memref<256x64xf32, #tpu.memory_space<vmem>>
      %dma_start3A_1140 = arith.constant 0 : i32
      %dma_start3A_1141 = tpu.memref_slice %arg7[%dma_start3A_1135, %dma_start3A_1140] : memref<4x256xi32, #tpu.memory_space<vmem>> -> memref<1x256xi32, #tpu.memory_space<vmem>>
      %dma_start3A_1142 = tpu.memref_squeeze %dma_start3A_1141 : memref<1x256xi32, #tpu.memory_space<vmem>> -> memref<256xi32, #tpu.memory_space<vmem>>
      %dma_start3A_1143 = arith.constant 0 : i32
      %dma_start3A_1144 = arith.constant 0 : i32
      %dma_start3A_1145 = tpu.memref_slice %arg4[%dma_start3A_1143, %dma_start3A_1144] : memref<819200x64xf32, #tpu.memory_space<hbm>> -> memref<819200x64xf32, #tpu.memory_space<hbm>>
      tpu.enqueue_indirect_dma source(%dma_start3A_1139 : memref<256x64xf32, #tpu.memory_space<vmem>>) target(%dma_start3A_1145 : memref<819200x64xf32, #tpu.memory_space<hbm>>) offsets(%dma_start3A_1142 : memref<256xi32, #tpu.memory_space<vmem>>) semaphore(%arg14 : memref<!tpu.dma_semaphore, #tpu.memory_space<semaphore_mem>>)
      %add3A_1146 = arith.constant 4 : i32
      %add3A_1147 = arith.addi %add3A_1099, %add3A_1146 : i32
      %lt3A_1148 = arith.constant 100 : i32
      %lt3A_1149 = arith.cmpi slt, %add3A_1147, %lt3A_1148 : i32
      %convert_element_type3A_1150 = arith.extui %lt3A_1149 : i1 to i32
      %cond3A_1151 = arith.constant 0 : i32
      %cond3A_1152 = arith.cmpi ne, %convert_element_type3A_1150, %cond3A_1151 : i32
      scf.if %cond3A_1152 {
        %dma_wait3A_1210 = arith.constant 2 : i32
        %dma_wait3A_1211 = arith.constant 2 : i32
        %dma_wait3A_1212 = arith.constant 0 : i32
        %dma_wait3A_1213 = arith.constant 0 : i32
        %dma_wait3A_1214 = tpu.memref_slice %arg6[%dma_wait3A_1210, %dma_wait3A_1212, %dma_wait3A_1213] : memref<4x256x64xf32, #tpu.memory_space<vmem>> -> memref<1x256x64xf32, #tpu.memory_space<vmem>>
        %dma_wait3A_1215 = tpu.memref_squeeze %dma_wait3A_1214 : memref<1x256x64xf32, #tpu.memory_space<vmem>> -> memref<256x64xf32, #tpu.memory_space<vmem>>
        %dma_wait3A_1216 = arith.constant 0 : i32
        %dma_wait3A_1217 = tpu.memref_slice %arg7[%dma_wait3A_1211, %dma_wait3A_1216] : memref<4x256xi32, #tpu.memory_space<vmem>> -> memref<1x256xi32, #tpu.memory_space<vmem>>
        %dma_wait3A_1218 = tpu.memref_squeeze %dma_wait3A_1217 : memref<1x256xi32, #tpu.memory_space<vmem>> -> memref<256xi32, #tpu.memory_space<vmem>>
        %dma_wait3A_1219 = arith.constant 0 : i32
        %dma_wait3A_1220 = arith.constant 0 : i32
        %dma_wait3A_1221 = tpu.memref_slice %arg4[%dma_wait3A_1219, %dma_wait3A_1220] : memref<819200x64xf32, #tpu.memory_space<hbm>> -> memref<819200x64xf32, #tpu.memory_space<hbm>>
        tpu.wait_indirect_dma semaphore(%arg14 : memref<!tpu.dma_semaphore, #tpu.memory_space<semaphore_mem>>) src(%dma_wait3A_1215 : memref<256x64xf32, #tpu.memory_space<vmem>>) dst(%dma_wait3A_1221 : memref<819200x64xf32, #tpu.memory_space<hbm>>)
        %add3A_1222 = arith.constant 4 : i32
        %add3A_1223 = arith.addi %add3A_1099, %add3A_1222 : i32
        %mul3A_1224 = arith.constant 2 : i32
        %mul3A_1225 = arith.muli %mul3A_1224, %add3A_1223 : i32
        %dma_start3A_1226 = arith.constant 2 : i32
        %dma_start3A_1227 = arith.constant 0 : i32
        %dma_start3A_1228 = arith.constant 0 : i32
        %dma_start3A_1229 = tpu.memref_slice %arg6[%dma_start3A_1226, %dma_start3A_1227, %dma_start3A_1228] : memref<4x256x64xf32, #tpu.memory_space<vmem>> -> memref<1x128x64xf32, #tpu.memory_space<vmem>>
        %dma_start3A_1230 = tpu.memref_squeeze %dma_start3A_1229 : memref<1x128x64xf32, #tpu.memory_space<vmem>> -> memref<128x64xf32, #tpu.memory_space<vmem>>
        %dma_start3A_1231 = arith.constant 0 : i32
        %dma_start3A_1232 = tpu.memref_slice %arg5[%mul3A_1225, %dma_start3A_1231] : memref<200x128xi32, #tpu.memory_space<vmem>> -> memref<1x128xi32, #tpu.memory_space<vmem>>
        %dma_start3A_1233 = tpu.memref_squeeze %dma_start3A_1232 : memref<1x128xi32, #tpu.memory_space<vmem>> -> memref<128xi32, #tpu.memory_space<vmem>>
        %dma_start3A_1234 = arith.constant 0 : i32
        %dma_start3A_1235 = arith.constant 0 : i32
        %dma_start3A_1236 = tpu.memref_slice %arg3[%dma_start3A_1234, %dma_start3A_1235] : memref<1000000x64xf32, #tpu.memory_space<hbm>> -> memref<1000000x64xf32, #tpu.memory_space<hbm>>
        tpu.enqueue_indirect_dma source(%dma_start3A_1236 : memref<1000000x64xf32, #tpu.memory_space<hbm>>) target(%dma_start3A_1230 : memref<128x64xf32, #tpu.memory_space<vmem>>) offsets(%dma_start3A_1233 : memref<128xi32, #tpu.memory_space<vmem>>) semaphore(%arg10 : memref<!tpu.dma_semaphore, #tpu.memory_space<semaphore_mem>>)
        %mul3A_1237 = arith.constant 2 : i32
        %mul3A_1238 = arith.muli %mul3A_1237, %add3A_1223 : i32
        %add3A_1239 = arith.constant 1 : i32
        %add3A_1240 = arith.addi %mul3A_1238, %add3A_1239 : i32
        %dma_start3A_1241 = arith.constant 2 : i32
        %dma_start3A_1242 = arith.constant 128 : i32
        %dma_start3A_1243 = arith.constant 0 : i32
        %dma_start3A_1244 = tpu.memref_slice %arg6[%dma_start3A_1241, %dma_start3A_1242, %dma_start3A_1243] : memref<4x256x64xf32, #tpu.memory_space<vmem>> -> memref<1x128x64xf32, #tpu.memory_space<vmem>>
        %dma_start3A_1245 = tpu.memref_squeeze %dma_start3A_1244 : memref<1x128x64xf32, #tpu.memory_space<vmem>> -> memref<128x64xf32, #tpu.memory_space<vmem>>
        %dma_start3A_1246 = arith.constant 0 : i32
        %dma_start3A_1247 = tpu.memref_slice %arg5[%add3A_1240, %dma_start3A_1246] : memref<200x128xi32, #tpu.memory_space<vmem>> -> memref<1x128xi32, #tpu.memory_space<vmem>>
        %dma_start3A_1248 = tpu.memref_squeeze %dma_start3A_1247 : memref<1x128xi32, #tpu.memory_space<vmem>> -> memref<128xi32, #tpu.memory_space<vmem>>
        %dma_start3A_1249 = arith.constant 0 : i32
        %dma_start3A_1250 = arith.constant 0 : i32
        %dma_start3A_1251 = tpu.memref_slice %arg3[%dma_start3A_1249, %dma_start3A_1250] : memref<1000000x64xf32, #tpu.memory_space<hbm>> -> memref<1000000x64xf32, #tpu.memory_space<hbm>>
        tpu.enqueue_indirect_dma source(%dma_start3A_1251 : memref<1000000x64xf32, #tpu.memory_space<hbm>>) target(%dma_start3A_1245 : memref<128x64xf32, #tpu.memory_space<vmem>>) offsets(%dma_start3A_1248 : memref<128xi32, #tpu.memory_space<vmem>>) semaphore(%arg10 : memref<!tpu.dma_semaphore, #tpu.memory_space<semaphore_mem>>)
        %add3A_1252 = arith.constant 0 : i32
        %add3A_1253 = arith.addi %mul3A_2, %add3A_1252 : i32
        %mul3A_1254 = arith.constant 200 : i32
        %mul3A_1255 = arith.muli %add3A_1253, %mul3A_1254 : i32
        %mul3A_1256 = arith.constant 2 : i32
        %mul3A_1257 = arith.muli %mul3A_1256, %add3A_1223 : i32
        %add3A_1258 = arith.addi %mul3A_1255, %mul3A_1257 : i32
        %add3A_1259 = vector.broadcast %add3A_1258 : i32 to vector<16xi32>
        %add3A_1260 = arith.addi %mul3A_5, %add3A_1259 : vector<16xi32>
        %swap3A_1261 = arith.constant 2 : i32
        %swap3A_1262 = arith.index_cast %swap3A_1261 : i32 to index
        %swap3A_1263 = arith.constant 0 : index
        %swap3A_1264 = tpu.vector_load %arg7[%swap3A_1262, %swap3A_1263] {strides = array<i32>} : memref<4x256xi32, #tpu.memory_space<vmem>>, vector<1x16xi32>,
        %swap3A_1265 = vector.shape_cast %swap3A_1264 : vector<1x16xi32> to vector<16xi32>
        %swap3A_1266 = vector.shape_cast %add3A_1260 : vector<16xi32> to vector<1x16xi32>
        tpu.vector_store %arg7[%swap3A_1262, %swap3A_1263], %swap3A_1266 {strides = array<i32>} : memref<4x256xi32, #tpu.memory_space<vmem>>, vector<1x16xi32>,
        %mul3A_1267 = arith.constant 2 : i32
        %mul3A_1268 = arith.muli %mul3A_1267, %add3A_1223 : i32
        %add3A_1269 = arith.addi %mul3A_1255, %mul3A_1268 : i32
        %add3A_1270 = arith.constant 1 : i32
        %add3A_1271 = arith.addi %add3A_1269, %add3A_1270 : i32
        %add3A_1272 = vector.broadcast %add3A_1271 : i32 to vector<16xi32>
        %add3A_1273 = arith.addi %mul3A_5, %add3A_1272 : vector<16xi32>
        %swap3A_1274 = arith.constant 2 : i32
        %swap3A_1275 = arith.index_cast %swap3A_1274 : i32 to index
        %swap3A_1276 = arith.constant 128 : index
        %swap3A_1277 = tpu.vector_load %arg7[%swap3A_1275, %swap3A_1276] {strides = array<i32>} : memref<4x256xi32, #tpu.memory_space<vmem>>, vector<1x16xi32>,
        %swap3A_1278 = vector.shape_cast %swap3A_1277 : vector<1x16xi32> to vector<16xi32>
        %swap3A_1279 = vector.shape_cast %add3A_1273 : vector<16xi32> to vector<1x16xi32>
        tpu.vector_store %arg7[%swap3A_1275, %swap3A_1276], %swap3A_1279 {strides = array<i32>} : memref<4x256xi32, #tpu.memory_space<vmem>>, vector<1x16xi32>,
        %add3A_1280 = arith.constant 16 : i32
        %add3A_1281 = arith.addi %mul3A_2, %add3A_1280 : i32
        %mul3A_1282 = arith.constant 200 : i32
        %mul3A_1283 = arith.muli %add3A_1281, %mul3A_1282 : i32
        %mul3A_1284 = arith.constant 2 : i32
        %mul3A_1285 = arith.muli %mul3A_1284, %add3A_1223 : i32
        %add3A_1286 = arith.addi %mul3A_1283, %mul3A_1285 : i32
        %add3A_1287 = vector.broadcast %add3A_1286 : i32 to vector<16xi32>
        %add3A_1288 = arith.addi %mul3A_5, %add3A_1287 : vector<16xi32>
        %swap3A_1289 = arith.constant 2 : i32
        %swap3A_1290 = arith.index_cast %swap3A_1289 : i32 to index
        %swap3A_1291 = arith.constant 16 : index
        %swap3A_1292 = tpu.vector_load %arg7[%swap3A_1290, %swap3A_1291] {strides = array<i32>} : memref<4x256xi32, #tpu.memory_space<vmem>>, vector<1x16xi32>,
        %swap3A_1293 = vector.shape_cast %swap3A_1292 : vector<1x16xi32> to vector<16xi32>
        %swap3A_1294 = vector.shape_cast %add3A_1288 : vector<16xi32> to vector<1x16xi32>
        tpu.vector_store %arg7[%swap3A_1290, %swap3A_1291], %swap3A_1294 {strides = array<i32>} : memref<4x256xi32, #tpu.memory_space<vmem>>, vector<1x16xi32>,
        %mul3A_1295 = arith.constant 2 : i32
        %mul3A_1296 = arith.muli %mul3A_1295, %add3A_1223 : i32
        %add3A_1297 = arith.addi %mul3A_1283, %mul3A_1296 : i32
        %add3A_1298 = arith.constant 1 : i32
        %add3A_1299 = arith.addi %add3A_1297, %add3A_1298 : i32
        %add3A_1300 = vector.broadcast %add3A_1299 : i32 to vector<16xi32>
        %add3A_1301 = arith.addi %mul3A_5, %add3A_1300 : vector<16xi32>
        %swap3A_1302 = arith.constant 2 : i32
        %swap3A_1303 = arith.index_cast %swap3A_1302 : i32 to index
        %swap3A_1304 = arith.constant 144 : index
        %swap3A_1305 = tpu.vector_load %arg7[%swap3A_1303, %swap3A_1304] {strides = array<i32>} : memref<4x256xi32, #tpu.memory_space<vmem>>, vector<1x16xi32>,
        %swap3A_1306 = vector.shape_cast %swap3A_1305 : vector<1x16xi32> to vector<16xi32>
        %swap3A_1307 = vector.shape_cast %add3A_1301 : vector<16xi32> to vector<1x16xi32>
        tpu.vector_store %arg7[%swap3A_1303, %swap3A_1304], %swap3A_1307 {strides = array<i32>} : memref<4x256xi32, #tpu.memory_space<vmem>>, vector<1x16xi32>,
        %add3A_1308 = arith.constant 32 : i32
        %add3A_1309 = arith.addi %mul3A_2, %add3A_1308 : i32
        %mul3A_1310 = arith.constant 200 : i32
        %mul3A_1311 = arith.muli %add3A_1309, %mul3A_1310 : i32
        %mul3A_1312 = arith.constant 2 : i32
        %mul3A_1313 = arith.muli %mul3A_1312, %add3A_1223 : i32
        %add3A_1314 = arith.addi %mul3A_1311, %mul3A_1313 : i32
        %add3A_1315 = vector.broadcast %add3A_1314 : i32 to vector<16xi32>
        %add3A_1316 = arith.addi %mul3A_5, %add3A_1315 : vector<16xi32>
        %swap3A_1317 = arith.constant 2 : i32
        %swap3A_1318 = arith.index_cast %swap3A_1317 : i32 to index
        %swap3A_1319 = arith.constant 32 : index
        %swap3A_1320 = tpu.vector_load %arg7[%swap3A_1318, %swap3A_1319] {strides = array<i32>} : memref<4x256xi32, #tpu.memory_space<vmem>>, vector<1x16xi32>,
        %swap3A_1321 = vector.shape_cast %swap3A_1320 : vector<1x16xi32> to vector<16xi32>
        %swap3A_1322 = vector.shape_cast %add3A_1316 : vector<16xi32> to vector<1x16xi32>
        tpu.vector_store %arg7[%swap3A_1318, %swap3A_1319], %swap3A_1322 {strides = array<i32>} : memref<4x256xi32, #tpu.memory_space<vmem>>, vector<1x16xi32>,
        %mul3A_1323 = arith.constant 2 : i32
        %mul3A_1324 = arith.muli %mul3A_1323, %add3A_1223 : i32
        %add3A_1325 = arith.addi %mul3A_1311, %mul3A_1324 : i32
        %add3A_1326 = arith.constant 1 : i32
        %add3A_1327 = arith.addi %add3A_1325, %add3A_1326 : i32
        %add3A_1328 = vector.broadcast %add3A_1327 : i32 to vector<16xi32>
        %add3A_1329 = arith.addi %mul3A_5, %add3A_1328 : vector<16xi32>
        %swap3A_1330 = arith.constant 2 : i32
        %swap3A_1331 = arith.index_cast %swap3A_1330 : i32 to index
        %swap3A_1332 = arith.constant 160 : index
        %swap3A_1333 = tpu.vector_load %arg7[%swap3A_1331, %swap3A_1332] {strides = array<i32>} : memref<4x256xi32, #tpu.memory_space<vmem>>, vector<1x16xi32>,
        %swap3A_1334 = vector.shape_cast %swap3A_1333 : vector<1x16xi32> to vector<16xi32>
        %swap3A_1335 = vector.shape_cast %add3A_1329 : vector<16xi32> to vector<1x16xi32>
        tpu.vector_store %arg7[%swap3A_1331, %swap3A_1332], %swap3A_1335 {strides = array<i32>} : memref<4x256xi32, #tpu.memory_space<vmem>>, vector<1x16xi32>,
        %add3A_1336 = arith.constant 48 : i32
        %add3A_1337 = arith.addi %mul3A_2, %add3A_1336 : i32
        %mul3A_1338 = arith.constant 200 : i32
        %mul3A_1339 = arith.muli %add3A_1337, %mul3A_1338 : i32
        %mul3A_1340 = arith.constant 2 : i32
        %mul3A_1341 = arith.muli %mul3A_1340, %add3A_1223 : i32
        %add3A_1342 = arith.addi %mul3A_1339, %mul3A_1341 : i32
        %add3A_1343 = vector.broadcast %add3A_1342 : i32 to vector<16xi32>
        %add3A_1344 = arith.addi %mul3A_5, %add3A_1343 : vector<16xi32>
        %swap3A_1345 = arith.constant 2 : i32
        %swap3A_1346 = arith.index_cast %swap3A_1345 : i32 to index
        %swap3A_1347 = arith.constant 48 : index
        %swap3A_1348 = tpu.vector_load %arg7[%swap3A_1346, %swap3A_1347] {strides = array<i32>} : memref<4x256xi32, #tpu.memory_space<vmem>>, vector<1x16xi32>,
        %swap3A_1349 = vector.shape_cast %swap3A_1348 : vector<1x16xi32> to vector<16xi32>
        %swap3A_1350 = vector.shape_cast %add3A_1344 : vector<16xi32> to vector<1x16xi32>
        tpu.vector_store %arg7[%swap3A_1346, %swap3A_1347], %swap3A_1350 {strides = array<i32>} : memref<4x256xi32, #tpu.memory_space<vmem>>, vector<1x16xi32>,
        %mul3A_1351 = arith.constant 2 : i32
        %mul3A_1352 = arith.muli %mul3A_1351, %add3A_1223 : i32
        %add3A_1353 = arith.addi %mul3A_1339, %mul3A_1352 : i32
        %add3A_1354 = arith.constant 1 : i32
        %add3A_1355 = arith.addi %add3A_1353, %add3A_1354 : i32
        %add3A_1356 = vector.broadcast %add3A_1355 : i32 to vector<16xi32>
        %add3A_1357 = arith.addi %mul3A_5, %add3A_1356 : vector<16xi32>
        %swap3A_1358 = arith.constant 2 : i32
        %swap3A_1359 = arith.index_cast %swap3A_1358 : i32 to index
        %swap3A_1360 = arith.constant 176 : index
        %swap3A_1361 = tpu.vector_load %arg7[%swap3A_1359, %swap3A_1360] {strides = array<i32>} : memref<4x256xi32, #tpu.memory_space<vmem>>, vector<1x16xi32>,
        %swap3A_1362 = vector.shape_cast %swap3A_1361 : vector<1x16xi32> to vector<16xi32>
        %swap3A_1363 = vector.shape_cast %add3A_1357 : vector<16xi32> to vector<1x16xi32>
        tpu.vector_store %arg7[%swap3A_1359, %swap3A_1360], %swap3A_1363 {strides = array<i32>} : memref<4x256xi32, #tpu.memory_space<vmem>>, vector<1x16xi32>,
        %add3A_1364 = arith.constant 64 : i32
        %add3A_1365 = arith.addi %mul3A_2, %add3A_1364 : i32
        %mul3A_1366 = arith.constant 200 : i32
        %mul3A_1367 = arith.muli %add3A_1365, %mul3A_1366 : i32
        %mul3A_1368 = arith.constant 2 : i32
        %mul3A_1369 = arith.muli %mul3A_1368, %add3A_1223 : i32
        %add3A_1370 = arith.addi %mul3A_1367, %mul3A_1369 : i32
        %add3A_1371 = vector.broadcast %add3A_1370 : i32 to vector<16xi32>
        %add3A_1372 = arith.addi %mul3A_5, %add3A_1371 : vector<16xi32>
        %swap3A_1373 = arith.constant 2 : i32
        %swap3A_1374 = arith.index_cast %swap3A_1373 : i32 to index
        %swap3A_1375 = arith.constant 64 : index
        %swap3A_1376 = tpu.vector_load %arg7[%swap3A_1374, %swap3A_1375] {strides = array<i32>} : memref<4x256xi32, #tpu.memory_space<vmem>>, vector<1x16xi32>,
        %swap3A_1377 = vector.shape_cast %swap3A_1376 : vector<1x16xi32> to vector<16xi32>
        %swap3A_1378 = vector.shape_cast %add3A_1372 : vector<16xi32> to vector<1x16xi32>
        tpu.vector_store %arg7[%swap3A_1374, %swap3A_1375], %swap3A_1378 {strides = array<i32>} : memref<4x256xi32, #tpu.memory_space<vmem>>, vector<1x16xi32>,
        %mul3A_1379 = arith.constant 2 : i32
        %mul3A_1380 = arith.muli %mul3A_1379, %add3A_1223 : i32
        %add3A_1381 = arith.addi %mul3A_1367, %mul3A_1380 : i32
        %add3A_1382 = arith.constant 1 : i32
        %add3A_1383 = arith.addi %add3A_1381, %add3A_1382 : i32
        %add3A_1384 = vector.broadcast %add3A_1383 : i32 to vector<16xi32>
        %add3A_1385 = arith.addi %mul3A_5, %add3A_1384 : vector<16xi32>
        %swap3A_1386 = arith.constant 2 : i32
        %swap3A_1387 = arith.index_cast %swap3A_1386 : i32 to index
        %swap3A_1388 = arith.constant 192 : index
        %swap3A_1389 = tpu.vector_load %arg7[%swap3A_1387, %swap3A_1388] {strides = array<i32>} : memref<4x256xi32, #tpu.memory_space<vmem>>, vector<1x16xi32>,
        %swap3A_1390 = vector.shape_cast %swap3A_1389 : vector<1x16xi32> to vector<16xi32>
        %swap3A_1391 = vector.shape_cast %add3A_1385 : vector<16xi32> to vector<1x16xi32>
        tpu.vector_store %arg7[%swap3A_1387, %swap3A_1388], %swap3A_1391 {strides = array<i32>} : memref<4x256xi32, #tpu.memory_space<vmem>>, vector<1x16xi32>,
        %add3A_1392 = arith.constant 80 : i32
        %add3A_1393 = arith.addi %mul3A_2, %add3A_1392 : i32
        %mul3A_1394 = arith.constant 200 : i32
        %mul3A_1395 = arith.muli %add3A_1393, %mul3A_1394 : i32
        %mul3A_1396 = arith.constant 2 : i32
        %mul3A_1397 = arith.muli %mul3A_1396, %add3A_1223 : i32
        %add3A_1398 = arith.addi %mul3A_1395, %mul3A_1397 : i32
        %add3A_1399 = vector.broadcast %add3A_1398 : i32 to vector<16xi32>
        %add3A_1400 = arith.addi %mul3A_5, %add3A_1399 : vector<16xi32>
        %swap3A_1401 = arith.constant 2 : i32
        %swap3A_1402 = arith.index_cast %swap3A_1401 : i32 to index
        %swap3A_1403 = arith.constant 80 : index
        %swap3A_1404 = tpu.vector_load %arg7[%swap3A_1402, %swap3A_1403] {strides = array<i32>} : memref<4x256xi32, #tpu.memory_space<vmem>>, vector<1x16xi32>,
        %swap3A_1405 = vector.shape_cast %swap3A_1404 : vector<1x16xi32> to vector<16xi32>
        %swap3A_1406 = vector.shape_cast %add3A_1400 : vector<16xi32> to vector<1x16xi32>
        tpu.vector_store %arg7[%swap3A_1402, %swap3A_1403], %swap3A_1406 {strides = array<i32>} : memref<4x256xi32, #tpu.memory_space<vmem>>, vector<1x16xi32>,
        %mul3A_1407 = arith.constant 2 : i32
        %mul3A_1408 = arith.muli %mul3A_1407, %add3A_1223 : i32
        %add3A_1409 = arith.addi %mul3A_1395, %mul3A_1408 : i32
        %add3A_1410 = arith.constant 1 : i32
        %add3A_1411 = arith.addi %add3A_1409, %add3A_1410 : i32
        %add3A_1412 = vector.broadcast %add3A_1411 : i32 to vector<16xi32>
        %add3A_1413 = arith.addi %mul3A_5, %add3A_1412 : vector<16xi32>
        %swap3A_1414 = arith.constant 2 : i32
        %swap3A_1415 = arith.index_cast %swap3A_1414 : i32 to index
        %swap3A_1416 = arith.constant 208 : index
        %swap3A_1417 = tpu.vector_load %arg7[%swap3A_1415, %swap3A_1416] {strides = array<i32>} : memref<4x256xi32, #tpu.memory_space<vmem>>, vector<1x16xi32>,
        %swap3A_1418 = vector.shape_cast %swap3A_1417 : vector<1x16xi32> to vector<16xi32>
        %swap3A_1419 = vector.shape_cast %add3A_1413 : vector<16xi32> to vector<1x16xi32>
        tpu.vector_store %arg7[%swap3A_1415, %swap3A_1416], %swap3A_1419 {strides = array<i32>} : memref<4x256xi32, #tpu.memory_space<vmem>>, vector<1x16xi32>,
        %add3A_1420 = arith.constant 96 : i32
        %add3A_1421 = arith.addi %mul3A_2, %add3A_1420 : i32
        %mul3A_1422 = arith.constant 200 : i32
        %mul3A_1423 = arith.muli %add3A_1421, %mul3A_1422 : i32
        %mul3A_1424 = arith.constant 2 : i32
        %mul3A_1425 = arith.muli %mul3A_1424, %add3A_1223 : i32
        %add3A_1426 = arith.addi %mul3A_1423, %mul3A_1425 : i32
        %add3A_1427 = vector.broadcast %add3A_1426 : i32 to vector<16xi32>
        %add3A_1428 = arith.addi %mul3A_5, %add3A_1427 : vector<16xi32>
        %swap3A_1429 = arith.constant 2 : i32
        %swap3A_1430 = arith.index_cast %swap3A_1429 : i32 to index
        %swap3A_1431 = arith.constant 96 : index
        %swap3A_1432 = tpu.vector_load %arg7[%swap3A_1430, %swap3A_1431] {strides = array<i32>} : memref<4x256xi32, #tpu.memory_space<vmem>>, vector<1x16xi32>,
        %swap3A_1433 = vector.shape_cast %swap3A_1432 : vector<1x16xi32> to vector<16xi32>
        %swap3A_1434 = vector.shape_cast %add3A_1428 : vector<16xi32> to vector<1x16xi32>
        tpu.vector_store %arg7[%swap3A_1430, %swap3A_1431], %swap3A_1434 {strides = array<i32>} : memref<4x256xi32, #tpu.memory_space<vmem>>, vector<1x16xi32>,
        %mul3A_1435 = arith.constant 2 : i32
        %mul3A_1436 = arith.muli %mul3A_1435, %add3A_1223 : i32
        %add3A_1437 = arith.addi %mul3A_1423, %mul3A_1436 : i32
        %add3A_1438 = arith.constant 1 : i32
        %add3A_1439 = arith.addi %add3A_1437, %add3A_1438 : i32
        %add3A_1440 = vector.broadcast %add3A_1439 : i32 to vector<16xi32>
        %add3A_1441 = arith.addi %mul3A_5, %add3A_1440 : vector<16xi32>
        %swap3A_1442 = arith.constant 2 : i32
        %swap3A_1443 = arith.index_cast %swap3A_1442 : i32 to index
        %swap3A_1444 = arith.constant 224 : index
        %swap3A_1445 = tpu.vector_load %arg7[%swap3A_1443, %swap3A_1444] {strides = array<i32>} : memref<4x256xi32, #tpu.memory_space<vmem>>, vector<1x16xi32>,
        %swap3A_1446 = vector.shape_cast %swap3A_1445 : vector<1x16xi32> to vector<16xi32>
        %swap3A_1447 = vector.shape_cast %add3A_1441 : vector<16xi32> to vector<1x16xi32>
        tpu.vector_store %arg7[%swap3A_1443, %swap3A_1444], %swap3A_1447 {strides = array<i32>} : memref<4x256xi32, #tpu.memory_space<vmem>>, vector<1x16xi32>,
        %add3A_1448 = arith.constant 112 : i32
        %add3A_1449 = arith.addi %mul3A_2, %add3A_1448 : i32
        %mul3A_1450 = arith.constant 200 : i32
        %mul3A_1451 = arith.muli %add3A_1449, %mul3A_1450 : i32
        %mul3A_1452 = arith.constant 2 : i32
        %mul3A_1453 = arith.muli %mul3A_1452, %add3A_1223 : i32
        %add3A_1454 = arith.addi %mul3A_1451, %mul3A_1453 : i32
        %add3A_1455 = vector.broadcast %add3A_1454 : i32 to vector<16xi32>
        %add3A_1456 = arith.addi %mul3A_5, %add3A_1455 : vector<16xi32>
        %swap3A_1457 = arith.constant 2 : i32
        %swap3A_1458 = arith.index_cast %swap3A_1457 : i32 to index
        %swap3A_1459 = arith.constant 112 : index
        %swap3A_1460 = tpu.vector_load %arg7[%swap3A_1458, %swap3A_1459] {strides = array<i32>} : memref<4x256xi32, #tpu.memory_space<vmem>>, vector<1x16xi32>,
        %swap3A_1461 = vector.shape_cast %swap3A_1460 : vector<1x16xi32> to vector<16xi32>
        %swap3A_1462 = vector.shape_cast %add3A_1456 : vector<16xi32> to vector<1x16xi32>
        tpu.vector_store %arg7[%swap3A_1458, %swap3A_1459], %swap3A_1462 {strides = array<i32>} : memref<4x256xi32, #tpu.memory_space<vmem>>, vector<1x16xi32>,
        %mul3A_1463 = arith.constant 2 : i32
        %mul3A_1464 = arith.muli %mul3A_1463, %add3A_1223 : i32
        %add3A_1465 = arith.addi %mul3A_1451, %mul3A_1464 : i32
        %add3A_1466 = arith.constant 1 : i32
        %add3A_1467 = arith.addi %add3A_1465, %add3A_1466 : i32
        %add3A_1468 = vector.broadcast %add3A_1467 : i32 to vector<16xi32>
        %add3A_1469 = arith.addi %mul3A_5, %add3A_1468 : vector<16xi32>
        %swap3A_1470 = arith.constant 2 : i32
        %swap3A_1471 = arith.index_cast %swap3A_1470 : i32 to index
        %swap3A_1472 = arith.constant 240 : index
        %swap3A_1473 = tpu.vector_load %arg7[%swap3A_1471, %swap3A_1472] {strides = array<i32>} : memref<4x256xi32, #tpu.memory_space<vmem>>, vector<1x16xi32>,
        %swap3A_1474 = vector.shape_cast %swap3A_1473 : vector<1x16xi32> to vector<16xi32>
        %swap3A_1475 = vector.shape_cast %add3A_1469 : vector<16xi32> to vector<1x16xi32>
        tpu.vector_store %arg7[%swap3A_1471, %swap3A_1472], %swap3A_1475 {strides = array<i32>} : memref<4x256xi32, #tpu.memory_space<vmem>>, vector<1x16xi32>,
      } else {
      }
      %mul3A_1153 = arith.constant 4 : i32
      %mul3A_1154 = arith.muli %scan3A_984, %mul3A_1153 : i32
      %add3A_1155 = arith.constant 3 : i32
      %add3A_1156 = arith.addi %mul3A_1154, %add3A_1155 : i32
      %mul3A_1157 = arith.constant 2 : i32
      %mul3A_1158 = arith.muli %mul3A_1157, %add3A_1156 : i32
      %dma_wait3A_1159 = arith.constant 3 : i32
      %dma_wait3A_1160 = arith.constant 0 : i32
      %dma_wait3A_1161 = arith.constant 0 : i32
      %dma_wait3A_1162 = tpu.memref_slice %arg6[%dma_wait3A_1159, %dma_wait3A_1160, %dma_wait3A_1161] : memref<4x256x64xf32, #tpu.memory_space<vmem>> -> memref<1x128x64xf32, #tpu.memory_space<vmem>>
      %dma_wait3A_1163 = tpu.memref_squeeze %dma_wait3A_1162 : memref<1x128x64xf32, #tpu.memory_space<vmem>> -> memref<128x64xf32, #tpu.memory_space<vmem>>
      %dma_wait3A_1164 = arith.constant 0 : i32
      %dma_wait3A_1165 = tpu.memref_slice %arg5[%mul3A_1158, %dma_wait3A_1164] : memref<200x128xi32, #tpu.memory_space<vmem>> -> memref<1x128xi32, #tpu.memory_space<vmem>>
      %dma_wait3A_1166 = tpu.memref_squeeze %dma_wait3A_1165 : memref<1x128xi32, #tpu.memory_space<vmem>> -> memref<128xi32, #tpu.memory_space<vmem>>
      %dma_wait3A_1167 = arith.constant 0 : i32
      %dma_wait3A_1168 = arith.constant 0 : i32
      %dma_wait3A_1169 = tpu.memref_slice %arg3[%dma_wait3A_1167, %dma_wait3A_1168] : memref<1000000x64xf32, #tpu.memory_space<hbm>> -> memref<1000000x64xf32, #tpu.memory_space<hbm>>
      tpu.wait_indirect_dma semaphore(%arg11 : memref<!tpu.dma_semaphore, #tpu.memory_space<semaphore_mem>>) src(%dma_wait3A_1169 : memref<1000000x64xf32, #tpu.memory_space<hbm>>) dst(%dma_wait3A_1163 : memref<128x64xf32, #tpu.memory_space<vmem>>)
      %mul3A_1170 = arith.constant 2 : i32
      %mul3A_1171 = arith.muli %mul3A_1170, %add3A_1156 : i32
      %add3A_1172 = arith.constant 1 : i32
      %add3A_1173 = arith.addi %mul3A_1171, %add3A_1172 : i32
      %dma_wait3A_1174 = arith.constant 3 : i32
      %dma_wait3A_1175 = arith.constant 128 : i32
      %dma_wait3A_1176 = arith.constant 0 : i32
      %dma_wait3A_1177 = tpu.memref_slice %arg6[%dma_wait3A_1174, %dma_wait3A_1175, %dma_wait3A_1176] : memref<4x256x64xf32, #tpu.memory_space<vmem>> -> memref<1x128x64xf32, #tpu.memory_space<vmem>>
      %dma_wait3A_1178 = tpu.memref_squeeze %dma_wait3A_1177 : memref<1x128x64xf32, #tpu.memory_space<vmem>> -> memref<128x64xf32, #tpu.memory_space<vmem>>
      %dma_wait3A_1179 = arith.constant 0 : i32
      %dma_wait3A_1180 = tpu.memref_slice %arg5[%add3A_1173, %dma_wait3A_1179] : memref<200x128xi32, #tpu.memory_space<vmem>> -> memref<1x128xi32, #tpu.memory_space<vmem>>
      %dma_wait3A_1181 = tpu.memref_squeeze %dma_wait3A_1180 : memref<1x128xi32, #tpu.memory_space<vmem>> -> memref<128xi32, #tpu.memory_space<vmem>>
      %dma_wait3A_1182 = arith.constant 0 : i32
      %dma_wait3A_1183 = arith.constant 0 : i32
      %dma_wait3A_1184 = tpu.memref_slice %arg3[%dma_wait3A_1182, %dma_wait3A_1183] : memref<1000000x64xf32, #tpu.memory_space<hbm>> -> memref<1000000x64xf32, #tpu.memory_space<hbm>>
      tpu.wait_indirect_dma semaphore(%arg11 : memref<!tpu.dma_semaphore, #tpu.memory_space<semaphore_mem>>) src(%dma_wait3A_1184 : memref<1000000x64xf32, #tpu.memory_space<hbm>>) dst(%dma_wait3A_1178 : memref<128x64xf32, #tpu.memory_space<vmem>>)
      %scan3A_1185 = arith.constant 0 : i32
      %scan3A_1186 = arith.constant 0 : i32
      %scan3A_1187 = arith.constant 32 : i32
      %scan3A_1188 = arith.addi %scan3A_1186, %scan3A_1187 : i32
      %scan3A_1189 = arith.constant 1 : i32
      scf.for %scan3A_1210 = %scan3A_1186 to %scan3A_1188 step %scan3A_1189  : i32 {
        %mul3A_1211 = arith.constant 8 : i32
        %mul3A_1212 = arith.muli %scan3A_1210, %mul3A_1211 : i32
        %add3A_1213 = arith.constant 0 : i32
        %add3A_1214 = arith.addi %mul3A_1212, %add3A_1213 : i32
        %get3A = arith.constant 3 : i32
        %get3A_1215 = arith.index_cast %get3A : i32 to index
        %get3A_1216 = arith.index_cast %add3A_1214 : i32 to index
        %get3A_1217 = arith.constant 0 : index
        %get3A_1218 = tpu.vector_load %arg6[%get3A_1215, %get3A_1216, %get3A_1217] {strides = array<i32>} : memref<4x256x64xf32, #tpu.memory_space<vmem>>, vector<1x1x16xf32>,
        %get3A_1219 = vector.shape_cast %get3A_1218 : vector<1x1x16xf32> to vector<16xf32>
        %mul3A_1220 = arith.constant 8.000000e+00 : f32
        %mul3A_1221 = vector.broadcast %mul3A_1220 : f32 to vector<16xf32>
        %mul3A_1222 = arith.mulf %get3A_1219, %mul3A_1221 : vector<16xf32>
        %add3A_1223 = arith.constant 0 : i32
        %add3A_1224 = arith.addi %mul3A_1212, %add3A_1223 : i32
        %swap3A_1225 = arith.constant 3 : i32
        %swap3A_1226 = arith.index_cast %swap3A_1225 : i32 to index
        %swap3A_1227 = arith.index_cast %add3A_1224 : i32 to index
        %swap3A_1228 = arith.constant 0 : index
        %swap3A_1229 = tpu.vector_load %arg6[%swap3A_1226, %swap3A_1227, %swap3A_1228] {strides = array<i32>} : memref<4x256x64xf32, #tpu.memory_space<vmem>>, vector<1x1x16xf32>,
        %swap3A_1230 = vector.shape_cast %swap3A_1229 : vector<1x1x16xf32> to vector<16xf32>
        %swap3A_1231 = vector.shape_cast %mul3A_1222 : vector<16xf32> to vector<1x1x16xf32>
        tpu.vector_store %arg6[%swap3A_1226, %swap3A_1227, %swap3A_1228], %swap3A_1231 {strides = array<i32>} : memref<4x256x64xf32, #tpu.memory_space<vmem>>, vector<1x1x16xf32>,
        %add3A_1232 = arith.constant 0 : i32
        %add3A_1233 = arith.addi %mul3A_1212, %add3A_1232 : i32
        %get3A_1234 = arith.constant 3 : i32
        %get3A_1235 = arith.index_cast %get3A_1234 : i32 to index
        %get3A_1236 = arith.index_cast %add3A_1233 : i32 to index
        %get3A_1237 = arith.constant 16 : index
        %get3A_1238 = tpu.vector_load %arg6[%get3A_1235, %get3A_1236, %get3A_1237] {strides = array<i32>} : memref<4x256x64xf32, #tpu.memory_space<vmem>>, vector<1x1x16xf32>,
        %get3A_1239 = vector.shape_cast %get3A_1238 : vector<1x1x16xf32> to vector<16xf32>
        %mul3A_1240 = arith.constant 8.000000e+00 : f32
        %mul3A_1241 = vector.broadcast %mul3A_1240 : f32 to vector<16xf32>
        %mul3A_1242 = arith.mulf %get3A_1239, %mul3A_1241 : vector<16xf32>
        %add3A_1243 = arith.constant 0 : i32
        %add3A_1244 = arith.addi %mul3A_1212, %add3A_1243 : i32
        %swap3A_1245 = arith.constant 3 : i32
        %swap3A_1246 = arith.index_cast %swap3A_1245 : i32 to index
        %swap3A_1247 = arith.index_cast %add3A_1244 : i32 to index
        %swap3A_1248 = arith.constant 16 : index
        %swap3A_1249 = tpu.vector_load %arg6[%swap3A_1246, %swap3A_1247, %swap3A_1248] {strides = array<i32>} : memref<4x256x64xf32, #tpu.memory_space<vmem>>, vector<1x1x16xf32>,
        %swap3A_1250 = vector.shape_cast %swap3A_1249 : vector<1x1x16xf32> to vector<16xf32>
        %swap3A_1251 = vector.shape_cast %mul3A_1242 : vector<16xf32> to vector<1x1x16xf32>
        tpu.vector_store %arg6[%swap3A_1246, %swap3A_1247, %swap3A_1248], %swap3A_1251 {strides = array<i32>} : memref<4x256x64xf32, #tpu.memory_space<vmem>>, vector<1x1x16xf32>,
        %add3A_1252 = arith.constant 0 : i32
        %add3A_1253 = arith.addi %mul3A_1212, %add3A_1252 : i32
        %get3A_1254 = arith.constant 3 : i32
        %get3A_1255 = arith.index_cast %get3A_1254 : i32 to index
        %get3A_1256 = arith.index_cast %add3A_1253 : i32 to index
        %get3A_1257 = arith.constant 32 : index
        %get3A_1258 = tpu.vector_load %arg6[%get3A_1255, %get3A_1256, %get3A_1257] {strides = array<i32>} : memref<4x256x64xf32, #tpu.memory_space<vmem>>, vector<1x1x16xf32>,
        %get3A_1259 = vector.shape_cast %get3A_1258 : vector<1x1x16xf32> to vector<16xf32>
        %mul3A_1260 = arith.constant 8.000000e+00 : f32
        %mul3A_1261 = vector.broadcast %mul3A_1260 : f32 to vector<16xf32>
        %mul3A_1262 = arith.mulf %get3A_1259, %mul3A_1261 : vector<16xf32>
        %add3A_1263 = arith.constant 0 : i32
        %add3A_1264 = arith.addi %mul3A_1212, %add3A_1263 : i32
        %swap3A_1265 = arith.constant 3 : i32
        %swap3A_1266 = arith.index_cast %swap3A_1265 : i32 to index
        %swap3A_1267 = arith.index_cast %add3A_1264 : i32 to index
        %swap3A_1268 = arith.constant 32 : index
        %swap3A_1269 = tpu.vector_load %arg6[%swap3A_1266, %swap3A_1267, %swap3A_1268] {strides = array<i32>} : memref<4x256x64xf32, #tpu.memory_space<vmem>>, vector<1x1x16xf32>,
        %swap3A_1270 = vector.shape_cast %swap3A_1269 : vector<1x1x16xf32> to vector<16xf32>
        %swap3A_1271 = vector.shape_cast %mul3A_1262 : vector<16xf32> to vector<1x1x16xf32>
        tpu.vector_store %arg6[%swap3A_1266, %swap3A_1267, %swap3A_1268], %swap3A_1271 {strides = array<i32>} : memref<4x256x64xf32, #tpu.memory_space<vmem>>, vector<1x1x16xf32>,
        %add3A_1272 = arith.constant 0 : i32
        %add3A_1273 = arith.addi %mul3A_1212, %add3A_1272 : i32
        %get3A_1274 = arith.constant 3 : i32
        %get3A_1275 = arith.index_cast %get3A_1274 : i32 to index
        %get3A_1276 = arith.index_cast %add3A_1273 : i32 to index
        %get3A_1277 = arith.constant 48 : index
        %get3A_1278 = tpu.vector_load %arg6[%get3A_1275, %get3A_1276, %get3A_1277] {strides = array<i32>} : memref<4x256x64xf32, #tpu.memory_space<vmem>>, vector<1x1x16xf32>,
        %get3A_1279 = vector.shape_cast %get3A_1278 : vector<1x1x16xf32> to vector<16xf32>
        %mul3A_1280 = arith.constant 8.000000e+00 : f32
        %mul3A_1281 = vector.broadcast %mul3A_1280 : f32 to vector<16xf32>
        %mul3A_1282 = arith.mulf %get3A_1279, %mul3A_1281 : vector<16xf32>
        %add3A_1283 = arith.constant 0 : i32
        %add3A_1284 = arith.addi %mul3A_1212, %add3A_1283 : i32
        %swap3A_1285 = arith.constant 3 : i32
        %swap3A_1286 = arith.index_cast %swap3A_1285 : i32 to index
        %swap3A_1287 = arith.index_cast %add3A_1284 : i32 to index
        %swap3A_1288 = arith.constant 48 : index
        %swap3A_1289 = tpu.vector_load %arg6[%swap3A_1286, %swap3A_1287, %swap3A_1288] {strides = array<i32>} : memref<4x256x64xf32, #tpu.memory_space<vmem>>, vector<1x1x16xf32>,
        %swap3A_1290 = vector.shape_cast %swap3A_1289 : vector<1x1x16xf32> to vector<16xf32>
        %swap3A_1291 = vector.shape_cast %mul3A_1282 : vector<16xf32> to vector<1x1x16xf32>
        tpu.vector_store %arg6[%swap3A_1286, %swap3A_1287, %swap3A_1288], %swap3A_1291 {strides = array<i32>} : memref<4x256x64xf32, #tpu.memory_space<vmem>>, vector<1x1x16xf32>,
        %add3A_1292 = arith.constant 1 : i32
        %add3A_1293 = arith.addi %mul3A_1212, %add3A_1292 : i32
        %get3A_1294 = arith.constant 3 : i32
        %get3A_1295 = arith.index_cast %get3A_1294 : i32 to index
        %get3A_1296 = arith.index_cast %add3A_1293 : i32 to index
        %get3A_1297 = arith.constant 0 : index
        %get3A_1298 = tpu.vector_load %arg6[%get3A_1295, %get3A_1296, %get3A_1297] {strides = array<i32>} : memref<4x256x64xf32, #tpu.memory_space<vmem>>, vector<1x1x16xf32>,
        %get3A_1299 = vector.shape_cast %get3A_1298 : vector<1x1x16xf32> to vector<16xf32>
        %mul3A_1300 = arith.constant 8.000000e+00 : f32
        %mul3A_1301 = vector.broadcast %mul3A_1300 : f32 to vector<16xf32>
        %mul3A_1302 = arith.mulf %get3A_1299, %mul3A_1301 : vector<16xf32>
        %add3A_1303 = arith.constant 1 : i32
        %add3A_1304 = arith.addi %mul3A_1212, %add3A_1303 : i32
        %swap3A_1305 = arith.constant 3 : i32
        %swap3A_1306 = arith.index_cast %swap3A_1305 : i32 to index
        %swap3A_1307 = arith.index_cast %add3A_1304 : i32 to index
        %swap3A_1308 = arith.constant 0 : index
        %swap3A_1309 = tpu.vector_load %arg6[%swap3A_1306, %swap3A_1307, %swap3A_1308] {strides = array<i32>} : memref<4x256x64xf32, #tpu.memory_space<vmem>>, vector<1x1x16xf32>,
        %swap3A_1310 = vector.shape_cast %swap3A_1309 : vector<1x1x16xf32> to vector<16xf32>
        %swap3A_1311 = vector.shape_cast %mul3A_1302 : vector<16xf32> to vector<1x1x16xf32>
        tpu.vector_store %arg6[%swap3A_1306, %swap3A_1307, %swap3A_1308], %swap3A_1311 {strides = array<i32>} : memref<4x256x64xf32, #tpu.memory_space<vmem>>, vector<1x1x16xf32>,
        %add3A_1312 = arith.constant 1 : i32
        %add3A_1313 = arith.addi %mul3A_1212, %add3A_1312 : i32
        %get3A_1314 = arith.constant 3 : i32
        %get3A_1315 = arith.index_cast %get3A_1314 : i32 to index
        %get3A_1316 = arith.index_cast %add3A_1313 : i32 to index
        %get3A_1317 = arith.constant 16 : index
        %get3A_1318 = tpu.vector_load %arg6[%get3A_1315, %get3A_1316, %get3A_1317] {strides = array<i32>} : memref<4x256x64xf32, #tpu.memory_space<vmem>>, vector<1x1x16xf32>,
        %get3A_1319 = vector.shape_cast %get3A_1318 : vector<1x1x16xf32> to vector<16xf32>
        %mul3A_1320 = arith.constant 8.000000e+00 : f32
        %mul3A_1321 = vector.broadcast %mul3A_1320 : f32 to vector<16xf32>
        %mul3A_1322 = arith.mulf %get3A_1319, %mul3A_1321 : vector<16xf32>
        %add3A_1323 = arith.constant 1 : i32
        %add3A_1324 = arith.addi %mul3A_1212, %add3A_1323 : i32
        %swap3A_1325 = arith.constant 3 : i32
        %swap3A_1326 = arith.index_cast %swap3A_1325 : i32 to index
        %swap3A_1327 = arith.index_cast %add3A_1324 : i32 to index
        %swap3A_1328 = arith.constant 16 : index
        %swap3A_1329 = tpu.vector_load %arg6[%swap3A_1326, %swap3A_1327, %swap3A_1328] {strides = array<i32>} : memref<4x256x64xf32, #tpu.memory_space<vmem>>, vector<1x1x16xf32>,
        %swap3A_1330 = vector.shape_cast %swap3A_1329 : vector<1x1x16xf32> to vector<16xf32>
        %swap3A_1331 = vector.shape_cast %mul3A_1322 : vector<16xf32> to vector<1x1x16xf32>
        tpu.vector_store %arg6[%swap3A_1326, %swap3A_1327, %swap3A_1328], %swap3A_1331 {strides = array<i32>} : memref<4x256x64xf32, #tpu.memory_space<vmem>>, vector<1x1x16xf32>,
        %add3A_1332 = arith.constant 1 : i32
        %add3A_1333 = arith.addi %mul3A_1212, %add3A_1332 : i32
        %get3A_1334 = arith.constant 3 : i32
        %get3A_1335 = arith.index_cast %get3A_1334 : i32 to index
        %get3A_1336 = arith.index_cast %add3A_1333 : i32 to index
        %get3A_1337 = arith.constant 32 : index
        %get3A_1338 = tpu.vector_load %arg6[%get3A_1335, %get3A_1336, %get3A_1337] {strides = array<i32>} : memref<4x256x64xf32, #tpu.memory_space<vmem>>, vector<1x1x16xf32>,
        %get3A_1339 = vector.shape_cast %get3A_1338 : vector<1x1x16xf32> to vector<16xf32>
        %mul3A_1340 = arith.constant 8.000000e+00 : f32
        %mul3A_1341 = vector.broadcast %mul3A_1340 : f32 to vector<16xf32>
        %mul3A_1342 = arith.mulf %get3A_1339, %mul3A_1341 : vector<16xf32>
        %add3A_1343 = arith.constant 1 : i32
        %add3A_1344 = arith.addi %mul3A_1212, %add3A_1343 : i32
        %swap3A_1345 = arith.constant 3 : i32
        %swap3A_1346 = arith.index_cast %swap3A_1345 : i32 to index
        %swap3A_1347 = arith.index_cast %add3A_1344 : i32 to index
        %swap3A_1348 = arith.constant 32 : index
        %swap3A_1349 = tpu.vector_load %arg6[%swap3A_1346, %swap3A_1347, %swap3A_1348] {strides = array<i32>} : memref<4x256x64xf32, #tpu.memory_space<vmem>>, vector<1x1x16xf32>,
        %swap3A_1350 = vector.shape_cast %swap3A_1349 : vector<1x1x16xf32> to vector<16xf32>
        %swap3A_1351 = vector.shape_cast %mul3A_1342 : vector<16xf32> to vector<1x1x16xf32>
        tpu.vector_store %arg6[%swap3A_1346, %swap3A_1347, %swap3A_1348], %swap3A_1351 {strides = array<i32>} : memref<4x256x64xf32, #tpu.memory_space<vmem>>, vector<1x1x16xf32>,
        %add3A_1352 = arith.constant 1 : i32
        %add3A_1353 = arith.addi %mul3A_1212, %add3A_1352 : i32
        %get3A_1354 = arith.constant 3 : i32
        %get3A_1355 = arith.index_cast %get3A_1354 : i32 to index
        %get3A_1356 = arith.index_cast %add3A_1353 : i32 to index
        %get3A_1357 = arith.constant 48 : index
        %get3A_1358 = tpu.vector_load %arg6[%get3A_1355, %get3A_1356, %get3A_1357] {strides = array<i32>} : memref<4x256x64xf32, #tpu.memory_space<vmem>>, vector<1x1x16xf32>,
        %get3A_1359 = vector.shape_cast %get3A_1358 : vector<1x1x16xf32> to vector<16xf32>
        %mul3A_1360 = arith.constant 8.000000e+00 : f32
        %mul3A_1361 = vector.broadcast %mul3A_1360 : f32 to vector<16xf32>
        %mul3A_1362 = arith.mulf %get3A_1359, %mul3A_1361 : vector<16xf32>
        %add3A_1363 = arith.constant 1 : i32
        %add3A_1364 = arith.addi %mul3A_1212, %add3A_1363 : i32
        %swap3A_1365 = arith.constant 3 : i32
        %swap3A_1366 = arith.index_cast %swap3A_1365 : i32 to index
        %swap3A_1367 = arith.index_cast %add3A_1364 : i32 to index
        %swap3A_1368 = arith.constant 48 : index
        %swap3A_1369 = tpu.vector_load %arg6[%swap3A_1366, %swap3A_1367, %swap3A_1368] {strides = array<i32>} : memref<4x256x64xf32, #tpu.memory_space<vmem>>, vector<1x1x16xf32>,
        %swap3A_1370 = vector.shape_cast %swap3A_1369 : vector<1x1x16xf32> to vector<16xf32>
        %swap3A_1371 = vector.shape_cast %mul3A_1362 : vector<16xf32> to vector<1x1x16xf32>
        tpu.vector_store %arg6[%swap3A_1366, %swap3A_1367, %swap3A_1368], %swap3A_1371 {strides = array<i32>} : memref<4x256x64xf32, #tpu.memory_space<vmem>>, vector<1x1x16xf32>,
        %add3A_1372 = arith.constant 2 : i32
        %add3A_1373 = arith.addi %mul3A_1212, %add3A_1372 : i32
        %get3A_1374 = arith.constant 3 : i32
        %get3A_1375 = arith.index_cast %get3A_1374 : i32 to index
        %get3A_1376 = arith.index_cast %add3A_1373 : i32 to index
        %get3A_1377 = arith.constant 0 : index
        %get3A_1378 = tpu.vector_load %arg6[%get3A_1375, %get3A_1376, %get3A_1377] {strides = array<i32>} : memref<4x256x64xf32, #tpu.memory_space<vmem>>, vector<1x1x16xf32>,
        %get3A_1379 = vector.shape_cast %get3A_1378 : vector<1x1x16xf32> to vector<16xf32>
        %mul3A_1380 = arith.constant 8.000000e+00 : f32
        %mul3A_1381 = vector.broadcast %mul3A_1380 : f32 to vector<16xf32>
        %mul3A_1382 = arith.mulf %get3A_1379, %mul3A_1381 : vector<16xf32>
        %add3A_1383 = arith.constant 2 : i32
        %add3A_1384 = arith.addi %mul3A_1212, %add3A_1383 : i32
        %swap3A_1385 = arith.constant 3 : i32
        %swap3A_1386 = arith.index_cast %swap3A_1385 : i32 to index
        %swap3A_1387 = arith.index_cast %add3A_1384 : i32 to index
        %swap3A_1388 = arith.constant 0 : index
        %swap3A_1389 = tpu.vector_load %arg6[%swap3A_1386, %swap3A_1387, %swap3A_1388] {strides = array<i32>} : memref<4x256x64xf32, #tpu.memory_space<vmem>>, vector<1x1x16xf32>,
        %swap3A_1390 = vector.shape_cast %swap3A_1389 : vector<1x1x16xf32> to vector<16xf32>
        %swap3A_1391 = vector.shape_cast %mul3A_1382 : vector<16xf32> to vector<1x1x16xf32>
        tpu.vector_store %arg6[%swap3A_1386, %swap3A_1387, %swap3A_1388], %swap3A_1391 {strides = array<i32>} : memref<4x256x64xf32, #tpu.memory_space<vmem>>, vector<1x1x16xf32>,
        %add3A_1392 = arith.constant 2 : i32
        %add3A_1393 = arith.addi %mul3A_1212, %add3A_1392 : i32
        %get3A_1394 = arith.constant 3 : i32
        %get3A_1395 = arith.index_cast %get3A_1394 : i32 to index
        %get3A_1396 = arith.index_cast %add3A_1393 : i32 to index
        %get3A_1397 = arith.constant 16 : index
        %get3A_1398 = tpu.vector_load %arg6[%get3A_1395, %get3A_1396, %get3A_1397] {strides = array<i32>} : memref<4x256x64xf32, #tpu.memory_space<vmem>>, vector<1x1x16xf32>,
        %get3A_1399 = vector.shape_cast %get3A_1398 : vector<1x1x16xf32> to vector<16xf32>
        %mul3A_1400 = arith.constant 8.000000e+00 : f32
        %mul3A_1401 = vector.broadcast %mul3A_1400 : f32 to vector<16xf32>
        %mul3A_1402 = arith.mulf %get3A_1399, %mul3A_1401 : vector<16xf32>
        %add3A_1403 = arith.constant 2 : i32
        %add3A_1404 = arith.addi %mul3A_1212, %add3A_1403 : i32
        %swap3A_1405 = arith.constant 3 : i32
        %swap3A_1406 = arith.index_cast %swap3A_1405 : i32 to index
        %swap3A_1407 = arith.index_cast %add3A_1404 : i32 to index
        %swap3A_1408 = arith.constant 16 : index
        %swap3A_1409 = tpu.vector_load %arg6[%swap3A_1406, %swap3A_1407, %swap3A_1408] {strides = array<i32>} : memref<4x256x64xf32, #tpu.memory_space<vmem>>, vector<1x1x16xf32>,
        %swap3A_1410 = vector.shape_cast %swap3A_1409 : vector<1x1x16xf32> to vector<16xf32>
        %swap3A_1411 = vector.shape_cast %mul3A_1402 : vector<16xf32> to vector<1x1x16xf32>
        tpu.vector_store %arg6[%swap3A_1406, %swap3A_1407, %swap3A_1408], %swap3A_1411 {strides = array<i32>} : memref<4x256x64xf32, #tpu.memory_space<vmem>>, vector<1x1x16xf32>,
        %add3A_1412 = arith.constant 2 : i32
        %add3A_1413 = arith.addi %mul3A_1212, %add3A_1412 : i32
        %get3A_1414 = arith.constant 3 : i32
        %get3A_1415 = arith.index_cast %get3A_1414 : i32 to index
        %get3A_1416 = arith.index_cast %add3A_1413 : i32 to index
        %get3A_1417 = arith.constant 32 : index
        %get3A_1418 = tpu.vector_load %arg6[%get3A_1415, %get3A_1416, %get3A_1417] {strides = array<i32>} : memref<4x256x64xf32, #tpu.memory_space<vmem>>, vector<1x1x16xf32>,
        %get3A_1419 = vector.shape_cast %get3A_1418 : vector<1x1x16xf32> to vector<16xf32>
        %mul3A_1420 = arith.constant 8.000000e+00 : f32
        %mul3A_1421 = vector.broadcast %mul3A_1420 : f32 to vector<16xf32>
        %mul3A_1422 = arith.mulf %get3A_1419, %mul3A_1421 : vector<16xf32>
        %add3A_1423 = arith.constant 2 : i32
        %add3A_1424 = arith.addi %mul3A_1212, %add3A_1423 : i32
        %swap3A_1425 = arith.constant 3 : i32
        %swap3A_1426 = arith.index_cast %swap3A_1425 : i32 to index
        %swap3A_1427 = arith.index_cast %add3A_1424 : i32 to index
        %swap3A_1428 = arith.constant 32 : index
        %swap3A_1429 = tpu.vector_load %arg6[%swap3A_1426, %swap3A_1427, %swap3A_1428] {strides = array<i32>} : memref<4x256x64xf32, #tpu.memory_space<vmem>>, vector<1x1x16xf32>,
        %swap3A_1430 = vector.shape_cast %swap3A_1429 : vector<1x1x16xf32> to vector<16xf32>
        %swap3A_1431 = vector.shape_cast %mul3A_1422 : vector<16xf32> to vector<1x1x16xf32>
        tpu.vector_store %arg6[%swap3A_1426, %swap3A_1427, %swap3A_1428], %swap3A_1431 {strides = array<i32>} : memref<4x256x64xf32, #tpu.memory_space<vmem>>, vector<1x1x16xf32>,
        %add3A_1432 = arith.constant 2 : i32
        %add3A_1433 = arith.addi %mul3A_1212, %add3A_1432 : i32
        %get3A_1434 = arith.constant 3 : i32
        %get3A_1435 = arith.index_cast %get3A_1434 : i32 to index
        %get3A_1436 = arith.index_cast %add3A_1433 : i32 to index
        %get3A_1437 = arith.constant 48 : index
        %get3A_1438 = tpu.vector_load %arg6[%get3A_1435, %get3A_1436, %get3A_1437] {strides = array<i32>} : memref<4x256x64xf32, #tpu.memory_space<vmem>>, vector<1x1x16xf32>,
        %get3A_1439 = vector.shape_cast %get3A_1438 : vector<1x1x16xf32> to vector<16xf32>
        %mul3A_1440 = arith.constant 8.000000e+00 : f32
        %mul3A_1441 = vector.broadcast %mul3A_1440 : f32 to vector<16xf32>
        %mul3A_1442 = arith.mulf %get3A_1439, %mul3A_1441 : vector<16xf32>
        %add3A_1443 = arith.constant 2 : i32
        %add3A_1444 = arith.addi %mul3A_1212, %add3A_1443 : i32
        %swap3A_1445 = arith.constant 3 : i32
        %swap3A_1446 = arith.index_cast %swap3A_1445 : i32 to index
        %swap3A_1447 = arith.index_cast %add3A_1444 : i32 to index
        %swap3A_1448 = arith.constant 48 : index
        %swap3A_1449 = tpu.vector_load %arg6[%swap3A_1446, %swap3A_1447, %swap3A_1448] {strides = array<i32>} : memref<4x256x64xf32, #tpu.memory_space<vmem>>, vector<1x1x16xf32>,
        %swap3A_1450 = vector.shape_cast %swap3A_1449 : vector<1x1x16xf32> to vector<16xf32>
        %swap3A_1451 = vector.shape_cast %mul3A_1442 : vector<16xf32> to vector<1x1x16xf32>
        tpu.vector_store %arg6[%swap3A_1446, %swap3A_1447, %swap3A_1448], %swap3A_1451 {strides = array<i32>} : memref<4x256x64xf32, #tpu.memory_space<vmem>>, vector<1x1x16xf32>,
        %add3A_1452 = arith.constant 3 : i32
        %add3A_1453 = arith.addi %mul3A_1212, %add3A_1452 : i32
        %get3A_1454 = arith.constant 3 : i32
        %get3A_1455 = arith.index_cast %get3A_1454 : i32 to index
        %get3A_1456 = arith.index_cast %add3A_1453 : i32 to index
        %get3A_1457 = arith.constant 0 : index
        %get3A_1458 = tpu.vector_load %arg6[%get3A_1455, %get3A_1456, %get3A_1457] {strides = array<i32>} : memref<4x256x64xf32, #tpu.memory_space<vmem>>, vector<1x1x16xf32>,
        %get3A_1459 = vector.shape_cast %get3A_1458 : vector<1x1x16xf32> to vector<16xf32>
        %mul3A_1460 = arith.constant 8.000000e+00 : f32
        %mul3A_1461 = vector.broadcast %mul3A_1460 : f32 to vector<16xf32>
        %mul3A_1462 = arith.mulf %get3A_1459, %mul3A_1461 : vector<16xf32>
        %add3A_1463 = arith.constant 3 : i32
        %add3A_1464 = arith.addi %mul3A_1212, %add3A_1463 : i32
        %swap3A_1465 = arith.constant 3 : i32
        %swap3A_1466 = arith.index_cast %swap3A_1465 : i32 to index
        %swap3A_1467 = arith.index_cast %add3A_1464 : i32 to index
        %swap3A_1468 = arith.constant 0 : index
        %swap3A_1469 = tpu.vector_load %arg6[%swap3A_1466, %swap3A_1467, %swap3A_1468] {strides = array<i32>} : memref<4x256x64xf32, #tpu.memory_space<vmem>>, vector<1x1x16xf32>,
        %swap3A_1470 = vector.shape_cast %swap3A_1469 : vector<1x1x16xf32> to vector<16xf32>
        %swap3A_1471 = vector.shape_cast %mul3A_1462 : vector<16xf32> to vector<1x1x16xf32>
        tpu.vector_store %arg6[%swap3A_1466, %swap3A_1467, %swap3A_1468], %swap3A_1471 {strides = array<i32>} : memref<4x256x64xf32, #tpu.memory_space<vmem>>, vector<1x1x16xf32>,
        %add3A_1472 = arith.constant 3 : i32
        %add3A_1473 = arith.addi %mul3A_1212, %add3A_1472 : i32
        %get3A_1474 = arith.constant 3 : i32
        %get3A_1475 = arith.index_cast %get3A_1474 : i32 to index
        %get3A_1476 = arith.index_cast %add3A_1473 : i32 to index
        %get3A_1477 = arith.constant 16 : index
        %get3A_1478 = tpu.vector_load %arg6[%get3A_1475, %get3A_1476, %get3A_1477] {strides = array<i32>} : memref<4x256x64xf32, #tpu.memory_space<vmem>>, vector<1x1x16xf32>,
        %get3A_1479 = vector.shape_cast %get3A_1478 : vector<1x1x16xf32> to vector<16xf32>
        %mul3A_1480 = arith.constant 8.000000e+00 : f32
        %mul3A_1481 = vector.broadcast %mul3A_1480 : f32 to vector<16xf32>
        %mul3A_1482 = arith.mulf %get3A_1479, %mul3A_1481 : vector<16xf32>
        %add3A_1483 = arith.constant 3 : i32
        %add3A_1484 = arith.addi %mul3A_1212, %add3A_1483 : i32
        %swap3A_1485 = arith.constant 3 : i32
        %swap3A_1486 = arith.index_cast %swap3A_1485 : i32 to index
        %swap3A_1487 = arith.index_cast %add3A_1484 : i32 to index
        %swap3A_1488 = arith.constant 16 : index
        %swap3A_1489 = tpu.vector_load %arg6[%swap3A_1486, %swap3A_1487, %swap3A_1488] {strides = array<i32>} : memref<4x256x64xf32, #tpu.memory_space<vmem>>, vector<1x1x16xf32>,
        %swap3A_1490 = vector.shape_cast %swap3A_1489 : vector<1x1x16xf32> to vector<16xf32>
        %swap3A_1491 = vector.shape_cast %mul3A_1482 : vector<16xf32> to vector<1x1x16xf32>
        tpu.vector_store %arg6[%swap3A_1486, %swap3A_1487, %swap3A_1488], %swap3A_1491 {strides = array<i32>} : memref<4x256x64xf32, #tpu.memory_space<vmem>>, vector<1x1x16xf32>,
        %add3A_1492 = arith.constant 3 : i32
        %add3A_1493 = arith.addi %mul3A_1212, %add3A_1492 : i32
        %get3A_1494 = arith.constant 3 : i32
        %get3A_1495 = arith.index_cast %get3A_1494 : i32 to index
        %get3A_1496 = arith.index_cast %add3A_1493 : i32 to index
        %get3A_1497 = arith.constant 32 : index
        %get3A_1498 = tpu.vector_load %arg6[%get3A_1495, %get3A_1496, %get3A_1497] {strides = array<i32>} : memref<4x256x64xf32, #tpu.memory_space<vmem>>, vector<1x1x16xf32>,
        %get3A_1499 = vector.shape_cast %get3A_1498 : vector<1x1x16xf32> to vector<16xf32>
        %mul3A_1500 = arith.constant 8.000000e+00 : f32
        %mul3A_1501 = vector.broadcast %mul3A_1500 : f32 to vector<16xf32>
        %mul3A_1502 = arith.mulf %get3A_1499, %mul3A_1501 : vector<16xf32>
        %add3A_1503 = arith.constant 3 : i32
        %add3A_1504 = arith.addi %mul3A_1212, %add3A_1503 : i32
        %swap3A_1505 = arith.constant 3 : i32
        %swap3A_1506 = arith.index_cast %swap3A_1505 : i32 to index
        %swap3A_1507 = arith.index_cast %add3A_1504 : i32 to index
        %swap3A_1508 = arith.constant 32 : index
        %swap3A_1509 = tpu.vector_load %arg6[%swap3A_1506, %swap3A_1507, %swap3A_1508] {strides = array<i32>} : memref<4x256x64xf32, #tpu.memory_space<vmem>>, vector<1x1x16xf32>,
        %swap3A_1510 = vector.shape_cast %swap3A_1509 : vector<1x1x16xf32> to vector<16xf32>
        %swap3A_1511 = vector.shape_cast %mul3A_1502 : vector<16xf32> to vector<1x1x16xf32>
        tpu.vector_store %arg6[%swap3A_1506, %swap3A_1507, %swap3A_1508], %swap3A_1511 {strides = array<i32>} : memref<4x256x64xf32, #tpu.memory_space<vmem>>, vector<1x1x16xf32>,
        %add3A_1512 = arith.constant 3 : i32
        %add3A_1513 = arith.addi %mul3A_1212, %add3A_1512 : i32
        %get3A_1514 = arith.constant 3 : i32
        %get3A_1515 = arith.index_cast %get3A_1514 : i32 to index
        %get3A_1516 = arith.index_cast %add3A_1513 : i32 to index
        %get3A_1517 = arith.constant 48 : index
        %get3A_1518 = tpu.vector_load %arg6[%get3A_1515, %get3A_1516, %get3A_1517] {strides = array<i32>} : memref<4x256x64xf32, #tpu.memory_space<vmem>>, vector<1x1x16xf32>,
        %get3A_1519 = vector.shape_cast %get3A_1518 : vector<1x1x16xf32> to vector<16xf32>
        %mul3A_1520 = arith.constant 8.000000e+00 : f32
        %mul3A_1521 = vector.broadcast %mul3A_1520 : f32 to vector<16xf32>
        %mul3A_1522 = arith.mulf %get3A_1519, %mul3A_1521 : vector<16xf32>
        %add3A_1523 = arith.constant 3 : i32
        %add3A_1524 = arith.addi %mul3A_1212, %add3A_1523 : i32
        %swap3A_1525 = arith.constant 3 : i32
        %swap3A_1526 = arith.index_cast %swap3A_1525 : i32 to index
        %swap3A_1527 = arith.index_cast %add3A_1524 : i32 to index
        %swap3A_1528 = arith.constant 48 : index
        %swap3A_1529 = tpu.vector_load %arg6[%swap3A_1526, %swap3A_1527, %swap3A_1528] {strides = array<i32>} : memref<4x256x64xf32, #tpu.memory_space<vmem>>, vector<1x1x16xf32>,
        %swap3A_1530 = vector.shape_cast %swap3A_1529 : vector<1x1x16xf32> to vector<16xf32>
        %swap3A_1531 = vector.shape_cast %mul3A_1522 : vector<16xf32> to vector<1x1x16xf32>
        tpu.vector_store %arg6[%swap3A_1526, %swap3A_1527, %swap3A_1528], %swap3A_1531 {strides = array<i32>} : memref<4x256x64xf32, #tpu.memory_space<vmem>>, vector<1x1x16xf32>,
        %add3A_1532 = arith.constant 4 : i32
        %add3A_1533 = arith.addi %mul3A_1212, %add3A_1532 : i32
        %get3A_1534 = arith.constant 3 : i32
        %get3A_1535 = arith.index_cast %get3A_1534 : i32 to index
        %get3A_1536 = arith.index_cast %add3A_1533 : i32 to index
        %get3A_1537 = arith.constant 0 : index
        %get3A_1538 = tpu.vector_load %arg6[%get3A_1535, %get3A_1536, %get3A_1537] {strides = array<i32>} : memref<4x256x64xf32, #tpu.memory_space<vmem>>, vector<1x1x16xf32>,
        %get3A_1539 = vector.shape_cast %get3A_1538 : vector<1x1x16xf32> to vector<16xf32>
        %mul3A_1540 = arith.constant 8.000000e+00 : f32
        %mul3A_1541 = vector.broadcast %mul3A_1540 : f32 to vector<16xf32>
        %mul3A_1542 = arith.mulf %get3A_1539, %mul3A_1541 : vector<16xf32>
        %add3A_1543 = arith.constant 4 : i32
        %add3A_1544 = arith.addi %mul3A_1212, %add3A_1543 : i32
        %swap3A_1545 = arith.constant 3 : i32
        %swap3A_1546 = arith.index_cast %swap3A_1545 : i32 to index
        %swap3A_1547 = arith.index_cast %add3A_1544 : i32 to index
        %swap3A_1548 = arith.constant 0 : index
        %swap3A_1549 = tpu.vector_load %arg6[%swap3A_1546, %swap3A_1547, %swap3A_1548] {strides = array<i32>} : memref<4x256x64xf32, #tpu.memory_space<vmem>>, vector<1x1x16xf32>,
        %swap3A_1550 = vector.shape_cast %swap3A_1549 : vector<1x1x16xf32> to vector<16xf32>
        %swap3A_1551 = vector.shape_cast %mul3A_1542 : vector<16xf32> to vector<1x1x16xf32>
        tpu.vector_store %arg6[%swap3A_1546, %swap3A_1547, %swap3A_1548], %swap3A_1551 {strides = array<i32>} : memref<4x256x64xf32, #tpu.memory_space<vmem>>, vector<1x1x16xf32>,
        %add3A_1552 = arith.constant 4 : i32
        %add3A_1553 = arith.addi %mul3A_1212, %add3A_1552 : i32
        %get3A_1554 = arith.constant 3 : i32
        %get3A_1555 = arith.index_cast %get3A_1554 : i32 to index
        %get3A_1556 = arith.index_cast %add3A_1553 : i32 to index
        %get3A_1557 = arith.constant 16 : index
        %get3A_1558 = tpu.vector_load %arg6[%get3A_1555, %get3A_1556, %get3A_1557] {strides = array<i32>} : memref<4x256x64xf32, #tpu.memory_space<vmem>>, vector<1x1x16xf32>,
        %get3A_1559 = vector.shape_cast %get3A_1558 : vector<1x1x16xf32> to vector<16xf32>
        %mul3A_1560 = arith.constant 8.000000e+00 : f32
        %mul3A_1561 = vector.broadcast %mul3A_1560 : f32 to vector<16xf32>
        %mul3A_1562 = arith.mulf %get3A_1559, %mul3A_1561 : vector<16xf32>
        %add3A_1563 = arith.constant 4 : i32
        %add3A_1564 = arith.addi %mul3A_1212, %add3A_1563 : i32
        %swap3A_1565 = arith.constant 3 : i32
        %swap3A_1566 = arith.index_cast %swap3A_1565 : i32 to index
        %swap3A_1567 = arith.index_cast %add3A_1564 : i32 to index
        %swap3A_1568 = arith.constant 16 : index
        %swap3A_1569 = tpu.vector_load %arg6[%swap3A_1566, %swap3A_1567, %swap3A_1568] {strides = array<i32>} : memref<4x256x64xf32, #tpu.memory_space<vmem>>, vector<1x1x16xf32>,
        %swap3A_1570 = vector.shape_cast %swap3A_1569 : vector<1x1x16xf32> to vector<16xf32>
        %swap3A_1571 = vector.shape_cast %mul3A_1562 : vector<16xf32> to vector<1x1x16xf32>
        tpu.vector_store %arg6[%swap3A_1566, %swap3A_1567, %swap3A_1568], %swap3A_1571 {strides = array<i32>} : memref<4x256x64xf32, #tpu.memory_space<vmem>>, vector<1x1x16xf32>,
        %add3A_1572 = arith.constant 4 : i32
        %add3A_1573 = arith.addi %mul3A_1212, %add3A_1572 : i32
        %get3A_1574 = arith.constant 3 : i32
        %get3A_1575 = arith.index_cast %get3A_1574 : i32 to index
        %get3A_1576 = arith.index_cast %add3A_1573 : i32 to index
        %get3A_1577 = arith.constant 32 : index
        %get3A_1578 = tpu.vector_load %arg6[%get3A_1575, %get3A_1576, %get3A_1577] {strides = array<i32>} : memref<4x256x64xf32, #tpu.memory_space<vmem>>, vector<1x1x16xf32>,
        %get3A_1579 = vector.shape_cast %get3A_1578 : vector<1x1x16xf32> to vector<16xf32>
        %mul3A_1580 = arith.constant 8.000000e+00 : f32
        %mul3A_1581 = vector.broadcast %mul3A_1580 : f32 to vector<16xf32>
        %mul3A_1582 = arith.mulf %get3A_1579, %mul3A_1581 : vector<16xf32>
        %add3A_1583 = arith.constant 4 : i32
        %add3A_1584 = arith.addi %mul3A_1212, %add3A_1583 : i32
        %swap3A_1585 = arith.constant 3 : i32
        %swap3A_1586 = arith.index_cast %swap3A_1585 : i32 to index
        %swap3A_1587 = arith.index_cast %add3A_1584 : i32 to index
        %swap3A_1588 = arith.constant 32 : index
        %swap3A_1589 = tpu.vector_load %arg6[%swap3A_1586, %swap3A_1587, %swap3A_1588] {strides = array<i32>} : memref<4x256x64xf32, #tpu.memory_space<vmem>>, vector<1x1x16xf32>,
        %swap3A_1590 = vector.shape_cast %swap3A_1589 : vector<1x1x16xf32> to vector<16xf32>
        %swap3A_1591 = vector.shape_cast %mul3A_1582 : vector<16xf32> to vector<1x1x16xf32>
        tpu.vector_store %arg6[%swap3A_1586, %swap3A_1587, %swap3A_1588], %swap3A_1591 {strides = array<i32>} : memref<4x256x64xf32, #tpu.memory_space<vmem>>, vector<1x1x16xf32>,
        %add3A_1592 = arith.constant 4 : i32
        %add3A_1593 = arith.addi %mul3A_1212, %add3A_1592 : i32
        %get3A_1594 = arith.constant 3 : i32
        %get3A_1595 = arith.index_cast %get3A_1594 : i32 to index
        %get3A_1596 = arith.index_cast %add3A_1593 : i32 to index
        %get3A_1597 = arith.constant 48 : index
        %get3A_1598 = tpu.vector_load %arg6[%get3A_1595, %get3A_1596, %get3A_1597] {strides = array<i32>} : memref<4x256x64xf32, #tpu.memory_space<vmem>>, vector<1x1x16xf32>,
        %get3A_1599 = vector.shape_cast %get3A_1598 : vector<1x1x16xf32> to vector<16xf32>
        %mul3A_1600 = arith.constant 8.000000e+00 : f32
        %mul3A_1601 = vector.broadcast %mul3A_1600 : f32 to vector<16xf32>
        %mul3A_1602 = arith.mulf %get3A_1599, %mul3A_1601 : vector<16xf32>
        %add3A_1603 = arith.constant 4 : i32
        %add3A_1604 = arith.addi %mul3A_1212, %add3A_1603 : i32
        %swap3A_1605 = arith.constant 3 : i32
        %swap3A_1606 = arith.index_cast %swap3A_1605 : i32 to index
        %swap3A_1607 = arith.index_cast %add3A_1604 : i32 to index
        %swap3A_1608 = arith.constant 48 : index
        %swap3A_1609 = tpu.vector_load %arg6[%swap3A_1606, %swap3A_1607, %swap3A_1608] {strides = array<i32>} : memref<4x256x64xf32, #tpu.memory_space<vmem>>, vector<1x1x16xf32>,
        %swap3A_1610 = vector.shape_cast %swap3A_1609 : vector<1x1x16xf32> to vector<16xf32>
        %swap3A_1611 = vector.shape_cast %mul3A_1602 : vector<16xf32> to vector<1x1x16xf32>
        tpu.vector_store %arg6[%swap3A_1606, %swap3A_1607, %swap3A_1608], %swap3A_1611 {strides = array<i32>} : memref<4x256x64xf32, #tpu.memory_space<vmem>>, vector<1x1x16xf32>,
        %add3A_1612 = arith.constant 5 : i32
        %add3A_1613 = arith.addi %mul3A_1212, %add3A_1612 : i32
        %get3A_1614 = arith.constant 3 : i32
        %get3A_1615 = arith.index_cast %get3A_1614 : i32 to index
        %get3A_1616 = arith.index_cast %add3A_1613 : i32 to index
        %get3A_1617 = arith.constant 0 : index
        %get3A_1618 = tpu.vector_load %arg6[%get3A_1615, %get3A_1616, %get3A_1617] {strides = array<i32>} : memref<4x256x64xf32, #tpu.memory_space<vmem>>, vector<1x1x16xf32>,
        %get3A_1619 = vector.shape_cast %get3A_1618 : vector<1x1x16xf32> to vector<16xf32>
        %mul3A_1620 = arith.constant 8.000000e+00 : f32
        %mul3A_1621 = vector.broadcast %mul3A_1620 : f32 to vector<16xf32>
        %mul3A_1622 = arith.mulf %get3A_1619, %mul3A_1621 : vector<16xf32>
        %add3A_1623 = arith.constant 5 : i32
        %add3A_1624 = arith.addi %mul3A_1212, %add3A_1623 : i32
        %swap3A_1625 = arith.constant 3 : i32
        %swap3A_1626 = arith.index_cast %swap3A_1625 : i32 to index
        %swap3A_1627 = arith.index_cast %add3A_1624 : i32 to index
        %swap3A_1628 = arith.constant 0 : index
        %swap3A_1629 = tpu.vector_load %arg6[%swap3A_1626, %swap3A_1627, %swap3A_1628] {strides = array<i32>} : memref<4x256x64xf32, #tpu.memory_space<vmem>>, vector<1x1x16xf32>,
        %swap3A_1630 = vector.shape_cast %swap3A_1629 : vector<1x1x16xf32> to vector<16xf32>
        %swap3A_1631 = vector.shape_cast %mul3A_1622 : vector<16xf32> to vector<1x1x16xf32>
        tpu.vector_store %arg6[%swap3A_1626, %swap3A_1627, %swap3A_1628], %swap3A_1631 {strides = array<i32>} : memref<4x256x64xf32, #tpu.memory_space<vmem>>, vector<1x1x16xf32>,
        %add3A_1632 = arith.constant 5 : i32
        %add3A_1633 = arith.addi %mul3A_1212, %add3A_1632 : i32
        %get3A_1634 = arith.constant 3 : i32
        %get3A_1635 = arith.index_cast %get3A_1634 : i32 to index
        %get3A_1636 = arith.index_cast %add3A_1633 : i32 to index
        %get3A_1637 = arith.constant 16 : index
        %get3A_1638 = tpu.vector_load %arg6[%get3A_1635, %get3A_1636, %get3A_1637] {strides = array<i32>} : memref<4x256x64xf32, #tpu.memory_space<vmem>>, vector<1x1x16xf32>,
        %get3A_1639 = vector.shape_cast %get3A_1638 : vector<1x1x16xf32> to vector<16xf32>
        %mul3A_1640 = arith.constant 8.000000e+00 : f32
        %mul3A_1641 = vector.broadcast %mul3A_1640 : f32 to vector<16xf32>
        %mul3A_1642 = arith.mulf %get3A_1639, %mul3A_1641 : vector<16xf32>
        %add3A_1643 = arith.constant 5 : i32
        %add3A_1644 = arith.addi %mul3A_1212, %add3A_1643 : i32
        %swap3A_1645 = arith.constant 3 : i32
        %swap3A_1646 = arith.index_cast %swap3A_1645 : i32 to index
        %swap3A_1647 = arith.index_cast %add3A_1644 : i32 to index
        %swap3A_1648 = arith.constant 16 : index
        %swap3A_1649 = tpu.vector_load %arg6[%swap3A_1646, %swap3A_1647, %swap3A_1648] {strides = array<i32>} : memref<4x256x64xf32, #tpu.memory_space<vmem>>, vector<1x1x16xf32>,
        %swap3A_1650 = vector.shape_cast %swap3A_1649 : vector<1x1x16xf32> to vector<16xf32>
        %swap3A_1651 = vector.shape_cast %mul3A_1642 : vector<16xf32> to vector<1x1x16xf32>
        tpu.vector_store %arg6[%swap3A_1646, %swap3A_1647, %swap3A_1648], %swap3A_1651 {strides = array<i32>} : memref<4x256x64xf32, #tpu.memory_space<vmem>>, vector<1x1x16xf32>,
        %add3A_1652 = arith.constant 5 : i32
        %add3A_1653 = arith.addi %mul3A_1212, %add3A_1652 : i32
        %get3A_1654 = arith.constant 3 : i32
        %get3A_1655 = arith.index_cast %get3A_1654 : i32 to index
        %get3A_1656 = arith.index_cast %add3A_1653 : i32 to index
        %get3A_1657 = arith.constant 32 : index
        %get3A_1658 = tpu.vector_load %arg6[%get3A_1655, %get3A_1656, %get3A_1657] {strides = array<i32>} : memref<4x256x64xf32, #tpu.memory_space<vmem>>, vector<1x1x16xf32>,
        %get3A_1659 = vector.shape_cast %get3A_1658 : vector<1x1x16xf32> to vector<16xf32>
        %mul3A_1660 = arith.constant 8.000000e+00 : f32
        %mul3A_1661 = vector.broadcast %mul3A_1660 : f32 to vector<16xf32>
        %mul3A_1662 = arith.mulf %get3A_1659, %mul3A_1661 : vector<16xf32>
        %add3A_1663 = arith.constant 5 : i32
        %add3A_1664 = arith.addi %mul3A_1212, %add3A_1663 : i32
        %swap3A_1665 = arith.constant 3 : i32
        %swap3A_1666 = arith.index_cast %swap3A_1665 : i32 to index
        %swap3A_1667 = arith.index_cast %add3A_1664 : i32 to index
        %swap3A_1668 = arith.constant 32 : index
        %swap3A_1669 = tpu.vector_load %arg6[%swap3A_1666, %swap3A_1667, %swap3A_1668] {strides = array<i32>} : memref<4x256x64xf32, #tpu.memory_space<vmem>>, vector<1x1x16xf32>,
        %swap3A_1670 = vector.shape_cast %swap3A_1669 : vector<1x1x16xf32> to vector<16xf32>
        %swap3A_1671 = vector.shape_cast %mul3A_1662 : vector<16xf32> to vector<1x1x16xf32>
        tpu.vector_store %arg6[%swap3A_1666, %swap3A_1667, %swap3A_1668], %swap3A_1671 {strides = array<i32>} : memref<4x256x64xf32, #tpu.memory_space<vmem>>, vector<1x1x16xf32>,
        %add3A_1672 = arith.constant 5 : i32
        %add3A_1673 = arith.addi %mul3A_1212, %add3A_1672 : i32
        %get3A_1674 = arith.constant 3 : i32
        %get3A_1675 = arith.index_cast %get3A_1674 : i32 to index
        %get3A_1676 = arith.index_cast %add3A_1673 : i32 to index
        %get3A_1677 = arith.constant 48 : index
        %get3A_1678 = tpu.vector_load %arg6[%get3A_1675, %get3A_1676, %get3A_1677] {strides = array<i32>} : memref<4x256x64xf32, #tpu.memory_space<vmem>>, vector<1x1x16xf32>,
        %get3A_1679 = vector.shape_cast %get3A_1678 : vector<1x1x16xf32> to vector<16xf32>
        %mul3A_1680 = arith.constant 8.000000e+00 : f32
        %mul3A_1681 = vector.broadcast %mul3A_1680 : f32 to vector<16xf32>
        %mul3A_1682 = arith.mulf %get3A_1679, %mul3A_1681 : vector<16xf32>
        %add3A_1683 = arith.constant 5 : i32
        %add3A_1684 = arith.addi %mul3A_1212, %add3A_1683 : i32
        %swap3A_1685 = arith.constant 3 : i32
        %swap3A_1686 = arith.index_cast %swap3A_1685 : i32 to index
        %swap3A_1687 = arith.index_cast %add3A_1684 : i32 to index
        %swap3A_1688 = arith.constant 48 : index
        %swap3A_1689 = tpu.vector_load %arg6[%swap3A_1686, %swap3A_1687, %swap3A_1688] {strides = array<i32>} : memref<4x256x64xf32, #tpu.memory_space<vmem>>, vector<1x1x16xf32>,
        %swap3A_1690 = vector.shape_cast %swap3A_1689 : vector<1x1x16xf32> to vector<16xf32>
        %swap3A_1691 = vector.shape_cast %mul3A_1682 : vector<16xf32> to vector<1x1x16xf32>
        tpu.vector_store %arg6[%swap3A_1686, %swap3A_1687, %swap3A_1688], %swap3A_1691 {strides = array<i32>} : memref<4x256x64xf32, #tpu.memory_space<vmem>>, vector<1x1x16xf32>,
        %add3A_1692 = arith.constant 6 : i32
        %add3A_1693 = arith.addi %mul3A_1212, %add3A_1692 : i32
        %get3A_1694 = arith.constant 3 : i32
        %get3A_1695 = arith.index_cast %get3A_1694 : i32 to index
        %get3A_1696 = arith.index_cast %add3A_1693 : i32 to index
        %get3A_1697 = arith.constant 0 : index
        %get3A_1698 = tpu.vector_load %arg6[%get3A_1695, %get3A_1696, %get3A_1697] {strides = array<i32>} : memref<4x256x64xf32, #tpu.memory_space<vmem>>, vector<1x1x16xf32>,
        %get3A_1699 = vector.shape_cast %get3A_1698 : vector<1x1x16xf32> to vector<16xf32>
        %mul3A_1700 = arith.constant 8.000000e+00 : f32
        %mul3A_1701 = vector.broadcast %mul3A_1700 : f32 to vector<16xf32>
        %mul3A_1702 = arith.mulf %get3A_1699, %mul3A_1701 : vector<16xf32>
        %add3A_1703 = arith.constant 6 : i32
        %add3A_1704 = arith.addi %mul3A_1212, %add3A_1703 : i32
        %swap3A_1705 = arith.constant 3 : i32
        %swap3A_1706 = arith.index_cast %swap3A_1705 : i32 to index
        %swap3A_1707 = arith.index_cast %add3A_1704 : i32 to index
        %swap3A_1708 = arith.constant 0 : index
        %swap3A_1709 = tpu.vector_load %arg6[%swap3A_1706, %swap3A_1707, %swap3A_1708] {strides = array<i32>} : memref<4x256x64xf32, #tpu.memory_space<vmem>>, vector<1x1x16xf32>,
        %swap3A_1710 = vector.shape_cast %swap3A_1709 : vector<1x1x16xf32> to vector<16xf32>
        %swap3A_1711 = vector.shape_cast %mul3A_1702 : vector<16xf32> to vector<1x1x16xf32>
        tpu.vector_store %arg6[%swap3A_1706, %swap3A_1707, %swap3A_1708], %swap3A_1711 {strides = array<i32>} : memref<4x256x64xf32, #tpu.memory_space<vmem>>, vector<1x1x16xf32>,
        %add3A_1712 = arith.constant 6 : i32
        %add3A_1713 = arith.addi %mul3A_1212, %add3A_1712 : i32
        %get3A_1714 = arith.constant 3 : i32
        %get3A_1715 = arith.index_cast %get3A_1714 : i32 to index
        %get3A_1716 = arith.index_cast %add3A_1713 : i32 to index
        %get3A_1717 = arith.constant 16 : index
        %get3A_1718 = tpu.vector_load %arg6[%get3A_1715, %get3A_1716, %get3A_1717] {strides = array<i32>} : memref<4x256x64xf32, #tpu.memory_space<vmem>>, vector<1x1x16xf32>,
        %get3A_1719 = vector.shape_cast %get3A_1718 : vector<1x1x16xf32> to vector<16xf32>
        %mul3A_1720 = arith.constant 8.000000e+00 : f32
        %mul3A_1721 = vector.broadcast %mul3A_1720 : f32 to vector<16xf32>
        %mul3A_1722 = arith.mulf %get3A_1719, %mul3A_1721 : vector<16xf32>
        %add3A_1723 = arith.constant 6 : i32
        %add3A_1724 = arith.addi %mul3A_1212, %add3A_1723 : i32
        %swap3A_1725 = arith.constant 3 : i32
        %swap3A_1726 = arith.index_cast %swap3A_1725 : i32 to index
        %swap3A_1727 = arith.index_cast %add3A_1724 : i32 to index
        %swap3A_1728 = arith.constant 16 : index
        %swap3A_1729 = tpu.vector_load %arg6[%swap3A_1726, %swap3A_1727, %swap3A_1728] {strides = array<i32>} : memref<4x256x64xf32, #tpu.memory_space<vmem>>, vector<1x1x16xf32>,
        %swap3A_1730 = vector.shape_cast %swap3A_1729 : vector<1x1x16xf32> to vector<16xf32>
        %swap3A_1731 = vector.shape_cast %mul3A_1722 : vector<16xf32> to vector<1x1x16xf32>
        tpu.vector_store %arg6[%swap3A_1726, %swap3A_1727, %swap3A_1728], %swap3A_1731 {strides = array<i32>} : memref<4x256x64xf32, #tpu.memory_space<vmem>>, vector<1x1x16xf32>,
        %add3A_1732 = arith.constant 6 : i32
        %add3A_1733 = arith.addi %mul3A_1212, %add3A_1732 : i32
        %get3A_1734 = arith.constant 3 : i32
        %get3A_1735 = arith.index_cast %get3A_1734 : i32 to index
        %get3A_1736 = arith.index_cast %add3A_1733 : i32 to index
        %get3A_1737 = arith.constant 32 : index
        %get3A_1738 = tpu.vector_load %arg6[%get3A_1735, %get3A_1736, %get3A_1737] {strides = array<i32>} : memref<4x256x64xf32, #tpu.memory_space<vmem>>, vector<1x1x16xf32>,
        %get3A_1739 = vector.shape_cast %get3A_1738 : vector<1x1x16xf32> to vector<16xf32>
        %mul3A_1740 = arith.constant 8.000000e+00 : f32
        %mul3A_1741 = vector.broadcast %mul3A_1740 : f32 to vector<16xf32>
        %mul3A_1742 = arith.mulf %get3A_1739, %mul3A_1741 : vector<16xf32>
        %add3A_1743 = arith.constant 6 : i32
        %add3A_1744 = arith.addi %mul3A_1212, %add3A_1743 : i32
        %swap3A_1745 = arith.constant 3 : i32
        %swap3A_1746 = arith.index_cast %swap3A_1745 : i32 to index
        %swap3A_1747 = arith.index_cast %add3A_1744 : i32 to index
        %swap3A_1748 = arith.constant 32 : index
        %swap3A_1749 = tpu.vector_load %arg6[%swap3A_1746, %swap3A_1747, %swap3A_1748] {strides = array<i32>} : memref<4x256x64xf32, #tpu.memory_space<vmem>>, vector<1x1x16xf32>,
        %swap3A_1750 = vector.shape_cast %swap3A_1749 : vector<1x1x16xf32> to vector<16xf32>
        %swap3A_1751 = vector.shape_cast %mul3A_1742 : vector<16xf32> to vector<1x1x16xf32>
        tpu.vector_store %arg6[%swap3A_1746, %swap3A_1747, %swap3A_1748], %swap3A_1751 {strides = array<i32>} : memref<4x256x64xf32, #tpu.memory_space<vmem>>, vector<1x1x16xf32>,
        %add3A_1752 = arith.constant 6 : i32
        %add3A_1753 = arith.addi %mul3A_1212, %add3A_1752 : i32
        %get3A_1754 = arith.constant 3 : i32
        %get3A_1755 = arith.index_cast %get3A_1754 : i32 to index
        %get3A_1756 = arith.index_cast %add3A_1753 : i32 to index
        %get3A_1757 = arith.constant 48 : index
        %get3A_1758 = tpu.vector_load %arg6[%get3A_1755, %get3A_1756, %get3A_1757] {strides = array<i32>} : memref<4x256x64xf32, #tpu.memory_space<vmem>>, vector<1x1x16xf32>,
        %get3A_1759 = vector.shape_cast %get3A_1758 : vector<1x1x16xf32> to vector<16xf32>
        %mul3A_1760 = arith.constant 8.000000e+00 : f32
        %mul3A_1761 = vector.broadcast %mul3A_1760 : f32 to vector<16xf32>
        %mul3A_1762 = arith.mulf %get3A_1759, %mul3A_1761 : vector<16xf32>
        %add3A_1763 = arith.constant 6 : i32
        %add3A_1764 = arith.addi %mul3A_1212, %add3A_1763 : i32
        %swap3A_1765 = arith.constant 3 : i32
        %swap3A_1766 = arith.index_cast %swap3A_1765 : i32 to index
        %swap3A_1767 = arith.index_cast %add3A_1764 : i32 to index
        %swap3A_1768 = arith.constant 48 : index
        %swap3A_1769 = tpu.vector_load %arg6[%swap3A_1766, %swap3A_1767, %swap3A_1768] {strides = array<i32>} : memref<4x256x64xf32, #tpu.memory_space<vmem>>, vector<1x1x16xf32>,
        %swap3A_1770 = vector.shape_cast %swap3A_1769 : vector<1x1x16xf32> to vector<16xf32>
        %swap3A_1771 = vector.shape_cast %mul3A_1762 : vector<16xf32> to vector<1x1x16xf32>
        tpu.vector_store %arg6[%swap3A_1766, %swap3A_1767, %swap3A_1768], %swap3A_1771 {strides = array<i32>} : memref<4x256x64xf32, #tpu.memory_space<vmem>>, vector<1x1x16xf32>,
        %add3A_1772 = arith.constant 7 : i32
        %add3A_1773 = arith.addi %mul3A_1212, %add3A_1772 : i32
        %get3A_1774 = arith.constant 3 : i32
        %get3A_1775 = arith.index_cast %get3A_1774 : i32 to index
        %get3A_1776 = arith.index_cast %add3A_1773 : i32 to index
        %get3A_1777 = arith.constant 0 : index
        %get3A_1778 = tpu.vector_load %arg6[%get3A_1775, %get3A_1776, %get3A_1777] {strides = array<i32>} : memref<4x256x64xf32, #tpu.memory_space<vmem>>, vector<1x1x16xf32>,
        %get3A_1779 = vector.shape_cast %get3A_1778 : vector<1x1x16xf32> to vector<16xf32>
        %mul3A_1780 = arith.constant 8.000000e+00 : f32
        %mul3A_1781 = vector.broadcast %mul3A_1780 : f32 to vector<16xf32>
        %mul3A_1782 = arith.mulf %get3A_1779, %mul3A_1781 : vector<16xf32>
        %add3A_1783 = arith.constant 7 : i32
        %add3A_1784 = arith.addi %mul3A_1212, %add3A_1783 : i32
        %swap3A_1785 = arith.constant 3 : i32
        %swap3A_1786 = arith.index_cast %swap3A_1785 : i32 to index
        %swap3A_1787 = arith.index_cast %add3A_1784 : i32 to index
        %swap3A_1788 = arith.constant 0 : index
        %swap3A_1789 = tpu.vector_load %arg6[%swap3A_1786, %swap3A_1787, %swap3A_1788] {strides = array<i32>} : memref<4x256x64xf32, #tpu.memory_space<vmem>>, vector<1x1x16xf32>,
        %swap3A_1790 = vector.shape_cast %swap3A_1789 : vector<1x1x16xf32> to vector<16xf32>
        %swap3A_1791 = vector.shape_cast %mul3A_1782 : vector<16xf32> to vector<1x1x16xf32>
        tpu.vector_store %arg6[%swap3A_1786, %swap3A_1787, %swap3A_1788], %swap3A_1791 {strides = array<i32>} : memref<4x256x64xf32, #tpu.memory_space<vmem>>, vector<1x1x16xf32>,
        %add3A_1792 = arith.constant 7 : i32
        %add3A_1793 = arith.addi %mul3A_1212, %add3A_1792 : i32
        %get3A_1794 = arith.constant 3 : i32
        %get3A_1795 = arith.index_cast %get3A_1794 : i32 to index
        %get3A_1796 = arith.index_cast %add3A_1793 : i32 to index
        %get3A_1797 = arith.constant 16 : index
        %get3A_1798 = tpu.vector_load %arg6[%get3A_1795, %get3A_1796, %get3A_1797] {strides = array<i32>} : memref<4x256x64xf32, #tpu.memory_space<vmem>>, vector<1x1x16xf32>,
        %get3A_1799 = vector.shape_cast %get3A_1798 : vector<1x1x16xf32> to vector<16xf32>
        %mul3A_1800 = arith.constant 8.000000e+00 : f32
        %mul3A_1801 = vector.broadcast %mul3A_1800 : f32 to vector<16xf32>
        %mul3A_1802 = arith.mulf %get3A_1799, %mul3A_1801 : vector<16xf32>
        %add3A_1803 = arith.constant 7 : i32
        %add3A_1804 = arith.addi %mul3A_1212, %add3A_1803 : i32
        %swap3A_1805 = arith.constant 3 : i32
        %swap3A_1806 = arith.index_cast %swap3A_1805 : i32 to index
        %swap3A_1807 = arith.index_cast %add3A_1804 : i32 to index
        %swap3A_1808 = arith.constant 16 : index
        %swap3A_1809 = tpu.vector_load %arg6[%swap3A_1806, %swap3A_1807, %swap3A_1808] {strides = array<i32>} : memref<4x256x64xf32, #tpu.memory_space<vmem>>, vector<1x1x16xf32>,
        %swap3A_1810 = vector.shape_cast %swap3A_1809 : vector<1x1x16xf32> to vector<16xf32>
        %swap3A_1811 = vector.shape_cast %mul3A_1802 : vector<16xf32> to vector<1x1x16xf32>
        tpu.vector_store %arg6[%swap3A_1806, %swap3A_1807, %swap3A_1808], %swap3A_1811 {strides = array<i32>} : memref<4x256x64xf32, #tpu.memory_space<vmem>>, vector<1x1x16xf32>,
        %add3A_1812 = arith.constant 7 : i32
        %add3A_1813 = arith.addi %mul3A_1212, %add3A_1812 : i32
        %get3A_1814 = arith.constant 3 : i32
        %get3A_1815 = arith.index_cast %get3A_1814 : i32 to index
        %get3A_1816 = arith.index_cast %add3A_1813 : i32 to index
        %get3A_1817 = arith.constant 32 : index
        %get3A_1818 = tpu.vector_load %arg6[%get3A_1815, %get3A_1816, %get3A_1817] {strides = array<i32>} : memref<4x256x64xf32, #tpu.memory_space<vmem>>, vector<1x1x16xf32>,
        %get3A_1819 = vector.shape_cast %get3A_1818 : vector<1x1x16xf32> to vector<16xf32>
        %mul3A_1820 = arith.constant 8.000000e+00 : f32
        %mul3A_1821 = vector.broadcast %mul3A_1820 : f32 to vector<16xf32>
        %mul3A_1822 = arith.mulf %get3A_1819, %mul3A_1821 : vector<16xf32>
        %add3A_1823 = arith.constant 7 : i32
        %add3A_1824 = arith.addi %mul3A_1212, %add3A_1823 : i32
        %swap3A_1825 = arith.constant 3 : i32
        %swap3A_1826 = arith.index_cast %swap3A_1825 : i32 to index
        %swap3A_1827 = arith.index_cast %add3A_1824 : i32 to index
        %swap3A_1828 = arith.constant 32 : index
        %swap3A_1829 = tpu.vector_load %arg6[%swap3A_1826, %swap3A_1827, %swap3A_1828] {strides = array<i32>} : memref<4x256x64xf32, #tpu.memory_space<vmem>>, vector<1x1x16xf32>,
        %swap3A_1830 = vector.shape_cast %swap3A_1829 : vector<1x1x16xf32> to vector<16xf32>
        %swap3A_1831 = vector.shape_cast %mul3A_1822 : vector<16xf32> to vector<1x1x16xf32>
        tpu.vector_store %arg6[%swap3A_1826, %swap3A_1827, %swap3A_1828], %swap3A_1831 {strides = array<i32>} : memref<4x256x64xf32, #tpu.memory_space<vmem>>, vector<1x1x16xf32>,
        %add3A_1832 = arith.constant 7 : i32
        %add3A_1833 = arith.addi %mul3A_1212, %add3A_1832 : i32
        %get3A_1834 = arith.constant 3 : i32
        %get3A_1835 = arith.index_cast %get3A_1834 : i32 to index
        %get3A_1836 = arith.index_cast %add3A_1833 : i32 to index
        %get3A_1837 = arith.constant 48 : index
        %get3A_1838 = tpu.vector_load %arg6[%get3A_1835, %get3A_1836, %get3A_1837] {strides = array<i32>} : memref<4x256x64xf32, #tpu.memory_space<vmem>>, vector<1x1x16xf32>,
        %get3A_1839 = vector.shape_cast %get3A_1838 : vector<1x1x16xf32> to vector<16xf32>
        %mul3A_1840 = arith.constant 8.000000e+00 : f32
        %mul3A_1841 = vector.broadcast %mul3A_1840 : f32 to vector<16xf32>
        %mul3A_1842 = arith.mulf %get3A_1839, %mul3A_1841 : vector<16xf32>
        %add3A_1843 = arith.constant 7 : i32
        %add3A_1844 = arith.addi %mul3A_1212, %add3A_1843 : i32
        %swap3A_1845 = arith.constant 3 : i32
        %swap3A_1846 = arith.index_cast %swap3A_1845 : i32 to index
        %swap3A_1847 = arith.index_cast %add3A_1844 : i32 to index
        %swap3A_1848 = arith.constant 48 : index
        %swap3A_1849 = tpu.vector_load %arg6[%swap3A_1846, %swap3A_1847, %swap3A_1848] {strides = array<i32>} : memref<4x256x64xf32, #tpu.memory_space<vmem>>, vector<1x1x16xf32>,
        %swap3A_1850 = vector.shape_cast %swap3A_1849 : vector<1x1x16xf32> to vector<16xf32>
        %swap3A_1851 = vector.shape_cast %mul3A_1842 : vector<16xf32> to vector<1x1x16xf32>
        tpu.vector_store %arg6[%swap3A_1846, %swap3A_1847, %swap3A_1848], %swap3A_1851 {strides = array<i32>} : memref<4x256x64xf32, #tpu.memory_space<vmem>>, vector<1x1x16xf32>,
      }
      %scan3A_1190 = arith.constant 32 : i32
      %dma_start3A_1191 = arith.constant 3 : i32
      %dma_start3A_1192 = arith.constant 3 : i32
      %dma_start3A_1193 = arith.constant 0 : i32
      %dma_start3A_1194 = arith.constant 0 : i32
      %dma_start3A_1195 = tpu.memref_slice %arg6[%dma_start3A_1191, %dma_start3A_1193, %dma_start3A_1194] : memref<4x256x64xf32, #tpu.memory_space<vmem>> -> memref<1x256x64xf32, #tpu.memory_space<vmem>>
      %dma_start3A_1196 = tpu.memref_squeeze %dma_start3A_1195 : memref<1x256x64xf32, #tpu.memory_space<vmem>> -> memref<256x64xf32, #tpu.memory_space<vmem>>
      %dma_start3A_1197 = arith.constant 0 : i32
      %dma_start3A_1198 = tpu.memref_slice %arg7[%dma_start3A_1192, %dma_start3A_1197] : memref<4x256xi32, #tpu.memory_space<vmem>> -> memref<1x256xi32, #tpu.memory_space<vmem>>
      %dma_start3A_1199 = tpu.memref_squeeze %dma_start3A_1198 : memref<1x256xi32, #tpu.memory_space<vmem>> -> memref<256xi32, #tpu.memory_space<vmem>>
      %dma_start3A_1200 = arith.constant 0 : i32
      %dma_start3A_1201 = arith.constant 0 : i32
      %dma_start3A_1202 = tpu.memref_slice %arg4[%dma_start3A_1200, %dma_start3A_1201] : memref<819200x64xf32, #tpu.memory_space<hbm>> -> memref<819200x64xf32, #tpu.memory_space<hbm>>
      tpu.enqueue_indirect_dma source(%dma_start3A_1196 : memref<256x64xf32, #tpu.memory_space<vmem>>) target(%dma_start3A_1202 : memref<819200x64xf32, #tpu.memory_space<hbm>>) offsets(%dma_start3A_1199 : memref<256xi32, #tpu.memory_space<vmem>>) semaphore(%arg15 : memref<!tpu.dma_semaphore, #tpu.memory_space<semaphore_mem>>)
      %add3A_1203 = arith.constant 4 : i32
      %add3A_1204 = arith.addi %add3A_1156, %add3A_1203 : i32
      %lt3A_1205 = arith.constant 100 : i32
      %lt3A_1206 = arith.cmpi slt, %add3A_1204, %lt3A_1205 : i32
      %convert_element_type3A_1207 = arith.extui %lt3A_1206 : i1 to i32
      %cond3A_1208 = arith.constant 0 : i32
      %cond3A_1209 = arith.cmpi ne, %convert_element_type3A_1207, %cond3A_1208 : i32
      scf.if %cond3A_1209 {
        %dma_wait3A_1210 = arith.constant 3 : i32
        %dma_wait3A_1211 = arith.constant 3 : i32
        %dma_wait3A_1212 = arith.constant 0 : i32
        %dma_wait3A_1213 = arith.constant 0 : i32
        %dma_wait3A_1214 = tpu.memref_slice %arg6[%dma_wait3A_1210, %dma_wait3A_1212, %dma_wait3A_1213] : memref<4x256x64xf32, #tpu.memory_space<vmem>> -> memref<1x256x64xf32, #tpu.memory_space<vmem>>
        %dma_wait3A_1215 = tpu.memref_squeeze %dma_wait3A_1214 : memref<1x256x64xf32, #tpu.memory_space<vmem>> -> memref<256x64xf32, #tpu.memory_space<vmem>>
        %dma_wait3A_1216 = arith.constant 0 : i32
        %dma_wait3A_1217 = tpu.memref_slice %arg7[%dma_wait3A_1211, %dma_wait3A_1216] : memref<4x256xi32, #tpu.memory_space<vmem>> -> memref<1x256xi32, #tpu.memory_space<vmem>>
        %dma_wait3A_1218 = tpu.memref_squeeze %dma_wait3A_1217 : memref<1x256xi32, #tpu.memory_space<vmem>> -> memref<256xi32, #tpu.memory_space<vmem>>
        %dma_wait3A_1219 = arith.constant 0 : i32
        %dma_wait3A_1220 = arith.constant 0 : i32
        %dma_wait3A_1221 = tpu.memref_slice %arg4[%dma_wait3A_1219, %dma_wait3A_1220] : memref<819200x64xf32, #tpu.memory_space<hbm>> -> memref<819200x64xf32, #tpu.memory_space<hbm>>
        tpu.wait_indirect_dma semaphore(%arg15 : memref<!tpu.dma_semaphore, #tpu.memory_space<semaphore_mem>>) src(%dma_wait3A_1215 : memref<256x64xf32, #tpu.memory_space<vmem>>) dst(%dma_wait3A_1221 : memref<819200x64xf32, #tpu.memory_space<hbm>>)
        %add3A_1222 = arith.constant 4 : i32
        %add3A_1223 = arith.addi %add3A_1156, %add3A_1222 : i32
        %mul3A_1224 = arith.constant 2 : i32
        %mul3A_1225 = arith.muli %mul3A_1224, %add3A_1223 : i32
        %dma_start3A_1226 = arith.constant 3 : i32
        %dma_start3A_1227 = arith.constant 0 : i32
        %dma_start3A_1228 = arith.constant 0 : i32
        %dma_start3A_1229 = tpu.memref_slice %arg6[%dma_start3A_1226, %dma_start3A_1227, %dma_start3A_1228] : memref<4x256x64xf32, #tpu.memory_space<vmem>> -> memref<1x128x64xf32, #tpu.memory_space<vmem>>
        %dma_start3A_1230 = tpu.memref_squeeze %dma_start3A_1229 : memref<1x128x64xf32, #tpu.memory_space<vmem>> -> memref<128x64xf32, #tpu.memory_space<vmem>>
        %dma_start3A_1231 = arith.constant 0 : i32
        %dma_start3A_1232 = tpu.memref_slice %arg5[%mul3A_1225, %dma_start3A_1231] : memref<200x128xi32, #tpu.memory_space<vmem>> -> memref<1x128xi32, #tpu.memory_space<vmem>>
        %dma_start3A_1233 = tpu.memref_squeeze %dma_start3A_1232 : memref<1x128xi32, #tpu.memory_space<vmem>> -> memref<128xi32, #tpu.memory_space<vmem>>
        %dma_start3A_1234 = arith.constant 0 : i32
        %dma_start3A_1235 = arith.constant 0 : i32
        %dma_start3A_1236 = tpu.memref_slice %arg3[%dma_start3A_1234, %dma_start3A_1235] : memref<1000000x64xf32, #tpu.memory_space<hbm>> -> memref<1000000x64xf32, #tpu.memory_space<hbm>>
        tpu.enqueue_indirect_dma source(%dma_start3A_1236 : memref<1000000x64xf32, #tpu.memory_space<hbm>>) target(%dma_start3A_1230 : memref<128x64xf32, #tpu.memory_space<vmem>>) offsets(%dma_start3A_1233 : memref<128xi32, #tpu.memory_space<vmem>>) semaphore(%arg11 : memref<!tpu.dma_semaphore, #tpu.memory_space<semaphore_mem>>)
        %mul3A_1237 = arith.constant 2 : i32
        %mul3A_1238 = arith.muli %mul3A_1237, %add3A_1223 : i32
        %add3A_1239 = arith.constant 1 : i32
        %add3A_1240 = arith.addi %mul3A_1238, %add3A_1239 : i32
        %dma_start3A_1241 = arith.constant 3 : i32
        %dma_start3A_1242 = arith.constant 128 : i32
        %dma_start3A_1243 = arith.constant 0 : i32
        %dma_start3A_1244 = tpu.memref_slice %arg6[%dma_start3A_1241, %dma_start3A_1242, %dma_start3A_1243] : memref<4x256x64xf32, #tpu.memory_space<vmem>> -> memref<1x128x64xf32, #tpu.memory_space<vmem>>
        %dma_start3A_1245 = tpu.memref_squeeze %dma_start3A_1244 : memref<1x128x64xf32, #tpu.memory_space<vmem>> -> memref<128x64xf32, #tpu.memory_space<vmem>>
        %dma_start3A_1246 = arith.constant 0 : i32
        %dma_start3A_1247 = tpu.memref_slice %arg5[%add3A_1240, %dma_start3A_1246] : memref<200x128xi32, #tpu.memory_space<vmem>> -> memref<1x128xi32, #tpu.memory_space<vmem>>
        %dma_start3A_1248 = tpu.memref_squeeze %dma_start3A_1247 : memref<1x128xi32, #tpu.memory_space<vmem>> -> memref<128xi32, #tpu.memory_space<vmem>>
        %dma_start3A_1249 = arith.constant 0 : i32
        %dma_start3A_1250 = arith.constant 0 : i32
        %dma_start3A_1251 = tpu.memref_slice %arg3[%dma_start3A_1249, %dma_start3A_1250] : memref<1000000x64xf32, #tpu.memory_space<hbm>> -> memref<1000000x64xf32, #tpu.memory_space<hbm>>
        tpu.enqueue_indirect_dma source(%dma_start3A_1251 : memref<1000000x64xf32, #tpu.memory_space<hbm>>) target(%dma_start3A_1245 : memref<128x64xf32, #tpu.memory_space<vmem>>) offsets(%dma_start3A_1248 : memref<128xi32, #tpu.memory_space<vmem>>) semaphore(%arg11 : memref<!tpu.dma_semaphore, #tpu.memory_space<semaphore_mem>>)
        %add3A_1252 = arith.constant 0 : i32
        %add3A_1253 = arith.addi %mul3A_2, %add3A_1252 : i32
        %mul3A_1254 = arith.constant 200 : i32
        %mul3A_1255 = arith.muli %add3A_1253, %mul3A_1254 : i32
        %mul3A_1256 = arith.constant 2 : i32
        %mul3A_1257 = arith.muli %mul3A_1256, %add3A_1223 : i32
        %add3A_1258 = arith.addi %mul3A_1255, %mul3A_1257 : i32
        %add3A_1259 = vector.broadcast %add3A_1258 : i32 to vector<16xi32>
        %add3A_1260 = arith.addi %mul3A_5, %add3A_1259 : vector<16xi32>
        %swap3A_1261 = arith.constant 3 : i32
        %swap3A_1262 = arith.index_cast %swap3A_1261 : i32 to index
        %swap3A_1263 = arith.constant 0 : index
        %swap3A_1264 = tpu.vector_load %arg7[%swap3A_1262, %swap3A_1263] {strides = array<i32>} : memref<4x256xi32, #tpu.memory_space<vmem>>, vector<1x16xi32>,
        %swap3A_1265 = vector.shape_cast %swap3A_1264 : vector<1x16xi32> to vector<16xi32>
        %swap3A_1266 = vector.shape_cast %add3A_1260 : vector<16xi32> to vector<1x16xi32>
        tpu.vector_store %arg7[%swap3A_1262, %swap3A_1263], %swap3A_1266 {strides = array<i32>} : memref<4x256xi32, #tpu.memory_space<vmem>>, vector<1x16xi32>,
        %mul3A_1267 = arith.constant 2 : i32
        %mul3A_1268 = arith.muli %mul3A_1267, %add3A_1223 : i32
        %add3A_1269 = arith.addi %mul3A_1255, %mul3A_1268 : i32
        %add3A_1270 = arith.constant 1 : i32
        %add3A_1271 = arith.addi %add3A_1269, %add3A_1270 : i32
        %add3A_1272 = vector.broadcast %add3A_1271 : i32 to vector<16xi32>
        %add3A_1273 = arith.addi %mul3A_5, %add3A_1272 : vector<16xi32>
        %swap3A_1274 = arith.constant 3 : i32
        %swap3A_1275 = arith.index_cast %swap3A_1274 : i32 to index
        %swap3A_1276 = arith.constant 128 : index
        %swap3A_1277 = tpu.vector_load %arg7[%swap3A_1275, %swap3A_1276] {strides = array<i32>} : memref<4x256xi32, #tpu.memory_space<vmem>>, vector<1x16xi32>,
        %swap3A_1278 = vector.shape_cast %swap3A_1277 : vector<1x16xi32> to vector<16xi32>
        %swap3A_1279 = vector.shape_cast %add3A_1273 : vector<16xi32> to vector<1x16xi32>
        tpu.vector_store %arg7[%swap3A_1275, %swap3A_1276], %swap3A_1279 {strides = array<i32>} : memref<4x256xi32, #tpu.memory_space<vmem>>, vector<1x16xi32>,
        %add3A_1280 = arith.constant 16 : i32
        %add3A_1281 = arith.addi %mul3A_2, %add3A_1280 : i32
        %mul3A_1282 = arith.constant 200 : i32
        %mul3A_1283 = arith.muli %add3A_1281, %mul3A_1282 : i32
        %mul3A_1284 = arith.constant 2 : i32
        %mul3A_1285 = arith.muli %mul3A_1284, %add3A_1223 : i32
        %add3A_1286 = arith.addi %mul3A_1283, %mul3A_1285 : i32
        %add3A_1287 = vector.broadcast %add3A_1286 : i32 to vector<16xi32>
        %add3A_1288 = arith.addi %mul3A_5, %add3A_1287 : vector<16xi32>
        %swap3A_1289 = arith.constant 3 : i32
        %swap3A_1290 = arith.index_cast %swap3A_1289 : i32 to index
        %swap3A_1291 = arith.constant 16 : index
        %swap3A_1292 = tpu.vector_load %arg7[%swap3A_1290, %swap3A_1291] {strides = array<i32>} : memref<4x256xi32, #tpu.memory_space<vmem>>, vector<1x16xi32>,
        %swap3A_1293 = vector.shape_cast %swap3A_1292 : vector<1x16xi32> to vector<16xi32>
        %swap3A_1294 = vector.shape_cast %add3A_1288 : vector<16xi32> to vector<1x16xi32>
        tpu.vector_store %arg7[%swap3A_1290, %swap3A_1291], %swap3A_1294 {strides = array<i32>} : memref<4x256xi32, #tpu.memory_space<vmem>>, vector<1x16xi32>,
        %mul3A_1295 = arith.constant 2 : i32
        %mul3A_1296 = arith.muli %mul3A_1295, %add3A_1223 : i32
        %add3A_1297 = arith.addi %mul3A_1283, %mul3A_1296 : i32
        %add3A_1298 = arith.constant 1 : i32
        %add3A_1299 = arith.addi %add3A_1297, %add3A_1298 : i32
        %add3A_1300 = vector.broadcast %add3A_1299 : i32 to vector<16xi32>
        %add3A_1301 = arith.addi %mul3A_5, %add3A_1300 : vector<16xi32>
        %swap3A_1302 = arith.constant 3 : i32
        %swap3A_1303 = arith.index_cast %swap3A_1302 : i32 to index
        %swap3A_1304 = arith.constant 144 : index
        %swap3A_1305 = tpu.vector_load %arg7[%swap3A_1303, %swap3A_1304] {strides = array<i32>} : memref<4x256xi32, #tpu.memory_space<vmem>>, vector<1x16xi32>,
        %swap3A_1306 = vector.shape_cast %swap3A_1305 : vector<1x16xi32> to vector<16xi32>
        %swap3A_1307 = vector.shape_cast %add3A_1301 : vector<16xi32> to vector<1x16xi32>
        tpu.vector_store %arg7[%swap3A_1303, %swap3A_1304], %swap3A_1307 {strides = array<i32>} : memref<4x256xi32, #tpu.memory_space<vmem>>, vector<1x16xi32>,
        %add3A_1308 = arith.constant 32 : i32
        %add3A_1309 = arith.addi %mul3A_2, %add3A_1308 : i32
        %mul3A_1310 = arith.constant 200 : i32
        %mul3A_1311 = arith.muli %add3A_1309, %mul3A_1310 : i32
        %mul3A_1312 = arith.constant 2 : i32
        %mul3A_1313 = arith.muli %mul3A_1312, %add3A_1223 : i32
        %add3A_1314 = arith.addi %mul3A_1311, %mul3A_1313 : i32
        %add3A_1315 = vector.broadcast %add3A_1314 : i32 to vector<16xi32>
        %add3A_1316 = arith.addi %mul3A_5, %add3A_1315 : vector<16xi32>
        %swap3A_1317 = arith.constant 3 : i32
        %swap3A_1318 = arith.index_cast %swap3A_1317 : i32 to index
        %swap3A_1319 = arith.constant 32 : index
        %swap3A_1320 = tpu.vector_load %arg7[%swap3A_1318, %swap3A_1319] {strides = array<i32>} : memref<4x256xi32, #tpu.memory_space<vmem>>, vector<1x16xi32>,
        %swap3A_1321 = vector.shape_cast %swap3A_1320 : vector<1x16xi32> to vector<16xi32>
        %swap3A_1322 = vector.shape_cast %add3A_1316 : vector<16xi32> to vector<1x16xi32>
        tpu.vector_store %arg7[%swap3A_1318, %swap3A_1319], %swap3A_1322 {strides = array<i32>} : memref<4x256xi32, #tpu.memory_space<vmem>>, vector<1x16xi32>,
        %mul3A_1323 = arith.constant 2 : i32
        %mul3A_1324 = arith.muli %mul3A_1323, %add3A_1223 : i32
        %add3A_1325 = arith.addi %mul3A_1311, %mul3A_1324 : i32
        %add3A_1326 = arith.constant 1 : i32
        %add3A_1327 = arith.addi %add3A_1325, %add3A_1326 : i32
        %add3A_1328 = vector.broadcast %add3A_1327 : i32 to vector<16xi32>
        %add3A_1329 = arith.addi %mul3A_5, %add3A_1328 : vector<16xi32>
        %swap3A_1330 = arith.constant 3 : i32
        %swap3A_1331 = arith.index_cast %swap3A_1330 : i32 to index
        %swap3A_1332 = arith.constant 160 : index
        %swap3A_1333 = tpu.vector_load %arg7[%swap3A_1331, %swap3A_1332] {strides = array<i32>} : memref<4x256xi32, #tpu.memory_space<vmem>>, vector<1x16xi32>,
        %swap3A_1334 = vector.shape_cast %swap3A_1333 : vector<1x16xi32> to vector<16xi32>
        %swap3A_1335 = vector.shape_cast %add3A_1329 : vector<16xi32> to vector<1x16xi32>
        tpu.vector_store %arg7[%swap3A_1331, %swap3A_1332], %swap3A_1335 {strides = array<i32>} : memref<4x256xi32, #tpu.memory_space<vmem>>, vector<1x16xi32>,
        %add3A_1336 = arith.constant 48 : i32
        %add3A_1337 = arith.addi %mul3A_2, %add3A_1336 : i32
        %mul3A_1338 = arith.constant 200 : i32
        %mul3A_1339 = arith.muli %add3A_1337, %mul3A_1338 : i32
        %mul3A_1340 = arith.constant 2 : i32
        %mul3A_1341 = arith.muli %mul3A_1340, %add3A_1223 : i32
        %add3A_1342 = arith.addi %mul3A_1339, %mul3A_1341 : i32
        %add3A_1343 = vector.broadcast %add3A_1342 : i32 to vector<16xi32>
        %add3A_1344 = arith.addi %mul3A_5, %add3A_1343 : vector<16xi32>
        %swap3A_1345 = arith.constant 3 : i32
        %swap3A_1346 = arith.index_cast %swap3A_1345 : i32 to index
        %swap3A_1347 = arith.constant 48 : index
        %swap3A_1348 = tpu.vector_load %arg7[%swap3A_1346, %swap3A_1347] {strides = array<i32>} : memref<4x256xi32, #tpu.memory_space<vmem>>, vector<1x16xi32>,
        %swap3A_1349 = vector.shape_cast %swap3A_1348 : vector<1x16xi32> to vector<16xi32>
        %swap3A_1350 = vector.shape_cast %add3A_1344 : vector<16xi32> to vector<1x16xi32>
        tpu.vector_store %arg7[%swap3A_1346, %swap3A_1347], %swap3A_1350 {strides = array<i32>} : memref<4x256xi32, #tpu.memory_space<vmem>>, vector<1x16xi32>,
        %mul3A_1351 = arith.constant 2 : i32
        %mul3A_1352 = arith.muli %mul3A_1351, %add3A_1223 : i32
        %add3A_1353 = arith.addi %mul3A_1339, %mul3A_1352 : i32
        %add3A_1354 = arith.constant 1 : i32
        %add3A_1355 = arith.addi %add3A_1353, %add3A_1354 : i32
        %add3A_1356 = vector.broadcast %add3A_1355 : i32 to vector<16xi32>
        %add3A_1357 = arith.addi %mul3A_5, %add3A_1356 : vector<16xi32>
        %swap3A_1358 = arith.constant 3 : i32
        %swap3A_1359 = arith.index_cast %swap3A_1358 : i32 to index
        %swap3A_1360 = arith.constant 176 : index
        %swap3A_1361 = tpu.vector_load %arg7[%swap3A_1359, %swap3A_1360] {strides = array<i32>} : memref<4x256xi32, #tpu.memory_space<vmem>>, vector<1x16xi32>,
        %swap3A_1362 = vector.shape_cast %swap3A_1361 : vector<1x16xi32> to vector<16xi32>
        %swap3A_1363 = vector.shape_cast %add3A_1357 : vector<16xi32> to vector<1x16xi32>
        tpu.vector_store %arg7[%swap3A_1359, %swap3A_1360], %swap3A_1363 {strides = array<i32>} : memref<4x256xi32, #tpu.memory_space<vmem>>, vector<1x16xi32>,
        %add3A_1364 = arith.constant 64 : i32
        %add3A_1365 = arith.addi %mul3A_2, %add3A_1364 : i32
        %mul3A_1366 = arith.constant 200 : i32
        %mul3A_1367 = arith.muli %add3A_1365, %mul3A_1366 : i32
        %mul3A_1368 = arith.constant 2 : i32
        %mul3A_1369 = arith.muli %mul3A_1368, %add3A_1223 : i32
        %add3A_1370 = arith.addi %mul3A_1367, %mul3A_1369 : i32
        %add3A_1371 = vector.broadcast %add3A_1370 : i32 to vector<16xi32>
        %add3A_1372 = arith.addi %mul3A_5, %add3A_1371 : vector<16xi32>
        %swap3A_1373 = arith.constant 3 : i32
        %swap3A_1374 = arith.index_cast %swap3A_1373 : i32 to index
        %swap3A_1375 = arith.constant 64 : index
        %swap3A_1376 = tpu.vector_load %arg7[%swap3A_1374, %swap3A_1375] {strides = array<i32>} : memref<4x256xi32, #tpu.memory_space<vmem>>, vector<1x16xi32>,
        %swap3A_1377 = vector.shape_cast %swap3A_1376 : vector<1x16xi32> to vector<16xi32>
        %swap3A_1378 = vector.shape_cast %add3A_1372 : vector<16xi32> to vector<1x16xi32>
        tpu.vector_store %arg7[%swap3A_1374, %swap3A_1375], %swap3A_1378 {strides = array<i32>} : memref<4x256xi32, #tpu.memory_space<vmem>>, vector<1x16xi32>,
        %mul3A_1379 = arith.constant 2 : i32
        %mul3A_1380 = arith.muli %mul3A_1379, %add3A_1223 : i32
        %add3A_1381 = arith.addi %mul3A_1367, %mul3A_1380 : i32
        %add3A_1382 = arith.constant 1 : i32
        %add3A_1383 = arith.addi %add3A_1381, %add3A_1382 : i32
        %add3A_1384 = vector.broadcast %add3A_1383 : i32 to vector<16xi32>
        %add3A_1385 = arith.addi %mul3A_5, %add3A_1384 : vector<16xi32>
        %swap3A_1386 = arith.constant 3 : i32
        %swap3A_1387 = arith.index_cast %swap3A_1386 : i32 to index
        %swap3A_1388 = arith.constant 192 : index
        %swap3A_1389 = tpu.vector_load %arg7[%swap3A_1387, %swap3A_1388] {strides = array<i32>} : memref<4x256xi32, #tpu.memory_space<vmem>>, vector<1x16xi32>,
        %swap3A_1390 = vector.shape_cast %swap3A_1389 : vector<1x16xi32> to vector<16xi32>
        %swap3A_1391 = vector.shape_cast %add3A_1385 : vector<16xi32> to vector<1x16xi32>
        tpu.vector_store %arg7[%swap3A_1387, %swap3A_1388], %swap3A_1391 {strides = array<i32>} : memref<4x256xi32, #tpu.memory_space<vmem>>, vector<1x16xi32>,
        %add3A_1392 = arith.constant 80 : i32
        %add3A_1393 = arith.addi %mul3A_2, %add3A_1392 : i32
        %mul3A_1394 = arith.constant 200 : i32
        %mul3A_1395 = arith.muli %add3A_1393, %mul3A_1394 : i32
        %mul3A_1396 = arith.constant 2 : i32
        %mul3A_1397 = arith.muli %mul3A_1396, %add3A_1223 : i32
        %add3A_1398 = arith.addi %mul3A_1395, %mul3A_1397 : i32
        %add3A_1399 = vector.broadcast %add3A_1398 : i32 to vector<16xi32>
        %add3A_1400 = arith.addi %mul3A_5, %add3A_1399 : vector<16xi32>
        %swap3A_1401 = arith.constant 3 : i32
        %swap3A_1402 = arith.index_cast %swap3A_1401 : i32 to index
        %swap3A_1403 = arith.constant 80 : index
        %swap3A_1404 = tpu.vector_load %arg7[%swap3A_1402, %swap3A_1403] {strides = array<i32>} : memref<4x256xi32, #tpu.memory_space<vmem>>, vector<1x16xi32>,
        %swap3A_1405 = vector.shape_cast %swap3A_1404 : vector<1x16xi32> to vector<16xi32>
        %swap3A_1406 = vector.shape_cast %add3A_1400 : vector<16xi32> to vector<1x16xi32>
        tpu.vector_store %arg7[%swap3A_1402, %swap3A_1403], %swap3A_1406 {strides = array<i32>} : memref<4x256xi32, #tpu.memory_space<vmem>>, vector<1x16xi32>,
        %mul3A_1407 = arith.constant 2 : i32
        %mul3A_1408 = arith.muli %mul3A_1407, %add3A_1223 : i32
        %add3A_1409 = arith.addi %mul3A_1395, %mul3A_1408 : i32
        %add3A_1410 = arith.constant 1 : i32
        %add3A_1411 = arith.addi %add3A_1409, %add3A_1410 : i32
        %add3A_1412 = vector.broadcast %add3A_1411 : i32 to vector<16xi32>
        %add3A_1413 = arith.addi %mul3A_5, %add3A_1412 : vector<16xi32>
        %swap3A_1414 = arith.constant 3 : i32
        %swap3A_1415 = arith.index_cast %swap3A_1414 : i32 to index
        %swap3A_1416 = arith.constant 208 : index
        %swap3A_1417 = tpu.vector_load %arg7[%swap3A_1415, %swap3A_1416] {strides = array<i32>} : memref<4x256xi32, #tpu.memory_space<vmem>>, vector<1x16xi32>,
        %swap3A_1418 = vector.shape_cast %swap3A_1417 : vector<1x16xi32> to vector<16xi32>
        %swap3A_1419 = vector.shape_cast %add3A_1413 : vector<16xi32> to vector<1x16xi32>
        tpu.vector_store %arg7[%swap3A_1415, %swap3A_1416], %swap3A_1419 {strides = array<i32>} : memref<4x256xi32, #tpu.memory_space<vmem>>, vector<1x16xi32>,
        %add3A_1420 = arith.constant 96 : i32
        %add3A_1421 = arith.addi %mul3A_2, %add3A_1420 : i32
        %mul3A_1422 = arith.constant 200 : i32
        %mul3A_1423 = arith.muli %add3A_1421, %mul3A_1422 : i32
        %mul3A_1424 = arith.constant 2 : i32
        %mul3A_1425 = arith.muli %mul3A_1424, %add3A_1223 : i32
        %add3A_1426 = arith.addi %mul3A_1423, %mul3A_1425 : i32
        %add3A_1427 = vector.broadcast %add3A_1426 : i32 to vector<16xi32>
        %add3A_1428 = arith.addi %mul3A_5, %add3A_1427 : vector<16xi32>
        %swap3A_1429 = arith.constant 3 : i32
        %swap3A_1430 = arith.index_cast %swap3A_1429 : i32 to index
        %swap3A_1431 = arith.constant 96 : index
        %swap3A_1432 = tpu.vector_load %arg7[%swap3A_1430, %swap3A_1431] {strides = array<i32>} : memref<4x256xi32, #tpu.memory_space<vmem>>, vector<1x16xi32>,
        %swap3A_1433 = vector.shape_cast %swap3A_1432 : vector<1x16xi32> to vector<16xi32>
        %swap3A_1434 = vector.shape_cast %add3A_1428 : vector<16xi32> to vector<1x16xi32>
        tpu.vector_store %arg7[%swap3A_1430, %swap3A_1431], %swap3A_1434 {strides = array<i32>} : memref<4x256xi32, #tpu.memory_space<vmem>>, vector<1x16xi32>,
        %mul3A_1435 = arith.constant 2 : i32
        %mul3A_1436 = arith.muli %mul3A_1435, %add3A_1223 : i32
        %add3A_1437 = arith.addi %mul3A_1423, %mul3A_1436 : i32
        %add3A_1438 = arith.constant 1 : i32
        %add3A_1439 = arith.addi %add3A_1437, %add3A_1438 : i32
        %add3A_1440 = vector.broadcast %add3A_1439 : i32 to vector<16xi32>
        %add3A_1441 = arith.addi %mul3A_5, %add3A_1440 : vector<16xi32>
        %swap3A_1442 = arith.constant 3 : i32
        %swap3A_1443 = arith.index_cast %swap3A_1442 : i32 to index
        %swap3A_1444 = arith.constant 224 : index
        %swap3A_1445 = tpu.vector_load %arg7[%swap3A_1443, %swap3A_1444] {strides = array<i32>} : memref<4x256xi32, #tpu.memory_space<vmem>>, vector<1x16xi32>,
        %swap3A_1446 = vector.shape_cast %swap3A_1445 : vector<1x16xi32> to vector<16xi32>
        %swap3A_1447 = vector.shape_cast %add3A_1441 : vector<16xi32> to vector<1x16xi32>
        tpu.vector_store %arg7[%swap3A_1443, %swap3A_1444], %swap3A_1447 {strides = array<i32>} : memref<4x256xi32, #tpu.memory_space<vmem>>, vector<1x16xi32>,
        %add3A_1448 = arith.constant 112 : i32
        %add3A_1449 = arith.addi %mul3A_2, %add3A_1448 : i32
        %mul3A_1450 = arith.constant 200 : i32
        %mul3A_1451 = arith.muli %add3A_1449, %mul3A_1450 : i32
        %mul3A_1452 = arith.constant 2 : i32
        %mul3A_1453 = arith.muli %mul3A_1452, %add3A_1223 : i32
        %add3A_1454 = arith.addi %mul3A_1451, %mul3A_1453 : i32
        %add3A_1455 = vector.broadcast %add3A_1454 : i32 to vector<16xi32>
        %add3A_1456 = arith.addi %mul3A_5, %add3A_1455 : vector<16xi32>
        %swap3A_1457 = arith.constant 3 : i32
        %swap3A_1458 = arith.index_cast %swap3A_1457 : i32 to index
        %swap3A_1459 = arith.constant 112 : index
        %swap3A_1460 = tpu.vector_load %arg7[%swap3A_1458, %swap3A_1459] {strides = array<i32>} : memref<4x256xi32, #tpu.memory_space<vmem>>, vector<1x16xi32>,
        %swap3A_1461 = vector.shape_cast %swap3A_1460 : vector<1x16xi32> to vector<16xi32>
        %swap3A_1462 = vector.shape_cast %add3A_1456 : vector<16xi32> to vector<1x16xi32>
        tpu.vector_store %arg7[%swap3A_1458, %swap3A_1459], %swap3A_1462 {strides = array<i32>} : memref<4x256xi32, #tpu.memory_space<vmem>>, vector<1x16xi32>,
        %mul3A_1463 = arith.constant 2 : i32
        %mul3A_1464 = arith.muli %mul3A_1463, %add3A_1223 : i32
        %add3A_1465 = arith.addi %mul3A_1451, %mul3A_1464 : i32
        %add3A_1466 = arith.constant 1 : i32
        %add3A_1467 = arith.addi %add3A_1465, %add3A_1466 : i32
        %add3A_1468 = vector.broadcast %add3A_1467 : i32 to vector<16xi32>
        %add3A_1469 = arith.addi %mul3A_5, %add3A_1468 : vector<16xi32>
        %swap3A_1470 = arith.constant 3 : i32
        %swap3A_1471 = arith.index_cast %swap3A_1470 : i32 to index
        %swap3A_1472 = arith.constant 240 : index
        %swap3A_1473 = tpu.vector_load %arg7[%swap3A_1471, %swap3A_1472] {strides = array<i32>} : memref<4x256xi32, #tpu.memory_space<vmem>>, vector<1x16xi32>,
        %swap3A_1474 = vector.shape_cast %swap3A_1473 : vector<1x16xi32> to vector<16xi32>
        %swap3A_1475 = vector.shape_cast %add3A_1469 : vector<16xi32> to vector<1x16xi32>
        tpu.vector_store %arg7[%swap3A_1471, %swap3A_1472], %swap3A_1475 {strides = array<i32>} : memref<4x256xi32, #tpu.memory_space<vmem>>, vector<1x16xi32>,
      } else {
      }
    }
    %scan3A_936 = arith.constant 25 : i32
    %dma_wait3A = arith.constant 0 : i32
    %dma_wait3A_937 = arith.constant 0 : i32
    %dma_wait3A_938 = arith.constant 0 : i32
    %dma_wait3A_939 = arith.constant 0 : i32
    %dma_wait3A_940 = tpu.memref_slice %arg6[%dma_wait3A, %dma_wait3A_938, %dma_wait3A_939] : memref<4x256x64xf32, #tpu.memory_space<vmem>> -> memref<1x256x64xf32, #tpu.memory_space<vmem>>
    %dma_wait3A_941 = tpu.memref_squeeze %dma_wait3A_940 : memref<1x256x64xf32, #tpu.memory_space<vmem>> -> memref<256x64xf32, #tpu.memory_space<vmem>>
    %dma_wait3A_942 = arith.constant 0 : i32
    %dma_wait3A_943 = tpu.memref_slice %arg7[%dma_wait3A_937, %dma_wait3A_942] : memref<4x256xi32, #tpu.memory_space<vmem>> -> memref<1x256xi32, #tpu.memory_space<vmem>>
    %dma_wait3A_944 = tpu.memref_squeeze %dma_wait3A_943 : memref<1x256xi32, #tpu.memory_space<vmem>> -> memref<256xi32, #tpu.memory_space<vmem>>
    %dma_wait3A_945 = arith.constant 0 : i32
    %dma_wait3A_946 = arith.constant 0 : i32
    %dma_wait3A_947 = tpu.memref_slice %arg4[%dma_wait3A_945, %dma_wait3A_946] : memref<819200x64xf32, #tpu.memory_space<hbm>> -> memref<819200x64xf32, #tpu.memory_space<hbm>>
    tpu.wait_indirect_dma semaphore(%arg12 : memref<!tpu.dma_semaphore, #tpu.memory_space<semaphore_mem>>) src(%dma_wait3A_941 : memref<256x64xf32, #tpu.memory_space<vmem>>) dst(%dma_wait3A_947 : memref<819200x64xf32, #tpu.memory_space<hbm>>)
    %dma_wait3A_948 = arith.constant 1 : i32
    %dma_wait3A_949 = arith.constant 1 : i32
    %dma_wait3A_950 = arith.constant 0 : i32
    %dma_wait3A_951 = arith.constant 0 : i32
    %dma_wait3A_952 = tpu.memref_slice %arg6[%dma_wait3A_948, %dma_wait3A_950, %dma_wait3A_951] : memref<4x256x64xf32, #tpu.memory_space<vmem>> -> memref<1x256x64xf32, #tpu.memory_space<vmem>>
    %dma_wait3A_953 = tpu.memref_squeeze %dma_wait3A_952 : memref<1x256x64xf32, #tpu.memory_space<vmem>> -> memref<256x64xf32, #tpu.memory_space<vmem>>
    %dma_wait3A_954 = arith.constant 0 : i32
    %dma_wait3A_955 = tpu.memref_slice %arg7[%dma_wait3A_949, %dma_wait3A_954] : memref<4x256xi32, #tpu.memory_space<vmem>> -> memref<1x256xi32, #tpu.memory_space<vmem>>
    %dma_wait3A_956 = tpu.memref_squeeze %dma_wait3A_955 : memref<1x256xi32, #tpu.memory_space<vmem>> -> memref<256xi32, #tpu.memory_space<vmem>>
    %dma_wait3A_957 = arith.constant 0 : i32
    %dma_wait3A_958 = arith.constant 0 : i32
    %dma_wait3A_959 = tpu.memref_slice %arg4[%dma_wait3A_957, %dma_wait3A_958] : memref<819200x64xf32, #tpu.memory_space<hbm>> -> memref<819200x64xf32, #tpu.memory_space<hbm>>
    tpu.wait_indirect_dma semaphore(%arg13 : memref<!tpu.dma_semaphore, #tpu.memory_space<semaphore_mem>>) src(%dma_wait3A_953 : memref<256x64xf32, #tpu.memory_space<vmem>>) dst(%dma_wait3A_959 : memref<819200x64xf32, #tpu.memory_space<hbm>>)
    %dma_wait3A_960 = arith.constant 2 : i32
    %dma_wait3A_961 = arith.constant 2 : i32
    %dma_wait3A_962 = arith.constant 0 : i32
    %dma_wait3A_963 = arith.constant 0 : i32
    %dma_wait3A_964 = tpu.memref_slice %arg6[%dma_wait3A_960, %dma_wait3A_962, %dma_wait3A_963] : memref<4x256x64xf32, #tpu.memory_space<vmem>> -> memref<1x256x64xf32, #tpu.memory_space<vmem>>
    %dma_wait3A_965 = tpu.memref_squeeze %dma_wait3A_964 : memref<1x256x64xf32, #tpu.memory_space<vmem>> -> memref<256x64xf32, #tpu.memory_space<vmem>>
    %dma_wait3A_966 = arith.constant 0 : i32
    %dma_wait3A_967 = tpu.memref_slice %arg7[%dma_wait3A_961, %dma_wait3A_966] : memref<4x256xi32, #tpu.memory_space<vmem>> -> memref<1x256xi32, #tpu.memory_space<vmem>>
    %dma_wait3A_968 = tpu.memref_squeeze %dma_wait3A_967 : memref<1x256xi32, #tpu.memory_space<vmem>> -> memref<256xi32, #tpu.memory_space<vmem>>
    %dma_wait3A_969 = arith.constant 0 : i32
    %dma_wait3A_970 = arith.constant 0 : i32
    %dma_wait3A_971 = tpu.memref_slice %arg4[%dma_wait3A_969, %dma_wait3A_970] : memref<819200x64xf32, #tpu.memory_space<hbm>> -> memref<819200x64xf32, #tpu.memory_space<hbm>>
    tpu.wait_indirect_dma semaphore(%arg14 : memref<!tpu.dma_semaphore, #tpu.memory_space<semaphore_mem>>) src(%dma_wait3A_965 : memref<256x64xf32, #tpu.memory_space<vmem>>) dst(%dma_wait3A_971 : memref<819200x64xf32, #tpu.memory_space<hbm>>)
    %dma_wait3A_972 = arith.constant 3 : i32
    %dma_wait3A_973 = arith.constant 3 : i32
    %dma_wait3A_974 = arith.constant 0 : i32
    %dma_wait3A_975 = arith.constant 0 : i32
    %dma_wait3A_976 = tpu.memref_slice %arg6[%dma_wait3A_972, %dma_wait3A_974, %dma_wait3A_975] : memref<4x256x64xf32, #tpu.memory_space<vmem>> -> memref<1x256x64xf32, #tpu.memory_space<vmem>>
    %dma_wait3A_977 = tpu.memref_squeeze %dma_wait3A_976 : memref<1x256x64xf32, #tpu.memory_space<vmem>> -> memref<256x64xf32, #tpu.memory_space<vmem>>
    %dma_wait3A_978 = arith.constant 0 : i32
    %dma_wait3A_979 = tpu.memref_slice %arg7[%dma_wait3A_973, %dma_wait3A_978] : memref<4x256xi32, #tpu.memory_space<vmem>> -> memref<1x256xi32, #tpu.memory_space<vmem>>
    %dma_wait3A_980 = tpu.memref_squeeze %dma_wait3A_979 : memref<1x256xi32, #tpu.memory_space<vmem>> -> memref<256xi32, #tpu.memory_space<vmem>>
    %dma_wait3A_981 = arith.constant 0 : i32
    %dma_wait3A_982 = arith.constant 0 : i32
    %dma_wait3A_983 = tpu.memref_slice %arg4[%dma_wait3A_981, %dma_wait3A_982] : memref<819200x64xf32, #tpu.memory_space<hbm>> -> memref<819200x64xf32, #tpu.memory_space<hbm>>
    tpu.wait_indirect_dma semaphore(%arg15 : memref<!tpu.dma_semaphore, #tpu.memory_space<semaphore_mem>>) src(%dma_wait3A_977 : memref<256x64xf32, #tpu.memory_space<vmem>>) dst(%dma_wait3A_983 : memref<819200x64xf32, #tpu.memory_space<hbm>>)
    return
  }
}

</mosaic_0001>

<sc_bundles>
// kernel: kernel.3.cloned.1.call-start
scs
__scs_entry_jumppad:
0x0: {  	(pc) =	sbr.rel $0x88, $3  }
0x1: {  	(tag) =	ssettag $0x0;
	lr =	simm.s32 $0x1  }
0x2: {  	[smem:$0x3F9F] =	sst lr;
	_ =	strace $0xD0000000  }
0x3: {  	_ = 	snop  }
0x4: {  	_ = 	snop  }
0x5: {  	_ = 	snop  }
0x6: {  	_ = 	snop  }
0x7: {  	_ = 	snop  }
__scs_overlays_trampoline_lowered:
0x8: {  	[smem:$0x3FAE] =	sst s0  }
0x9: {  	[smem:$0x3FAF] =	sst s1  }
0xa: {  	[smem:$0x3FB0] =	sst s2  }
0xb: {  	[smem:$0x3FB1] =	sst s3  }
0xc: {  	[smem:$0x3FB2] =	sst s4  }
0xd: {  	[smem:$0x3FB3] =	sst s5  }
0xe: {  	[smem:$0x3FB4] =	sst s6  }
0xf: {  	[smem:$0x3FB5] =	sst s7  }
0x10: {  	[smem:$0x3FB6] =	sst s8  }
0x11: {  	[smem:$0x3FB7] =	sst s9;
	s0 =	simm.s32 @!p0 $0x0  }
0x12: {  	s1 =	sld [smem:$0x3F9D];
	s0 =	simm.s32 @p0 $0x1  }
0x13: {  	[smem:$0x3FB8] =	sst s0;
	s0 =	simm.s32 @!p1 $0x0  }
0x14: {  	s2 =	sld [smem:$0x3F9C];
	s0 =	simm.s32 @p1 $0x1  }
0x15: {  	[smem:$0x3FB9] =	sst s0;
	s0 =	simm.s32 @!p2 $0x0  }
0x16: {  	s3 =	sld [smem:$0x3FDB];
	s0 =	simm.s32 @p2 $0x1  }
0x17: {  	s4 =	simm.s32 $0x1BF5;
	[smem:$0x3FBB] =	sst s0  }
0x18: {  	s0 =	sld [smem:$0x3F9E];
	_ =	swait.ge [sflag:s4], $0x0  }
0x19: {  	s7 =	sld [smem:$0x3F9F]  }
0x1a: {  	s8 =	sadd.s32 $0xFFFFE003, lr  }
0x1b: {  	s9 =	sadd.s32 $0xFFFFFEF7, lr;
	s5 =	simm.s32 $0xFFFFFFFF;
	p2 =	slt.u32 s8, $0xFFFFF086  }
0x1c: {  	p1 =	slt.u32 s9, $0xF7A;
	s5 =	simm.s32 @!p2 $0x0  }
0x1d: {  	s5 =	simm.s32 @p1 $0x1;
	p0 =	seq.s32 s7, s2  }
0x1e: {  	s7 =	smul.u32 @!p0 $0xF7A, s2;
	p2 =	seq.s32 @!p0 s5, $0x0  }
0x1f: {  	s9 =	smul.u32 $0xF7A, s1;
	s8 =	simm.s32 @!p0 $0x1BF5;
	p2 =	por !p2, p0  }
0x20: {  	[sflag:s8] =	ssyncset.s32 @!p0 $0xFFFFF086;
	s6 =	sadd.s32 @!p0 s3, s7;
	s7 =	simm.s32 @!p0 $0x108  }
0x21: {  	s3 =	sadd.s32 s3, s9;
	s6 =	sadd.s32 @!p0 $0x88, s6;
	s7 =	simm.s32 @p2 $0x1082  }
0x22: {  	[simem:s7], [sflag:s8] =	dma.local @!p0 [hbm:s6], $0xF7A  }
0x23: {  	s9 =	sor.u32 $0xD0000000, s2;
	s6 =	simm.s32 $0x108;
	_ =	swait.ge @!p0 [sflag:s8], $0x0  }
0x24: {  	s3 =	sadd.s32 $0x88, s3;
	s6 =	simm.s32 @!p1 $0x1082;
	[sflag:s4] =	ssyncset.s32 $0xFFFFF086  }
0x25: {  	[simem:s6], [sflag:s4] =	dma.local [hbm:s3], $0xF7A  }
0x26: {  	[smem:$0x3F9F] =	sst s1;
	(tag) =	ssettag s2;
	_ =	strace s9  }
0x27: {  	s1 =	sld [smem:$0x3FAF]  }
0x28: {  	s2 =	sld [smem:$0x3FB0]  }
0x29: {  	s4 =	sld [smem:$0x3FB2]  }
0x2a: {  	p0 =	seq.s32 s5, $0x0;
	s5 =	sld [smem:$0x3FB3]  }
0x2b: {  	s6 =	sld [smem:$0x3FB4]  }
0x2c: {  	s7 =	sld [smem:$0x3FB5]  }
0x2d: {  	s3 =	simm.s32 $0x108;
	s8 =	sld [smem:$0x3FB6]  }
0x2e: {  	s3 =	simm.s32 @!p0 $0x1082;
	s9 =	sld [smem:$0x3FB7]  }
0x2f: {  	lr =	sadd.s32 s0, s3;
	s0 =	sld [smem:$0x3FAE]  }
0x30: {  	s3 =	sld [smem:$0x3FB1]  }
0x31: {  	[smem:$0x3FBA] =	sst s10  }
0x32: {  	s10 =	sld [smem:$0x3FB8];
	_ =	sdelay $0x3  }
0x33: {  	p0 =	seq.s32 s10, $0x1;
	s10 =	sld [smem:$0x3FBA];
	_ =	sdelay $0x3  }
0x34: {  	[smem:$0x3FBA] =	sst s10  }
0x35: {  	s10 =	sld [smem:$0x3FB9];
	_ =	sdelay $0x3  }
0x36: {  	p1 =	seq.s32 s10, $0x1;
	s10 =	sld [smem:$0x3FBA];
	_ =	sdelay $0x3  }
0x37: {  	[smem:$0x3FBA] =	sst s10  }
0x38: {  	s10 =	sld [smem:$0x3FBB]  }
0x39: {  	_ = 	snop;
	(pc) =	sbr.ind lr, $3  }
0x3a: {  	_ = 	snop  }
0x3b: {  	_ = 	snop  }
0x3c: {  	p2 =	seq.s32 s10, $0x1;
	s10 =	sld [smem:$0x3FBA]  }
0x3d: {  	_ =	shalt  }
0x3e: {  	_ =	shalt  }
0x3f: {  	_ =	shalt  }
0x40: {  	_ =	shalt  }
0x41: {  	_ =	shalt  }
0x42: {  	_ =	shalt  }
0x43: {  	_ =	shalt  }
0x44: {  	_ =	shalt  }
0x45: {  	_ =	shalt  }
0x46: {  	_ =	shalt  }
0x47: {  	_ =	shalt  }
0x48: {  	_ =	shalt  }
0x49: {  	_ =	shalt  }
0x4a: {  	_ =	shalt  }
0x4b: {  	_ =	shalt  }
0x4c: {  	_ =	shalt  }
0x4d: {  	_ =	shalt  }
0x4e: {  	_ =	shalt  }
0x4f: {  	_ =	shalt  }
0x50: {  	_ =	shalt  }
0x51: {  	_ =	shalt  }
0x52: {  	_ =	shalt  }
0x53: {  	_ =	shalt  }
0x54: {  	_ =	shalt  }
0x55: {  	_ =	shalt  }
0x56: {  	_ =	shalt  }
0x57: {  	_ =	shalt  }
0x58: {  	_ =	shalt  }
0x59: {  	_ =	shalt  }
0x5a: {  	_ =	shalt  }
0x5b: {  	_ =	shalt  }
0x5c: {  	_ =	shalt  }
0x5d: {  	_ =	shalt  }
0x5e: {  	_ =	shalt  }
0x5f: {  	_ =	shalt  }
0x60: {  	_ =	shalt  }
0x61: {  	_ =	shalt  }
0x62: {  	_ =	shalt  }
0x63: {  	_ =	shalt  }
0x64: {  	_ =	shalt  }
0x65: {  	_ =	shalt  }
0x66: {  	_ =	shalt  }
0x67: {  	_ =	shalt  }
0x68: {  	_ =	shalt  }
0x69: {  	_ =	shalt  }
0x6a: {  	_ =	shalt  }
0x6b: {  	_ =	shalt  }
0x6c: {  	_ =	shalt  }
0x6d: {  	_ =	shalt  }
0x6e: {  	_ =	shalt  }
0x6f: {  	_ =	shalt  }
0x70: {  	_ =	shalt  }
0x71: {  	_ =	shalt  }
0x72: {  	_ =	shalt  }
0x73: {  	_ =	shalt  }
0x74: {  	_ =	shalt  }
0x75: {  	_ =	shalt  }
0x76: {  	_ =	shalt  }
0x77: {  	_ =	shalt  }
0x78: {  	_ =	shalt  }
0x79: {  	_ =	shalt  }
0x7a: {  	_ =	shalt  }
0x7b: {  	_ =	shalt  }
0x7c: {  	_ =	shalt  }
0x7d: {  	_ =	shalt  }
0x7e: {  	_ =	shalt  }
0x7f: {  	_ =	shalt  }
0x80: {  	_ =	shalt  }
0x81: {  	_ =	shalt  }
0x82: {  	_ =	shalt  }
0x83: {  	_ =	shalt  }
0x84: {  	_ =	shalt  }
0x85: {  	_ =	shalt  }
0x86: {  	_ =	shalt  }
0x87: {  	_ =	shalt  }
.Lfunc_end0:
.L_simem_size_0:
called_computation.1_lowered:
.L_overlay_start_0:
0x88: {  	s2 =	sld [smem:$0x3FD9]  }
0x89: {  	s3 =	sld [smem:$0x3FFE];
	_ =	sdelay $0x1  }
0x8a: {  	s1 =	srdreg.scid  }
0x8b: {  	s0 =	sand.u32 $0x1, s1  }
0x8c: {  	s17 =	sshll.u32 s0, $0xA;
	s2 =	sadd.s32 s3, s2  }
0x8d: {  	s2 =	sadd.s32 s2, s17  }
0x8e: {  	[smem:$0x3FC6] =	sst s2  }
0x8f: {  	_ = 	snop  }
0x90: {  	s2 =	sld [smem:$0x3FD0];
	(tm) =	ssettm $0x1  }
0x91: {  	s18 =	sld [smem:$0x3FFB];
	_ =	sdelay $0x3  }
0x92: {  	_ =	strace s18  }
0x93: {  	s3 =	sld [smem:$0x3FFC];
	_ =	sdelay $0x3  }
0x94: {  	_ =	strace s3  }
0x95: {  	s3 =	sld [smem:$0x3FFD];
	_ =	sdelay $0x3  }
0x96: {  	_ =	strace s3  }
0x97: {  	_ =	strace $0x8FFFFFFF  }
0x98: {  	s19 =	sld [smem:$0x3FDB];
	_ =	sdelay $0x1  }
0x99: {  	s4 =	simm.s32 $_scs_section_size  }
0x9a: {  	s5 =	simm.s32 $_size__tile_overlayer_lowered;
	s6 =	simm.s32 $_tile_overlayer_lowered  }
0x9b: {  	s22 =	simm.s32 $0x1BFF;
	s21 =	sshll.u32 s6, $0x1;
	s3 =	sadd.s32 s4, s19  }
0x9c: {  	s7 =	simm.s32 $0x0;
	s20 =	sshll.u32 s5, $0x1;
	s5 =	sadd.s32 s21, s3  }
0x9d: {  	[timem:s7], [sflag:s22] =	dma.local [hbm:s5], s20  }
0x9e: {  	_ =	swait.ge [sflag:s22], s20  }
0x9f: {  	s4 =	ssub.s32 $0x0, s20;
	[sflag:s22] =	ssyncset.done $0x0  }
0xa0: {  	[sflag:s22] =	ssyncadd.s32 s4;
	_ =	sdelay $0x1  }
0xa1: {  	s23 =	simm.s32 $0x1B8B  }
0xa2: {  	_ =	swait.ge [sflag:s23], $0x1  }
0xa3: {  	[sflag:s23] =	ssyncset.done $0x0  }
0xa4: {  	s25 =	simm.s32 $0x1B8E;
	s24 =	sld [smem:$0x3FFE];
	[sflag:s23] =	ssyncadd.s32 $0xFFFFFFFF  }
0xa5: {  	s26 =	simm.s32 $execute0_lowered;
	[smem:$0x3FD2] =	sst s25  }
0xa6: {  	s5 =	sshll.u32 s26, $0x1;
	_ =	strace $0x80000046;
	[dreg:$0x1] =	wrdreg $0xFFFFFFFF  }
0xa7: {  	s28 =	simm.s32 $_size_execute0_lowered;
	s3 =	sadd.s32 s3, s5;
	[dreg:$0x0] =	wrdreg $0x0  }
0xa8: {  	s5 =	sshll.u32 s28, $0x1;
	[dreg:$0x2] =	wrdreg s3  }
0xa9: {  	[dreg:$0x3] =	wrdreg s5  }
0xaa: {  	[dreg:$0x4] =	wrdreg $0xC0  }
0xab: {  	_ =	task [dreg:s7], $0x5FFFF  }
0xac: {  	[dreg:$0x1] =	wrdreg $0xFFFFFFFF  }
0xad: {  	[dreg:$0x0] =	wrdreg $0x60  }
0xae: {  	[dreg:$0x2] =	wrdreg s24  }
0xaf: {  	[dreg:$0x3] =	wrdreg s2  }
0xb0: {  	[dreg:$0x4] =	wrdreg $0x9  }
0xb1: {  	_ =	task.clear_ibuf [dreg:s7], $0x5FFFF;
	_ =	strace $0x90000046  }
0xb2: {  	s29 =	simm.s32 $0x9;
	_ =	strace $0x80000048  }
0xb3: {  	_ =	swait.ge [sflag:s29], $0x1  }
0xb4: {  	[sflag:s29] =	ssyncadd.s32 $0xFFFFFFFF  }
0xb5: {  	_ =	strace $0x90000048  }
0xb6: {  	_ =	sfence  }
0xb7: {  	s30 =	sld [smem:$0x0];
	_ =	sdelay $0x2  }
0xb8: {  	s31 =	sshll.u32 s1, $0xD;
	s1 =	sshrl.u32 s1, $0x2  }
0xb9: {  	s3 =	sand.u32 $0x4000, s31;
	s1 =	sadd.s32 s1, s30  }
0xba: {  	s0 =	sor.u32 s3, s0;
	s1 =	sshll.u32 s1, $0x11  }
0xbb: {  	s0 =	sor.u32 s1, s0  }
0xbc: {  	s0 =	sadd.s32 $0x8F2B, s0  }
0xbd: {  	[sflag:s0] =	ssyncadd.remote.s32 $0x1  }
0xbe: {  	_ =	sfence.sel $0xFFFF  }
0xbf: {  	[dreg:$0x0] =	wrdreg $0xFFFFFFFF;
	(pc) =	sbr.abs _section_cstart, $3  }
0xc0: {  	[dreg:$0x1] =	wrdreg $0xFFFFFFFF  }
0xc1: {  	_ =	task.clear_ibuf [dreg:s7], $0x2FFFF;
	_ =	strace $0x9FFFFFFF  }
0xc2: {  	(tm) =	ssettm $0x7FFFFFFF  }
0xc3: {  	_ =	shalt  }
tec
execute0_lowered:
.L_overlay_start_1:
0x0: {  	(tag) =	ssettag $0x1  }
0x1: {  	s0 =	rddreg [dreg:$0x0]  }
0x2: {  	s2 =	rddreg [dreg:$0x1]  }
0x3: {  	s1 =	srdreg.scid;
	s3 =	stileid.u32  }
0x4: {  	s4 =	simm.s32 $0x0;
	s1 =	sand.u32 $0x1, s1;
	s3 =	sshll.u32 s3, $0x1  }
0x5: {  	[smem:$0x7FF] =	sst s4;
	s3 =	sor.u32 s1, s3  }
0x6: {  	_ =	strace $0x80000047;
	s1 =	ssub.s32 $0x2, s1;
	s5 =	sshll.u32 s3, $0x4  }
0x7: {  	s4 =	smul.u32 $0x6400, s3;
	s26 =	sshrl.u32 s1, $0x1;
	s25 =	sadd.s32 s5, s0  }
0x8: {  	s5 =	sadd.s32 $0xF42E00, s0;
	s0 =	ssub.s32 s1, s26;
	s29 =	sadd.s32 $0xA00, s25  }
0x9: {  	s31 =	sor.u32 $0x1, s4;
	s7 =	sadd.s32 $0xC80, s4;
	s3 =	sadd.s32 $0xC81, s4  }
0xa: {  	s8 =	sadd.s32 $0x1900, s4;
	s6 =	sadd.s32 $0x1901, s4;
	s9 =	sadd.s32 $0x2580, s4  }
0xb: {  	s14 =	sadd.s32 $0x2581, s4;
	s10 =	sadd.s32 $0x3200, s4;
	s15 =	sadd.s32 $0x3201, s4  }
0xc: {  	s11 =	sadd.s32 $0x3E80, s4;
	s16 =	sadd.s32 $0x3E81, s4;
	s12 =	sadd.s32 $0x4B00, s4  }
0xd: {  	s17 =	sadd.s32 $0x4B01, s4;
	s13 =	sadd.s32 $0x5780, s4;
	s18 =	sadd.s32 $0x5781, s4  }
0xe: {  	s19 =	sor.u32 $0x2, s4;
	s20 =	sor.u32 $0x3, s4;
	s21 =	sadd.s32 $0xC82, s4  }
0xf: {  	s0 =	smax.u32 s0, $0x1;
	s22 =	sadd.s32 $0x1902, s4;
	s23 =	sadd.s32 $0x1903, s4  }
0x10: {  	v0 =	vlaneseq.u32;
	s24 =	sadd.s32 $0x2582, s4;
	s25 =	sadd.s32 $0x2583, s4;
	s26 =	sadd.s32 $0x3202, s4  }
0x11: {  	v0 =	vmul.u32 $0xC8, v0;
	s28 =	sadd.s32 $0x3203, s4;
	s30 =	sadd.s32 $0x3E83, s4;
	[dreg:$0x3] =	wrdreg s29  }
0x12: {  	s1 =	sadd.s32 $0x4B02, s4;
	[dreg:$0x4] =	wrdreg s0;
	s0 =	sadd.s32 $0xC83, s4  }
0x13: {  	s29 =	sadd.s32 $0x3E82, s4;
	[dreg:$0xd] =	wrdreg s30;
	v1 =	vadd.s32 s31, v0;
	s31 =	sadd.s32 $0x4B03, s4  }
0x14: {  	s30 =	sadd.s32 $0x5782, s4;
	v10 =	vadd.s32 s20, v0;
	s20 =	sadd.s32 $0x2585, s4;
	v11 =	vadd.s32 s21, v0;
	s21 =	sadd.s32 $0x3205, s4  }
0x15: {  	v13 =	vadd.s32 s22, v0;
	s22 =	sadd.s32 $0x3E84, s4;
	v14 =	vadd.s32 s23, v0;
	v15 =	vadd.s32 s24, v0;
	s23 =	sadd.s32 $0x3E85, s4;
	s24 =	sadd.s32 $0x4B04, s4  }
0x16: {  	v16 =	vadd.s32 s25, v0;
	s25 =	sadd.s32 $0x4B05, s4;
	v17 =	vadd.s32 s26, v0;
	v18 =	vadd.s32 s28, v0;
	s26 =	sadd.s32 $0x5784, s4;
	s28 =	sadd.s32 $0x5785, s4  }
0x17: {  	v21 =	vadd.s32 s1, v0;
	s1 =	sor.u32 $0x7, s4;
	[tilespmem:$0x1FF70] =	vst v1;
	[dreg:$0x6] =	wrdreg s30;
	v1 =	vadd.s32 s3, v0;
	s3 =	sadd.s32 $0x5783, s4  }
0x18: {  	v12 =	vadd.s32 s0, v0;
	s0 =	sadd.s32 $0x3204, s4;
	[dreg:$0x7] =	wrdreg s22;
	v19 =	vadd.s32 s29, v0;
	s29 =	sor.u32 $0x6, s4  }
0x19: {  	v57 =	vadd.s32 s4, v0;
	v58 =	vadd.s32 s7, v0;
	v22 =	vadd.s32 s31, v0;
	s30 =	sadd.s32 $0xC86, s4;
	s31 =	sadd.s32 $0xC87, s4;
	[dreg:$0x8] =	wrdreg s29  }
0x1a: {  	v59 =	vadd.s32 s8, v0;
	v60 =	vadd.s32 s9, v0;
	s22 =	sadd.s32 $0x3207, s4;
	v38 =	vadd.s32 s25, v0;
	s25 =	simm.s32 $0xE400;
	s29 =	rddreg [dreg:$0xd]  }
0x1b: {  	v61 =	vadd.s32 s10, v0;
	v40 =	vadd.s32 s28, v0;
	v42 =	vadd.s32 s1, v0;
	s1 =	simm.s32 $0x1;
	s28 =	simm.s32 $0x16700;
	[dreg:$0xa] =	wrdreg s22  }
0x1c: {  	v32 =	vadd.s32 s20, v0;
	[tilespmem:$0x1FF80] =	vst v1;
	v1 =	vadd.s32 s6, v0;
	s6 =	sor.u32 $0x4, s4;
	v24 =	vadd.s32 s3, v0;
	s3 =	sadd.s32 $0x1906, s4;
	s20 =	rddreg [dreg:$0x7]  }
0x1d: {  	v62 =	vadd.s32 s11, v0;
	s22 =	sadd.s32 $0x4B07, s4;
	v43 =	vadd.s32 s30, v0;
	s30 =	simm.s32 $0x12400;
	v20 =	vadd.s32 s29, v0;
	s29 =	rddreg [dreg:$0x6]  }
0x1e: {  	v34 =	vadd.s32 s21, v0;
	[tilespmem:$0x1FF90] =	vst v1;
	v1 =	vadd.s32 s14, v0;
	s14 =	sor.u32 $0x5, s4;
	v25 =	vadd.s32 s6, v0;
	s6 =	sadd.s32 $0x1907, s4;
	s21 =	rddreg [dreg:$0x8]  }
0x1f: {  	v37 =	vadd.s32 s24, v0;
	v35 =	vadd.s32 s20, v0;
	s20 =	simm.s32 $0x100;
	s24 =	rddreg [dreg:$0xa];
	v54 =	vadd.s32 s22, v0;
	s22 =	simm.s32 $0x16500  }
0x20: {  	v45 =	vadd.s32 s3, v0;
	s3 =	simm.s32 $0x0;
	[tilespmem:$0x1FFA0] =	vst v1;
	v1 =	vadd.s32 s15, v0;
	s15 =	sadd.s32 $0xC84, s4;
	v23 =	vadd.s32 s29, v0;
	s29 =	sadd.s32 $0x2586, s4  }
0x21: {  	v26 =	vadd.s32 s14, v0;
	s14 =	sadd.s32 $0x2587, s4;
	v41 =	vadd.s32 s21, v0;
	s21 =	simm.s32 $0xA400;
	v50 =	vadd.s32 s24, v0;
	s24 =	simm.s32 $0x16600  }
0x22: {  	v63 =	vadd.s32 s12, v0;
	v46 =	vadd.s32 s6, v0;
	s6 =	simm.s32 $0x8;
	[tilespmem:$0x1FFB0] =	vst v1;
	v1 =	vadd.s32 s16, v0;
	s16 =	sadd.s32 $0xC85, s4;
	[dreg:$0x9] =	wrdreg s29  }
0x23: {  	v36 =	vadd.s32 s23, v0;
	v27 =	vadd.s32 s15, v0;
	s29 =	sadd.s32 $0x4B06, s4;
	s15 =	simm.s32 $0x80;
	[tilespmem:$0x1FFC0] =	vst v1;
	v1 =	vadd.s32 s17, v0;
	s17 =	sadd.s32 $0x1904, s4  }
0x24: {  	v39 =	vadd.s32 s26, v0;
	v33 =	vadd.s32 s0, v0;
	v28 =	vadd.s32 s16, v0;
	s16 =	sadd.s32 $0x3206, s4;
	[dreg:$0xb] =	wrdreg s29;
	s29 =	sadd.s32 $0x5786, s4  }
.Ltmp0:
0x25: {  	v44 =	vadd.s32 s31, v0;
	v48 =	vadd.s32 s14, v0;
	s23 =	rddreg [dreg:$0x9];
	[tilespmem:$0x1FFD0] =	vst v1;
	v1 =	vadd.s32 s18, v0;
	s18 =	sadd.s32 $0x1905, s4;
	(pc) =	sbr.rel .LBB2_1-.Ltmp0, $4  }
0x26: {  	v29 =	vadd.s32 s17, v0;
	s17 =	sadd.s32 $0x3E86, s4;
	v47 =	vadd.s32 s23, v0;
	s26 =	rddreg [dreg:$0xb];
	v30 =	vadd.s32 s18, v0;
	s18 =	sadd.s32 $0x5787, s4  }
0x27: {  	v49 =	vadd.s32 s16, v0;
	v55 =	vadd.s32 s29, v0;
	s16 =	simm.s32 $0x16400;
	[tilespmem:$0x1FFE0] =	vst v1;
	v1 =	vadd.s32 s19, v0;
	s19 =	sadd.s32 $0x2584, s4;
	[dreg:$0xc] =	wrdreg s18  }
0x28: {  	s23 =	simm.s32 $0x3;
	v51 =	vadd.s32 s17, v0;
	v53 =	vadd.s32 s26, v0;
	v31 =	vadd.s32 s19, v0;
	s19 =	sadd.s32 $0x3E87, s4;
	s31 =	rddreg [dreg:$0xc]  }
0x29: {  	s26 =	simm.s32 $0x4;
	[tilespmem:$0x1FFF0] =	vst v1;
	s18 =	simm.s32 $0x6400;
	v1 =	vadd.s32 s13, v0;
	v52 =	vadd.s32 s19, v0;
	s19 =	simm.s32 $0x2;
	v56 =	vadd.s32 s31, v0  }
.LBB2_12:
0x2a: {  	s0 =	simm.s32 $0x5  }
0x2b: {  	_ =	swait.ge [sflag:s0], $0x4000  }
0x2c: {  	[sflag:s0] =	ssyncset.done $0x0  }
0x2d: {  	s17 =	simm.s32 $0x6;
	[sflag:s0] =	ssyncadd.s32 $0xFFFFC000  }
0x2e: {  	_ =	swait.ge [sflag:s17], $0x4000  }
0x2f: {  	[sflag:s17] =	ssyncset.done $0x0  }
0x30: {  	s29 =	simm.s32 $0x7;
	[sflag:s17] =	ssyncadd.s32 $0xFFFFC000  }
0x31: {  	_ =	swait.ge [sflag:s29], $0x4000  }
0x32: {  	[sflag:s29] =	ssyncset.done $0x0  }
0x33: {  	[sflag:s29] =	ssyncadd.s32 $0xFFFFC000  }
0x34: {  	_ =	swait.ge [sflag:s6], $0x4000  }
0x35: {  	s3 =	rddreg [dreg:$0x5]  }
0x36: {  	s31 =	rddreg [dreg:$0x4];
	s3 =	sadd.s32 $0x1, s3  }
0x37: {  	p0 =	sne.s32 s3, s31  }
.Ltmp1:
0x38: {  	_ = 	snop;
	(pc) =	sbr.rel @!p0 .LBB2_13-.Ltmp1, $3  }
0x39: {  	_ =	sdelay $0x1  }
0x3a: {  	[sflag:s6] =	ssyncset.done $0x0  }
0x3b: {  	[sflag:s6] =	ssyncadd.s32 $0xFFFFC000  }
.LBB2_1:
0x3c: {  	[dreg:$0x5] =	wrdreg s3;
	s0 =	simm.s32 $0x0  }
0x3d: {  	s29 =	rddreg [dreg:$0x3];
	s14 =	simm.s32 $0x1000;
	s31 =	simm.s32 $0x9  }
0x3e: {  	[tilespmem:s0], [sflag:$0x9] =	stream.strided.gather [hbm4b:s29+s15], $0x6400, s14, s15, $0x38;
	[tilespmem:$0x16800] =	vst v63  }
0x3f: {  	_ =	swait.ge [sflag:s31], $0x6400  }
0x40: {  	[sflag:s31] =	ssyncset.done $0x0;
	v2 =	vld [tilespmem:$0x1FF70]  }
0x41: {  	[sflag:s31] =	ssyncadd.s32 $0xFFFF9C00  }
0x42: {  	[tilespmem:s18], [sflag:$0x1] =	stream.indirect.gather [hbm4b:s5+s15], $0x40, s0, s15, $0xb8;
	[tilespmem:$0x16800] =	vst v63  }
0x43: {  	s14 =	simm.s32 $0x8400  }
0x44: {  	[tilespmem:s14], [sflag:$0x1] =	stream.indirect.gather [hbm4b:s5+s15], $0x40, s15, s15, $0xb8;
	[tilespmem:$0x16800] =	vst v63  }
0x45: {  	[tilespmem:$0x16480] =	vst v2;
	v2 =	vld [tilespmem:$0x1FF80];
	_ =	sdelay $0x4  }
0x46: {  	[tilespmem:$0x16490] =	vst v2;
	v2 =	vld [tilespmem:$0x1FF90];
	_ =	sdelay $0x4  }
0x47: {  	[tilespmem:$0x164A0] =	vst v2;
	v2 =	vld [tilespmem:$0x1FFA0];
	_ =	sdelay $0x4  }
0x48: {  	[tilespmem:$0x164B0] =	vst v2;
	v2 =	vld [tilespmem:$0x1FFB0];
	_ =	sdelay $0x4  }
0x49: {  	[tilespmem:$0x164C0] =	vst v2;
	v2 =	vld [tilespmem:$0x1FFC0];
	_ =	sdelay $0x4  }
0x4a: {  	[tilespmem:$0x164D0] =	vst v2;
	v2 =	vld [tilespmem:$0x1FFD0]  }
0x4b: {  	[tilespmem:$0x16400] =	vst v57  }
0x4c: {  	[tilespmem:$0x16410] =	vst v58  }
0x4d: {  	[tilespmem:$0x16420] =	vst v59  }
0x4e: {  	[tilespmem:$0x16430] =	vst v60  }
0x4f: {  	[tilespmem:$0x164E0] =	vst v2;
	v2 =	vld [tilespmem:$0x1FFE0]  }
0x50: {  	[tilespmem:$0x16440] =	vst v61  }
0x51: {  	[tilespmem:$0x16450] =	vst v62  }
0x52: {  	[tilespmem:$0x16460] =	vst v63  }
0x53: {  	[tilespmem:$0x16470] =	vst v1  }
0x54: {  	[tilespmem:$0x164F0] =	vst v2  }
0x55: {  	[tilespmem:s21], [sflag:$0x2] =	stream.indirect.gather [hbm4b:s5+s15], $0x40, s20, s15, $0xb8;
	[tilespmem:$0x16800] =	vst v63  }
0x56: {  	s17 =	simm.s32 $0x180;
	s29 =	simm.s32 $0xC400  }
0x57: {  	[tilespmem:s29], [sflag:$0x2] =	stream.indirect.gather [hbm4b:s5+s15], $0x40, s17, s15, $0xb8;
	[tilespmem:$0x16800] =	vst v63  }
0x58: {  	[tilespmem:$0x16580] =	vst v10  }
0x59: {  	[tilespmem:$0x16510] =	vst v11  }
0x5a: {  	[tilespmem:$0x16590] =	vst v12  }
0x5b: {  	[tilespmem:$0x16520] =	vst v13  }
0x5c: {  	[tilespmem:$0x165A0] =	vst v14  }
0x5d: {  	[tilespmem:$0x16530] =	vst v15  }
0x5e: {  	[tilespmem:$0x165B0] =	vst v16  }
0x5f: {  	[tilespmem:$0x16540] =	vst v17  }
0x60: {  	[tilespmem:$0x165C0] =	vst v18  }
0x61: {  	[tilespmem:$0x16550] =	vst v19  }
0x62: {  	v2 =	vld [tilespmem:$0x1FFF0];
	[tilespmem:$0x165D0] =	vst v20  }
0x63: {  	[tilespmem:$0x16560] =	vst v21  }
0x64: {  	[tilespmem:$0x165E0] =	vst v22  }
0x65: {  	[tilespmem:$0x16570] =	vst v23  }
0x66: {  	[tilespmem:$0x165F0] =	vst v24  }
0x67: {  	s31 =	simm.s32 $0x200;
	[tilespmem:$0x16500] =	vst v2  }
0x68: {  	[tilespmem:s25], [sflag:$0x3] =	stream.indirect.gather [hbm4b:s5+s15], $0x40, s31, s15, $0xb8;
	[tilespmem:$0x16800] =	vst v63  }
0x69: {  	s3 =	simm.s32 $0x280;
	s14 =	simm.s32 $0x10400  }
0x6a: {  	[tilespmem:s14], [sflag:$0x3] =	stream.indirect.gather [hbm4b:s5+s15], $0x40, s3, s15, $0xb8;
	[tilespmem:$0x16800] =	vst v63  }
0x6b: {  	[tilespmem:$0x16600] =	vst v25  }
0x6c: {  	[tilespmem:$0x16680] =	vst v26  }
0x6d: {  	[tilespmem:$0x16610] =	vst v27  }
0x6e: {  	[tilespmem:$0x16690] =	vst v28  }
0x6f: {  	[tilespmem:$0x16620] =	vst v29  }
0x70: {  	[tilespmem:$0x166A0] =	vst v30  }
0x71: {  	[tilespmem:$0x16630] =	vst v31  }
0x72: {  	[tilespmem:$0x166B0] =	vst v32  }
0x73: {  	[tilespmem:$0x16640] =	vst v33  }
0x74: {  	[tilespmem:$0x166C0] =	vst v34  }
0x75: {  	[tilespmem:$0x16650] =	vst v35  }
0x76: {  	[tilespmem:$0x166D0] =	vst v36  }
0x77: {  	[tilespmem:$0x16660] =	vst v37  }
0x78: {  	[tilespmem:$0x166E0] =	vst v38  }
0x79: {  	[tilespmem:$0x16670] =	vst v39  }
0x7a: {  	s17 =	simm.s32 $0x300;
	[tilespmem:$0x166F0] =	vst v40  }
0x7b: {  	[tilespmem:s30], [sflag:$0x4] =	stream.indirect.gather [hbm4b:s5+s15], $0x40, s17, s15, $0xb8;
	[tilespmem:$0x16800] =	vst v63  }
0x7c: {  	s29 =	simm.s32 $0x380;
	s31 =	simm.s32 $0x14400  }
0x7d: {  	[tilespmem:s31], [sflag:$0x4] =	stream.indirect.gather [hbm4b:s5+s15], $0x40, s29, s15, $0xb8;
	[tilespmem:$0x16800] =	vst v63  }
0x7e: {  	[tilespmem:$0x16700] =	vst v41  }
0x7f: {  	[tilespmem:$0x16780] =	vst v42  }
0x80: {  	[tilespmem:$0x16710] =	vst v43  }
0x81: {  	[tilespmem:$0x16790] =	vst v44  }
0x82: {  	[tilespmem:$0x16720] =	vst v45  }
0x83: {  	[tilespmem:$0x167A0] =	vst v46  }
0x84: {  	[tilespmem:$0x16730] =	vst v47  }
0x85: {  	[tilespmem:$0x167B0] =	vst v48  }
0x86: {  	[tilespmem:$0x16740] =	vst v49  }
0x87: {  	[tilespmem:$0x167C0] =	vst v50  }
0x88: {  	[tilespmem:$0x16750] =	vst v51  }
0x89: {  	[tilespmem:$0x167D0] =	vst v52  }
0x8a: {  	[tilespmem:$0x16760] =	vst v53  }
0x8b: {  	[tilespmem:$0x167E0] =	vst v54  }
0x8c: {  	[tilespmem:$0x16770] =	vst v55  }
0x8d: {  	s17 =	simm.s32 $0x0;
	[tilespmem:$0x167F0] =	vst v56  }
.LBB2_2:
0x8e: {  	_ =	swait.ge [sflag:s1], $0x2000  }
0x8f: {  	[sflag:s1] =	ssyncset.done $0x0  }
0x90: {  	[sflag:s1] =	ssyncadd.s32 $0xFFFFE000  }
0x91: {  	_ =	swait.ge [sflag:s1], $0x2000  }
0x92: {  	[sflag:s1] =	ssyncset.done $0x0  }
0x93: {  	s29 =	simm.s32 $0x0;
	[sflag:s1] =	ssyncadd.s32 $0xFFFFE000  }
0x94: {  	v2 =	vld [tilespmem:s29+$0x6400]  }
0x95: {  	v3 =	vld [tilespmem:s29+$0x6410]  }
0x96: {  	v4 =	vld [tilespmem:s29+$0x6420]  }
0x97: {  	v5 =	vld [tilespmem:s29+$0x6430]  }
0x98: {  	v6 =	vld [tilespmem:s29+$0x6440]  }
0x99: {  	v7 =	vld [tilespmem:s29+$0x6450];
	v2 =	vmul.f32 $8.000000000e+00, v2  }
0x9a: {  	v8 =	vld [tilespmem:s29+$0x6460];
	v3 =	vmul.f32 $8.000000000e+00, v3  }
0x9b: {  	v4 =	vmul.f32 $8.000000000e+00, v4;
	[tilespmem:s29+$0x6400] =	vst v2;
	v2 =	vld [tilespmem:s29+$0x6470]  }
0x9c: {  	v5 =	vmul.f32 $8.000000000e+00, v5;
	[tilespmem:s29+$0x6410] =	vst v3;
	v3 =	vld [tilespmem:s29+$0x6480]  }
0x9d: {  	v6 =	vmul.f32 $8.000000000e+00, v6;
	[tilespmem:s29+$0x6420] =	vst v4;
	v4 =	vld [tilespmem:s29+$0x6490]  }
0x9e: {  	v7 =	vmul.f32 $8.000000000e+00, v7;
	[tilespmem:s29+$0x6430] =	vst v5;
	v5 =	vld [tilespmem:s29+$0x64A0]  }
0x9f: {  	v8 =	vmul.f32 $8.000000000e+00, v8;
	[tilespmem:s29+$0x6440] =	vst v6;
	v6 =	vld [tilespmem:s29+$0x64B0]  }
0xa0: {  	[tilespmem:s29+$0x6450] =	vst v7;
	v7 =	vld [tilespmem:s29+$0x64C0];
	v2 =	vmul.f32 $8.000000000e+00, v2  }
0xa1: {  	[tilespmem:s29+$0x6460] =	vst v8;
	v8 =	vld [tilespmem:s29+$0x64D0];
	v3 =	vmul.f32 $8.000000000e+00, v3  }
0xa2: {  	v4 =	vmul.f32 $8.000000000e+00, v4;
	[tilespmem:s29+$0x6470] =	vst v2;
	v2 =	vld [tilespmem:s29+$0x64E0]  }
0xa3: {  	v5 =	vmul.f32 $8.000000000e+00, v5;
	[tilespmem:s29+$0x6480] =	vst v3;
	v3 =	vld [tilespmem:s29+$0x64F0]  }
0xa4: {  	v6 =	vmul.f32 $8.000000000e+00, v6;
	[tilespmem:s29+$0x6490] =	vst v4;
	v4 =	vld [tilespmem:s29+$0x6500]  }
0xa5: {  	v7 =	vmul.f32 $8.000000000e+00, v7;
	[tilespmem:s29+$0x64A0] =	vst v5;
	v5 =	vld [tilespmem:s29+$0x6510]  }
0xa6: {  	v8 =	vmul.f32 $8.000000000e+00, v8;
	[tilespmem:s29+$0x64B0] =	vst v6;
	v6 =	vld [tilespmem:s29+$0x6520]  }
0xa7: {  	[tilespmem:s29+$0x64C0] =	vst v7;
	v7 =	vld [tilespmem:s29+$0x6530];
	v2 =	vmul.f32 $8.000000000e+00, v2  }
0xa8: {  	[tilespmem:s29+$0x64D0] =	vst v8;
	v8 =	vld [tilespmem:s29+$0x6540]  }
0xa9: {  	v3 =	vmul.f32 $8.000000000e+00, v3;
	[tilespmem:s29+$0x64E0] =	vst v2;
	v2 =	vld [tilespmem:s29+$0x6550]  }
0xaa: {  	v4 =	vmul.f32 $8.000000000e+00, v4  }
0xab: {  	[tilespmem:s29+$0x64F0] =	vst v3;
	v3 =	vmul.f32 $8.000000000e+00, v5;
	v5 =	vld [tilespmem:s29+$0x6570]  }
0xac: {  	v9 =	vld [tilespmem:s29+$0x6560];
	[tilespmem:s29+$0x6500] =	vst v4;
	v4 =	vmul.f32 $8.000000000e+00, v6  }
0xad: {  	v6 =	vld [tilespmem:s29+$0x6580];
	[tilespmem:s29+$0x6510] =	vst v3;
	v3 =	vmul.f32 $8.000000000e+00, v7  }
0xae: {  	[tilespmem:s29+$0x6520] =	vst v4;
	v7 =	vld [tilespmem:s29+$0x6590];
	v4 =	vmul.f32 $8.000000000e+00, v8;
	v8 =	vmul.f32 $8.000000000e+00, v2  }
0xaf: {  	[tilespmem:s29+$0x6530] =	vst v3;
	v3 =	vld [tilespmem:s29+$0x65A0]  }
0xb0: {  	v2 =	vld [tilespmem:s29+$0x65B0];
	[tilespmem:s29+$0x6550] =	vst v8;
	v8 =	vmul.f32 $8.000000000e+00, v5  }
0xb1: {  	v9 =	vmul.f32 $8.000000000e+00, v9;
	[tilespmem:s29+$0x6540] =	vst v4;
	v4 =	vld [tilespmem:s29+$0x65C0]  }
0xb2: {  	v5 =	vld [tilespmem:s29+$0x65D0];
	[tilespmem:s29+$0x6570] =	vst v8;
	v8 =	vmul.f32 $8.000000000e+00, v6  }
0xb3: {  	s31 =	simm.s32 $0x800;
	[tilespmem:s29+$0x6560] =	vst v9;
	v7 =	vmul.f32 $8.000000000e+00, v7;
	v6 =	vld [tilespmem:s29+$0x65E0]  }
.LBB2_3:
0xb4: {  	s3 =	sshra.s32 s31, $0x2;
	p0 =	sne.s32 s31, $0xF800;
	[tilespmem:s29+$0x6580] =	vst v8;
	v3 =	vmul.f32 $8.000000000e+00, v3;
	v8 =	vld [tilespmem:s29+$0x65F0]  }
0xb5: {  	v9 =	vld [tilespmem:s3+$0x6400];
	[tilespmem:s29+$0x6590] =	vst v7;
	v2 =	vmul.f32 $8.000000000e+00, v2  }
0xb6: {  	v7 =	vld [tilespmem:s3+$0x6410];
	[tilespmem:s29+$0x65A0] =	vst v3;
	v3 =	vmul.f32 $8.000000000e+00, v4  }
0xb7: {  	v4 =	vld [tilespmem:s3+$0x6420];
	[tilespmem:s29+$0x65B0] =	vst v2;
	v2 =	vmul.f32 $8.000000000e+00, v5  }
0xb8: {  	v5 =	vld [tilespmem:s3+$0x6430];
	[tilespmem:s29+$0x65C0] =	vst v3;
	v3 =	vmul.f32 $8.000000000e+00, v6  }
0xb9: {  	v6 =	vld [tilespmem:s3+$0x6440];
	[tilespmem:s29+$0x65D0] =	vst v2;
	v2 =	vmul.f32 $8.000000000e+00, v8  }
0xba: {  	v8 =	vmul.f32 $8.000000000e+00, v9;
	v9 =	vld [tilespmem:s3+$0x6450];
	[tilespmem:s29+$0x65E0] =	vst v3  }
0xbb: {  	v3 =	vmul.f32 $8.000000000e+00, v7;
	v7 =	vld [tilespmem:s3+$0x6460];
	[tilespmem:s29+$0x65F0] =	vst v2;
	s29 =	smov.u32 s3  }
0xbc: {  	[tilespmem:s29+$0x6400] =	vst v8;
	v2 =	vmul.f32 $8.000000000e+00, v4;
	v4 =	vld [tilespmem:s29+$0x6470]  }
0xbd: {  	[tilespmem:s29+$0x6410] =	vst v3;
	v3 =	vmul.f32 $8.000000000e+00, v5;
	v5 =	vld [tilespmem:s29+$0x6480]  }
0xbe: {  	[tilespmem:s29+$0x6420] =	vst v2;
	v2 =	vmul.f32 $8.000000000e+00, v6;
	v6 =	vld [tilespmem:s29+$0x6490]  }
0xbf: {  	[tilespmem:s29+$0x6430] =	vst v3;
	v3 =	vmul.f32 $8.000000000e+00, v9;
	v8 =	vld [tilespmem:s29+$0x64A0]  }
0xc0: {  	[tilespmem:s29+$0x6440] =	vst v2;
	v2 =	vmul.f32 $8.000000000e+00, v7;
	v7 =	vld [tilespmem:s29+$0x64B0]  }
0xc1: {  	[tilespmem:s29+$0x6450] =	vst v3;
	v3 =	vmul.f32 $8.000000000e+00, v4;
	v4 =	vld [tilespmem:s29+$0x64C0]  }
0xc2: {  	[tilespmem:s29+$0x6460] =	vst v2;
	v2 =	vmul.f32 $8.000000000e+00, v5;
	v5 =	vld [tilespmem:s29+$0x64D0]  }
0xc3: {  	[tilespmem:s29+$0x6470] =	vst v3;
	v3 =	vmul.f32 $8.000000000e+00, v6;
	v6 =	vld [tilespmem:s29+$0x64E0]  }
0xc4: {  	[tilespmem:s29+$0x6480] =	vst v2;
	v2 =	vmul.f32 $8.000000000e+00, v8;
	v8 =	vld [tilespmem:s29+$0x64F0]  }
0xc5: {  	[tilespmem:s29+$0x6490] =	vst v3;
	v3 =	vmul.f32 $8.000000000e+00, v7;
	v7 =	vld [tilespmem:s29+$0x6500]  }
0xc6: {  	[tilespmem:s29+$0x64A0] =	vst v2;
	v2 =	vmul.f32 $8.000000000e+00, v4;
	v4 =	vld [tilespmem:s29+$0x6510]  }
0xc7: {  	[tilespmem:s29+$0x64B0] =	vst v3;
	v3 =	vmul.f32 $8.000000000e+00, v5;
	v5 =	vld [tilespmem:s29+$0x6520]  }
0xc8: {  	[tilespmem:s29+$0x64C0] =	vst v2;
	v2 =	vmul.f32 $8.000000000e+00, v6;
	v6 =	vld [tilespmem:s29+$0x6530]  }
0xc9: {  	[tilespmem:s29+$0x64D0] =	vst v3;
	v3 =	vmul.f32 $8.000000000e+00, v8;
	v8 =	vld [tilespmem:s29+$0x6540]  }
0xca: {  	[tilespmem:s29+$0x64E0] =	vst v2;
	v2 =	vmul.f32 $8.000000000e+00, v7;
	v7 =	vld [tilespmem:s29+$0x6550]  }
0xcb: {  	[tilespmem:s29+$0x64F0] =	vst v3;
	v3 =	vmul.f32 $8.000000000e+00, v4;
	v4 =	vld [tilespmem:s29+$0x6560]  }
0xcc: {  	[tilespmem:s29+$0x6500] =	vst v2;
	v2 =	vmul.f32 $8.000000000e+00, v5;
	v5 =	vld [tilespmem:s29+$0x6570]  }
0xcd: {  	[tilespmem:s29+$0x6510] =	vst v3;
	v3 =	vmul.f32 $8.000000000e+00, v6;
	v6 =	vld [tilespmem:s29+$0x6580]  }
0xce: {  	[tilespmem:s29+$0x6520] =	vst v2;
	v2 =	vmul.f32 $8.000000000e+00, v8;
	v9 =	vld [tilespmem:s29+$0x6590]  }
.Ltmp2:
0xcf: {  	[tilespmem:s29+$0x6530] =	vst v3;
	v7 =	vmul.f32 $8.000000000e+00, v7;
	v3 =	vld [tilespmem:s29+$0x65A0];
	(pc) =	sbr.rel @p0 .LBB2_3-.Ltmp2, $4  }
0xd0: {  	[tilespmem:s29+$0x6540] =	vst v2;
	v8 =	vmul.f32 $8.000000000e+00, v4;
	v2 =	vld [tilespmem:s29+$0x65B0]  }
0xd1: {  	[tilespmem:s29+$0x6550] =	vst v7;
	v7 =	vmul.f32 $8.000000000e+00, v5;
	v4 =	vld [tilespmem:s29+$0x65C0]  }
0xd2: {  	[tilespmem:s29+$0x6560] =	vst v8;
	v8 =	vmul.f32 $8.000000000e+00, v6;
	v5 =	vld [tilespmem:s29+$0x65D0]  }
0xd3: {  	s31 =	sadd.s32 $0x800, s31;
	[tilespmem:s29+$0x6570] =	vst v7;
	v7 =	vmul.f32 $8.000000000e+00, v9;
	v6 =	vld [tilespmem:s29+$0x65E0]  }
0xd4: {  	[tilespmem:s29+$0x6580] =	vst v8;
	v3 =	vmul.f32 $8.000000000e+00, v3;
	v8 =	vld [tilespmem:s29+$0x65F0]  }
0xd5: {  	[tilespmem:s29+$0x6590] =	vst v7;
	v2 =	vmul.f32 $8.000000000e+00, v2  }
0xd6: {  	[tilespmem:s29+$0x65A0] =	vst v3;
	v3 =	vmul.f32 $8.000000000e+00, v4  }
0xd7: {  	[tilespmem:s29+$0x65B0] =	vst v2;
	v2 =	vmul.f32 $8.000000000e+00, v5  }
0xd8: {  	[tilespmem:s29+$0x65C0] =	vst v3;
	v3 =	vmul.f32 $8.000000000e+00, v6  }
0xd9: {  	[tilespmem:s29+$0x65D0] =	vst v2;
	v2 =	vmul.f32 $8.000000000e+00, v8  }
0xda: {  	p0 =	seq.s32 s17, $0x18;
	[tilespmem:s29+$0x65E0] =	vst v3  }
0xdb: {  	s3 =	simm.s32 @!p0 $0x5;
	[tilespmem:s29+$0x65F0] =	vst v2  }
0xdc: {  	[hbm4b:s2+s20] =	stream.indirect.scatter [tilespmem:s18], [sflag:$0x5], $0x40, s16, s20, $0xb8;
	[tilespmem:$0x16800] =	vst v63  }
0xdd: {  	s29 =	sshll.u32 s17, $0x2;
	_ =	swait.ge @!p0 [sflag:s3], $0x4000  }
0xde: {  	s31 =	sadd.s32 @!p0 $0x4, s29;
	[sflag:s3] =	ssyncset.done @!p0 $0x0  }
0xdf: {  	[sflag:s3] =	ssyncadd.s32 @!p0 $0xFFFFC000;
	s3 =	sshll.u32 @!p0 s31, $0x8  }
0xe0: {  	s14 =	simm.s32 @!p0 $0x80;
	s0 =	simm.s32 @!p0 $0x6400;
	s3 =	sand.u32 @!p0 $0x3FFFFF00, s3  }
0xe1: {  	[tilespmem:s0], [sflag:$0x1] =	stream.indirect.gather @!p0 [hbm4b:s5+s14], $0x40, s3, s14, $0xb8;
	[tilespmem:$0x16800] =	vst v63  }
0xe2: {  	v2 =	vlaneseq.u32 @!p0;
	s0 =	sshll.u32 @!p0 s31, $0x1;
	s3 =	sor.u32 @!p0 $0x80, s3;
	s31 =	simm.s32 @!p0 $0x8400  }
0xe3: {  	v2 =	vmul.u32 @!p0 $0xC8, v2;
	[tilespmem:s31], [sflag:$0x1] =	stream.indirect.gather @!p0 [hbm4b:s5+s14], $0x40, s3, s14, $0xb8;
	[tilespmem:$0x16800] =	vst v63  }
0xe4: {  	s3 =	sor.u32 @!p0 s4, s0  }
0xe5: {  	v3 =	vadd.s32 @!p0 s3, v2;
	s3 =	sor.u32 @!p0 $0x1, s3  }
0xe6: {  	[tilespmem:$0x16400] =	vst @!p0 v3;
	v3 =	vadd.s32 @!p0 s3, v2;
	s3 =	sadd.s32 @!p0 s7, s0  }
0xe7: {  	[tilespmem:$0x16480] =	vst @!p0 v3;
	v3 =	vadd.s32 @!p0 s3, v2;
	s3 =	sor.u32 @!p0 $0x1, s3  }
0xe8: {  	[tilespmem:$0x16410] =	vst @!p0 v3;
	v3 =	vadd.s32 @!p0 s3, v2;
	s3 =	sadd.s32 @!p0 s8, s0  }
0xe9: {  	[tilespmem:$0x16490] =	vst @!p0 v3;
	v3 =	vadd.s32 @!p0 s3, v2;
	s3 =	sor.u32 @!p0 $0x1, s3  }
0xea: {  	[tilespmem:$0x16420] =	vst @!p0 v3;
	v3 =	vadd.s32 @!p0 s3, v2;
	s3 =	sadd.s32 @!p0 s9, s0  }
0xeb: {  	[tilespmem:$0x164A0] =	vst @!p0 v3;
	v3 =	vadd.s32 @!p0 s3, v2;
	s3 =	sor.u32 @!p0 $0x1, s3  }
0xec: {  	[tilespmem:$0x16430] =	vst @!p0 v3;
	v3 =	vadd.s32 @!p0 s3, v2;
	s3 =	sor.u32 @!p0 s10, s0  }
0xed: {  	[tilespmem:$0x164B0] =	vst @!p0 v3;
	v3 =	vadd.s32 @!p0 s3, v2;
	s3 =	sor.u32 @!p0 $0x1, s3  }
0xee: {  	[tilespmem:$0x16440] =	vst @!p0 v3;
	v3 =	vadd.s32 @!p0 s3, v2;
	s3 =	sadd.s32 @!p0 s11, s0  }
0xef: {  	[tilespmem:$0x164C0] =	vst @!p0 v3;
	v3 =	vadd.s32 @!p0 s3, v2;
	s3 =	sor.u32 @!p0 $0x1, s3  }
0xf0: {  	[tilespmem:$0x16450] =	vst @!p0 v3;
	v3 =	vadd.s32 @!p0 s3, v2;
	s3 =	sadd.s32 @!p0 s12, s0  }
0xf1: {  	[tilespmem:$0x164D0] =	vst @!p0 v3;
	v3 =	vadd.s32 @!p0 s3, v2;
	s3 =	sor.u32 @!p0 $0x1, s3  }
0xf2: {  	s0 =	sadd.s32 @!p0 s13, s0;
	[tilespmem:$0x16460] =	vst @!p0 v3;
	v3 =	vadd.s32 @!p0 s3, v2  }
0xf3: {  	[tilespmem:$0x164E0] =	vst @!p0 v3;
	v3 =	vadd.s32 @!p0 s0, v2;
	s0 =	sor.u32 @!p0 $0x1, s0  }
0xf4: {  	[tilespmem:$0x16470] =	vst @!p0 v3;
	v2 =	vadd.s32 @!p0 s0, v2  }
0xf5: {  	[tilespmem:$0x164F0] =	vst @!p0 v2  }
0xf6: {  	_ =	swait.ge [sflag:s19], $0x2000  }
0xf7: {  	[sflag:s19] =	ssyncset.done $0x0  }
0xf8: {  	[sflag:s19] =	ssyncadd.s32 $0xFFFFE000  }
0xf9: {  	_ =	swait.ge [sflag:s19], $0x2000  }
0xfa: {  	[sflag:s19] =	ssyncset.done $0x0  }
0xfb: {  	s31 =	simm.s32 $0x0;
	[sflag:s19] =	ssyncadd.s32 $0xFFFFE000  }
0xfc: {  	v2 =	vld [tilespmem:s31+$0xA400]  }
0xfd: {  	v3 =	vld [tilespmem:s31+$0xA410]  }
0xfe: {  	v4 =	vld [tilespmem:s31+$0xA420]  }
0xff: {  	v5 =	vld [tilespmem:s31+$0xA430]  }
0x100: {  	v6 =	vld [tilespmem:s31+$0xA440]  }
0x101: {  	v7 =	vld [tilespmem:s31+$0xA450];
	v2 =	vmul.f32 $8.000000000e+00, v2  }
0x102: {  	v8 =	vld [tilespmem:s31+$0xA460];
	v3 =	vmul.f32 $8.000000000e+00, v3  }
0x103: {  	v4 =	vmul.f32 $8.000000000e+00, v4;
	[tilespmem:s31+$0xA400] =	vst v2;
	v2 =	vld [tilespmem:s31+$0xA470]  }
0x104: {  	v5 =	vmul.f32 $8.000000000e+00, v5;
	[tilespmem:s31+$0xA410] =	vst v3;
	v3 =	vld [tilespmem:s31+$0xA480]  }
0x105: {  	v6 =	vmul.f32 $8.000000000e+00, v6;
	[tilespmem:s31+$0xA420] =	vst v4;
	v4 =	vld [tilespmem:s31+$0xA490]  }
0x106: {  	v7 =	vmul.f32 $8.000000000e+00, v7;
	[tilespmem:s31+$0xA430] =	vst v5;
	v5 =	vld [tilespmem:s31+$0xA4A0]  }
0x107: {  	v8 =	vmul.f32 $8.000000000e+00, v8;
	[tilespmem:s31+$0xA440] =	vst v6;
	v6 =	vld [tilespmem:s31+$0xA4B0]  }
0x108: {  	[tilespmem:s31+$0xA450] =	vst v7;
	v7 =	vld [tilespmem:s31+$0xA4C0];
	v2 =	vmul.f32 $8.000000000e+00, v2  }
0x109: {  	[tilespmem:s31+$0xA460] =	vst v8;
	v8 =	vld [tilespmem:s31+$0xA4D0];
	v3 =	vmul.f32 $8.000000000e+00, v3  }
0x10a: {  	v4 =	vmul.f32 $8.000000000e+00, v4;
	[tilespmem:s31+$0xA470] =	vst v2;
	v2 =	vld [tilespmem:s31+$0xA4E0]  }
0x10b: {  	v5 =	vmul.f32 $8.000000000e+00, v5;
	[tilespmem:s31+$0xA480] =	vst v3;
	v3 =	vld [tilespmem:s31+$0xA4F0]  }
0x10c: {  	v6 =	vmul.f32 $8.000000000e+00, v6;
	[tilespmem:s31+$0xA490] =	vst v4;
	v4 =	vld [tilespmem:s31+$0xA500]  }
0x10d: {  	v7 =	vmul.f32 $8.000000000e+00, v7;
	[tilespmem:s31+$0xA4A0] =	vst v5;
	v5 =	vld [tilespmem:s31+$0xA510]  }
0x10e: {  	v8 =	vmul.f32 $8.000000000e+00, v8;
	[tilespmem:s31+$0xA4B0] =	vst v6;
	v6 =	vld [tilespmem:s31+$0xA520]  }
0x10f: {  	[tilespmem:s31+$0xA4C0] =	vst v7;
	v7 =	vld [tilespmem:s31+$0xA530];
	v2 =	vmul.f32 $8.000000000e+00, v2  }
0x110: {  	[tilespmem:s31+$0xA4D0] =	vst v8;
	v8 =	vld [tilespmem:s31+$0xA540]  }
0x111: {  	v3 =	vmul.f32 $8.000000000e+00, v3;
	[tilespmem:s31+$0xA4E0] =	vst v2;
	v2 =	vld [tilespmem:s31+$0xA550]  }
0x112: {  	v4 =	vmul.f32 $8.000000000e+00, v4  }
0x113: {  	[tilespmem:s31+$0xA4F0] =	vst v3;
	v3 =	vmul.f32 $8.000000000e+00, v5;
	v5 =	vld [tilespmem:s31+$0xA570]  }
0x114: {  	v9 =	vld [tilespmem:s31+$0xA560];
	[tilespmem:s31+$0xA500] =	vst v4;
	v4 =	vmul.f32 $8.000000000e+00, v6  }
0x115: {  	v6 =	vld [tilespmem:s31+$0xA580];
	[tilespmem:s31+$0xA510] =	vst v3;
	v3 =	vmul.f32 $8.000000000e+00, v7  }
0x116: {  	[tilespmem:s31+$0xA520] =	vst v4;
	v7 =	vld [tilespmem:s31+$0xA590];
	v4 =	vmul.f32 $8.000000000e+00, v8;
	v8 =	vmul.f32 $8.000000000e+00, v2  }
0x117: {  	[tilespmem:s31+$0xA530] =	vst v3;
	v3 =	vld [tilespmem:s31+$0xA5A0]  }
0x118: {  	v2 =	vld [tilespmem:s31+$0xA5B0];
	[tilespmem:s31+$0xA550] =	vst v8;
	v8 =	vmul.f32 $8.000000000e+00, v5  }
0x119: {  	v9 =	vmul.f32 $8.000000000e+00, v9;
	[tilespmem:s31+$0xA540] =	vst v4;
	v4 =	vld [tilespmem:s31+$0xA5C0]  }
0x11a: {  	v5 =	vld [tilespmem:s31+$0xA5D0];
	[tilespmem:s31+$0xA570] =	vst v8;
	v8 =	vmul.f32 $8.000000000e+00, v6  }
0x11b: {  	s3 =	simm.s32 $0x800;
	[tilespmem:s31+$0xA560] =	vst v9;
	v7 =	vmul.f32 $8.000000000e+00, v7;
	v6 =	vld [tilespmem:s31+$0xA5E0]  }
.LBB2_5:
0x11c: {  	s0 =	sshra.s32 s3, $0x2;
	p1 =	sne.s32 s3, $0xF800;
	[tilespmem:s31+$0xA580] =	vst v8;
	v3 =	vmul.f32 $8.000000000e+00, v3;
	v8 =	vld [tilespmem:s31+$0xA5F0]  }
0x11d: {  	v9 =	vld [tilespmem:s0+$0xA400];
	[tilespmem:s31+$0xA590] =	vst v7;
	v2 =	vmul.f32 $8.000000000e+00, v2  }
0x11e: {  	v7 =	vld [tilespmem:s0+$0xA410];
	[tilespmem:s31+$0xA5A0] =	vst v3;
	v3 =	vmul.f32 $8.000000000e+00, v4  }
0x11f: {  	v4 =	vld [tilespmem:s0+$0xA420];
	[tilespmem:s31+$0xA5B0] =	vst v2;
	v2 =	vmul.f32 $8.000000000e+00, v5  }
0x120: {  	v5 =	vld [tilespmem:s0+$0xA430];
	[tilespmem:s31+$0xA5C0] =	vst v3;
	v3 =	vmul.f32 $8.000000000e+00, v6  }
0x121: {  	v6 =	vld [tilespmem:s0+$0xA440];
	[tilespmem:s31+$0xA5D0] =	vst v2;
	v2 =	vmul.f32 $8.000000000e+00, v8  }
0x122: {  	v8 =	vmul.f32 $8.000000000e+00, v9;
	v9 =	vld [tilespmem:s0+$0xA450];
	[tilespmem:s31+$0xA5E0] =	vst v3  }
0x123: {  	v3 =	vmul.f32 $8.000000000e+00, v7;
	v7 =	vld [tilespmem:s0+$0xA460];
	[tilespmem:s31+$0xA5F0] =	vst v2;
	s31 =	smov.u32 s0  }
0x124: {  	[tilespmem:s31+$0xA400] =	vst v8;
	v2 =	vmul.f32 $8.000000000e+00, v4;
	v4 =	vld [tilespmem:s31+$0xA470]  }
0x125: {  	[tilespmem:s31+$0xA410] =	vst v3;
	v3 =	vmul.f32 $8.000000000e+00, v5;
	v5 =	vld [tilespmem:s31+$0xA480]  }
0x126: {  	[tilespmem:s31+$0xA420] =	vst v2;
	v2 =	vmul.f32 $8.000000000e+00, v6;
	v6 =	vld [tilespmem:s31+$0xA490]  }
0x127: {  	[tilespmem:s31+$0xA430] =	vst v3;
	v3 =	vmul.f32 $8.000000000e+00, v9;
	v8 =	vld [tilespmem:s31+$0xA4A0]  }
0x128: {  	[tilespmem:s31+$0xA440] =	vst v2;
	v2 =	vmul.f32 $8.000000000e+00, v7;
	v7 =	vld [tilespmem:s31+$0xA4B0]  }
0x129: {  	[tilespmem:s31+$0xA450] =	vst v3;
	v3 =	vmul.f32 $8.000000000e+00, v4;
	v4 =	vld [tilespmem:s31+$0xA4C0]  }
0x12a: {  	[tilespmem:s31+$0xA460] =	vst v2;
	v2 =	vmul.f32 $8.000000000e+00, v5;
	v5 =	vld [tilespmem:s31+$0xA4D0]  }
0x12b: {  	[tilespmem:s31+$0xA470] =	vst v3;
	v3 =	vmul.f32 $8.000000000e+00, v6;
	v6 =	vld [tilespmem:s31+$0xA4E0]  }
0x12c: {  	[tilespmem:s31+$0xA480] =	vst v2;
	v2 =	vmul.f32 $8.000000000e+00, v8;
	v8 =	vld [tilespmem:s31+$0xA4F0]  }
0x12d: {  	[tilespmem:s31+$0xA490] =	vst v3;
	v3 =	vmul.f32 $8.000000000e+00, v7;
	v7 =	vld [tilespmem:s31+$0xA500]  }
0x12e: {  	[tilespmem:s31+$0xA4A0] =	vst v2;
	v2 =	vmul.f32 $8.000000000e+00, v4;
	v4 =	vld [tilespmem:s31+$0xA510]  }
0x12f: {  	[tilespmem:s31+$0xA4B0] =	vst v3;
	v3 =	vmul.f32 $8.000000000e+00, v5;
	v5 =	vld [tilespmem:s31+$0xA520]  }
0x130: {  	[tilespmem:s31+$0xA4C0] =	vst v2;
	v2 =	vmul.f32 $8.000000000e+00, v6;
	v6 =	vld [tilespmem:s31+$0xA530]  }
0x131: {  	[tilespmem:s31+$0xA4D0] =	vst v3;
	v3 =	vmul.f32 $8.000000000e+00, v8;
	v8 =	vld [tilespmem:s31+$0xA540]  }
0x132: {  	[tilespmem:s31+$0xA4E0] =	vst v2;
	v2 =	vmul.f32 $8.000000000e+00, v7;
	v7 =	vld [tilespmem:s31+$0xA550]  }
0x133: {  	[tilespmem:s31+$0xA4F0] =	vst v3;
	v3 =	vmul.f32 $8.000000000e+00, v4;
	v4 =	vld [tilespmem:s31+$0xA560]  }
0x134: {  	[tilespmem:s31+$0xA500] =	vst v2;
	v2 =	vmul.f32 $8.000000000e+00, v5;
	v5 =	vld [tilespmem:s31+$0xA570]  }
0x135: {  	[tilespmem:s31+$0xA510] =	vst v3;
	v3 =	vmul.f32 $8.000000000e+00, v6;
	v6 =	vld [tilespmem:s31+$0xA580]  }
0x136: {  	[tilespmem:s31+$0xA520] =	vst v2;
	v2 =	vmul.f32 $8.000000000e+00, v8;
	v9 =	vld [tilespmem:s31+$0xA590]  }
.Ltmp3:
0x137: {  	[tilespmem:s31+$0xA530] =	vst v3;
	v7 =	vmul.f32 $8.000000000e+00, v7;
	v3 =	vld [tilespmem:s31+$0xA5A0];
	(pc) =	sbr.rel @p1 .LBB2_5-.Ltmp3, $4  }
0x138: {  	[tilespmem:s31+$0xA540] =	vst v2;
	v8 =	vmul.f32 $8.000000000e+00, v4;
	v2 =	vld [tilespmem:s31+$0xA5B0]  }
0x139: {  	[tilespmem:s31+$0xA550] =	vst v7;
	v7 =	vmul.f32 $8.000000000e+00, v5;
	v4 =	vld [tilespmem:s31+$0xA5C0]  }
0x13a: {  	[tilespmem:s31+$0xA560] =	vst v8;
	v8 =	vmul.f32 $8.000000000e+00, v6;
	v5 =	vld [tilespmem:s31+$0xA5D0]  }
0x13b: {  	s3 =	sadd.s32 $0x800, s3;
	[tilespmem:s31+$0xA570] =	vst v7;
	v7 =	vmul.f32 $8.000000000e+00, v9;
	v6 =	vld [tilespmem:s31+$0xA5E0]  }
0x13c: {  	[tilespmem:s31+$0xA580] =	vst v8;
	v3 =	vmul.f32 $8.000000000e+00, v3;
	v8 =	vld [tilespmem:s31+$0xA5F0]  }
0x13d: {  	[tilespmem:s31+$0xA590] =	vst v7;
	v2 =	vmul.f32 $8.000000000e+00, v2  }
0x13e: {  	[tilespmem:s31+$0xA5A0] =	vst v3;
	v3 =	vmul.f32 $8.000000000e+00, v4  }
0x13f: {  	[tilespmem:s31+$0xA5B0] =	vst v2;
	v2 =	vmul.f32 $8.000000000e+00, v5  }
0x140: {  	[tilespmem:s31+$0xA5C0] =	vst v3;
	v3 =	vmul.f32 $8.000000000e+00, v6  }
0x141: {  	[tilespmem:s31+$0xA5D0] =	vst v2;
	v2 =	vmul.f32 $8.000000000e+00, v8  }
0x142: {  	[tilespmem:s31+$0xA5E0] =	vst v3  }
0x143: {  	s0 =	simm.s32 @!p0 $0x6;
	[tilespmem:s31+$0xA5F0] =	vst v2  }
0x144: {  	[hbm4b:s2+s20] =	stream.indirect.scatter [tilespmem:s21], [sflag:$0x6], $0x40, s22, s20, $0xb8;
	[tilespmem:$0x16800] =	vst v63  }
0x145: {  	_ =	swait.ge @!p0 [sflag:s0], $0x4000  }
0x146: {  	s3 =	sadd.s32 @!p0 $0x5, s29;
	[sflag:s0] =	ssyncset.done @!p0 $0x0  }
0x147: {  	[sflag:s0] =	ssyncadd.s32 @!p0 $0xFFFFC000;
	s0 =	sshll.u32 @!p0 s3, $0x8  }
0x148: {  	s14 =	simm.s32 @!p0 $0x80;
	s31 =	simm.s32 @!p0 $0xA400;
	s0 =	sand.u32 @!p0 $0x3FFFFF00, s0  }
0x149: {  	[tilespmem:s31], [sflag:$0x2] =	stream.indirect.gather @!p0 [hbm4b:s5+s14], $0x40, s0, s14, $0xb8;
	[tilespmem:$0x16800] =	vst v63  }
0x14a: {  	v2 =	vlaneseq.u32 @!p0;
	s3 =	sshll.u32 @!p0 s3, $0x1;
	s0 =	sor.u32 @!p0 $0x80, s0;
	s31 =	simm.s32 @!p0 $0xC400  }
0x14b: {  	v2 =	vmul.u32 @!p0 $0xC8, v2;
	[tilespmem:s31], [sflag:$0x2] =	stream.indirect.gather @!p0 [hbm4b:s5+s14], $0x40, s0, s14, $0xb8;
	[tilespmem:$0x16800] =	vst v63  }
0x14c: {  	s0 =	sor.u32 @!p0 s4, s3  }
0x14d: {  	v3 =	vadd.s32 @!p0 s0, v2;
	s0 =	sor.u32 @!p0 $0x1, s0  }
0x14e: {  	[tilespmem:$0x16500] =	vst @!p0 v3;
	v3 =	vadd.s32 @!p0 s0, v2;
	s0 =	sadd.s32 @!p0 s7, s3  }
0x14f: {  	[tilespmem:$0x16580] =	vst @!p0 v3;
	v3 =	vadd.s32 @!p0 s0, v2;
	s0 =	sor.u32 @!p0 $0x1, s0  }
0x150: {  	[tilespmem:$0x16510] =	vst @!p0 v3;
	v3 =	vadd.s32 @!p0 s0, v2;
	s0 =	sadd.s32 @!p0 s8, s3  }
0x151: {  	[tilespmem:$0x16590] =	vst @!p0 v3;
	v3 =	vadd.s32 @!p0 s0, v2;
	s0 =	sor.u32 @!p0 $0x1, s0  }
0x152: {  	[tilespmem:$0x16520] =	vst @!p0 v3;
	v3 =	vadd.s32 @!p0 s0, v2;
	s0 =	sadd.s32 @!p0 s9, s3  }
0x153: {  	[tilespmem:$0x165A0] =	vst @!p0 v3;
	v3 =	vadd.s32 @!p0 s0, v2;
	s0 =	sor.u32 @!p0 $0x1, s0  }
0x154: {  	[tilespmem:$0x16530] =	vst @!p0 v3;
	v3 =	vadd.s32 @!p0 s0, v2;
	s0 =	sor.u32 @!p0 s10, s3  }
0x155: {  	[tilespmem:$0x165B0] =	vst @!p0 v3;
	v3 =	vadd.s32 @!p0 s0, v2;
	s0 =	sor.u32 @!p0 $0x1, s0  }
0x156: {  	[tilespmem:$0x16540] =	vst @!p0 v3;
	v3 =	vadd.s32 @!p0 s0, v2;
	s0 =	sadd.s32 @!p0 s11, s3  }
0x157: {  	[tilespmem:$0x165C0] =	vst @!p0 v3;
	v3 =	vadd.s32 @!p0 s0, v2;
	s0 =	sor.u32 @!p0 $0x1, s0  }
0x158: {  	[tilespmem:$0x16550] =	vst @!p0 v3;
	v3 =	vadd.s32 @!p0 s0, v2;
	s0 =	sadd.s32 @!p0 s12, s3  }
0x159: {  	[tilespmem:$0x165D0] =	vst @!p0 v3;
	v3 =	vadd.s32 @!p0 s0, v2;
	s0 =	sor.u32 @!p0 $0x1, s0  }
0x15a: {  	[tilespmem:$0x16560] =	vst @!p0 v3;
	v3 =	vadd.s32 @!p0 s0, v2;
	s0 =	sadd.s32 @!p0 s13, s3  }
0x15b: {  	[tilespmem:$0x165E0] =	vst @!p0 v3;
	v3 =	vadd.s32 @!p0 s0, v2;
	s0 =	sor.u32 @!p0 $0x1, s0  }
0x15c: {  	[tilespmem:$0x16570] =	vst @!p0 v3;
	v2 =	vadd.s32 @!p0 s0, v2  }
0x15d: {  	[tilespmem:$0x165F0] =	vst @!p0 v2  }
0x15e: {  	_ =	swait.ge [sflag:s23], $0x2000  }
0x15f: {  	[sflag:s23] =	ssyncset.done $0x0  }
0x160: {  	[sflag:s23] =	ssyncadd.s32 $0xFFFFE000  }
0x161: {  	_ =	swait.ge [sflag:s23], $0x2000  }
0x162: {  	[sflag:s23] =	ssyncset.done $0x0  }
0x163: {  	s31 =	simm.s32 $0x0;
	[sflag:s23] =	ssyncadd.s32 $0xFFFFE000  }
0x164: {  	v2 =	vld [tilespmem:s31+$0xE400]  }
0x165: {  	v3 =	vld [tilespmem:s31+$0xE410]  }
0x166: {  	v4 =	vld [tilespmem:s31+$0xE420]  }
0x167: {  	v5 =	vld [tilespmem:s31+$0xE430]  }
0x168: {  	v6 =	vld [tilespmem:s31+$0xE440]  }
0x169: {  	v7 =	vld [tilespmem:s31+$0xE450];
	v2 =	vmul.f32 $8.000000000e+00, v2  }
0x16a: {  	v8 =	vld [tilespmem:s31+$0xE460];
	v3 =	vmul.f32 $8.000000000e+00, v3  }
0x16b: {  	v4 =	vmul.f32 $8.000000000e+00, v4;
	[tilespmem:s31+$0xE400] =	vst v2;
	v2 =	vld [tilespmem:s31+$0xE470]  }
0x16c: {  	v5 =	vmul.f32 $8.000000000e+00, v5;
	[tilespmem:s31+$0xE410] =	vst v3;
	v3 =	vld [tilespmem:s31+$0xE480]  }
0x16d: {  	v6 =	vmul.f32 $8.000000000e+00, v6;
	[tilespmem:s31+$0xE420] =	vst v4;
	v4 =	vld [tilespmem:s31+$0xE490]  }
0x16e: {  	v7 =	vmul.f32 $8.000000000e+00, v7;
	[tilespmem:s31+$0xE430] =	vst v5;
	v5 =	vld [tilespmem:s31+$0xE4A0]  }
0x16f: {  	v8 =	vmul.f32 $8.000000000e+00, v8;
	[tilespmem:s31+$0xE440] =	vst v6;
	v6 =	vld [tilespmem:s31+$0xE4B0]  }
0x170: {  	[tilespmem:s31+$0xE450] =	vst v7;
	v7 =	vld [tilespmem:s31+$0xE4C0];
	v2 =	vmul.f32 $8.000000000e+00, v2  }
0x171: {  	[tilespmem:s31+$0xE460] =	vst v8;
	v8 =	vld [tilespmem:s31+$0xE4D0];
	v3 =	vmul.f32 $8.000000000e+00, v3  }
0x172: {  	v4 =	vmul.f32 $8.000000000e+00, v4;
	[tilespmem:s31+$0xE470] =	vst v2;
	v2 =	vld [tilespmem:s31+$0xE4E0]  }
0x173: {  	v5 =	vmul.f32 $8.000000000e+00, v5;
	[tilespmem:s31+$0xE480] =	vst v3;
	v3 =	vld [tilespmem:s31+$0xE4F0]  }
0x174: {  	v6 =	vmul.f32 $8.000000000e+00, v6;
	[tilespmem:s31+$0xE490] =	vst v4;
	v4 =	vld [tilespmem:s31+$0xE500]  }
0x175: {  	v7 =	vmul.f32 $8.000000000e+00, v7;
	[tilespmem:s31+$0xE4A0] =	vst v5;
	v5 =	vld [tilespmem:s31+$0xE510]  }
0x176: {  	v8 =	vmul.f32 $8.000000000e+00, v8;
	[tilespmem:s31+$0xE4B0] =	vst v6;
	v6 =	vld [tilespmem:s31+$0xE520]  }
0x177: {  	[tilespmem:s31+$0xE4C0] =	vst v7;
	v7 =	vld [tilespmem:s31+$0xE530];
	v2 =	vmul.f32 $8.000000000e+00, v2  }
0x178: {  	[tilespmem:s31+$0xE4D0] =	vst v8;
	v8 =	vld [tilespmem:s31+$0xE540]  }
0x179: {  	v3 =	vmul.f32 $8.000000000e+00, v3;
	[tilespmem:s31+$0xE4E0] =	vst v2;
	v2 =	vld [tilespmem:s31+$0xE550]  }
0x17a: {  	v4 =	vmul.f32 $8.000000000e+00, v4  }
0x17b: {  	[tilespmem:s31+$0xE4F0] =	vst v3;
	v3 =	vmul.f32 $8.000000000e+00, v5;
	v5 =	vld [tilespmem:s31+$0xE570]  }
0x17c: {  	v9 =	vld [tilespmem:s31+$0xE560];
	[tilespmem:s31+$0xE500] =	vst v4;
	v4 =	vmul.f32 $8.000000000e+00, v6  }
0x17d: {  	v6 =	vld [tilespmem:s31+$0xE580];
	[tilespmem:s31+$0xE510] =	vst v3;
	v3 =	vmul.f32 $8.000000000e+00, v7  }
0x17e: {  	[tilespmem:s31+$0xE520] =	vst v4;
	v7 =	vld [tilespmem:s31+$0xE590];
	v4 =	vmul.f32 $8.000000000e+00, v8;
	v8 =	vmul.f32 $8.000000000e+00, v2  }
0x17f: {  	[tilespmem:s31+$0xE530] =	vst v3;
	v3 =	vld [tilespmem:s31+$0xE5A0]  }
0x180: {  	v2 =	vld [tilespmem:s31+$0xE5B0];
	[tilespmem:s31+$0xE550] =	vst v8;
	v8 =	vmul.f32 $8.000000000e+00, v5  }
0x181: {  	v9 =	vmul.f32 $8.000000000e+00, v9;
	[tilespmem:s31+$0xE540] =	vst v4;
	v4 =	vld [tilespmem:s31+$0xE5C0]  }
0x182: {  	v5 =	vld [tilespmem:s31+$0xE5D0];
	[tilespmem:s31+$0xE570] =	vst v8;
	v8 =	vmul.f32 $8.000000000e+00, v6  }
0x183: {  	s3 =	simm.s32 $0x800;
	[tilespmem:s31+$0xE560] =	vst v9;
	v7 =	vmul.f32 $8.000000000e+00, v7;
	v6 =	vld [tilespmem:s31+$0xE5E0]  }
.LBB2_7:
0x184: {  	s0 =	sshra.s32 s3, $0x2;
	p1 =	sne.s32 s3, $0xF800;
	[tilespmem:s31+$0xE580] =	vst v8;
	v3 =	vmul.f32 $8.000000000e+00, v3;
	v8 =	vld [tilespmem:s31+$0xE5F0]  }
0x185: {  	v9 =	vld [tilespmem:s0+$0xE400];
	[tilespmem:s31+$0xE590] =	vst v7;
	v2 =	vmul.f32 $8.000000000e+00, v2  }
0x186: {  	v7 =	vld [tilespmem:s0+$0xE410];
	[tilespmem:s31+$0xE5A0] =	vst v3;
	v3 =	vmul.f32 $8.000000000e+00, v4  }
0x187: {  	v4 =	vld [tilespmem:s0+$0xE420];
	[tilespmem:s31+$0xE5B0] =	vst v2;
	v2 =	vmul.f32 $8.000000000e+00, v5  }
0x188: {  	v5 =	vld [tilespmem:s0+$0xE430];
	[tilespmem:s31+$0xE5C0] =	vst v3;
	v3 =	vmul.f32 $8.000000000e+00, v6  }
0x189: {  	v6 =	vld [tilespmem:s0+$0xE440];
	[tilespmem:s31+$0xE5D0] =	vst v2;
	v2 =	vmul.f32 $8.000000000e+00, v8  }
0x18a: {  	v8 =	vmul.f32 $8.000000000e+00, v9;
	v9 =	vld [tilespmem:s0+$0xE450];
	[tilespmem:s31+$0xE5E0] =	vst v3  }
0x18b: {  	v3 =	vmul.f32 $8.000000000e+00, v7;
	v7 =	vld [tilespmem:s0+$0xE460];
	[tilespmem:s31+$0xE5F0] =	vst v2;
	s31 =	smov.u32 s0  }
0x18c: {  	[tilespmem:s31+$0xE400] =	vst v8;
	v2 =	vmul.f32 $8.000000000e+00, v4;
	v4 =	vld [tilespmem:s31+$0xE470]  }
0x18d: {  	[tilespmem:s31+$0xE410] =	vst v3;
	v3 =	vmul.f32 $8.000000000e+00, v5;
	v5 =	vld [tilespmem:s31+$0xE480]  }
0x18e: {  	[tilespmem:s31+$0xE420] =	vst v2;
	v2 =	vmul.f32 $8.000000000e+00, v6;
	v6 =	vld [tilespmem:s31+$0xE490]  }
0x18f: {  	[tilespmem:s31+$0xE430] =	vst v3;
	v3 =	vmul.f32 $8.000000000e+00, v9;
	v8 =	vld [tilespmem:s31+$0xE4A0]  }
0x190: {  	[tilespmem:s31+$0xE440] =	vst v2;
	v2 =	vmul.f32 $8.000000000e+00, v7;
	v7 =	vld [tilespmem:s31+$0xE4B0]  }
0x191: {  	[tilespmem:s31+$0xE450] =	vst v3;
	v3 =	vmul.f32 $8.000000000e+00, v4;
	v4 =	vld [tilespmem:s31+$0xE4C0]  }
0x192: {  	[tilespmem:s31+$0xE460] =	vst v2;
	v2 =	vmul.f32 $8.000000000e+00, v5;
	v5 =	vld [tilespmem:s31+$0xE4D0]  }
0x193: {  	[tilespmem:s31+$0xE470] =	vst v3;
	v3 =	vmul.f32 $8.000000000e+00, v6;
	v6 =	vld [tilespmem:s31+$0xE4E0]  }
0x194: {  	[tilespmem:s31+$0xE480] =	vst v2;
	v2 =	vmul.f32 $8.000000000e+00, v8;
	v8 =	vld [tilespmem:s31+$0xE4F0]  }
0x195: {  	[tilespmem:s31+$0xE490] =	vst v3;
	v3 =	vmul.f32 $8.000000000e+00, v7;
	v7 =	vld [tilespmem:s31+$0xE500]  }
0x196: {  	[tilespmem:s31+$0xE4A0] =	vst v2;
	v2 =	vmul.f32 $8.000000000e+00, v4;
	v4 =	vld [tilespmem:s31+$0xE510]  }
0x197: {  	[tilespmem:s31+$0xE4B0] =	vst v3;
	v3 =	vmul.f32 $8.000000000e+00, v5;
	v5 =	vld [tilespmem:s31+$0xE520]  }
0x198: {  	[tilespmem:s31+$0xE4C0] =	vst v2;
	v2 =	vmul.f32 $8.000000000e+00, v6;
	v6 =	vld [tilespmem:s31+$0xE530]  }
0x199: {  	[tilespmem:s31+$0xE4D0] =	vst v3;
	v3 =	vmul.f32 $8.000000000e+00, v8;
	v8 =	vld [tilespmem:s31+$0xE540]  }
0x19a: {  	[tilespmem:s31+$0xE4E0] =	vst v2;
	v2 =	vmul.f32 $8.000000000e+00, v7;
	v7 =	vld [tilespmem:s31+$0xE550]  }
0x19b: {  	[tilespmem:s31+$0xE4F0] =	vst v3;
	v3 =	vmul.f32 $8.000000000e+00, v4;
	v4 =	vld [tilespmem:s31+$0xE560]  }
0x19c: {  	[tilespmem:s31+$0xE500] =	vst v2;
	v2 =	vmul.f32 $8.000000000e+00, v5;
	v5 =	vld [tilespmem:s31+$0xE570]  }
0x19d: {  	[tilespmem:s31+$0xE510] =	vst v3;
	v3 =	vmul.f32 $8.000000000e+00, v6;
	v6 =	vld [tilespmem:s31+$0xE580]  }
0x19e: {  	[tilespmem:s31+$0xE520] =	vst v2;
	v2 =	vmul.f32 $8.000000000e+00, v8;
	v9 =	vld [tilespmem:s31+$0xE590]  }
.Ltmp4:
0x19f: {  	[tilespmem:s31+$0xE530] =	vst v3;
	v7 =	vmul.f32 $8.000000000e+00, v7;
	v3 =	vld [tilespmem:s31+$0xE5A0];
	(pc) =	sbr.rel @p1 .LBB2_7-.Ltmp4, $4  }
0x1a0: {  	[tilespmem:s31+$0xE540] =	vst v2;
	v8 =	vmul.f32 $8.000000000e+00, v4;
	v2 =	vld [tilespmem:s31+$0xE5B0]  }
0x1a1: {  	[tilespmem:s31+$0xE550] =	vst v7;
	v7 =	vmul.f32 $8.000000000e+00, v5;
	v4 =	vld [tilespmem:s31+$0xE5C0]  }
0x1a2: {  	[tilespmem:s31+$0xE560] =	vst v8;
	v8 =	vmul.f32 $8.000000000e+00, v6;
	v5 =	vld [tilespmem:s31+$0xE5D0]  }
0x1a3: {  	s3 =	sadd.s32 $0x800, s3;
	[tilespmem:s31+$0xE570] =	vst v7;
	v7 =	vmul.f32 $8.000000000e+00, v9;
	v6 =	vld [tilespmem:s31+$0xE5E0]  }
0x1a4: {  	[tilespmem:s31+$0xE580] =	vst v8;
	v3 =	vmul.f32 $8.000000000e+00, v3;
	v8 =	vld [tilespmem:s31+$0xE5F0]  }
0x1a5: {  	[tilespmem:s31+$0xE590] =	vst v7;
	v2 =	vmul.f32 $8.000000000e+00, v2  }
0x1a6: {  	[tilespmem:s31+$0xE5A0] =	vst v3;
	v3 =	vmul.f32 $8.000000000e+00, v4  }
0x1a7: {  	[tilespmem:s31+$0xE5B0] =	vst v2;
	v2 =	vmul.f32 $8.000000000e+00, v5  }
0x1a8: {  	[tilespmem:s31+$0xE5C0] =	vst v3;
	v3 =	vmul.f32 $8.000000000e+00, v6  }
0x1a9: {  	[tilespmem:s31+$0xE5D0] =	vst v2;
	v2 =	vmul.f32 $8.000000000e+00, v8  }
0x1aa: {  	[tilespmem:s31+$0xE5E0] =	vst v3  }
0x1ab: {  	s0 =	simm.s32 @!p0 $0x7;
	[tilespmem:s31+$0xE5F0] =	vst v2  }
0x1ac: {  	[hbm4b:s2+s20] =	stream.indirect.scatter [tilespmem:s25], [sflag:$0x7], $0x40, s24, s20, $0xb8;
	[tilespmem:$0x16800] =	vst v63  }
0x1ad: {  	_ =	swait.ge @!p0 [sflag:s0], $0x4000  }
0x1ae: {  	s3 =	sadd.s32 @!p0 $0x6, s29;
	[sflag:s0] =	ssyncset.done @!p0 $0x0  }
0x1af: {  	[sflag:s0] =	ssyncadd.s32 @!p0 $0xFFFFC000;
	s0 =	sshll.u32 @!p0 s3, $0x8  }
0x1b0: {  	s14 =	simm.s32 @!p0 $0x80;
	s31 =	simm.s32 @!p0 $0xE400;
	s0 =	sand.u32 @!p0 $0x3FFFFF00, s0  }
0x1b1: {  	[tilespmem:s31], [sflag:$0x3] =	stream.indirect.gather @!p0 [hbm4b:s5+s14], $0x40, s0, s14, $0xb8;
	[tilespmem:$0x16800] =	vst v63  }
0x1b2: {  	v2 =	vlaneseq.u32 @!p0;
	s3 =	sshll.u32 @!p0 s3, $0x1;
	s0 =	sor.u32 @!p0 $0x80, s0;
	s31 =	simm.s32 @!p0 $0x10400  }
0x1b3: {  	v2 =	vmul.u32 @!p0 $0xC8, v2;
	[tilespmem:s31], [sflag:$0x3] =	stream.indirect.gather @!p0 [hbm4b:s5+s14], $0x40, s0, s14, $0xb8;
	[tilespmem:$0x16800] =	vst v63  }
0x1b4: {  	s0 =	sor.u32 @!p0 s4, s3  }
0x1b5: {  	v3 =	vadd.s32 @!p0 s0, v2;
	s0 =	sor.u32 @!p0 $0x1, s0  }
0x1b6: {  	[tilespmem:$0x16600] =	vst @!p0 v3;
	v3 =	vadd.s32 @!p0 s0, v2;
	s0 =	sadd.s32 @!p0 s7, s3  }
0x1b7: {  	[tilespmem:$0x16680] =	vst @!p0 v3;
	v3 =	vadd.s32 @!p0 s0, v2;
	s0 =	sor.u32 @!p0 $0x1, s0  }
0x1b8: {  	[tilespmem:$0x16610] =	vst @!p0 v3;
	v3 =	vadd.s32 @!p0 s0, v2;
	s0 =	sadd.s32 @!p0 s8, s3  }
0x1b9: {  	[tilespmem:$0x16690] =	vst @!p0 v3;
	v3 =	vadd.s32 @!p0 s0, v2;
	s0 =	sor.u32 @!p0 $0x1, s0  }
0x1ba: {  	[tilespmem:$0x16620] =	vst @!p0 v3;
	v3 =	vadd.s32 @!p0 s0, v2;
	s0 =	sadd.s32 @!p0 s9, s3  }
0x1bb: {  	[tilespmem:$0x166A0] =	vst @!p0 v3;
	v3 =	vadd.s32 @!p0 s0, v2;
	s0 =	sor.u32 @!p0 $0x1, s0  }
0x1bc: {  	[tilespmem:$0x16630] =	vst @!p0 v3;
	v3 =	vadd.s32 @!p0 s0, v2;
	s0 =	sor.u32 @!p0 s10, s3  }
0x1bd: {  	[tilespmem:$0x166B0] =	vst @!p0 v3;
	v3 =	vadd.s32 @!p0 s0, v2;
	s0 =	sor.u32 @!p0 $0x1, s0  }
0x1be: {  	[tilespmem:$0x16640] =	vst @!p0 v3;
	v3 =	vadd.s32 @!p0 s0, v2;
	s0 =	sadd.s32 @!p0 s11, s3  }
0x1bf: {  	[tilespmem:$0x166C0] =	vst @!p0 v3;
	v3 =	vadd.s32 @!p0 s0, v2;
	s0 =	sor.u32 @!p0 $0x1, s0  }
0x1c0: {  	[tilespmem:$0x16650] =	vst @!p0 v3;
	v3 =	vadd.s32 @!p0 s0, v2;
	s0 =	sadd.s32 @!p0 s12, s3  }
0x1c1: {  	[tilespmem:$0x166D0] =	vst @!p0 v3;
	v3 =	vadd.s32 @!p0 s0, v2;
	s0 =	sor.u32 @!p0 $0x1, s0  }
0x1c2: {  	[tilespmem:$0x16660] =	vst @!p0 v3;
	v3 =	vadd.s32 @!p0 s0, v2;
	s0 =	sadd.s32 @!p0 s13, s3  }
0x1c3: {  	[tilespmem:$0x166E0] =	vst @!p0 v3;
	v3 =	vadd.s32 @!p0 s0, v2;
	s0 =	sor.u32 @!p0 $0x1, s0  }
0x1c4: {  	[tilespmem:$0x16670] =	vst @!p0 v3;
	v2 =	vadd.s32 @!p0 s0, v2  }
0x1c5: {  	[tilespmem:$0x166F0] =	vst @!p0 v2  }
0x1c6: {  	_ =	swait.ge [sflag:s26], $0x2000  }
0x1c7: {  	[sflag:s26] =	ssyncset.done $0x0  }
0x1c8: {  	[sflag:s26] =	ssyncadd.s32 $0xFFFFE000  }
0x1c9: {  	_ =	swait.ge [sflag:s26], $0x2000  }
0x1ca: {  	[sflag:s26] =	ssyncset.done $0x0  }
0x1cb: {  	s31 =	simm.s32 $0x0;
	[sflag:s26] =	ssyncadd.s32 $0xFFFFE000  }
0x1cc: {  	v2 =	vld [tilespmem:s31+$0x12400]  }
0x1cd: {  	v3 =	vld [tilespmem:s31+$0x12410]  }
0x1ce: {  	v4 =	vld [tilespmem:s31+$0x12420]  }
0x1cf: {  	v5 =	vld [tilespmem:s31+$0x12430]  }
0x1d0: {  	v6 =	vld [tilespmem:s31+$0x12440]  }
0x1d1: {  	v7 =	vld [tilespmem:s31+$0x12450];
	v2 =	vmul.f32 $8.000000000e+00, v2  }
0x1d2: {  	v8 =	vld [tilespmem:s31+$0x12460];
	v3 =	vmul.f32 $8.000000000e+00, v3  }
0x1d3: {  	v4 =	vmul.f32 $8.000000000e+00, v4;
	[tilespmem:s31+$0x12400] =	vst v2;
	v2 =	vld [tilespmem:s31+$0x12470]  }
0x1d4: {  	v5 =	vmul.f32 $8.000000000e+00, v5;
	[tilespmem:s31+$0x12410] =	vst v3;
	v3 =	vld [tilespmem:s31+$0x12480]  }
0x1d5: {  	v6 =	vmul.f32 $8.000000000e+00, v6;
	[tilespmem:s31+$0x12420] =	vst v4;
	v4 =	vld [tilespmem:s31+$0x12490]  }
0x1d6: {  	v7 =	vmul.f32 $8.000000000e+00, v7;
	[tilespmem:s31+$0x12430] =	vst v5;
	v5 =	vld [tilespmem:s31+$0x124A0]  }
0x1d7: {  	v8 =	vmul.f32 $8.000000000e+00, v8;
	[tilespmem:s31+$0x12440] =	vst v6;
	v6 =	vld [tilespmem:s31+$0x124B0]  }
0x1d8: {  	[tilespmem:s31+$0x12450] =	vst v7;
	v7 =	vld [tilespmem:s31+$0x124C0];
	v2 =	vmul.f32 $8.000000000e+00, v2  }
0x1d9: {  	[tilespmem:s31+$0x12460] =	vst v8;
	v8 =	vld [tilespmem:s31+$0x124D0];
	v3 =	vmul.f32 $8.000000000e+00, v3  }
0x1da: {  	v4 =	vmul.f32 $8.000000000e+00, v4;
	[tilespmem:s31+$0x12470] =	vst v2;
	v2 =	vld [tilespmem:s31+$0x124E0]  }
0x1db: {  	v5 =	vmul.f32 $8.000000000e+00, v5;
	[tilespmem:s31+$0x12480] =	vst v3;
	v3 =	vld [tilespmem:s31+$0x124F0]  }
0x1dc: {  	v6 =	vmul.f32 $8.000000000e+00, v6;
	[tilespmem:s31+$0x12490] =	vst v4;
	v4 =	vld [tilespmem:s31+$0x12500]  }
0x1dd: {  	v7 =	vmul.f32 $8.000000000e+00, v7;
	[tilespmem:s31+$0x124A0] =	vst v5;
	v5 =	vld [tilespmem:s31+$0x12510]  }
0x1de: {  	v8 =	vmul.f32 $8.000000000e+00, v8;
	[tilespmem:s31+$0x124B0] =	vst v6;
	v6 =	vld [tilespmem:s31+$0x12520]  }
0x1df: {  	[tilespmem:s31+$0x124C0] =	vst v7;
	v7 =	vld [tilespmem:s31+$0x12530];
	v2 =	vmul.f32 $8.000000000e+00, v2  }
0x1e0: {  	[tilespmem:s31+$0x124D0] =	vst v8;
	v8 =	vld [tilespmem:s31+$0x12540]  }
0x1e1: {  	v3 =	vmul.f32 $8.000000000e+00, v3;
	[tilespmem:s31+$0x124E0] =	vst v2;
	v2 =	vld [tilespmem:s31+$0x12550]  }
0x1e2: {  	v4 =	vmul.f32 $8.000000000e+00, v4  }
0x1e3: {  	[tilespmem:s31+$0x124F0] =	vst v3;
	v3 =	vmul.f32 $8.000000000e+00, v5;
	v5 =	vld [tilespmem:s31+$0x12570]  }
0x1e4: {  	v9 =	vld [tilespmem:s31+$0x12560];
	[tilespmem:s31+$0x12500] =	vst v4;
	v4 =	vmul.f32 $8.000000000e+00, v6  }
0x1e5: {  	v6 =	vld [tilespmem:s31+$0x12580];
	[tilespmem:s31+$0x12510] =	vst v3;
	v3 =	vmul.f32 $8.000000000e+00, v7  }
0x1e6: {  	[tilespmem:s31+$0x12520] =	vst v4;
	v7 =	vld [tilespmem:s31+$0x12590];
	v4 =	vmul.f32 $8.000000000e+00, v8;
	v8 =	vmul.f32 $8.000000000e+00, v2  }
0x1e7: {  	[tilespmem:s31+$0x12530] =	vst v3;
	v3 =	vld [tilespmem:s31+$0x125A0]  }
0x1e8: {  	v2 =	vld [tilespmem:s31+$0x125B0];
	[tilespmem:s31+$0x12550] =	vst v8;
	v8 =	vmul.f32 $8.000000000e+00, v5  }
0x1e9: {  	v9 =	vmul.f32 $8.000000000e+00, v9;
	[tilespmem:s31+$0x12540] =	vst v4;
	v4 =	vld [tilespmem:s31+$0x125C0]  }
0x1ea: {  	v5 =	vld [tilespmem:s31+$0x125D0];
	[tilespmem:s31+$0x12570] =	vst v8;
	v8 =	vmul.f32 $8.000000000e+00, v6  }
0x1eb: {  	s3 =	simm.s32 $0x800;
	[tilespmem:s31+$0x12560] =	vst v9;
	v7 =	vmul.f32 $8.000000000e+00, v7;
	v6 =	vld [tilespmem:s31+$0x125E0]  }
.LBB2_9:
0x1ec: {  	s0 =	sshra.s32 s3, $0x2;
	p1 =	sne.s32 s3, $0xF800;
	[tilespmem:s31+$0x12580] =	vst v8;
	v3 =	vmul.f32 $8.000000000e+00, v3;
	v8 =	vld [tilespmem:s31+$0x125F0]  }
0x1ed: {  	v9 =	vld [tilespmem:s0+$0x12400];
	[tilespmem:s31+$0x12590] =	vst v7;
	v2 =	vmul.f32 $8.000000000e+00, v2  }
0x1ee: {  	v7 =	vld [tilespmem:s0+$0x12410];
	[tilespmem:s31+$0x125A0] =	vst v3;
	v3 =	vmul.f32 $8.000000000e+00, v4  }
0x1ef: {  	v4 =	vld [tilespmem:s0+$0x12420];
	[tilespmem:s31+$0x125B0] =	vst v2;
	v2 =	vmul.f32 $8.000000000e+00, v5  }
0x1f0: {  	v5 =	vld [tilespmem:s0+$0x12430];
	[tilespmem:s31+$0x125C0] =	vst v3;
	v3 =	vmul.f32 $8.000000000e+00, v6  }
0x1f1: {  	v6 =	vld [tilespmem:s0+$0x12440];
	[tilespmem:s31+$0x125D0] =	vst v2;
	v2 =	vmul.f32 $8.000000000e+00, v8  }
0x1f2: {  	v8 =	vmul.f32 $8.000000000e+00, v9;
	v9 =	vld [tilespmem:s0+$0x12450];
	[tilespmem:s31+$0x125E0] =	vst v3  }
0x1f3: {  	v3 =	vmul.f32 $8.000000000e+00, v7;
	v7 =	vld [tilespmem:s0+$0x12460];
	[tilespmem:s31+$0x125F0] =	vst v2;
	s31 =	smov.u32 s0  }
0x1f4: {  	[tilespmem:s31+$0x12400] =	vst v8;
	v2 =	vmul.f32 $8.000000000e+00, v4;
	v4 =	vld [tilespmem:s31+$0x12470]  }
0x1f5: {  	[tilespmem:s31+$0x12410] =	vst v3;
	v3 =	vmul.f32 $8.000000000e+00, v5;
	v5 =	vld [tilespmem:s31+$0x12480]  }
0x1f6: {  	[tilespmem:s31+$0x12420] =	vst v2;
	v2 =	vmul.f32 $8.000000000e+00, v6;
	v6 =	vld [tilespmem:s31+$0x12490]  }
0x1f7: {  	[tilespmem:s31+$0x12430] =	vst v3;
	v3 =	vmul.f32 $8.000000000e+00, v9;
	v8 =	vld [tilespmem:s31+$0x124A0]  }
0x1f8: {  	[tilespmem:s31+$0x12440] =	vst v2;
	v2 =	vmul.f32 $8.000000000e+00, v7;
	v7 =	vld [tilespmem:s31+$0x124B0]  }
0x1f9: {  	[tilespmem:s31+$0x12450] =	vst v3;
	v3 =	vmul.f32 $8.000000000e+00, v4;
	v4 =	vld [tilespmem:s31+$0x124C0]  }
0x1fa: {  	[tilespmem:s31+$0x12460] =	vst v2;
	v2 =	vmul.f32 $8.000000000e+00, v5;
	v5 =	vld [tilespmem:s31+$0x124D0]  }
0x1fb: {  	[tilespmem:s31+$0x12470] =	vst v3;
	v3 =	vmul.f32 $8.000000000e+00, v6;
	v6 =	vld [tilespmem:s31+$0x124E0]  }
0x1fc: {  	[tilespmem:s31+$0x12480] =	vst v2;
	v2 =	vmul.f32 $8.000000000e+00, v8;
	v8 =	vld [tilespmem:s31+$0x124F0]  }
0x1fd: {  	[tilespmem:s31+$0x12490] =	vst v3;
	v3 =	vmul.f32 $8.000000000e+00, v7;
	v7 =	vld [tilespmem:s31+$0x12500]  }
0x1fe: {  	[tilespmem:s31+$0x124A0] =	vst v2;
	v2 =	vmul.f32 $8.000000000e+00, v4;
	v4 =	vld [tilespmem:s31+$0x12510]  }
0x1ff: {  	[tilespmem:s31+$0x124B0] =	vst v3;
	v3 =	vmul.f32 $8.000000000e+00, v5;
	v5 =	vld [tilespmem:s31+$0x12520]  }
0x200: {  	[tilespmem:s31+$0x124C0] =	vst v2;
	v2 =	vmul.f32 $8.000000000e+00, v6;
	v6 =	vld [tilespmem:s31+$0x12530]  }
0x201: {  	[tilespmem:s31+$0x124D0] =	vst v3;
	v3 =	vmul.f32 $8.000000000e+00, v8;
	v8 =	vld [tilespmem:s31+$0x12540]  }
0x202: {  	[tilespmem:s31+$0x124E0] =	vst v2;
	v2 =	vmul.f32 $8.000000000e+00, v7;
	v7 =	vld [tilespmem:s31+$0x12550]  }
0x203: {  	[tilespmem:s31+$0x124F0] =	vst v3;
	v3 =	vmul.f32 $8.000000000e+00, v4;
	v4 =	vld [tilespmem:s31+$0x12560]  }
0x204: {  	[tilespmem:s31+$0x12500] =	vst v2;
	v2 =	vmul.f32 $8.000000000e+00, v5;
	v5 =	vld [tilespmem:s31+$0x12570]  }
0x205: {  	[tilespmem:s31+$0x12510] =	vst v3;
	v3 =	vmul.f32 $8.000000000e+00, v6;
	v6 =	vld [tilespmem:s31+$0x12580]  }
0x206: {  	[tilespmem:s31+$0x12520] =	vst v2;
	v2 =	vmul.f32 $8.000000000e+00, v8;
	v9 =	vld [tilespmem:s31+$0x12590]  }
.Ltmp5:
0x207: {  	[tilespmem:s31+$0x12530] =	vst v3;
	v7 =	vmul.f32 $8.000000000e+00, v7;
	v3 =	vld [tilespmem:s31+$0x125A0];
	(pc) =	sbr.rel @p1 .LBB2_9-.Ltmp5, $4  }
0x208: {  	[tilespmem:s31+$0x12540] =	vst v2;
	v8 =	vmul.f32 $8.000000000e+00, v4;
	v2 =	vld [tilespmem:s31+$0x125B0]  }
0x209: {  	[tilespmem:s31+$0x12550] =	vst v7;
	v7 =	vmul.f32 $8.000000000e+00, v5;
	v4 =	vld [tilespmem:s31+$0x125C0]  }
0x20a: {  	[tilespmem:s31+$0x12560] =	vst v8;
	v8 =	vmul.f32 $8.000000000e+00, v6;
	v5 =	vld [tilespmem:s31+$0x125D0]  }
0x20b: {  	s3 =	sadd.s32 $0x800, s3;
	[tilespmem:s31+$0x12570] =	vst v7;
	v7 =	vmul.f32 $8.000000000e+00, v9;
	v6 =	vld [tilespmem:s31+$0x125E0]  }
0x20c: {  	[tilespmem:s31+$0x12580] =	vst v8;
	v3 =	vmul.f32 $8.000000000e+00, v3;
	v8 =	vld [tilespmem:s31+$0x125F0]  }
0x20d: {  	[tilespmem:s31+$0x12590] =	vst v7;
	v2 =	vmul.f32 $8.000000000e+00, v2  }
0x20e: {  	[tilespmem:s31+$0x125A0] =	vst v3;
	v3 =	vmul.f32 $8.000000000e+00, v4  }
0x20f: {  	[tilespmem:s31+$0x125B0] =	vst v2;
	v2 =	vmul.f32 $8.000000000e+00, v5  }
.Ltmp6:
0x210: {  	[tilespmem:s31+$0x125C0] =	vst v3;
	v3 =	vmul.f32 $8.000000000e+00, v6;
	(pc) =	sbr.rel @p0 .LBB2_12-.Ltmp6, $4  }
0x211: {  	[tilespmem:s31+$0x125D0] =	vst v2;
	v2 =	vmul.f32 $8.000000000e+00, v8  }
0x212: {  	[tilespmem:s31+$0x125E0] =	vst v3  }
0x213: {  	[tilespmem:s31+$0x125F0] =	vst v2  }
0x214: {  	[hbm4b:s2+s20] =	stream.indirect.scatter [tilespmem:s30], [sflag:$0x8], $0x40, s28, s20, $0xb8;
	[tilespmem:$0x16800] =	vst v63  }
0x215: {  	s0 =	sadd.s32 $0x7, s29;
	_ =	swait.ge [sflag:s6], $0x4000  }
0x216: {  	[sflag:s6] =	ssyncset.done $0x0;
	s3 =	sshll.u32 s0, $0x8  }
0x217: {  	s0 =	sshll.u32 s0, $0x1;
	[sflag:s6] =	ssyncadd.s32 $0xFFFFC000;
	s3 =	sand.u32 $0x3FFFFF00, s3  }
0x218: {  	[tilespmem:s30], [sflag:$0x4] =	stream.indirect.gather [hbm4b:s5+s15], $0x40, s3, s15, $0xb8;
	[tilespmem:$0x16800] =	vst v63  }
0x219: {  	s14 =	simm.s32 $0x14400;
	s31 =	sor.u32 s4, s0;
	s3 =	sor.u32 $0x80, s3  }
0x21a: {  	[tilespmem:s14], [sflag:$0x4] =	stream.indirect.gather [hbm4b:s5+s15], $0x40, s3, s15, $0xb8;
	[tilespmem:$0x16800] =	vst v63  }
0x21b: {  	v2 =	vadd.s32 s31, v0;
	s3 =	sor.u32 $0x1, s31  }
0x21c: {  	s14 =	sadd.s32 s7, s0;
	[tilespmem:$0x16700] =	vst v2;
	v2 =	vadd.s32 s3, v0  }
0x21d: {  	s3 =	sor.u32 $0x1, s14;
	[tilespmem:$0x16780] =	vst v2;
	v2 =	vadd.s32 s14, v0  }
0x21e: {  	s29 =	sadd.s32 s8, s0;
	[tilespmem:$0x16710] =	vst v2;
	v2 =	vadd.s32 s3, v0  }
0x21f: {  	s3 =	sor.u32 $0x1, s29;
	[tilespmem:$0x16790] =	vst v2;
	v2 =	vadd.s32 s29, v0  }
0x220: {  	s31 =	sadd.s32 s9, s0;
	[tilespmem:$0x16720] =	vst v2;
	v2 =	vadd.s32 s3, v0  }
0x221: {  	s3 =	sor.u32 $0x1, s31;
	[tilespmem:$0x167A0] =	vst v2;
	v2 =	vadd.s32 s31, v0  }
0x222: {  	s14 =	sor.u32 s10, s0;
	[tilespmem:$0x16730] =	vst v2;
	v2 =	vadd.s32 s3, v0  }
0x223: {  	s3 =	sor.u32 $0x1, s14;
	[tilespmem:$0x167B0] =	vst v2;
	v2 =	vadd.s32 s14, v0  }
0x224: {  	s29 =	sadd.s32 s11, s0;
	[tilespmem:$0x16740] =	vst v2;
	v2 =	vadd.s32 s3, v0  }
0x225: {  	s3 =	sor.u32 $0x1, s29;
	[tilespmem:$0x167C0] =	vst v2;
	v2 =	vadd.s32 s29, v0  }
0x226: {  	s31 =	sadd.s32 s12, s0;
	[tilespmem:$0x16750] =	vst v2;
	v2 =	vadd.s32 s3, v0  }
.Ltmp7:
0x227: {  	s3 =	sor.u32 $0x1, s31;
	[tilespmem:$0x167D0] =	vst v2;
	v2 =	vadd.s32 s31, v0;
	(pc) =	sbr.rel .LBB2_2-.Ltmp7, $4  }
0x228: {  	s0 =	sadd.s32 s13, s0;
	[tilespmem:$0x16760] =	vst v2;
	v2 =	vadd.s32 s3, v0  }
0x229: {  	[tilespmem:$0x167E0] =	vst v2;
	v2 =	vadd.s32 s0, v0;
	s0 =	sor.u32 $0x1, s0  }
0x22a: {  	[tilespmem:$0x16770] =	vst v2;
	v2 =	vadd.s32 s0, v0  }
0x22b: {  	s17 =	sadd.s32 $0x1, s17;
	[tilespmem:$0x167F0] =	vst v2  }
.LBB2_13:
0x22c: {  	_ =	sfence.sel $0x180000  }
0x22d: {  	[bflag:$0x0] =	sbarrier.arrive $0xFFFF  }
0x22e: {  	_ =	strace $0x90000047  }
0x22f: {  	s0 =	stileid.u32;
	[bflag:$0x2] =	sbarrier.arrive $0xFFFF  }
0x230: {  	p0 =	sne.s32 s0, $0x0;
	s0 =	rddreg [dreg:$0x2]  }
0x231: {  	s0 =	sadd.s32 @!p0 $0x100000, s0  }
0x232: {  	[sflag:s0] =	ssyncadd.tile.s32 @!p0 $0x1;
	_ =	shalt  }
.Lfunc_end2:
_tile_overlayer_lowered:
.L_overlay_start_2:
0x233: {  	(tag) =	ssettag $0x2  }
0x234: {  	s0 =	rddreg [dreg:$0x0];
	s2 =	stileid.u32  }
0x235: {  	s1 =	rddreg [dreg:$0x1];
	p0 =	sne.s32 s2, $0x0  }
0x236: {  	s3 =	rddreg [dreg:$0x2];
	[bflag:$0x3] =	sbarrier.arrive $0xFFFF;
	s2 =	simm.s32 @!p0 $0x1C09  }
0x237: {  	[timem:s3], [sflag:s2] =	dma.local @!p0 [hbm:s0], s1  }
0x238: {  	s0 =	simm.s32 @!p0 $0x9  }
0x239: {  	_ =	swait.ge @!p0 [sflag:s0], s1  }
0x23a: {  	s1 =	ssub.s32 @!p0 $0x0, s1;
	[sflag:s0] =	ssyncset.done @!p0 $0x0  }
0x23b: {  	[sflag:s0] =	ssyncadd.s32 @!p0 s1  }
0x23c: {  	[bflag:$0x3] =	sbarrier.arrive $0xFFFF  }
0x23d: {  	_ =	shalt  }

// kernel: sparse-core-data-format-call.cloned.1.call-start
scs
called_computation_lowered:
.L_overlay_start_0:
0x0: {  	s2 =	sld [smem:$0x3FD9]  }
0x1: {  	s3 =	sld [smem:$0x3FFE];
	_ =	sdelay $0x1  }
0x2: {  	s1 =	srdreg.scid  }
0x3: {  	s0 =	sand.u32 $0x1, s1  }
0x4: {  	s18 =	sshll.u32 s0, $0xA;
	s2 =	sadd.s32 s3, s2  }
0x5: {  	s2 =	sadd.s32 s2, s18  }
0x6: {  	[smem:$0x3FC6] =	sst s2  }
0x7: {  	_ = 	snop  }
0x8: {  	s2 =	sld [smem:$0x3FD0];
	(tm) =	ssettm $0x1  }
0x9: {  	s19 =	sld [smem:$0x3FFB];
	_ =	sdelay $0x3  }
0xa: {  	_ =	strace s19  }
0xb: {  	s3 =	sld [smem:$0x3FFC];
	_ =	sdelay $0x3  }
0xc: {  	_ =	strace s3  }
0xd: {  	s3 =	sld [smem:$0x3FFD];
	_ =	sdelay $0x3  }
0xe: {  	_ =	strace s3  }
0xf: {  	_ =	strace $0x8FFFFFFF  }
0x10: {  	s20 =	sld [smem:$0x3FDB];
	_ =	sdelay $0x1  }
0x11: {  	s4 =	simm.s32 $_scs_section_size  }
0x12: {  	s5 =	simm.s32 $_size__tile_overlayer_lowered;
	s6 =	simm.s32 $_tile_overlayer_lowered  }
0x13: {  	s23 =	simm.s32 $0x1BFF;
	s22 =	sshll.u32 s6, $0x1;
	s3 =	sadd.s32 s4, s20  }
0x14: {  	s7 =	simm.s32 $0x0;
	s21 =	sshll.u32 s5, $0x1;
	s5 =	sadd.s32 s22, s3  }
0x15: {  	[timem:s7], [sflag:s23] =	dma.local [hbm:s5], s21  }
0x16: {  	_ =	swait.ge [sflag:s23], s21  }
0x17: {  	s4 =	ssub.s32 $0x0, s21;
	[sflag:s23] =	ssyncset.done $0x0  }
0x18: {  	[sflag:s23] =	ssyncadd.s32 s4;
	_ =	sdelay $0x1  }
0x19: {  	s24 =	simm.s32 $0x1B8B  }
0x1a: {  	_ =	swait.ge [sflag:s24], $0x1  }
0x1b: {  	[sflag:s24] =	ssyncset.done $0x0  }
0x1c: {  	s26 =	simm.s32 $0x1B8E;
	s25 =	sld [smem:$0x3FFE];
	[sflag:s24] =	ssyncadd.s32 $0xFFFFFFFF  }
0x1d: {  	s27 =	simm.s32 $execute0_lowered;
	[smem:$0x3FD2] =	sst s26  }
0x1e: {  	s5 =	sshll.u32 s27, $0x1;
	_ =	strace $0x80000049;
	[dreg:$0x1] =	wrdreg $0xFFFFFFFF  }
0x1f: {  	s28 =	simm.s32 $_size_execute0_lowered;
	s3 =	sadd.s32 s3, s5;
	[dreg:$0x0] =	wrdreg $0x0  }
0x20: {  	s5 =	sshll.u32 s28, $0x1;
	[dreg:$0x2] =	wrdreg s3  }
0x21: {  	[dreg:$0x3] =	wrdreg s5  }
0x22: {  	[dreg:$0x4] =	wrdreg $0xC0  }
0x23: {  	_ =	task [dreg:s7], $0x5FFFF  }
0x24: {  	[dreg:$0x1] =	wrdreg $0xFFFFFFFF  }
0x25: {  	[dreg:$0x0] =	wrdreg $0x60  }
0x26: {  	[dreg:$0x2] =	wrdreg s25  }
0x27: {  	[dreg:$0x3] =	wrdreg s2  }
0x28: {  	[dreg:$0x4] =	wrdreg $0x9  }
0x29: {  	_ =	task.clear_ibuf [dreg:s7], $0x5FFFF;
	_ =	strace $0x90000049  }
0x2a: {  	s29 =	simm.s32 $0x9;
	_ =	strace $0x8000004B  }
0x2b: {  	_ =	swait.ge [sflag:s29], $0x1  }
0x2c: {  	[sflag:s29] =	ssyncadd.s32 $0xFFFFFFFF  }
0x2d: {  	_ =	strace $0x9000004B  }
0x2e: {  	_ =	sfence  }
0x2f: {  	s30 =	sld [smem:$0x0];
	_ =	sdelay $0x2  }
0x30: {  	s31 =	sshll.u32 s1, $0xD;
	s1 =	sshrl.u32 s1, $0x2  }
0x31: {  	s3 =	sand.u32 $0x4000, s31;
	s1 =	sadd.s32 s1, s30  }
0x32: {  	s0 =	sor.u32 s3, s0;
	s1 =	sshll.u32 s1, $0x11  }
0x33: {  	s0 =	sor.u32 s1, s0  }
0x34: {  	s0 =	sadd.s32 $0x8F2B, s0  }
0x35: {  	[sflag:s0] =	ssyncadd.remote.s32 $0x1  }
0x36: {  	_ =	sfence.sel $0xFFFF  }
0x37: {  	[dreg:$0x0] =	wrdreg $0xFFFFFFFF;
	(pc) =	sbr.abs _section_cstart, $3  }
0x38: {  	[dreg:$0x1] =	wrdreg $0xFFFFFFFF  }
0x39: {  	_ =	task.clear_ibuf [dreg:s7], $0x2FFFF;
	_ =	strace $0x9FFFFFFF  }
0x3a: {  	(tm) =	ssettm $0x7FFFFFFF  }
0x3b: {  	_ =	shalt  }
tec
execute0_lowered:
.L_overlay_start_1:
0x0: {  	(tag) =	ssettag $0x1  }
0x1: {  	s0 =	srdreg.scid  }
0x2: {  	s1 =	sshll.u32 s0, $0x4  }
0x3: {  	s0 =	stileid.u32;
	s1 =	sand.u32 $0x10, s1  }
0x4: {  	s1 =	sor.u32 s0, s1  }
0x5: {  	s6 =	rddreg [dreg:$0x0];
	s4 =	simm.s32 $0x1;
	s2 =	sshll.u32 s1, $0x7  }
0x6: {  	s7 =	simm.s32 $0x2;
	s12 =	simm.s32 $0x0;
	s1 =	ssub.s32 $0x1000, s2  }
0x7: {  	s8 =	simm.s32 $0x8000;
	s13 =	simm.s32 $0x0;
	s3 =	sand.u32 $0xF80, s1  }
0x8: {  	s9 =	simm.s32 $0x0;
	s5 =	sshrl.u32 s1, $0xC;
	p0 =	sne.s32 s3, $0x0  }
.Ltmp0:
0x9: {  	s1 =	rddreg [dreg:$0x2];
	s4 =	simm.s32 @!p0 $0x0;
	(pc) =	sbr.rel .LBB1_1-.Ltmp0, $4  }
0xa: {  	s11 =	simm.s32 $0x0;
	s3 =	rddreg [dreg:$0x1];
	s5 =	sadd.s32 s4, s5  }
0xb: {  	_ =	strace $0x8000004A;
	s4 =	simm.s32 $0x1;
	s5 =	smul.u32 $0xC8, s5  }
0xc: {  	s6 =	sadd.s32 $0xA00, s6;
	s10 =	smov.u32 s2;
	[sflag:s4] =	ssyncpa.u1 $0x0  }
0xd: {  	p0 =	por $0x0, $0x0;
	[sflag:s7] =	ssyncpa.u1 $0x0;
	s7 =	sor.u32 $0x1, s5  }
.LBB1_4:
0xe: {  	s16 =	sshll.u32 s13, $0x3;
	s17 =	sand.u32 $0x78, s13  }
0xf: {  	s30 =	sand.u32 $0x7E00, s13;
	s12 =	sshll.u32 s12, $0xF;
	s16 =	sand.u32 $0xC00, s16  }
0x10: {  	[tilespmem:s15+$0x810 ss:$0x81] =	vst.msk $0xffff, v2;
	s31 =	sand.u32 $0x7, s13;
	s16 =	sor.u32 s17, s16;
	s17 =	sadd.s32 s3, s30  }
0x11: {  	[tilespmem:s15+$0x1020 ss:$0x81] =	vst.msk $0xffff, v0;
	s13 =	sshll.u32 s31, $0x12;
	s12 =	sadd.s32 s12, s17;
	s16 =	sshrl.u32 s16, $0x3  }
0x12: {  	[tilespmem:s15+$0x0 ss:$0x81] =	vst.msk $0xffff, v1;
	s13 =	sor.u32 $0x400, s13;
	s12 =	sadd.s32 s16, s12  }
0x13: {  	[hbm4b:s12+s13] =	stream.strided.scatter [tilespmem:s14], [sflag:$0x2], $0x2000, s8, s13, $0x20;
	[tilespmem:$0x8080] =	vst v63  }
.LBB1_5:
0x14: {  	s14 =	sadd.s32 $0x1, s9  }
0x15: {  	s12 =	sadd.s32 $0x1000, s10;
	s16 =	smov.u32 s10;
	p2 =	sgt.s32 s14, $0xC7  }
0x16: {  	s16 =	smov.u32 @p2 s12  }
0x17: {  	s14 =	simm.s32 @p2 $0x0;
	p2 =	sgt.s32 s16, $0xFFF  }
0x18: {  	s16 =	smov.u32 @p2 s2;
	p2 =	sne.s32 s11, s7  }
.Ltmp1:
0x19: {  	p1 =	slt.u32 s11, $0x2;
	(pc) =	sbr.rel @!p2 .LBB1_6-.Ltmp1, $4  }
0x1a: {  	s15 =	simm.s32 @!p1 $0x2  }
0x1b: {  	s13 =	smov.u32 s10;
	p0 =	por !p0, !p0;
	_ =	swait.ge @!p1 [sflag:s15], $0x2000  }
0x1c: {  	s12 =	smov.u32 s9;
	[sflag:s15] =	ssyncset.done @!p1 $0x0;
	s9 =	smov.u32 s14  }
0x1d: {  	s11 =	sadd.s32 $0x1, s11;
	[sflag:s15] =	ssyncadd.s32 @!p1 $0xFFFFE000;
	s10 =	smov.u32 s16  }
.LBB1_1:
0x1e: {  	p1 =	sge.u32 s11, s5  }
0x1f: {  	s14 =	sand.u32 @!p1 $0x1FFFFFF, s9  }
0x20: {  	s15 =	smulhi.u32 @!p1 $0x147AE15, s14;
	_ =	sdelay $0x1  }
0x21: {  	s15 =	smul.u32 @!p1 $0xC8, s15  }
0x22: {  	s16 =	sxor.u32 @!p1 $0xFFFFFFFF, s11;
	s17 =	smul.u32 @!p1 $0xC80, s10  }
0x23: {  	s31 =	sadd.s32 $0xFFFFFFFF, s11;
	s16 =	sshll.u32 @!p1 s16, $0xD;
	s14 =	ssub.s32 @!p1 s14, s15  }
0x24: {  	s15 =	sand.u32 @!p1 $0x2000, s16;
	s16 =	sadd.s32 @!p1 s6, s17;
	s14 =	sshll.u32 @!p1 s14, $0x4  }
0x25: {  	s17 =	simm.s32 @!p1 $0x6400;
	s14 =	sadd.s32 @!p1 s14, s16;
	s16 =	simm.s32 @!p1 $0x40  }
0x26: {  	[tilespmem:s15], [sflag:$0x1] =	stream.strided.gather @!p1 [hbm4b:s14+s16], $0x2000, s17, s16, $0x38;
	[tilespmem:$0x8080] =	vst v63  }
0x27: {  	p1 =	sge.u32 s31, s5  }
.Ltmp2:
0x28: {  	_ = 	snop;
	(pc) =	sbr.rel @p1 .LBB1_5-.Ltmp2, $1  }
0x29: {  	_ =	sdelay $0x3  }
0x2a: {  	s14 =	simm.s32 $0x1  }
0x2b: {  	_ =	swait.ge [sflag:s4], $0x2000;
	s14 =	simm.s32 @!p0 $0x0  }
0x2c: {  	[sflag:s4] =	ssyncset.done $0x0;
	s15 =	sshll.u32 s14, $0xD  }
0x2d: {  	[sflag:s4] =	ssyncadd.s32 $0xFFFFE000;
	s18 =	sor.u32 $0x20, s15  }
0x2e: {  	s14 =	smul.u32 $0x8100, s14;
	v3 =	vld [tilespmem:s18+$0x10]  }
0x2f: {  	s30 =	sand.u32 $0x1, s11;
	v2 =	vld [tilespmem:s18+$0xFFFFFFF0]  }
0x30: {  	s15 =	smul.u32 $0x8100, s30;
	s14 =	sshrl.u32 s14, $0x2;
	v0 =	vld [tilespmem:s18+$0x0]  }
0x31: {  	v1 =	vld [tilespmem:s18+$0xFFFFFFE0];
	s16 =	sor.u32 $0x4000, s14  }
0x32: {  	s31 =	sshrl.u32 s15, $0x2;
	s15 =	sadd.s32 $0x0, s16  }
0x33: {  	s17 =	simm.s32 $0x4;
	s18 =	sadd.s32 $0x40, s18;
	s14 =	sor.u32 $0x4000, s31;
	[tilespmem:s15+$0x1830 ss:$0x81] =	vst.msk $0xffff, v3  }
.LBB1_3:
0x34: {  	v3 =	vld [tilespmem:s18+$0x10];
	p1 =	sne.s32 s17, $0x1FC;
	[tilespmem:s15+$0x810 ss:$0x81] =	vst.msk $0xffff, v2;
	s19 =	smov.u32 s17;
	s17 =	sadd.s32 $0x4, s17  }
.Ltmp3:
0x35: {  	v2 =	vld [tilespmem:s18+$0xFFFFFFF0];
	[tilespmem:s15+$0x1020 ss:$0x81] =	vst.msk $0xffff, v0;
	(pc) =	sbr.rel @p1 .LBB1_3-.Ltmp3, $4  }
0x36: {  	v0 =	vld [tilespmem:s18+$0x0];
	[tilespmem:s15+$0x0 ss:$0x81] =	vst.msk $0xffff, v1  }
0x37: {  	s15 =	sshra.s32 s19, $0x2;
	v1 =	vld [tilespmem:s18+$0xFFFFFFE0]  }
0x38: {  	s15 =	sadd.s32 s15, s16  }
0x39: {  	s18 =	sadd.s32 $0x40, s18;
	[tilespmem:s15+$0x1830 ss:$0x81] =	vst.msk $0xffff, v3  }
.Ltmp4:
0x3a: {  	_ = 	snop;
	(pc) =	sbr.rel .LBB1_4-.Ltmp4, $1  }
0x3b: {  	_ =	sdelay $0x3  }
.LBB1_6:
0x3c: {  	_ =	sfence.sel $0x180000  }
0x3d: {  	s2 =	simm.s32 $0x1;
	[bflag:$0x0] =	sbarrier.arrive $0xFFFF  }
0x3e: {  	s31 =	simm.s32 $0x2;
	[sflag:s2] =	ssyncpa.u1 $0x1  }
0x3f: {  	[sflag:s31] =	ssyncpa.u1 $0x1  }
0x40: {  	p0 =	sne.s32 s0, $0x0;
	_ =	strace $0x9000004A  }
0x41: {  	s0 =	sadd.s32 @!p0 $0x100000, s1;
	[bflag:$0x2] =	sbarrier.arrive $0xFFFF  }
0x42: {  	[sflag:s0] =	ssyncadd.tile.s32 @!p0 $0x1;
	_ =	shalt  }
.Lfunc_end1:
_tile_overlayer_lowered:
.L_overlay_start_2:
0x43: {  	(tag) =	ssettag $0x2  }
0x44: {  	s0 =	rddreg [dreg:$0x0];
	s2 =	stileid.u32  }
0x45: {  	s1 =	rddreg [dreg:$0x1];
	p0 =	sne.s32 s2, $0x0  }
0x46: {  	s3 =	rddreg [dreg:$0x2];
	[bflag:$0x3] =	sbarrier.arrive $0xFFFF;
	s2 =	simm.s32 @!p0 $0x1C01  }
0x47: {  	[timem:s3], [sflag:s2] =	dma.local @!p0 [hbm:s0], s1  }
0x48: {  	s0 =	simm.s32 @!p0 $0x1  }
0x49: {  	_ =	swait.ge @!p0 [sflag:s0], s1  }
0x4a: {  	s1 =	ssub.s32 @!p0 $0x0, s1;
	[sflag:s0] =	ssyncset.done @!p0 $0x0  }
0x4b: {  	[sflag:s0] =	ssyncadd.s32 @!p0 s1  }
0x4c: {  	[bflag:$0x3] =	sbarrier.arrive $0xFFFF  }
0x4d: {  	_ =	shalt  }

</sc_bundles>
